<compile_context>
chip_gen: v7x
topology: tpu7x:2x2x1
jax: 0.10.2.dev20260603
libtpu: 0.0.44.dev20260713+nightly
codegen_flags: <defaults>
</compile_context>

<pallas_src>
import functools

import jax
import jax.numpy as jnp
import numpy as np
from jax import lax
from jax.experimental import pallas as pl
from jax.experimental.pallas import tpu as pltpu
from jax.experimental.pallas import tpu_sc as plsc

B, L, D = 2, 2048, 64
NG, GS = 8, 8
K_MAX = 64
HW = L // 16
QW = 256
OW = 256
BQ = 256
NW = 32
RPW = L // NW

_W = np.zeros((D, NG), np.float32)
for _g in range(NG):
    for _t in range(GS):
        _W[_g * GS + _t, _g] = float(1 << _t)
_WT = np.ascontiguousarray(_W.T)

_QE = np.zeros((L, 64), np.float32)
_QO = np.zeros((L, 64), np.float32)
_QR = np.zeros((L, 32), np.float32)
_QP = np.zeros((L, 32), np.float32)
_QT = np.ones((L, 1), np.float32)
for _j in range(L):
    _w = _j // 16
    if _w % 2 == 0:
        _QE[_j, _j // 32] = float(1 << (_j % 16))
    else:
        _QO[_j, _j // 32] = float(1 << (_j % 16))
    _QR[_j, (_j // 64) + 1:32] = 1.0
    _u, _e = _w // 4, _w % 4
    if _e < 3:
        _QP[_j, _u] = float(1 << (5 * _e))


def _match_body(q_ref, k_ref, w_ref, wT_ref, qe_ref, qo_ref, qr_ref, qp_ref,
                qt_ref, out_ref):
    q = q_ref[...]
    k = k_ref[...]
    qb = (q > 0.0).astype(jnp.float32)
    kb = (k > 0.0).astype(jnp.float32)
    qc = jnp.dot(qb, w_ref[...],
                 preferred_element_type=jnp.float32).astype(jnp.bfloat16)
    kcT = lax.dot_general(wT_ref[...], kb, (((1,), (1,)), ((), ())),
                          preferred_element_type=jnp.float32
                          ).astype(jnp.bfloat16)
    m = qc[:, 0:1] == kcT[0:1, :]
    for g in range(1, NG):
        m = m | (qc[:, g:g + 1] == kcT[g:g + 1, :])
    mb = m.astype(jnp.bfloat16)

    def pk(ref):
        return jnp.dot(mb, ref[...], preferred_element_type=jnp.float32)

    hwpair = (pk(qe_ref).astype(jnp.int32)
              | (pk(qo_ref).astype(jnp.int32) << 16))
    r64f = pk(qr_ref)
    rq = (jnp.minimum(r64f, 64.0).astype(jnp.int32)
          | (pk(qp_ref).astype(jnp.int32) << 7))
    t_i = jnp.minimum(pk(qt_ref), 64.0).astype(jnp.int32)
    rc = jnp.minimum(r64f, 65.0)
    c64 = lax.broadcasted_iota(jnp.int32, (1, K_MAX), 1).astype(jnp.float32)
    acc = jnp.zeros((BQ, K_MAX), jnp.float32)
    for w in range(32):
        acc = acc + (rc[:, w:w + 1] <= c64).astype(jnp.float32)
    half1 = jnp.concatenate(
        [hwpair, rq, jnp.zeros((BQ, 32), jnp.int32)], axis=1)
    half2 = jnp.concatenate(
        [acc.astype(jnp.int32), t_i, jnp.zeros((BQ, 63), jnp.int32)], axis=1)
    out_ref[:, 0:HW] = half1
    out_ref[:, HW:OW] = half2


def _match_records(query_1b, key_1b):
    return pl.pallas_call(
        _match_body,
        grid=(L // BQ,),
        in_specs=[
            pl.BlockSpec((BQ, D), lambda i: (i, 0)),
            pl.BlockSpec((L, D), lambda i: (0, 0)),
            pl.BlockSpec((D, NG), lambda i: (0, 0)),
            pl.BlockSpec((NG, D), lambda i: (0, 0)),
            pl.BlockSpec((L, 64), lambda i: (0, 0)),
            pl.BlockSpec((L, 64), lambda i: (0, 0)),
            pl.BlockSpec((L, 32), lambda i: (0, 0)),
            pl.BlockSpec((L, 32), lambda i: (0, 0)),
            pl.BlockSpec((L, 1), lambda i: (0, 0)),
        ],
        out_specs=pl.BlockSpec((BQ, OW), lambda i: (i, 0)),
        out_shape=jax.ShapeDtypeStruct((L, OW), jnp.int32),
        compiler_params=pltpu.CompilerParams(
            dimension_semantics=("parallel",)),
    )(query_1b, key_1b, jnp.asarray(_W), jnp.asarray(_WT),
      jnp.asarray(_QE, dtype=jnp.bfloat16), jnp.asarray(_QO, dtype=jnp.bfloat16),
      jnp.asarray(_QR, dtype=jnp.bfloat16), jnp.asarray(_QP, dtype=jnp.bfloat16),
      jnp.asarray(_QT, dtype=jnp.bfloat16))


@functools.cache
def _build_select():
    return functools.partial(
        pl.kernel,
        mesh=plsc.VectorSubcoreMesh(core_axis_name="c", subcore_axis_name="s"),
        out_type=jax.ShapeDtypeStruct((L, K_MAX), jnp.int32),
        scratch_types=[
            pltpu.VMEM((RPW, OW), jnp.int32),
            pltpu.VMEM((RPW, K_MAX), jnp.int32),
        ],
    )(_select_body)


def _gdn():
    return lax.GatherDimensionNumbers(
        offset_dims=(), collapsed_slice_dims=(0,), start_index_map=(0,))


def _vgather(vec, idx):
    return lax.gather(vec, idx[:, None], _gdn(), slice_sizes=(1,),
                      mode=lax.GatherScatterMode.PROMISE_IN_BOUNDS)


def _select_body(rec_hbm, out_hbm, rec_v, out_v):
    wid = lax.axis_index("s") * 2 + lax.axis_index("c")
    base = wid * RPW
    pltpu.sync_copy(rec_hbm.at[pl.ds(base, RPW)], rec_v)
    iota = lax.iota(jnp.int32, 16)

    def row_body(r, carry):
        pop4 = ((iota & 1) + ((iota >> 1) & 1) + ((iota >> 2) & 1)
                + ((iota >> 3) & 1))
        ffs4 = jnp.where((iota & 1) == 1, 0,
                         jnp.where((iota & 2) == 2, 1,
                                   jnp.where((iota & 4) == 4, 2, 3)))
        pvs = [rec_v[r, pl.ds(16 * b, 16)] for b in range(4)]
        qvs = [rec_v[r, pl.ds(64 + 16 * b, 16)] for b in range(2)]
        total = rec_v[r, pl.ds(HW + K_MAX, 16)][0]
        for kk in range(K_MAX // 16):
            c = iota + (16 * kk)
            wv = rec_v[r, pl.ds(HW + 16 * kk, 16)] - 1
            low = wv & 15
            rq = jnp.where(wv >> 4 == 0, _vgather(qvs[0], low),
                           _vgather(qvs[1], low))
            r0 = rq & 127
            r1 = jnp.minimum(r0 + ((rq >> 7) & 31), 64)
            r2 = jnp.minimum(r1 + ((rq >> 12) & 31), 64)
            r3 = jnp.minimum(r2 + ((rq >> 17) & 31), 64)
            k1 = r1 <= c
            k2 = r2 <= c
            k3 = r3 <= c
            e_off = (jnp.where(k1, 1, 0) + jnp.where(k2, 1, 0)
                     + jnp.where(k3, 1, 0))
            r_sel = jnp.where(k3, r3, jnp.where(k2, r2, jnp.where(k1, r1, r0)))
            whw = (wv << 2) + e_off
            c_loc = c - r_sel
            u = whw >> 1
            ulow = u & 15
            uhi = u >> 4
            gp = jnp.zeros((16,), jnp.int32)
            for b in range(4):
                gp = jnp.where(uhi == b, _vgather(pvs[b], ulow), gp)
            vv = jnp.where((whw & 1) == 1, (gp >> 16) & 0xFFFF, gp & 0xFFFF)
            n0 = vv & 15
            n1 = (vv >> 4) & 15
            n2 = (vv >> 8) & 15
            n3 = (vv >> 12) & 15
            s1 = _vgather(pop4, n0)
            s2 = s1 + _vgather(pop4, n1)
            s3 = s2 + _vgather(pop4, n2)
            k1b = c_loc >= s1
            k2b = c_loc >= s2
            k3b = c_loc >= s3
            nib = jnp.where(k3b, n3, jnp.where(k2b, n2, jnp.where(k1b, n1, n0)))
            nbase = (jnp.where(k1b, 1, 0) + jnp.where(k2b, 1, 0)
                     + jnp.where(k3b, 1, 0)) << 2
            rem = c_loc - jnp.where(k3b, s3, jnp.where(k2b, s2,
                                                       jnp.where(k1b, s1, 0)))
            x = nib
            x = jnp.where(rem >= 1, x & (x - 1), x)
            x = jnp.where(rem >= 2, x & (x - 1), x)
            x = jnp.where(rem >= 3, x & (x - 1), x)
            pos = nbase + _vgather(ffs4, x)
            res = jnp.where(c < total, whw * 16 + pos, -1)
            out_v[r, pl.ds(16 * kk, 16)] = res
        return carry

    lax.fori_loop(0, RPW, row_body, jnp.int32(0))
    pltpu.sync_copy(out_v, out_hbm.at[pl.ds(base, RPW)])


def kernel(query_up, key_up, head_idx):
    del head_idx
    sel = _build_select()
    outs = []
    for b in range(B):
        rec = _match_records(query_up[b], key_up[b])
        outs.append(sel(rec))
    return jnp.stack(outs)

# --- scband reference (transcript-rebuilt; emitter-appended) ---
"""Pipeline reference for scband-candidate-finder-12421045420475 (READ-ONLY COPY).

The authoritative reference and input builder live on the scoring server;
editing this copy changes nothing except your own understanding.
"""

import jax, jax.numpy as jnp
import numpy as np

# Config constants mirroring FastAttentionConfig in init_kwargs
HYPER_CUTS_DIM_GROUPS = [8, 8, 8, 8, 8, 8, 8, 8]  # sums to lsh_key_dim = 64
K_MAX = 64
WU_MANBER_PREFIX_LEN = 4

B, L, D = 2, 2048, 64


def setup_inputs(seed: int = 0) -> dict:
    key = jax.random.key(seed)
    k1, k2 = jax.random.split(key)
    query_up = jax.random.normal(k1, (B, L, D), dtype=jnp.float32)
    key_up = jax.random.normal(k2, (B, L, D), dtype=jnp.float32)
    return {"query_up": query_up, "key_up": key_up, "head_idx": 0}


def _find_candidates(query_up, key_up):
    # binary_quantize: sign-bit quantization used by both Wu-Manber tables and Tries
    qb = query_up > 0.0
    kb = key_up > 0.0
    Bq, Lq, _ = query_up.shape
    Lk = key_up.shape[1]
    match = jnp.zeros((Bq, Lq, Lk), dtype=bool)
    start = 0
    for g in HYPER_CUTS_DIM_GROUPS:
        qg = qb[:, :, start:start + g]
        kg = kb[:, :, start:start + g]
        # Wu-Manber: prefix match on first wu_manber_prefix_len bits of the group
        p = min(WU_MANBER_PREFIX_LEN, g)
        prefix_match = jnp.all(qg[:, :, None, :p] == kg[:, None, :, :p], axis=-1)
        # Trie search: full binary-vector match (all stride-chunks equal <=> all bits equal)
        full_match = jnp.all(qg[:, :, None, :] == kg[:, None, :, :], axis=-1)
        # merged candidates per dim-group = common candidates (intersection)
        group_match = prefix_match & full_match
        # hyper-cuts: union of candidates across dimension groups
        match = match | group_match
        start += g
    # select up to k_max candidate key indices per query, lowest index first, pad with -1
    pos = jnp.arange(Lk, dtype=jnp.float32)
    tiebreak = (Lk - pos) / (Lk + 1.0)  # in (0, 1), prefers earlier indices
    score = match.astype(jnp.float32) * 2.0 + tiebreak[None, None, :]
    vals, idx = jax.lax.top_k(score, K_MAX)
    candidates = jnp.where(vals >= 2.0, idx, -1).astype(jnp.int32)
    return candidates


def reference(query_up, key_up, head_idx):
    # head_idx selects per-head LSH/Trie structures; the candidate math is identical per head.
    return _find_candidates(query_up, key_up)

if __name__ == "__main__":
    import jax
    _d = setup_inputs()
    print(jax.jit(kernel)(*tuple(_d.values())))

</pallas_src>

<mosaic_0001>
#map = affine_map<(d0, d1) -> (0, 0)>
module attributes {stable_mosaic.version = 14 : i64} {
  func.func @_select_body(%arg0: i32, %arg1: i32, %arg2: memref<2048x256xi32, #tpu.memory_space<hbm>>, %arg3: memref<2048x64xi32, #tpu.memory_space<hbm>>, %arg4: memref<64x256xi32, #tpu.memory_space<vmem>>, %arg5: memref<64x64xi32, #tpu.memory_space<vmem>>) attributes {dimension_semantics = [#tpu.dimension_semantics<core_parallel>, #tpu.dimension_semantics<subcore_parallel>], iteration_bounds = array<i64: 2, 16>, scalar_prefetch = 0 : i64, scratch_operands = 2 : i64, tpu.core_type = #tpu.core_type<sc_vector_subcore>, window_params = [{transform_indices = #map}, {transform_indices = #map}]} {
    %mul3A = arith.constant 2 : i32
    %mul3A_0 = arith.muli %arg1, %mul3A : i32
    %add3A = arith.addi %mul3A_0, %arg0 : i32
    %mul3A_1 = arith.constant 64 : i32
    %mul3A_2 = arith.muli %add3A, %mul3A_1 : i32
    "tpu.region"() ({
      %run_scoped3A = tpu.sem_alloc : memref<!tpu.dma_semaphore, #tpu.memory_space<semaphore_mem>>
      %dma_start3A = arith.constant 0 : i32
      %dma_start3A_8 = tpu.memref_slice %arg2[%mul3A_2, %dma_start3A] : memref<2048x256xi32, #tpu.memory_space<hbm>> -> memref<64x256xi32, #tpu.memory_space<hbm>>
      %dma_start3A_9 = arith.constant 0 : i32
      %dma_start3A_10 = tpu.memref_slice %arg2[%mul3A_2, %dma_start3A_9] : memref<2048x256xi32, #tpu.memory_space<hbm>> -> memref<64x256xi32, #tpu.memory_space<hbm>>
      tpu.enqueue_dma source(%dma_start3A_10 : memref<64x256xi32, #tpu.memory_space<hbm>>) target(%arg4 : memref<64x256xi32, #tpu.memory_space<vmem>>) target_semaphore(%run_scoped3A : memref<!tpu.dma_semaphore, #tpu.memory_space<semaphore_mem>>)
      %dma_wait3A = arith.constant 0 : i32
      %dma_wait3A_11 = tpu.memref_slice %arg2[%mul3A_2, %dma_wait3A] : memref<2048x256xi32, #tpu.memory_space<hbm>> -> memref<64x256xi32, #tpu.memory_space<hbm>>
      %dma_wait3A_12 = arith.constant 0 : i32
      %dma_wait3A_13 = tpu.memref_slice %arg2[%mul3A_2, %dma_wait3A_12] : memref<2048x256xi32, #tpu.memory_space<hbm>> -> memref<64x256xi32, #tpu.memory_space<hbm>>
      tpu.wait_dma2 semaphore(%run_scoped3A : memref<!tpu.dma_semaphore, #tpu.memory_space<semaphore_mem>>) src(%dma_wait3A_13 : memref<64x256xi32, #tpu.memory_space<hbm>>) dst(%arg4 : memref<64x256xi32, #tpu.memory_space<vmem>>)
      tpu.yield
    }) : () -> ()
    %iota3A = tpu.iota {dimensions = array<i32: 0>} : vector<16xi32>
    %scan3A = arith.constant 0 : i32
    %scan3A_3 = arith.constant 0 : i32
    %scan3A_4 = arith.constant 64 : i32
    %scan3A_5 = arith.addi %scan3A_3, %scan3A_4 : i32
    %scan3A_6 = arith.constant 1 : i32
    scf.for %scan3A_8 = %scan3A_3 to %scan3A_5 step %scan3A_6  : i32 {
      %and3A = arith.constant 1 : i32
      %and3A_9 = vector.broadcast %and3A : i32 to vector<16xi32>
      %and3A_10 = arith.andi %iota3A, %and3A_9 : vector<16xi32>
      %shift_right_arithmetic3A = arith.constant 1 : i32
      %shift_right_arithmetic3A_11 = vector.broadcast %shift_right_arithmetic3A : i32 to vector<16xi32>
      %shift_right_arithmetic3A_12 = arith.shrsi %iota3A, %shift_right_arithmetic3A_11 : vector<16xi32>
      %and3A_13 = arith.constant 1 : i32
      %and3A_14 = vector.broadcast %and3A_13 : i32 to vector<16xi32>
      %and3A_15 = arith.andi %shift_right_arithmetic3A_12, %and3A_14 : vector<16xi32>
      %add3A_16 = arith.addi %and3A_10, %and3A_15 : vector<16xi32>
      %shift_right_arithmetic3A_17 = arith.constant 2 : i32
      %shift_right_arithmetic3A_18 = vector.broadcast %shift_right_arithmetic3A_17 : i32 to vector<16xi32>
      %shift_right_arithmetic3A_19 = arith.shrsi %iota3A, %shift_right_arithmetic3A_18 : vector<16xi32>
      %and3A_20 = arith.constant 1 : i32
      %and3A_21 = vector.broadcast %and3A_20 : i32 to vector<16xi32>
      %and3A_22 = arith.andi %shift_right_arithmetic3A_19, %and3A_21 : vector<16xi32>
      %add3A_23 = arith.addi %add3A_16, %and3A_22 : vector<16xi32>
      %shift_right_arithmetic3A_24 = arith.constant 3 : i32
      %shift_right_arithmetic3A_25 = vector.broadcast %shift_right_arithmetic3A_24 : i32 to vector<16xi32>
      %shift_right_arithmetic3A_26 = arith.shrsi %iota3A, %shift_right_arithmetic3A_25 : vector<16xi32>
      %and3A_27 = arith.constant 1 : i32
      %and3A_28 = vector.broadcast %and3A_27 : i32 to vector<16xi32>
      %and3A_29 = arith.andi %shift_right_arithmetic3A_26, %and3A_28 : vector<16xi32>
      %add3A_30 = arith.addi %add3A_23, %and3A_29 : vector<16xi32>
      %and3A_31 = arith.constant 1 : i32
      %and3A_32 = vector.broadcast %and3A_31 : i32 to vector<16xi32>
      %and3A_33 = arith.andi %iota3A, %and3A_32 : vector<16xi32>
      %eq3A = arith.constant 1 : i32
      %eq3A_34 = vector.broadcast %eq3A : i32 to vector<16xi32>
      %eq3A_35 = arith.cmpi eq, %and3A_33, %eq3A_34 : vector<16xi32>
      %and3A_36 = arith.constant 2 : i32
      %and3A_37 = vector.broadcast %and3A_36 : i32 to vector<16xi32>
      %and3A_38 = arith.andi %iota3A, %and3A_37 : vector<16xi32>
      %eq3A_39 = arith.constant 2 : i32
      %eq3A_40 = vector.broadcast %eq3A_39 : i32 to vector<16xi32>
      %eq3A_41 = arith.cmpi eq, %and3A_38, %eq3A_40 : vector<16xi32>
      %and3A_42 = arith.constant 4 : i32
      %and3A_43 = vector.broadcast %and3A_42 : i32 to vector<16xi32>
      %and3A_44 = arith.andi %iota3A, %and3A_43 : vector<16xi32>
      %eq3A_45 = arith.constant 4 : i32
      %eq3A_46 = vector.broadcast %eq3A_45 : i32 to vector<16xi32>
      %eq3A_47 = arith.cmpi eq, %and3A_44, %eq3A_46 : vector<16xi32>
      %jit3A = arith.constant 2 : i32
      %jit3A_48 = arith.constant 3 : i32
      %broadcast_in_dim3A = vector.broadcast %jit3A : i32 to vector<16xi32>
      %broadcast_in_dim3A_49 = vector.broadcast %jit3A_48 : i32 to vector<16xi32>
      %select_n3A = arith.select %eq3A_47, %broadcast_in_dim3A, %broadcast_in_dim3A_49 : vector<16xi1>, vector<16xi32>
      %jit3A_50 = arith.constant 1 : i32
      %broadcast_in_dim3A_51 = vector.broadcast %jit3A_50 : i32 to vector<16xi32>
      %select_n3A_52 = arith.select %eq3A_41, %broadcast_in_dim3A_51, %select_n3A : vector<16xi1>, vector<16xi32>
      %jit3A_53 = arith.constant 0 : i32
      %broadcast_in_dim3A_54 = vector.broadcast %jit3A_53 : i32 to vector<16xi32>
      %select_n3A_55 = arith.select %eq3A_35, %broadcast_in_dim3A_54, %select_n3A_52 : vector<16xi1>, vector<16xi32>
      %get3A = arith.index_cast %scan3A_8 : i32 to index
      %get3A_56 = arith.constant 0 : index
      %get3A_57 = tpu.vector_load %arg4[%get3A, %get3A_56] {strides = array<i32>} : memref<64x256xi32, #tpu.memory_space<vmem>>, vector<1x16xi32>,
      %get3A_58 = vector.shape_cast %get3A_57 : vector<1x16xi32> to vector<16xi32>
      %get3A_59 = arith.index_cast %scan3A_8 : i32 to index
      %get3A_60 = arith.constant 16 : index
      %get3A_61 = tpu.vector_load %arg4[%get3A_59, %get3A_60] {strides = array<i32>} : memref<64x256xi32, #tpu.memory_space<vmem>>, vector<1x16xi32>,
      %get3A_62 = vector.shape_cast %get3A_61 : vector<1x16xi32> to vector<16xi32>
      %get3A_63 = arith.index_cast %scan3A_8 : i32 to index
      %get3A_64 = arith.constant 32 : index
      %get3A_65 = tpu.vector_load %arg4[%get3A_63, %get3A_64] {strides = array<i32>} : memref<64x256xi32, #tpu.memory_space<vmem>>, vector<1x16xi32>,
      %get3A_66 = vector.shape_cast %get3A_65 : vector<1x16xi32> to vector<16xi32>
      %get3A_67 = arith.index_cast %scan3A_8 : i32 to index
      %get3A_68 = arith.constant 48 : index
      %get3A_69 = tpu.vector_load %arg4[%get3A_67, %get3A_68] {strides = array<i32>} : memref<64x256xi32, #tpu.memory_space<vmem>>, vector<1x16xi32>,
      %get3A_70 = vector.shape_cast %get3A_69 : vector<1x16xi32> to vector<16xi32>
      %get3A_71 = arith.index_cast %scan3A_8 : i32 to index
      %get3A_72 = arith.constant 64 : index
      %get3A_73 = tpu.vector_load %arg4[%get3A_71, %get3A_72] {strides = array<i32>} : memref<64x256xi32, #tpu.memory_space<vmem>>, vector<1x16xi32>,
      %get3A_74 = vector.shape_cast %get3A_73 : vector<1x16xi32> to vector<16xi32>
      %get3A_75 = arith.index_cast %scan3A_8 : i32 to index
      %get3A_76 = arith.constant 80 : index
      %get3A_77 = tpu.vector_load %arg4[%get3A_75, %get3A_76] {strides = array<i32>} : memref<64x256xi32, #tpu.memory_space<vmem>>, vector<1x16xi32>,
      %get3A_78 = vector.shape_cast %get3A_77 : vector<1x16xi32> to vector<16xi32>
      %get3A_79 = arith.index_cast %scan3A_8 : i32 to index
      %get3A_80 = arith.constant 192 : index
      %get3A_81 = tpu.vector_load %arg4[%get3A_79, %get3A_80] {strides = array<i32>} : memref<64x256xi32, #tpu.memory_space<vmem>>, vector<1x16xi32>,
      %get3A_82 = vector.shape_cast %get3A_81 : vector<1x16xi32> to vector<16xi32>
      %slice3A = vector.extract_strided_slice %get3A_82 {offsets = [0], sizes = [1], strides = [1]} : vector<16xi32> to vector<1xi32>
      %squeeze3A = vector.extract %slice3A[0] : i32 from vector<1xi32>
      %add3A_83 = arith.constant 0 : i32
      %add3A_84 = vector.broadcast %add3A_83 : i32 to vector<16xi32>
      %add3A_85 = arith.addi %iota3A, %add3A_84 : vector<16xi32>
      %get3A_86 = arith.index_cast %scan3A_8 : i32 to index
      %get3A_87 = arith.constant 128 : index
      %get3A_88 = tpu.vector_load %arg4[%get3A_86, %get3A_87] {strides = array<i32>} : memref<64x256xi32, #tpu.memory_space<vmem>>, vector<1x16xi32>,
      %get3A_89 = vector.shape_cast %get3A_88 : vector<1x16xi32> to vector<16xi32>
      %sub3A = arith.constant 1 : i32
      %sub3A_90 = vector.broadcast %sub3A : i32 to vector<16xi32>
      %sub3A_91 = arith.subi %get3A_89, %sub3A_90 : vector<16xi32>
      %and3A_92 = arith.constant 15 : i32
      %and3A_93 = vector.broadcast %and3A_92 : i32 to vector<16xi32>
      %and3A_94 = arith.andi %sub3A_91, %and3A_93 : vector<16xi32>
      %shift_right_arithmetic3A_95 = arith.constant 4 : i32
      %shift_right_arithmetic3A_96 = vector.broadcast %shift_right_arithmetic3A_95 : i32 to vector<16xi32>
      %shift_right_arithmetic3A_97 = arith.shrsi %sub3A_91, %shift_right_arithmetic3A_96 : vector<16xi32>
      %eq3A_98 = arith.constant 0 : i32
      %eq3A_99 = vector.broadcast %eq3A_98 : i32 to vector<16xi32>
      %eq3A_100 = arith.cmpi eq, %shift_right_arithmetic3A_97, %eq3A_99 : vector<16xi32>
      %broadcast_in_dim3A_101 = vector.shape_cast %and3A_94 : vector<16xi32> to vector<16x1xi32>
      %gather3A = vector.shape_cast %broadcast_in_dim3A_101 : vector<16x1xi32> to vector<16xi32>
      %gather3A_102 = tpu.dynamic_gather %get3A_74[%gather3A] in [0] : vector<16xi32>, vector<16xi32> -> vector<16xi32>
      %broadcast_in_dim3A_103 = vector.shape_cast %and3A_94 : vector<16xi32> to vector<16x1xi32>
      %gather3A_104 = vector.shape_cast %broadcast_in_dim3A_103 : vector<16x1xi32> to vector<16xi32>
      %gather3A_105 = tpu.dynamic_gather %get3A_78[%gather3A_104] in [0] : vector<16xi32>, vector<16xi32> -> vector<16xi32>
      %select_n3A_106 = arith.select %eq3A_100, %gather3A_102, %gather3A_105 : vector<16xi1>, vector<16xi32>
      %and3A_107 = arith.constant 127 : i32
      %and3A_108 = vector.broadcast %and3A_107 : i32 to vector<16xi32>
      %and3A_109 = arith.andi %select_n3A_106, %and3A_108 : vector<16xi32>
      %shift_right_arithmetic3A_110 = arith.constant 7 : i32
      %shift_right_arithmetic3A_111 = vector.broadcast %shift_right_arithmetic3A_110 : i32 to vector<16xi32>
      %shift_right_arithmetic3A_112 = arith.shrsi %select_n3A_106, %shift_right_arithmetic3A_111 : vector<16xi32>
      %and3A_113 = arith.constant 31 : i32
      %and3A_114 = vector.broadcast %and3A_113 : i32 to vector<16xi32>
      %and3A_115 = arith.andi %shift_right_arithmetic3A_112, %and3A_114 : vector<16xi32>
      %add3A_116 = arith.addi %and3A_109, %and3A_115 : vector<16xi32>
      %min3A = arith.constant 64 : i32
      %min3A_117 = vector.broadcast %min3A : i32 to vector<16xi32>
      %min3A_118 = arith.minsi %add3A_116, %min3A_117 : vector<16xi32>
      %shift_right_arithmetic3A_119 = arith.constant 12 : i32
      %shift_right_arithmetic3A_120 = vector.broadcast %shift_right_arithmetic3A_119 : i32 to vector<16xi32>
      %shift_right_arithmetic3A_121 = arith.shrsi %select_n3A_106, %shift_right_arithmetic3A_120 : vector<16xi32>
      %and3A_122 = arith.constant 31 : i32
      %and3A_123 = vector.broadcast %and3A_122 : i32 to vector<16xi32>
      %and3A_124 = arith.andi %shift_right_arithmetic3A_121, %and3A_123 : vector<16xi32>
      %add3A_125 = arith.addi %min3A_118, %and3A_124 : vector<16xi32>
      %min3A_126 = arith.constant 64 : i32
      %min3A_127 = vector.broadcast %min3A_126 : i32 to vector<16xi32>
      %min3A_128 = arith.minsi %add3A_125, %min3A_127 : vector<16xi32>
      %shift_right_arithmetic3A_129 = arith.constant 17 : i32
      %shift_right_arithmetic3A_130 = vector.broadcast %shift_right_arithmetic3A_129 : i32 to vector<16xi32>
      %shift_right_arithmetic3A_131 = arith.shrsi %select_n3A_106, %shift_right_arithmetic3A_130 : vector<16xi32>
      %and3A_132 = arith.constant 31 : i32
      %and3A_133 = vector.broadcast %and3A_132 : i32 to vector<16xi32>
      %and3A_134 = arith.andi %shift_right_arithmetic3A_131, %and3A_133 : vector<16xi32>
      %add3A_135 = arith.addi %min3A_128, %and3A_134 : vector<16xi32>
      %min3A_136 = arith.constant 64 : i32
      %min3A_137 = vector.broadcast %min3A_136 : i32 to vector<16xi32>
      %min3A_138 = arith.minsi %add3A_135, %min3A_137 : vector<16xi32>
      %le3A = arith.cmpi sle, %min3A_118, %add3A_85 : vector<16xi32>
      %le3A_139 = arith.cmpi sle, %min3A_128, %add3A_85 : vector<16xi32>
      %le3A_140 = arith.cmpi sle, %min3A_138, %add3A_85 : vector<16xi32>
      %jit3A_141 = arith.constant 1 : i32
      %jit3A_142 = arith.constant 0 : i32
      %broadcast_in_dim3A_143 = vector.broadcast %jit3A_141 : i32 to vector<16xi32>
      %broadcast_in_dim3A_144 = vector.broadcast %jit3A_142 : i32 to vector<16xi32>
      %select_n3A_145 = arith.select %le3A, %broadcast_in_dim3A_143, %broadcast_in_dim3A_144 : vector<16xi1>, vector<16xi32>
      %jit3A_146 = arith.constant 1 : i32
      %jit3A_147 = arith.constant 0 : i32
      %broadcast_in_dim3A_148 = vector.broadcast %jit3A_146 : i32 to vector<16xi32>
      %broadcast_in_dim3A_149 = vector.broadcast %jit3A_147 : i32 to vector<16xi32>
      %select_n3A_150 = arith.select %le3A_139, %broadcast_in_dim3A_148, %broadcast_in_dim3A_149 : vector<16xi1>, vector<16xi32>
      %add3A_151 = arith.addi %select_n3A_145, %select_n3A_150 : vector<16xi32>
      %jit3A_152 = arith.constant 1 : i32
      %jit3A_153 = arith.constant 0 : i32
      %broadcast_in_dim3A_154 = vector.broadcast %jit3A_152 : i32 to vector<16xi32>
      %broadcast_in_dim3A_155 = vector.broadcast %jit3A_153 : i32 to vector<16xi32>
      %select_n3A_156 = arith.select %le3A_140, %broadcast_in_dim3A_154, %broadcast_in_dim3A_155 : vector<16xi1>, vector<16xi32>
      %add3A_157 = arith.addi %add3A_151, %select_n3A_156 : vector<16xi32>
      %select_n3A_158 = arith.select %le3A, %min3A_118, %and3A_109 : vector<16xi1>, vector<16xi32>
      %select_n3A_159 = arith.select %le3A_139, %min3A_128, %select_n3A_158 : vector<16xi1>, vector<16xi32>
      %select_n3A_160 = arith.select %le3A_140, %min3A_138, %select_n3A_159 : vector<16xi1>, vector<16xi32>
      %shift_left3A = arith.constant 2 : i32
      %shift_left3A_161 = vector.broadcast %shift_left3A : i32 to vector<16xi32>
      %shift_left3A_162 = arith.shli %sub3A_91, %shift_left3A_161 : vector<16xi32>
      %add3A_163 = arith.addi %shift_left3A_162, %add3A_157 : vector<16xi32>
      %sub3A_164 = arith.subi %add3A_85, %select_n3A_160 : vector<16xi32>
      %shift_right_arithmetic3A_165 = arith.constant 1 : i32
      %shift_right_arithmetic3A_166 = vector.broadcast %shift_right_arithmetic3A_165 : i32 to vector<16xi32>
      %shift_right_arithmetic3A_167 = arith.shrsi %add3A_163, %shift_right_arithmetic3A_166 : vector<16xi32>
      %and3A_168 = arith.constant 15 : i32
      %and3A_169 = vector.broadcast %and3A_168 : i32 to vector<16xi32>
      %and3A_170 = arith.andi %shift_right_arithmetic3A_167, %and3A_169 : vector<16xi32>
      %shift_right_arithmetic3A_171 = arith.constant 4 : i32
      %shift_right_arithmetic3A_172 = vector.broadcast %shift_right_arithmetic3A_171 : i32 to vector<16xi32>
      %shift_right_arithmetic3A_173 = arith.shrsi %shift_right_arithmetic3A_167, %shift_right_arithmetic3A_172 : vector<16xi32>
      %broadcast_in_dim3A_174 = arith.constant 0 : i32
      %broadcast_in_dim3A_175 = vector.broadcast %broadcast_in_dim3A_174 : i32 to vector<16xi32>
      %eq3A_176 = arith.constant 0 : i32
      %eq3A_177 = vector.broadcast %eq3A_176 : i32 to vector<16xi32>
      %eq3A_178 = arith.cmpi eq, %shift_right_arithmetic3A_173, %eq3A_177 : vector<16xi32>
      %broadcast_in_dim3A_179 = vector.shape_cast %and3A_170 : vector<16xi32> to vector<16x1xi32>
      %gather3A_180 = vector.shape_cast %broadcast_in_dim3A_179 : vector<16x1xi32> to vector<16xi32>
      %gather3A_181 = tpu.dynamic_gather %get3A_58[%gather3A_180] in [0] : vector<16xi32>, vector<16xi32> -> vector<16xi32>
      %select_n3A_182 = arith.select %eq3A_178, %gather3A_181, %broadcast_in_dim3A_175 : vector<16xi1>, vector<16xi32>
      %eq3A_183 = arith.constant 1 : i32
      %eq3A_184 = vector.broadcast %eq3A_183 : i32 to vector<16xi32>
      %eq3A_185 = arith.cmpi eq, %shift_right_arithmetic3A_173, %eq3A_184 : vector<16xi32>
      %broadcast_in_dim3A_186 = vector.shape_cast %and3A_170 : vector<16xi32> to vector<16x1xi32>
      %gather3A_187 = vector.shape_cast %broadcast_in_dim3A_186 : vector<16x1xi32> to vector<16xi32>
      %gather3A_188 = tpu.dynamic_gather %get3A_62[%gather3A_187] in [0] : vector<16xi32>, vector<16xi32> -> vector<16xi32>
      %select_n3A_189 = arith.select %eq3A_185, %gather3A_188, %select_n3A_182 : vector<16xi1>, vector<16xi32>
      %eq3A_190 = arith.constant 2 : i32
      %eq3A_191 = vector.broadcast %eq3A_190 : i32 to vector<16xi32>
      %eq3A_192 = arith.cmpi eq, %shift_right_arithmetic3A_173, %eq3A_191 : vector<16xi32>
      %broadcast_in_dim3A_193 = vector.shape_cast %and3A_170 : vector<16xi32> to vector<16x1xi32>
      %gather3A_194 = vector.shape_cast %broadcast_in_dim3A_193 : vector<16x1xi32> to vector<16xi32>
      %gather3A_195 = tpu.dynamic_gather %get3A_66[%gather3A_194] in [0] : vector<16xi32>, vector<16xi32> -> vector<16xi32>
      %select_n3A_196 = arith.select %eq3A_192, %gather3A_195, %select_n3A_189 : vector<16xi1>, vector<16xi32>
      %eq3A_197 = arith.constant 3 : i32
      %eq3A_198 = vector.broadcast %eq3A_197 : i32 to vector<16xi32>
      %eq3A_199 = arith.cmpi eq, %shift_right_arithmetic3A_173, %eq3A_198 : vector<16xi32>
      %broadcast_in_dim3A_200 = vector.shape_cast %and3A_170 : vector<16xi32> to vector<16x1xi32>
      %gather3A_201 = vector.shape_cast %broadcast_in_dim3A_200 : vector<16x1xi32> to vector<16xi32>
      %gather3A_202 = tpu.dynamic_gather %get3A_70[%gather3A_201] in [0] : vector<16xi32>, vector<16xi32> -> vector<16xi32>
      %select_n3A_203 = arith.select %eq3A_199, %gather3A_202, %select_n3A_196 : vector<16xi1>, vector<16xi32>
      %and3A_204 = arith.constant 1 : i32
      %and3A_205 = vector.broadcast %and3A_204 : i32 to vector<16xi32>
      %and3A_206 = arith.andi %add3A_163, %and3A_205 : vector<16xi32>
      %eq3A_207 = arith.constant 1 : i32
      %eq3A_208 = vector.broadcast %eq3A_207 : i32 to vector<16xi32>
      %eq3A_209 = arith.cmpi eq, %and3A_206, %eq3A_208 : vector<16xi32>
      %shift_right_arithmetic3A_210 = arith.constant 16 : i32
      %shift_right_arithmetic3A_211 = vector.broadcast %shift_right_arithmetic3A_210 : i32 to vector<16xi32>
      %shift_right_arithmetic3A_212 = arith.shrsi %select_n3A_203, %shift_right_arithmetic3A_211 : vector<16xi32>
      %and3A_213 = arith.constant 65535 : i32
      %and3A_214 = vector.broadcast %and3A_213 : i32 to vector<16xi32>
      %and3A_215 = arith.andi %shift_right_arithmetic3A_212, %and3A_214 : vector<16xi32>
      %and3A_216 = arith.constant 65535 : i32
      %and3A_217 = vector.broadcast %and3A_216 : i32 to vector<16xi32>
      %and3A_218 = arith.andi %select_n3A_203, %and3A_217 : vector<16xi32>
      %select_n3A_219 = arith.select %eq3A_209, %and3A_215, %and3A_218 : vector<16xi1>, vector<16xi32>
      %and3A_220 = arith.constant 15 : i32
      %and3A_221 = vector.broadcast %and3A_220 : i32 to vector<16xi32>
      %and3A_222 = arith.andi %select_n3A_219, %and3A_221 : vector<16xi32>
      %shift_right_arithmetic3A_223 = arith.constant 4 : i32
      %shift_right_arithmetic3A_224 = vector.broadcast %shift_right_arithmetic3A_223 : i32 to vector<16xi32>
      %shift_right_arithmetic3A_225 = arith.shrsi %select_n3A_219, %shift_right_arithmetic3A_224 : vector<16xi32>
      %and3A_226 = arith.constant 15 : i32
      %and3A_227 = vector.broadcast %and3A_226 : i32 to vector<16xi32>
      %and3A_228 = arith.andi %shift_right_arithmetic3A_225, %and3A_227 : vector<16xi32>
      %shift_right_arithmetic3A_229 = arith.constant 8 : i32
      %shift_right_arithmetic3A_230 = vector.broadcast %shift_right_arithmetic3A_229 : i32 to vector<16xi32>
      %shift_right_arithmetic3A_231 = arith.shrsi %select_n3A_219, %shift_right_arithmetic3A_230 : vector<16xi32>
      %and3A_232 = arith.constant 15 : i32
      %and3A_233 = vector.broadcast %and3A_232 : i32 to vector<16xi32>
      %and3A_234 = arith.andi %shift_right_arithmetic3A_231, %and3A_233 : vector<16xi32>
      %shift_right_arithmetic3A_235 = arith.constant 12 : i32
      %shift_right_arithmetic3A_236 = vector.broadcast %shift_right_arithmetic3A_235 : i32 to vector<16xi32>
      %shift_right_arithmetic3A_237 = arith.shrsi %select_n3A_219, %shift_right_arithmetic3A_236 : vector<16xi32>
      %and3A_238 = arith.constant 15 : i32
      %and3A_239 = vector.broadcast %and3A_238 : i32 to vector<16xi32>
      %and3A_240 = arith.andi %shift_right_arithmetic3A_237, %and3A_239 : vector<16xi32>
      %broadcast_in_dim3A_241 = vector.shape_cast %and3A_222 : vector<16xi32> to vector<16x1xi32>
      %gather3A_242 = vector.shape_cast %broadcast_in_dim3A_241 : vector<16x1xi32> to vector<16xi32>
      %gather3A_243 = tpu.dynamic_gather %add3A_30[%gather3A_242] in [0] : vector<16xi32>, vector<16xi32> -> vector<16xi32>
      %broadcast_in_dim3A_244 = vector.shape_cast %and3A_228 : vector<16xi32> to vector<16x1xi32>
      %gather3A_245 = vector.shape_cast %broadcast_in_dim3A_244 : vector<16x1xi32> to vector<16xi32>
      %gather3A_246 = tpu.dynamic_gather %add3A_30[%gather3A_245] in [0] : vector<16xi32>, vector<16xi32> -> vector<16xi32>
      %add3A_247 = arith.addi %gather3A_243, %gather3A_246 : vector<16xi32>
      %broadcast_in_dim3A_248 = vector.shape_cast %and3A_234 : vector<16xi32> to vector<16x1xi32>
      %gather3A_249 = vector.shape_cast %broadcast_in_dim3A_248 : vector<16x1xi32> to vector<16xi32>
      %gather3A_250 = tpu.dynamic_gather %add3A_30[%gather3A_249] in [0] : vector<16xi32>, vector<16xi32> -> vector<16xi32>
      %add3A_251 = arith.addi %add3A_247, %gather3A_250 : vector<16xi32>
      %ge3A = arith.cmpi sge, %sub3A_164, %gather3A_243 : vector<16xi32>
      %ge3A_252 = arith.cmpi sge, %sub3A_164, %add3A_247 : vector<16xi32>
      %ge3A_253 = arith.cmpi sge, %sub3A_164, %add3A_251 : vector<16xi32>
      %select_n3A_254 = arith.select %ge3A, %and3A_228, %and3A_222 : vector<16xi1>, vector<16xi32>
      %select_n3A_255 = arith.select %ge3A_252, %and3A_234, %select_n3A_254 : vector<16xi1>, vector<16xi32>
      %select_n3A_256 = arith.select %ge3A_253, %and3A_240, %select_n3A_255 : vector<16xi1>, vector<16xi32>
      %jit3A_257 = arith.constant 1 : i32
      %jit3A_258 = arith.constant 0 : i32
      %broadcast_in_dim3A_259 = vector.broadcast %jit3A_257 : i32 to vector<16xi32>
      %broadcast_in_dim3A_260 = vector.broadcast %jit3A_258 : i32 to vector<16xi32>
      %select_n3A_261 = arith.select %ge3A, %broadcast_in_dim3A_259, %broadcast_in_dim3A_260 : vector<16xi1>, vector<16xi32>
      %jit3A_262 = arith.constant 1 : i32
      %jit3A_263 = arith.constant 0 : i32
      %broadcast_in_dim3A_264 = vector.broadcast %jit3A_262 : i32 to vector<16xi32>
      %broadcast_in_dim3A_265 = vector.broadcast %jit3A_263 : i32 to vector<16xi32>
      %select_n3A_266 = arith.select %ge3A_252, %broadcast_in_dim3A_264, %broadcast_in_dim3A_265 : vector<16xi1>, vector<16xi32>
      %add3A_267 = arith.addi %select_n3A_261, %select_n3A_266 : vector<16xi32>
      %jit3A_268 = arith.constant 1 : i32
      %jit3A_269 = arith.constant 0 : i32
      %broadcast_in_dim3A_270 = vector.broadcast %jit3A_268 : i32 to vector<16xi32>
      %broadcast_in_dim3A_271 = vector.broadcast %jit3A_269 : i32 to vector<16xi32>
      %select_n3A_272 = arith.select %ge3A_253, %broadcast_in_dim3A_270, %broadcast_in_dim3A_271 : vector<16xi1>, vector<16xi32>
      %add3A_273 = arith.addi %add3A_267, %select_n3A_272 : vector<16xi32>
      %shift_left3A_274 = arith.constant 2 : i32
      %shift_left3A_275 = vector.broadcast %shift_left3A_274 : i32 to vector<16xi32>
      %shift_left3A_276 = arith.shli %add3A_273, %shift_left3A_275 : vector<16xi32>
      %jit3A_277 = arith.constant 0 : i32
      %broadcast_in_dim3A_278 = vector.broadcast %jit3A_277 : i32 to vector<16xi32>
      %select_n3A_279 = arith.select %ge3A, %gather3A_243, %broadcast_in_dim3A_278 : vector<16xi1>, vector<16xi32>
      %select_n3A_280 = arith.select %ge3A_252, %add3A_247, %select_n3A_279 : vector<16xi1>, vector<16xi32>
      %select_n3A_281 = arith.select %ge3A_253, %add3A_251, %select_n3A_280 : vector<16xi1>, vector<16xi32>
      %sub3A_282 = arith.subi %sub3A_164, %select_n3A_281 : vector<16xi32>
      %ge3A_283 = arith.constant 1 : i32
      %ge3A_284 = vector.broadcast %ge3A_283 : i32 to vector<16xi32>
      %ge3A_285 = arith.cmpi sge, %sub3A_282, %ge3A_284 : vector<16xi32>
      %sub3A_286 = arith.constant 1 : i32
      %sub3A_287 = vector.broadcast %sub3A_286 : i32 to vector<16xi32>
      %sub3A_288 = arith.subi %select_n3A_256, %sub3A_287 : vector<16xi32>
      %and3A_289 = arith.andi %select_n3A_256, %sub3A_288 : vector<16xi32>
      %select_n3A_290 = arith.select %ge3A_285, %and3A_289, %select_n3A_256 : vector<16xi1>, vector<16xi32>
      %ge3A_291 = arith.constant 2 : i32
      %ge3A_292 = vector.broadcast %ge3A_291 : i32 to vector<16xi32>
      %ge3A_293 = arith.cmpi sge, %sub3A_282, %ge3A_292 : vector<16xi32>
      %sub3A_294 = arith.constant 1 : i32
      %sub3A_295 = vector.broadcast %sub3A_294 : i32 to vector<16xi32>
      %sub3A_296 = arith.subi %select_n3A_290, %sub3A_295 : vector<16xi32>
      %and3A_297 = arith.andi %select_n3A_290, %sub3A_296 : vector<16xi32>
      %select_n3A_298 = arith.select %ge3A_293, %and3A_297, %select_n3A_290 : vector<16xi1>, vector<16xi32>
      %ge3A_299 = arith.constant 3 : i32
      %ge3A_300 = vector.broadcast %ge3A_299 : i32 to vector<16xi32>
      %ge3A_301 = arith.cmpi sge, %sub3A_282, %ge3A_300 : vector<16xi32>
      %sub3A_302 = arith.constant 1 : i32
      %sub3A_303 = vector.broadcast %sub3A_302 : i32 to vector<16xi32>
      %sub3A_304 = arith.subi %select_n3A_298, %sub3A_303 : vector<16xi32>
      %and3A_305 = arith.andi %select_n3A_298, %sub3A_304 : vector<16xi32>
      %select_n3A_306 = arith.select %ge3A_301, %and3A_305, %select_n3A_298 : vector<16xi1>, vector<16xi32>
      %broadcast_in_dim3A_307 = vector.shape_cast %select_n3A_306 : vector<16xi32> to vector<16x1xi32>
      %gather3A_308 = vector.shape_cast %broadcast_in_dim3A_307 : vector<16x1xi32> to vector<16xi32>
      %gather3A_309 = tpu.dynamic_gather %select_n3A_55[%gather3A_308] in [0] : vector<16xi32>, vector<16xi32> -> vector<16xi32>
      %add3A_310 = arith.addi %shift_left3A_276, %gather3A_309 : vector<16xi32>
      %lt3A = vector.broadcast %squeeze3A : i32 to vector<16xi32>
      %lt3A_311 = arith.cmpi slt, %add3A_85, %lt3A : vector<16xi32>
      %mul3A_312 = arith.constant 16 : i32
      %mul3A_313 = vector.broadcast %mul3A_312 : i32 to vector<16xi32>
      %mul3A_314 = arith.muli %add3A_163, %mul3A_313 : vector<16xi32>
      %add3A_315 = arith.addi %mul3A_314, %add3A_310 : vector<16xi32>
      %jit3A_316 = arith.constant -1 : i32
      %broadcast_in_dim3A_317 = vector.broadcast %jit3A_316 : i32 to vector<16xi32>
      %select_n3A_318 = arith.select %lt3A_311, %add3A_315, %broadcast_in_dim3A_317 : vector<16xi1>, vector<16xi32>
      %swap3A = arith.index_cast %scan3A_8 : i32 to index
      %swap3A_319 = arith.constant 0 : index
      %swap3A_320 = tpu.vector_load %arg5[%swap3A, %swap3A_319] {strides = array<i32>} : memref<64x64xi32, #tpu.memory_space<vmem>>, vector<1x16xi32>,
      %swap3A_321 = vector.shape_cast %swap3A_320 : vector<1x16xi32> to vector<16xi32>
      %swap3A_322 = vector.shape_cast %select_n3A_318 : vector<16xi32> to vector<1x16xi32>
      tpu.vector_store %arg5[%swap3A, %swap3A_319], %swap3A_322 {strides = array<i32>} : memref<64x64xi32, #tpu.memory_space<vmem>>, vector<1x16xi32>,
      %add3A_323 = arith.constant 16 : i32
      %add3A_324 = vector.broadcast %add3A_323 : i32 to vector<16xi32>
      %add3A_325 = arith.addi %iota3A, %add3A_324 : vector<16xi32>
      %get3A_326 = arith.index_cast %scan3A_8 : i32 to index
      %get3A_327 = arith.constant 144 : index
      %get3A_328 = tpu.vector_load %arg4[%get3A_326, %get3A_327] {strides = array<i32>} : memref<64x256xi32, #tpu.memory_space<vmem>>, vector<1x16xi32>,
      %get3A_329 = vector.shape_cast %get3A_328 : vector<1x16xi32> to vector<16xi32>
      %sub3A_330 = arith.constant 1 : i32
      %sub3A_331 = vector.broadcast %sub3A_330 : i32 to vector<16xi32>
      %sub3A_332 = arith.subi %get3A_329, %sub3A_331 : vector<16xi32>
      %and3A_333 = arith.constant 15 : i32
      %and3A_334 = vector.broadcast %and3A_333 : i32 to vector<16xi32>
      %and3A_335 = arith.andi %sub3A_332, %and3A_334 : vector<16xi32>
      %shift_right_arithmetic3A_336 = arith.constant 4 : i32
      %shift_right_arithmetic3A_337 = vector.broadcast %shift_right_arithmetic3A_336 : i32 to vector<16xi32>
      %shift_right_arithmetic3A_338 = arith.shrsi %sub3A_332, %shift_right_arithmetic3A_337 : vector<16xi32>
      %eq3A_339 = arith.constant 0 : i32
      %eq3A_340 = vector.broadcast %eq3A_339 : i32 to vector<16xi32>
      %eq3A_341 = arith.cmpi eq, %shift_right_arithmetic3A_338, %eq3A_340 : vector<16xi32>
      %broadcast_in_dim3A_342 = vector.shape_cast %and3A_335 : vector<16xi32> to vector<16x1xi32>
      %gather3A_343 = vector.shape_cast %broadcast_in_dim3A_342 : vector<16x1xi32> to vector<16xi32>
      %gather3A_344 = tpu.dynamic_gather %get3A_74[%gather3A_343] in [0] : vector<16xi32>, vector<16xi32> -> vector<16xi32>
      %broadcast_in_dim3A_345 = vector.shape_cast %and3A_335 : vector<16xi32> to vector<16x1xi32>
      %gather3A_346 = vector.shape_cast %broadcast_in_dim3A_345 : vector<16x1xi32> to vector<16xi32>
      %gather3A_347 = tpu.dynamic_gather %get3A_78[%gather3A_346] in [0] : vector<16xi32>, vector<16xi32> -> vector<16xi32>
      %select_n3A_348 = arith.select %eq3A_341, %gather3A_344, %gather3A_347 : vector<16xi1>, vector<16xi32>
      %and3A_349 = arith.constant 127 : i32
      %and3A_350 = vector.broadcast %and3A_349 : i32 to vector<16xi32>
      %and3A_351 = arith.andi %select_n3A_348, %and3A_350 : vector<16xi32>
      %shift_right_arithmetic3A_352 = arith.constant 7 : i32
      %shift_right_arithmetic3A_353 = vector.broadcast %shift_right_arithmetic3A_352 : i32 to vector<16xi32>
      %shift_right_arithmetic3A_354 = arith.shrsi %select_n3A_348, %shift_right_arithmetic3A_353 : vector<16xi32>
      %and3A_355 = arith.constant 31 : i32
      %and3A_356 = vector.broadcast %and3A_355 : i32 to vector<16xi32>
      %and3A_357 = arith.andi %shift_right_arithmetic3A_354, %and3A_356 : vector<16xi32>
      %add3A_358 = arith.addi %and3A_351, %and3A_357 : vector<16xi32>
      %min3A_359 = arith.constant 64 : i32
      %min3A_360 = vector.broadcast %min3A_359 : i32 to vector<16xi32>
      %min3A_361 = arith.minsi %add3A_358, %min3A_360 : vector<16xi32>
      %shift_right_arithmetic3A_362 = arith.constant 12 : i32
      %shift_right_arithmetic3A_363 = vector.broadcast %shift_right_arithmetic3A_362 : i32 to vector<16xi32>
      %shift_right_arithmetic3A_364 = arith.shrsi %select_n3A_348, %shift_right_arithmetic3A_363 : vector<16xi32>
      %and3A_365 = arith.constant 31 : i32
      %and3A_366 = vector.broadcast %and3A_365 : i32 to vector<16xi32>
      %and3A_367 = arith.andi %shift_right_arithmetic3A_364, %and3A_366 : vector<16xi32>
      %add3A_368 = arith.addi %min3A_361, %and3A_367 : vector<16xi32>
      %min3A_369 = arith.constant 64 : i32
      %min3A_370 = vector.broadcast %min3A_369 : i32 to vector<16xi32>
      %min3A_371 = arith.minsi %add3A_368, %min3A_370 : vector<16xi32>
      %shift_right_arithmetic3A_372 = arith.constant 17 : i32
      %shift_right_arithmetic3A_373 = vector.broadcast %shift_right_arithmetic3A_372 : i32 to vector<16xi32>
      %shift_right_arithmetic3A_374 = arith.shrsi %select_n3A_348, %shift_right_arithmetic3A_373 : vector<16xi32>
      %and3A_375 = arith.constant 31 : i32
      %and3A_376 = vector.broadcast %and3A_375 : i32 to vector<16xi32>
      %and3A_377 = arith.andi %shift_right_arithmetic3A_374, %and3A_376 : vector<16xi32>
      %add3A_378 = arith.addi %min3A_371, %and3A_377 : vector<16xi32>
      %min3A_379 = arith.constant 64 : i32
      %min3A_380 = vector.broadcast %min3A_379 : i32 to vector<16xi32>
      %min3A_381 = arith.minsi %add3A_378, %min3A_380 : vector<16xi32>
      %le3A_382 = arith.cmpi sle, %min3A_361, %add3A_325 : vector<16xi32>
      %le3A_383 = arith.cmpi sle, %min3A_371, %add3A_325 : vector<16xi32>
      %le3A_384 = arith.cmpi sle, %min3A_381, %add3A_325 : vector<16xi32>
      %jit3A_385 = arith.constant 1 : i32
      %jit3A_386 = arith.constant 0 : i32
      %broadcast_in_dim3A_387 = vector.broadcast %jit3A_385 : i32 to vector<16xi32>
      %broadcast_in_dim3A_388 = vector.broadcast %jit3A_386 : i32 to vector<16xi32>
      %select_n3A_389 = arith.select %le3A_382, %broadcast_in_dim3A_387, %broadcast_in_dim3A_388 : vector<16xi1>, vector<16xi32>
      %jit3A_390 = arith.constant 1 : i32
      %jit3A_391 = arith.constant 0 : i32
      %broadcast_in_dim3A_392 = vector.broadcast %jit3A_390 : i32 to vector<16xi32>
      %broadcast_in_dim3A_393 = vector.broadcast %jit3A_391 : i32 to vector<16xi32>
      %select_n3A_394 = arith.select %le3A_383, %broadcast_in_dim3A_392, %broadcast_in_dim3A_393 : vector<16xi1>, vector<16xi32>
      %add3A_395 = arith.addi %select_n3A_389, %select_n3A_394 : vector<16xi32>
      %jit3A_396 = arith.constant 1 : i32
      %jit3A_397 = arith.constant 0 : i32
      %broadcast_in_dim3A_398 = vector.broadcast %jit3A_396 : i32 to vector<16xi32>
      %broadcast_in_dim3A_399 = vector.broadcast %jit3A_397 : i32 to vector<16xi32>
      %select_n3A_400 = arith.select %le3A_384, %broadcast_in_dim3A_398, %broadcast_in_dim3A_399 : vector<16xi1>, vector<16xi32>
      %add3A_401 = arith.addi %add3A_395, %select_n3A_400 : vector<16xi32>
      %select_n3A_402 = arith.select %le3A_382, %min3A_361, %and3A_351 : vector<16xi1>, vector<16xi32>
      %select_n3A_403 = arith.select %le3A_383, %min3A_371, %select_n3A_402 : vector<16xi1>, vector<16xi32>
      %select_n3A_404 = arith.select %le3A_384, %min3A_381, %select_n3A_403 : vector<16xi1>, vector<16xi32>
      %shift_left3A_405 = arith.constant 2 : i32
      %shift_left3A_406 = vector.broadcast %shift_left3A_405 : i32 to vector<16xi32>
      %shift_left3A_407 = arith.shli %sub3A_332, %shift_left3A_406 : vector<16xi32>
      %add3A_408 = arith.addi %shift_left3A_407, %add3A_401 : vector<16xi32>
      %sub3A_409 = arith.subi %add3A_325, %select_n3A_404 : vector<16xi32>
      %shift_right_arithmetic3A_410 = arith.constant 1 : i32
      %shift_right_arithmetic3A_411 = vector.broadcast %shift_right_arithmetic3A_410 : i32 to vector<16xi32>
      %shift_right_arithmetic3A_412 = arith.shrsi %add3A_408, %shift_right_arithmetic3A_411 : vector<16xi32>
      %and3A_413 = arith.constant 15 : i32
      %and3A_414 = vector.broadcast %and3A_413 : i32 to vector<16xi32>
      %and3A_415 = arith.andi %shift_right_arithmetic3A_412, %and3A_414 : vector<16xi32>
      %shift_right_arithmetic3A_416 = arith.constant 4 : i32
      %shift_right_arithmetic3A_417 = vector.broadcast %shift_right_arithmetic3A_416 : i32 to vector<16xi32>
      %shift_right_arithmetic3A_418 = arith.shrsi %shift_right_arithmetic3A_412, %shift_right_arithmetic3A_417 : vector<16xi32>
      %broadcast_in_dim3A_419 = arith.constant 0 : i32
      %broadcast_in_dim3A_420 = vector.broadcast %broadcast_in_dim3A_419 : i32 to vector<16xi32>
      %eq3A_421 = arith.constant 0 : i32
      %eq3A_422 = vector.broadcast %eq3A_421 : i32 to vector<16xi32>
      %eq3A_423 = arith.cmpi eq, %shift_right_arithmetic3A_418, %eq3A_422 : vector<16xi32>
      %broadcast_in_dim3A_424 = vector.shape_cast %and3A_415 : vector<16xi32> to vector<16x1xi32>
      %gather3A_425 = vector.shape_cast %broadcast_in_dim3A_424 : vector<16x1xi32> to vector<16xi32>
      %gather3A_426 = tpu.dynamic_gather %get3A_58[%gather3A_425] in [0] : vector<16xi32>, vector<16xi32> -> vector<16xi32>
      %select_n3A_427 = arith.select %eq3A_423, %gather3A_426, %broadcast_in_dim3A_420 : vector<16xi1>, vector<16xi32>
      %eq3A_428 = arith.constant 1 : i32
      %eq3A_429 = vector.broadcast %eq3A_428 : i32 to vector<16xi32>
      %eq3A_430 = arith.cmpi eq, %shift_right_arithmetic3A_418, %eq3A_429 : vector<16xi32>
      %broadcast_in_dim3A_431 = vector.shape_cast %and3A_415 : vector<16xi32> to vector<16x1xi32>
      %gather3A_432 = vector.shape_cast %broadcast_in_dim3A_431 : vector<16x1xi32> to vector<16xi32>
      %gather3A_433 = tpu.dynamic_gather %get3A_62[%gather3A_432] in [0] : vector<16xi32>, vector<16xi32> -> vector<16xi32>
      %select_n3A_434 = arith.select %eq3A_430, %gather3A_433, %select_n3A_427 : vector<16xi1>, vector<16xi32>
      %eq3A_435 = arith.constant 2 : i32
      %eq3A_436 = vector.broadcast %eq3A_435 : i32 to vector<16xi32>
      %eq3A_437 = arith.cmpi eq, %shift_right_arithmetic3A_418, %eq3A_436 : vector<16xi32>
      %broadcast_in_dim3A_438 = vector.shape_cast %and3A_415 : vector<16xi32> to vector<16x1xi32>
      %gather3A_439 = vector.shape_cast %broadcast_in_dim3A_438 : vector<16x1xi32> to vector<16xi32>
      %gather3A_440 = tpu.dynamic_gather %get3A_66[%gather3A_439] in [0] : vector<16xi32>, vector<16xi32> -> vector<16xi32>
      %select_n3A_441 = arith.select %eq3A_437, %gather3A_440, %select_n3A_434 : vector<16xi1>, vector<16xi32>
      %eq3A_442 = arith.constant 3 : i32
      %eq3A_443 = vector.broadcast %eq3A_442 : i32 to vector<16xi32>
      %eq3A_444 = arith.cmpi eq, %shift_right_arithmetic3A_418, %eq3A_443 : vector<16xi32>
      %broadcast_in_dim3A_445 = vector.shape_cast %and3A_415 : vector<16xi32> to vector<16x1xi32>
      %gather3A_446 = vector.shape_cast %broadcast_in_dim3A_445 : vector<16x1xi32> to vector<16xi32>
      %gather3A_447 = tpu.dynamic_gather %get3A_70[%gather3A_446] in [0] : vector<16xi32>, vector<16xi32> -> vector<16xi32>
      %select_n3A_448 = arith.select %eq3A_444, %gather3A_447, %select_n3A_441 : vector<16xi1>, vector<16xi32>
      %and3A_449 = arith.constant 1 : i32
      %and3A_450 = vector.broadcast %and3A_449 : i32 to vector<16xi32>
      %and3A_451 = arith.andi %add3A_408, %and3A_450 : vector<16xi32>
      %eq3A_452 = arith.constant 1 : i32
      %eq3A_453 = vector.broadcast %eq3A_452 : i32 to vector<16xi32>
      %eq3A_454 = arith.cmpi eq, %and3A_451, %eq3A_453 : vector<16xi32>
      %shift_right_arithmetic3A_455 = arith.constant 16 : i32
      %shift_right_arithmetic3A_456 = vector.broadcast %shift_right_arithmetic3A_455 : i32 to vector<16xi32>
      %shift_right_arithmetic3A_457 = arith.shrsi %select_n3A_448, %shift_right_arithmetic3A_456 : vector<16xi32>
      %and3A_458 = arith.constant 65535 : i32
      %and3A_459 = vector.broadcast %and3A_458 : i32 to vector<16xi32>
      %and3A_460 = arith.andi %shift_right_arithmetic3A_457, %and3A_459 : vector<16xi32>
      %and3A_461 = arith.constant 65535 : i32
      %and3A_462 = vector.broadcast %and3A_461 : i32 to vector<16xi32>
      %and3A_463 = arith.andi %select_n3A_448, %and3A_462 : vector<16xi32>
      %select_n3A_464 = arith.select %eq3A_454, %and3A_460, %and3A_463 : vector<16xi1>, vector<16xi32>
      %and3A_465 = arith.constant 15 : i32
      %and3A_466 = vector.broadcast %and3A_465 : i32 to vector<16xi32>
      %and3A_467 = arith.andi %select_n3A_464, %and3A_466 : vector<16xi32>
      %shift_right_arithmetic3A_468 = arith.constant 4 : i32
      %shift_right_arithmetic3A_469 = vector.broadcast %shift_right_arithmetic3A_468 : i32 to vector<16xi32>
      %shift_right_arithmetic3A_470 = arith.shrsi %select_n3A_464, %shift_right_arithmetic3A_469 : vector<16xi32>
      %and3A_471 = arith.constant 15 : i32
      %and3A_472 = vector.broadcast %and3A_471 : i32 to vector<16xi32>
      %and3A_473 = arith.andi %shift_right_arithmetic3A_470, %and3A_472 : vector<16xi32>
      %shift_right_arithmetic3A_474 = arith.constant 8 : i32
      %shift_right_arithmetic3A_475 = vector.broadcast %shift_right_arithmetic3A_474 : i32 to vector<16xi32>
      %shift_right_arithmetic3A_476 = arith.shrsi %select_n3A_464, %shift_right_arithmetic3A_475 : vector<16xi32>
      %and3A_477 = arith.constant 15 : i32
      %and3A_478 = vector.broadcast %and3A_477 : i32 to vector<16xi32>
      %and3A_479 = arith.andi %shift_right_arithmetic3A_476, %and3A_478 : vector<16xi32>
      %shift_right_arithmetic3A_480 = arith.constant 12 : i32
      %shift_right_arithmetic3A_481 = vector.broadcast %shift_right_arithmetic3A_480 : i32 to vector<16xi32>
      %shift_right_arithmetic3A_482 = arith.shrsi %select_n3A_464, %shift_right_arithmetic3A_481 : vector<16xi32>
      %and3A_483 = arith.constant 15 : i32
      %and3A_484 = vector.broadcast %and3A_483 : i32 to vector<16xi32>
      %and3A_485 = arith.andi %shift_right_arithmetic3A_482, %and3A_484 : vector<16xi32>
      %broadcast_in_dim3A_486 = vector.shape_cast %and3A_467 : vector<16xi32> to vector<16x1xi32>
      %gather3A_487 = vector.shape_cast %broadcast_in_dim3A_486 : vector<16x1xi32> to vector<16xi32>
      %gather3A_488 = tpu.dynamic_gather %add3A_30[%gather3A_487] in [0] : vector<16xi32>, vector<16xi32> -> vector<16xi32>
      %broadcast_in_dim3A_489 = vector.shape_cast %and3A_473 : vector<16xi32> to vector<16x1xi32>
      %gather3A_490 = vector.shape_cast %broadcast_in_dim3A_489 : vector<16x1xi32> to vector<16xi32>
      %gather3A_491 = tpu.dynamic_gather %add3A_30[%gather3A_490] in [0] : vector<16xi32>, vector<16xi32> -> vector<16xi32>
      %add3A_492 = arith.addi %gather3A_488, %gather3A_491 : vector<16xi32>
      %broadcast_in_dim3A_493 = vector.shape_cast %and3A_479 : vector<16xi32> to vector<16x1xi32>
      %gather3A_494 = vector.shape_cast %broadcast_in_dim3A_493 : vector<16x1xi32> to vector<16xi32>
      %gather3A_495 = tpu.dynamic_gather %add3A_30[%gather3A_494] in [0] : vector<16xi32>, vector<16xi32> -> vector<16xi32>
      %add3A_496 = arith.addi %add3A_492, %gather3A_495 : vector<16xi32>
      %ge3A_497 = arith.cmpi sge, %sub3A_409, %gather3A_488 : vector<16xi32>
      %ge3A_498 = arith.cmpi sge, %sub3A_409, %add3A_492 : vector<16xi32>
      %ge3A_499 = arith.cmpi sge, %sub3A_409, %add3A_496 : vector<16xi32>
      %select_n3A_500 = arith.select %ge3A_497, %and3A_473, %and3A_467 : vector<16xi1>, vector<16xi32>
      %select_n3A_501 = arith.select %ge3A_498, %and3A_479, %select_n3A_500 : vector<16xi1>, vector<16xi32>
      %select_n3A_502 = arith.select %ge3A_499, %and3A_485, %select_n3A_501 : vector<16xi1>, vector<16xi32>
      %jit3A_503 = arith.constant 1 : i32
      %jit3A_504 = arith.constant 0 : i32
      %broadcast_in_dim3A_505 = vector.broadcast %jit3A_503 : i32 to vector<16xi32>
      %broadcast_in_dim3A_506 = vector.broadcast %jit3A_504 : i32 to vector<16xi32>
      %select_n3A_507 = arith.select %ge3A_497, %broadcast_in_dim3A_505, %broadcast_in_dim3A_506 : vector<16xi1>, vector<16xi32>
      %jit3A_508 = arith.constant 1 : i32
      %jit3A_509 = arith.constant 0 : i32
      %broadcast_in_dim3A_510 = vector.broadcast %jit3A_508 : i32 to vector<16xi32>
      %broadcast_in_dim3A_511 = vector.broadcast %jit3A_509 : i32 to vector<16xi32>
      %select_n3A_512 = arith.select %ge3A_498, %broadcast_in_dim3A_510, %broadcast_in_dim3A_511 : vector<16xi1>, vector<16xi32>
      %add3A_513 = arith.addi %select_n3A_507, %select_n3A_512 : vector<16xi32>
      %jit3A_514 = arith.constant 1 : i32
      %jit3A_515 = arith.constant 0 : i32
      %broadcast_in_dim3A_516 = vector.broadcast %jit3A_514 : i32 to vector<16xi32>
      %broadcast_in_dim3A_517 = vector.broadcast %jit3A_515 : i32 to vector<16xi32>
      %select_n3A_518 = arith.select %ge3A_499, %broadcast_in_dim3A_516, %broadcast_in_dim3A_517 : vector<16xi1>, vector<16xi32>
      %add3A_519 = arith.addi %add3A_513, %select_n3A_518 : vector<16xi32>
      %shift_left3A_520 = arith.constant 2 : i32
      %shift_left3A_521 = vector.broadcast %shift_left3A_520 : i32 to vector<16xi32>
      %shift_left3A_522 = arith.shli %add3A_519, %shift_left3A_521 : vector<16xi32>
      %jit3A_523 = arith.constant 0 : i32
      %broadcast_in_dim3A_524 = vector.broadcast %jit3A_523 : i32 to vector<16xi32>
      %select_n3A_525 = arith.select %ge3A_497, %gather3A_488, %broadcast_in_dim3A_524 : vector<16xi1>, vector<16xi32>
      %select_n3A_526 = arith.select %ge3A_498, %add3A_492, %select_n3A_525 : vector<16xi1>, vector<16xi32>
      %select_n3A_527 = arith.select %ge3A_499, %add3A_496, %select_n3A_526 : vector<16xi1>, vector<16xi32>
      %sub3A_528 = arith.subi %sub3A_409, %select_n3A_527 : vector<16xi32>
      %ge3A_529 = arith.constant 1 : i32
      %ge3A_530 = vector.broadcast %ge3A_529 : i32 to vector<16xi32>
      %ge3A_531 = arith.cmpi sge, %sub3A_528, %ge3A_530 : vector<16xi32>
      %sub3A_532 = arith.constant 1 : i32
      %sub3A_533 = vector.broadcast %sub3A_532 : i32 to vector<16xi32>
      %sub3A_534 = arith.subi %select_n3A_502, %sub3A_533 : vector<16xi32>
      %and3A_535 = arith.andi %select_n3A_502, %sub3A_534 : vector<16xi32>
      %select_n3A_536 = arith.select %ge3A_531, %and3A_535, %select_n3A_502 : vector<16xi1>, vector<16xi32>
      %ge3A_537 = arith.constant 2 : i32
      %ge3A_538 = vector.broadcast %ge3A_537 : i32 to vector<16xi32>
      %ge3A_539 = arith.cmpi sge, %sub3A_528, %ge3A_538 : vector<16xi32>
      %sub3A_540 = arith.constant 1 : i32
      %sub3A_541 = vector.broadcast %sub3A_540 : i32 to vector<16xi32>
      %sub3A_542 = arith.subi %select_n3A_536, %sub3A_541 : vector<16xi32>
      %and3A_543 = arith.andi %select_n3A_536, %sub3A_542 : vector<16xi32>
      %select_n3A_544 = arith.select %ge3A_539, %and3A_543, %select_n3A_536 : vector<16xi1>, vector<16xi32>
      %ge3A_545 = arith.constant 3 : i32
      %ge3A_546 = vector.broadcast %ge3A_545 : i32 to vector<16xi32>
      %ge3A_547 = arith.cmpi sge, %sub3A_528, %ge3A_546 : vector<16xi32>
      %sub3A_548 = arith.constant 1 : i32
      %sub3A_549 = vector.broadcast %sub3A_548 : i32 to vector<16xi32>
      %sub3A_550 = arith.subi %select_n3A_544, %sub3A_549 : vector<16xi32>
      %and3A_551 = arith.andi %select_n3A_544, %sub3A_550 : vector<16xi32>
      %select_n3A_552 = arith.select %ge3A_547, %and3A_551, %select_n3A_544 : vector<16xi1>, vector<16xi32>
      %broadcast_in_dim3A_553 = vector.shape_cast %select_n3A_552 : vector<16xi32> to vector<16x1xi32>
      %gather3A_554 = vector.shape_cast %broadcast_in_dim3A_553 : vector<16x1xi32> to vector<16xi32>
      %gather3A_555 = tpu.dynamic_gather %select_n3A_55[%gather3A_554] in [0] : vector<16xi32>, vector<16xi32> -> vector<16xi32>
      %add3A_556 = arith.addi %shift_left3A_522, %gather3A_555 : vector<16xi32>
      %lt3A_557 = vector.broadcast %squeeze3A : i32 to vector<16xi32>
      %lt3A_558 = arith.cmpi slt, %add3A_325, %lt3A_557 : vector<16xi32>
      %mul3A_559 = arith.constant 16 : i32
      %mul3A_560 = vector.broadcast %mul3A_559 : i32 to vector<16xi32>
      %mul3A_561 = arith.muli %add3A_408, %mul3A_560 : vector<16xi32>
      %add3A_562 = arith.addi %mul3A_561, %add3A_556 : vector<16xi32>
      %jit3A_563 = arith.constant -1 : i32
      %broadcast_in_dim3A_564 = vector.broadcast %jit3A_563 : i32 to vector<16xi32>
      %select_n3A_565 = arith.select %lt3A_558, %add3A_562, %broadcast_in_dim3A_564 : vector<16xi1>, vector<16xi32>
      %swap3A_566 = arith.index_cast %scan3A_8 : i32 to index
      %swap3A_567 = arith.constant 16 : index
      %swap3A_568 = tpu.vector_load %arg5[%swap3A_566, %swap3A_567] {strides = array<i32>} : memref<64x64xi32, #tpu.memory_space<vmem>>, vector<1x16xi32>,
      %swap3A_569 = vector.shape_cast %swap3A_568 : vector<1x16xi32> to vector<16xi32>
      %swap3A_570 = vector.shape_cast %select_n3A_565 : vector<16xi32> to vector<1x16xi32>
      tpu.vector_store %arg5[%swap3A_566, %swap3A_567], %swap3A_570 {strides = array<i32>} : memref<64x64xi32, #tpu.memory_space<vmem>>, vector<1x16xi32>,
      %add3A_571 = arith.constant 32 : i32
      %add3A_572 = vector.broadcast %add3A_571 : i32 to vector<16xi32>
      %add3A_573 = arith.addi %iota3A, %add3A_572 : vector<16xi32>
      %get3A_574 = arith.index_cast %scan3A_8 : i32 to index
      %get3A_575 = arith.constant 160 : index
      %get3A_576 = tpu.vector_load %arg4[%get3A_574, %get3A_575] {strides = array<i32>} : memref<64x256xi32, #tpu.memory_space<vmem>>, vector<1x16xi32>,
      %get3A_577 = vector.shape_cast %get3A_576 : vector<1x16xi32> to vector<16xi32>
      %sub3A_578 = arith.constant 1 : i32
      %sub3A_579 = vector.broadcast %sub3A_578 : i32 to vector<16xi32>
      %sub3A_580 = arith.subi %get3A_577, %sub3A_579 : vector<16xi32>
      %and3A_581 = arith.constant 15 : i32
      %and3A_582 = vector.broadcast %and3A_581 : i32 to vector<16xi32>
      %and3A_583 = arith.andi %sub3A_580, %and3A_582 : vector<16xi32>
      %shift_right_arithmetic3A_584 = arith.constant 4 : i32
      %shift_right_arithmetic3A_585 = vector.broadcast %shift_right_arithmetic3A_584 : i32 to vector<16xi32>
      %shift_right_arithmetic3A_586 = arith.shrsi %sub3A_580, %shift_right_arithmetic3A_585 : vector<16xi32>
      %eq3A_587 = arith.constant 0 : i32
      %eq3A_588 = vector.broadcast %eq3A_587 : i32 to vector<16xi32>
      %eq3A_589 = arith.cmpi eq, %shift_right_arithmetic3A_586, %eq3A_588 : vector<16xi32>
      %broadcast_in_dim3A_590 = vector.shape_cast %and3A_583 : vector<16xi32> to vector<16x1xi32>
      %gather3A_591 = vector.shape_cast %broadcast_in_dim3A_590 : vector<16x1xi32> to vector<16xi32>
      %gather3A_592 = tpu.dynamic_gather %get3A_74[%gather3A_591] in [0] : vector<16xi32>, vector<16xi32> -> vector<16xi32>
      %broadcast_in_dim3A_593 = vector.shape_cast %and3A_583 : vector<16xi32> to vector<16x1xi32>
      %gather3A_594 = vector.shape_cast %broadcast_in_dim3A_593 : vector<16x1xi32> to vector<16xi32>
      %gather3A_595 = tpu.dynamic_gather %get3A_78[%gather3A_594] in [0] : vector<16xi32>, vector<16xi32> -> vector<16xi32>
      %select_n3A_596 = arith.select %eq3A_589, %gather3A_592, %gather3A_595 : vector<16xi1>, vector<16xi32>
      %and3A_597 = arith.constant 127 : i32
      %and3A_598 = vector.broadcast %and3A_597 : i32 to vector<16xi32>
      %and3A_599 = arith.andi %select_n3A_596, %and3A_598 : vector<16xi32>
      %shift_right_arithmetic3A_600 = arith.constant 7 : i32
      %shift_right_arithmetic3A_601 = vector.broadcast %shift_right_arithmetic3A_600 : i32 to vector<16xi32>
      %shift_right_arithmetic3A_602 = arith.shrsi %select_n3A_596, %shift_right_arithmetic3A_601 : vector<16xi32>
      %and3A_603 = arith.constant 31 : i32
      %and3A_604 = vector.broadcast %and3A_603 : i32 to vector<16xi32>
      %and3A_605 = arith.andi %shift_right_arithmetic3A_602, %and3A_604 : vector<16xi32>
      %add3A_606 = arith.addi %and3A_599, %and3A_605 : vector<16xi32>
      %min3A_607 = arith.constant 64 : i32
      %min3A_608 = vector.broadcast %min3A_607 : i32 to vector<16xi32>
      %min3A_609 = arith.minsi %add3A_606, %min3A_608 : vector<16xi32>
      %shift_right_arithmetic3A_610 = arith.constant 12 : i32
      %shift_right_arithmetic3A_611 = vector.broadcast %shift_right_arithmetic3A_610 : i32 to vector<16xi32>
      %shift_right_arithmetic3A_612 = arith.shrsi %select_n3A_596, %shift_right_arithmetic3A_611 : vector<16xi32>
      %and3A_613 = arith.constant 31 : i32
      %and3A_614 = vector.broadcast %and3A_613 : i32 to vector<16xi32>
      %and3A_615 = arith.andi %shift_right_arithmetic3A_612, %and3A_614 : vector<16xi32>
      %add3A_616 = arith.addi %min3A_609, %and3A_615 : vector<16xi32>
      %min3A_617 = arith.constant 64 : i32
      %min3A_618 = vector.broadcast %min3A_617 : i32 to vector<16xi32>
      %min3A_619 = arith.minsi %add3A_616, %min3A_618 : vector<16xi32>
      %shift_right_arithmetic3A_620 = arith.constant 17 : i32
      %shift_right_arithmetic3A_621 = vector.broadcast %shift_right_arithmetic3A_620 : i32 to vector<16xi32>
      %shift_right_arithmetic3A_622 = arith.shrsi %select_n3A_596, %shift_right_arithmetic3A_621 : vector<16xi32>
      %and3A_623 = arith.constant 31 : i32
      %and3A_624 = vector.broadcast %and3A_623 : i32 to vector<16xi32>
      %and3A_625 = arith.andi %shift_right_arithmetic3A_622, %and3A_624 : vector<16xi32>
      %add3A_626 = arith.addi %min3A_619, %and3A_625 : vector<16xi32>
      %min3A_627 = arith.constant 64 : i32
      %min3A_628 = vector.broadcast %min3A_627 : i32 to vector<16xi32>
      %min3A_629 = arith.minsi %add3A_626, %min3A_628 : vector<16xi32>
      %le3A_630 = arith.cmpi sle, %min3A_609, %add3A_573 : vector<16xi32>
      %le3A_631 = arith.cmpi sle, %min3A_619, %add3A_573 : vector<16xi32>
      %le3A_632 = arith.cmpi sle, %min3A_629, %add3A_573 : vector<16xi32>
      %jit3A_633 = arith.constant 1 : i32
      %jit3A_634 = arith.constant 0 : i32
      %broadcast_in_dim3A_635 = vector.broadcast %jit3A_633 : i32 to vector<16xi32>
      %broadcast_in_dim3A_636 = vector.broadcast %jit3A_634 : i32 to vector<16xi32>
      %select_n3A_637 = arith.select %le3A_630, %broadcast_in_dim3A_635, %broadcast_in_dim3A_636 : vector<16xi1>, vector<16xi32>
      %jit3A_638 = arith.constant 1 : i32
      %jit3A_639 = arith.constant 0 : i32
      %broadcast_in_dim3A_640 = vector.broadcast %jit3A_638 : i32 to vector<16xi32>
      %broadcast_in_dim3A_641 = vector.broadcast %jit3A_639 : i32 to vector<16xi32>
      %select_n3A_642 = arith.select %le3A_631, %broadcast_in_dim3A_640, %broadcast_in_dim3A_641 : vector<16xi1>, vector<16xi32>
      %add3A_643 = arith.addi %select_n3A_637, %select_n3A_642 : vector<16xi32>
      %jit3A_644 = arith.constant 1 : i32
      %jit3A_645 = arith.constant 0 : i32
      %broadcast_in_dim3A_646 = vector.broadcast %jit3A_644 : i32 to vector<16xi32>
      %broadcast_in_dim3A_647 = vector.broadcast %jit3A_645 : i32 to vector<16xi32>
      %select_n3A_648 = arith.select %le3A_632, %broadcast_in_dim3A_646, %broadcast_in_dim3A_647 : vector<16xi1>, vector<16xi32>
      %add3A_649 = arith.addi %add3A_643, %select_n3A_648 : vector<16xi32>
      %select_n3A_650 = arith.select %le3A_630, %min3A_609, %and3A_599 : vector<16xi1>, vector<16xi32>
      %select_n3A_651 = arith.select %le3A_631, %min3A_619, %select_n3A_650 : vector<16xi1>, vector<16xi32>
      %select_n3A_652 = arith.select %le3A_632, %min3A_629, %select_n3A_651 : vector<16xi1>, vector<16xi32>
      %shift_left3A_653 = arith.constant 2 : i32
      %shift_left3A_654 = vector.broadcast %shift_left3A_653 : i32 to vector<16xi32>
      %shift_left3A_655 = arith.shli %sub3A_580, %shift_left3A_654 : vector<16xi32>
      %add3A_656 = arith.addi %shift_left3A_655, %add3A_649 : vector<16xi32>
      %sub3A_657 = arith.subi %add3A_573, %select_n3A_652 : vector<16xi32>
      %shift_right_arithmetic3A_658 = arith.constant 1 : i32
      %shift_right_arithmetic3A_659 = vector.broadcast %shift_right_arithmetic3A_658 : i32 to vector<16xi32>
      %shift_right_arithmetic3A_660 = arith.shrsi %add3A_656, %shift_right_arithmetic3A_659 : vector<16xi32>
      %and3A_661 = arith.constant 15 : i32
      %and3A_662 = vector.broadcast %and3A_661 : i32 to vector<16xi32>
      %and3A_663 = arith.andi %shift_right_arithmetic3A_660, %and3A_662 : vector<16xi32>
      %shift_right_arithmetic3A_664 = arith.constant 4 : i32
      %shift_right_arithmetic3A_665 = vector.broadcast %shift_right_arithmetic3A_664 : i32 to vector<16xi32>
      %shift_right_arithmetic3A_666 = arith.shrsi %shift_right_arithmetic3A_660, %shift_right_arithmetic3A_665 : vector<16xi32>
      %broadcast_in_dim3A_667 = arith.constant 0 : i32
      %broadcast_in_dim3A_668 = vector.broadcast %broadcast_in_dim3A_667 : i32 to vector<16xi32>
      %eq3A_669 = arith.constant 0 : i32
      %eq3A_670 = vector.broadcast %eq3A_669 : i32 to vector<16xi32>
      %eq3A_671 = arith.cmpi eq, %shift_right_arithmetic3A_666, %eq3A_670 : vector<16xi32>
      %broadcast_in_dim3A_672 = vector.shape_cast %and3A_663 : vector<16xi32> to vector<16x1xi32>
      %gather3A_673 = vector.shape_cast %broadcast_in_dim3A_672 : vector<16x1xi32> to vector<16xi32>
      %gather3A_674 = tpu.dynamic_gather %get3A_58[%gather3A_673] in [0] : vector<16xi32>, vector<16xi32> -> vector<16xi32>
      %select_n3A_675 = arith.select %eq3A_671, %gather3A_674, %broadcast_in_dim3A_668 : vector<16xi1>, vector<16xi32>
      %eq3A_676 = arith.constant 1 : i32
      %eq3A_677 = vector.broadcast %eq3A_676 : i32 to vector<16xi32>
      %eq3A_678 = arith.cmpi eq, %shift_right_arithmetic3A_666, %eq3A_677 : vector<16xi32>
      %broadcast_in_dim3A_679 = vector.shape_cast %and3A_663 : vector<16xi32> to vector<16x1xi32>
      %gather3A_680 = vector.shape_cast %broadcast_in_dim3A_679 : vector<16x1xi32> to vector<16xi32>
      %gather3A_681 = tpu.dynamic_gather %get3A_62[%gather3A_680] in [0] : vector<16xi32>, vector<16xi32> -> vector<16xi32>
      %select_n3A_682 = arith.select %eq3A_678, %gather3A_681, %select_n3A_675 : vector<16xi1>, vector<16xi32>
      %eq3A_683 = arith.constant 2 : i32
      %eq3A_684 = vector.broadcast %eq3A_683 : i32 to vector<16xi32>
      %eq3A_685 = arith.cmpi eq, %shift_right_arithmetic3A_666, %eq3A_684 : vector<16xi32>
      %broadcast_in_dim3A_686 = vector.shape_cast %and3A_663 : vector<16xi32> to vector<16x1xi32>
      %gather3A_687 = vector.shape_cast %broadcast_in_dim3A_686 : vector<16x1xi32> to vector<16xi32>
      %gather3A_688 = tpu.dynamic_gather %get3A_66[%gather3A_687] in [0] : vector<16xi32>, vector<16xi32> -> vector<16xi32>
      %select_n3A_689 = arith.select %eq3A_685, %gather3A_688, %select_n3A_682 : vector<16xi1>, vector<16xi32>
      %eq3A_690 = arith.constant 3 : i32
      %eq3A_691 = vector.broadcast %eq3A_690 : i32 to vector<16xi32>
      %eq3A_692 = arith.cmpi eq, %shift_right_arithmetic3A_666, %eq3A_691 : vector<16xi32>
      %broadcast_in_dim3A_693 = vector.shape_cast %and3A_663 : vector<16xi32> to vector<16x1xi32>
      %gather3A_694 = vector.shape_cast %broadcast_in_dim3A_693 : vector<16x1xi32> to vector<16xi32>
      %gather3A_695 = tpu.dynamic_gather %get3A_70[%gather3A_694] in [0] : vector<16xi32>, vector<16xi32> -> vector<16xi32>
      %select_n3A_696 = arith.select %eq3A_692, %gather3A_695, %select_n3A_689 : vector<16xi1>, vector<16xi32>
      %and3A_697 = arith.constant 1 : i32
      %and3A_698 = vector.broadcast %and3A_697 : i32 to vector<16xi32>
      %and3A_699 = arith.andi %add3A_656, %and3A_698 : vector<16xi32>
      %eq3A_700 = arith.constant 1 : i32
      %eq3A_701 = vector.broadcast %eq3A_700 : i32 to vector<16xi32>
      %eq3A_702 = arith.cmpi eq, %and3A_699, %eq3A_701 : vector<16xi32>
      %shift_right_arithmetic3A_703 = arith.constant 16 : i32
      %shift_right_arithmetic3A_704 = vector.broadcast %shift_right_arithmetic3A_703 : i32 to vector<16xi32>
      %shift_right_arithmetic3A_705 = arith.shrsi %select_n3A_696, %shift_right_arithmetic3A_704 : vector<16xi32>
      %and3A_706 = arith.constant 65535 : i32
      %and3A_707 = vector.broadcast %and3A_706 : i32 to vector<16xi32>
      %and3A_708 = arith.andi %shift_right_arithmetic3A_705, %and3A_707 : vector<16xi32>
      %and3A_709 = arith.constant 65535 : i32
      %and3A_710 = vector.broadcast %and3A_709 : i32 to vector<16xi32>
      %and3A_711 = arith.andi %select_n3A_696, %and3A_710 : vector<16xi32>
      %select_n3A_712 = arith.select %eq3A_702, %and3A_708, %and3A_711 : vector<16xi1>, vector<16xi32>
      %and3A_713 = arith.constant 15 : i32
      %and3A_714 = vector.broadcast %and3A_713 : i32 to vector<16xi32>
      %and3A_715 = arith.andi %select_n3A_712, %and3A_714 : vector<16xi32>
      %shift_right_arithmetic3A_716 = arith.constant 4 : i32
      %shift_right_arithmetic3A_717 = vector.broadcast %shift_right_arithmetic3A_716 : i32 to vector<16xi32>
      %shift_right_arithmetic3A_718 = arith.shrsi %select_n3A_712, %shift_right_arithmetic3A_717 : vector<16xi32>
      %and3A_719 = arith.constant 15 : i32
      %and3A_720 = vector.broadcast %and3A_719 : i32 to vector<16xi32>
      %and3A_721 = arith.andi %shift_right_arithmetic3A_718, %and3A_720 : vector<16xi32>
      %shift_right_arithmetic3A_722 = arith.constant 8 : i32
      %shift_right_arithmetic3A_723 = vector.broadcast %shift_right_arithmetic3A_722 : i32 to vector<16xi32>
      %shift_right_arithmetic3A_724 = arith.shrsi %select_n3A_712, %shift_right_arithmetic3A_723 : vector<16xi32>
      %and3A_725 = arith.constant 15 : i32
      %and3A_726 = vector.broadcast %and3A_725 : i32 to vector<16xi32>
      %and3A_727 = arith.andi %shift_right_arithmetic3A_724, %and3A_726 : vector<16xi32>
      %shift_right_arithmetic3A_728 = arith.constant 12 : i32
      %shift_right_arithmetic3A_729 = vector.broadcast %shift_right_arithmetic3A_728 : i32 to vector<16xi32>
      %shift_right_arithmetic3A_730 = arith.shrsi %select_n3A_712, %shift_right_arithmetic3A_729 : vector<16xi32>
      %and3A_731 = arith.constant 15 : i32
      %and3A_732 = vector.broadcast %and3A_731 : i32 to vector<16xi32>
      %and3A_733 = arith.andi %shift_right_arithmetic3A_730, %and3A_732 : vector<16xi32>
      %broadcast_in_dim3A_734 = vector.shape_cast %and3A_715 : vector<16xi32> to vector<16x1xi32>
      %gather3A_735 = vector.shape_cast %broadcast_in_dim3A_734 : vector<16x1xi32> to vector<16xi32>
      %gather3A_736 = tpu.dynamic_gather %add3A_30[%gather3A_735] in [0] : vector<16xi32>, vector<16xi32> -> vector<16xi32>
      %broadcast_in_dim3A_737 = vector.shape_cast %and3A_721 : vector<16xi32> to vector<16x1xi32>
      %gather3A_738 = vector.shape_cast %broadcast_in_dim3A_737 : vector<16x1xi32> to vector<16xi32>
      %gather3A_739 = tpu.dynamic_gather %add3A_30[%gather3A_738] in [0] : vector<16xi32>, vector<16xi32> -> vector<16xi32>
      %add3A_740 = arith.addi %gather3A_736, %gather3A_739 : vector<16xi32>
      %broadcast_in_dim3A_741 = vector.shape_cast %and3A_727 : vector<16xi32> to vector<16x1xi32>
      %gather3A_742 = vector.shape_cast %broadcast_in_dim3A_741 : vector<16x1xi32> to vector<16xi32>
      %gather3A_743 = tpu.dynamic_gather %add3A_30[%gather3A_742] in [0] : vector<16xi32>, vector<16xi32> -> vector<16xi32>
      %add3A_744 = arith.addi %add3A_740, %gather3A_743 : vector<16xi32>
      %ge3A_745 = arith.cmpi sge, %sub3A_657, %gather3A_736 : vector<16xi32>
      %ge3A_746 = arith.cmpi sge, %sub3A_657, %add3A_740 : vector<16xi32>
      %ge3A_747 = arith.cmpi sge, %sub3A_657, %add3A_744 : vector<16xi32>
      %select_n3A_748 = arith.select %ge3A_745, %and3A_721, %and3A_715 : vector<16xi1>, vector<16xi32>
      %select_n3A_749 = arith.select %ge3A_746, %and3A_727, %select_n3A_748 : vector<16xi1>, vector<16xi32>
      %select_n3A_750 = arith.select %ge3A_747, %and3A_733, %select_n3A_749 : vector<16xi1>, vector<16xi32>
      %jit3A_751 = arith.constant 1 : i32
      %jit3A_752 = arith.constant 0 : i32
      %broadcast_in_dim3A_753 = vector.broadcast %jit3A_751 : i32 to vector<16xi32>
      %broadcast_in_dim3A_754 = vector.broadcast %jit3A_752 : i32 to vector<16xi32>
      %select_n3A_755 = arith.select %ge3A_745, %broadcast_in_dim3A_753, %broadcast_in_dim3A_754 : vector<16xi1>, vector<16xi32>
      %jit3A_756 = arith.constant 1 : i32
      %jit3A_757 = arith.constant 0 : i32
      %broadcast_in_dim3A_758 = vector.broadcast %jit3A_756 : i32 to vector<16xi32>
      %broadcast_in_dim3A_759 = vector.broadcast %jit3A_757 : i32 to vector<16xi32>
      %select_n3A_760 = arith.select %ge3A_746, %broadcast_in_dim3A_758, %broadcast_in_dim3A_759 : vector<16xi1>, vector<16xi32>
      %add3A_761 = arith.addi %select_n3A_755, %select_n3A_760 : vector<16xi32>
      %jit3A_762 = arith.constant 1 : i32
      %jit3A_763 = arith.constant 0 : i32
      %broadcast_in_dim3A_764 = vector.broadcast %jit3A_762 : i32 to vector<16xi32>
      %broadcast_in_dim3A_765 = vector.broadcast %jit3A_763 : i32 to vector<16xi32>
      %select_n3A_766 = arith.select %ge3A_747, %broadcast_in_dim3A_764, %broadcast_in_dim3A_765 : vector<16xi1>, vector<16xi32>
      %add3A_767 = arith.addi %add3A_761, %select_n3A_766 : vector<16xi32>
      %shift_left3A_768 = arith.constant 2 : i32
      %shift_left3A_769 = vector.broadcast %shift_left3A_768 : i32 to vector<16xi32>
      %shift_left3A_770 = arith.shli %add3A_767, %shift_left3A_769 : vector<16xi32>
      %jit3A_771 = arith.constant 0 : i32
      %broadcast_in_dim3A_772 = vector.broadcast %jit3A_771 : i32 to vector<16xi32>
      %select_n3A_773 = arith.select %ge3A_745, %gather3A_736, %broadcast_in_dim3A_772 : vector<16xi1>, vector<16xi32>
      %select_n3A_774 = arith.select %ge3A_746, %add3A_740, %select_n3A_773 : vector<16xi1>, vector<16xi32>
      %select_n3A_775 = arith.select %ge3A_747, %add3A_744, %select_n3A_774 : vector<16xi1>, vector<16xi32>
      %sub3A_776 = arith.subi %sub3A_657, %select_n3A_775 : vector<16xi32>
      %ge3A_777 = arith.constant 1 : i32
      %ge3A_778 = vector.broadcast %ge3A_777 : i32 to vector<16xi32>
      %ge3A_779 = arith.cmpi sge, %sub3A_776, %ge3A_778 : vector<16xi32>
      %sub3A_780 = arith.constant 1 : i32
      %sub3A_781 = vector.broadcast %sub3A_780 : i32 to vector<16xi32>
      %sub3A_782 = arith.subi %select_n3A_750, %sub3A_781 : vector<16xi32>
      %and3A_783 = arith.andi %select_n3A_750, %sub3A_782 : vector<16xi32>
      %select_n3A_784 = arith.select %ge3A_779, %and3A_783, %select_n3A_750 : vector<16xi1>, vector<16xi32>
      %ge3A_785 = arith.constant 2 : i32
      %ge3A_786 = vector.broadcast %ge3A_785 : i32 to vector<16xi32>
      %ge3A_787 = arith.cmpi sge, %sub3A_776, %ge3A_786 : vector<16xi32>
      %sub3A_788 = arith.constant 1 : i32
      %sub3A_789 = vector.broadcast %sub3A_788 : i32 to vector<16xi32>
      %sub3A_790 = arith.subi %select_n3A_784, %sub3A_789 : vector<16xi32>
      %and3A_791 = arith.andi %select_n3A_784, %sub3A_790 : vector<16xi32>
      %select_n3A_792 = arith.select %ge3A_787, %and3A_791, %select_n3A_784 : vector<16xi1>, vector<16xi32>
      %ge3A_793 = arith.constant 3 : i32
      %ge3A_794 = vector.broadcast %ge3A_793 : i32 to vector<16xi32>
      %ge3A_795 = arith.cmpi sge, %sub3A_776, %ge3A_794 : vector<16xi32>
      %sub3A_796 = arith.constant 1 : i32
      %sub3A_797 = vector.broadcast %sub3A_796 : i32 to vector<16xi32>
      %sub3A_798 = arith.subi %select_n3A_792, %sub3A_797 : vector<16xi32>
      %and3A_799 = arith.andi %select_n3A_792, %sub3A_798 : vector<16xi32>
      %select_n3A_800 = arith.select %ge3A_795, %and3A_799, %select_n3A_792 : vector<16xi1>, vector<16xi32>
      %broadcast_in_dim3A_801 = vector.shape_cast %select_n3A_800 : vector<16xi32> to vector<16x1xi32>
      %gather3A_802 = vector.shape_cast %broadcast_in_dim3A_801 : vector<16x1xi32> to vector<16xi32>
      %gather3A_803 = tpu.dynamic_gather %select_n3A_55[%gather3A_802] in [0] : vector<16xi32>, vector<16xi32> -> vector<16xi32>
      %add3A_804 = arith.addi %shift_left3A_770, %gather3A_803 : vector<16xi32>
      %lt3A_805 = vector.broadcast %squeeze3A : i32 to vector<16xi32>
      %lt3A_806 = arith.cmpi slt, %add3A_573, %lt3A_805 : vector<16xi32>
      %mul3A_807 = arith.constant 16 : i32
      %mul3A_808 = vector.broadcast %mul3A_807 : i32 to vector<16xi32>
      %mul3A_809 = arith.muli %add3A_656, %mul3A_808 : vector<16xi32>
      %add3A_810 = arith.addi %mul3A_809, %add3A_804 : vector<16xi32>
      %jit3A_811 = arith.constant -1 : i32
      %broadcast_in_dim3A_812 = vector.broadcast %jit3A_811 : i32 to vector<16xi32>
      %select_n3A_813 = arith.select %lt3A_806, %add3A_810, %broadcast_in_dim3A_812 : vector<16xi1>, vector<16xi32>
      %swap3A_814 = arith.index_cast %scan3A_8 : i32 to index
      %swap3A_815 = arith.constant 32 : index
      %swap3A_816 = tpu.vector_load %arg5[%swap3A_814, %swap3A_815] {strides = array<i32>} : memref<64x64xi32, #tpu.memory_space<vmem>>, vector<1x16xi32>,
      %swap3A_817 = vector.shape_cast %swap3A_816 : vector<1x16xi32> to vector<16xi32>
      %swap3A_818 = vector.shape_cast %select_n3A_813 : vector<16xi32> to vector<1x16xi32>
      tpu.vector_store %arg5[%swap3A_814, %swap3A_815], %swap3A_818 {strides = array<i32>} : memref<64x64xi32, #tpu.memory_space<vmem>>, vector<1x16xi32>,
      %add3A_819 = arith.constant 48 : i32
      %add3A_820 = vector.broadcast %add3A_819 : i32 to vector<16xi32>
      %add3A_821 = arith.addi %iota3A, %add3A_820 : vector<16xi32>
      %get3A_822 = arith.index_cast %scan3A_8 : i32 to index
      %get3A_823 = arith.constant 176 : index
      %get3A_824 = tpu.vector_load %arg4[%get3A_822, %get3A_823] {strides = array<i32>} : memref<64x256xi32, #tpu.memory_space<vmem>>, vector<1x16xi32>,
      %get3A_825 = vector.shape_cast %get3A_824 : vector<1x16xi32> to vector<16xi32>
      %sub3A_826 = arith.constant 1 : i32
      %sub3A_827 = vector.broadcast %sub3A_826 : i32 to vector<16xi32>
      %sub3A_828 = arith.subi %get3A_825, %sub3A_827 : vector<16xi32>
      %and3A_829 = arith.constant 15 : i32
      %and3A_830 = vector.broadcast %and3A_829 : i32 to vector<16xi32>
      %and3A_831 = arith.andi %sub3A_828, %and3A_830 : vector<16xi32>
      %shift_right_arithmetic3A_832 = arith.constant 4 : i32
      %shift_right_arithmetic3A_833 = vector.broadcast %shift_right_arithmetic3A_832 : i32 to vector<16xi32>
      %shift_right_arithmetic3A_834 = arith.shrsi %sub3A_828, %shift_right_arithmetic3A_833 : vector<16xi32>
      %eq3A_835 = arith.constant 0 : i32
      %eq3A_836 = vector.broadcast %eq3A_835 : i32 to vector<16xi32>
      %eq3A_837 = arith.cmpi eq, %shift_right_arithmetic3A_834, %eq3A_836 : vector<16xi32>
      %broadcast_in_dim3A_838 = vector.shape_cast %and3A_831 : vector<16xi32> to vector<16x1xi32>
      %gather3A_839 = vector.shape_cast %broadcast_in_dim3A_838 : vector<16x1xi32> to vector<16xi32>
      %gather3A_840 = tpu.dynamic_gather %get3A_74[%gather3A_839] in [0] : vector<16xi32>, vector<16xi32> -> vector<16xi32>
      %broadcast_in_dim3A_841 = vector.shape_cast %and3A_831 : vector<16xi32> to vector<16x1xi32>
      %gather3A_842 = vector.shape_cast %broadcast_in_dim3A_841 : vector<16x1xi32> to vector<16xi32>
      %gather3A_843 = tpu.dynamic_gather %get3A_78[%gather3A_842] in [0] : vector<16xi32>, vector<16xi32> -> vector<16xi32>
      %select_n3A_844 = arith.select %eq3A_837, %gather3A_840, %gather3A_843 : vector<16xi1>, vector<16xi32>
      %and3A_845 = arith.constant 127 : i32
      %and3A_846 = vector.broadcast %and3A_845 : i32 to vector<16xi32>
      %and3A_847 = arith.andi %select_n3A_844, %and3A_846 : vector<16xi32>
      %shift_right_arithmetic3A_848 = arith.constant 7 : i32
      %shift_right_arithmetic3A_849 = vector.broadcast %shift_right_arithmetic3A_848 : i32 to vector<16xi32>
      %shift_right_arithmetic3A_850 = arith.shrsi %select_n3A_844, %shift_right_arithmetic3A_849 : vector<16xi32>
      %and3A_851 = arith.constant 31 : i32
      %and3A_852 = vector.broadcast %and3A_851 : i32 to vector<16xi32>
      %and3A_853 = arith.andi %shift_right_arithmetic3A_850, %and3A_852 : vector<16xi32>
      %add3A_854 = arith.addi %and3A_847, %and3A_853 : vector<16xi32>
      %min3A_855 = arith.constant 64 : i32
      %min3A_856 = vector.broadcast %min3A_855 : i32 to vector<16xi32>
      %min3A_857 = arith.minsi %add3A_854, %min3A_856 : vector<16xi32>
      %shift_right_arithmetic3A_858 = arith.constant 12 : i32
      %shift_right_arithmetic3A_859 = vector.broadcast %shift_right_arithmetic3A_858 : i32 to vector<16xi32>
      %shift_right_arithmetic3A_860 = arith.shrsi %select_n3A_844, %shift_right_arithmetic3A_859 : vector<16xi32>
      %and3A_861 = arith.constant 31 : i32
      %and3A_862 = vector.broadcast %and3A_861 : i32 to vector<16xi32>
      %and3A_863 = arith.andi %shift_right_arithmetic3A_860, %and3A_862 : vector<16xi32>
      %add3A_864 = arith.addi %min3A_857, %and3A_863 : vector<16xi32>
      %min3A_865 = arith.constant 64 : i32
      %min3A_866 = vector.broadcast %min3A_865 : i32 to vector<16xi32>
      %min3A_867 = arith.minsi %add3A_864, %min3A_866 : vector<16xi32>
      %shift_right_arithmetic3A_868 = arith.constant 17 : i32
      %shift_right_arithmetic3A_869 = vector.broadcast %shift_right_arithmetic3A_868 : i32 to vector<16xi32>
      %shift_right_arithmetic3A_870 = arith.shrsi %select_n3A_844, %shift_right_arithmetic3A_869 : vector<16xi32>
      %and3A_871 = arith.constant 31 : i32
      %and3A_872 = vector.broadcast %and3A_871 : i32 to vector<16xi32>
      %and3A_873 = arith.andi %shift_right_arithmetic3A_870, %and3A_872 : vector<16xi32>
      %add3A_874 = arith.addi %min3A_867, %and3A_873 : vector<16xi32>
      %min3A_875 = arith.constant 64 : i32
      %min3A_876 = vector.broadcast %min3A_875 : i32 to vector<16xi32>
      %min3A_877 = arith.minsi %add3A_874, %min3A_876 : vector<16xi32>
      %le3A_878 = arith.cmpi sle, %min3A_857, %add3A_821 : vector<16xi32>
      %le3A_879 = arith.cmpi sle, %min3A_867, %add3A_821 : vector<16xi32>
      %le3A_880 = arith.cmpi sle, %min3A_877, %add3A_821 : vector<16xi32>
      %jit3A_881 = arith.constant 1 : i32
      %jit3A_882 = arith.constant 0 : i32
      %broadcast_in_dim3A_883 = vector.broadcast %jit3A_881 : i32 to vector<16xi32>
      %broadcast_in_dim3A_884 = vector.broadcast %jit3A_882 : i32 to vector<16xi32>
      %select_n3A_885 = arith.select %le3A_878, %broadcast_in_dim3A_883, %broadcast_in_dim3A_884 : vector<16xi1>, vector<16xi32>
      %jit3A_886 = arith.constant 1 : i32
      %jit3A_887 = arith.constant 0 : i32
      %broadcast_in_dim3A_888 = vector.broadcast %jit3A_886 : i32 to vector<16xi32>
      %broadcast_in_dim3A_889 = vector.broadcast %jit3A_887 : i32 to vector<16xi32>
      %select_n3A_890 = arith.select %le3A_879, %broadcast_in_dim3A_888, %broadcast_in_dim3A_889 : vector<16xi1>, vector<16xi32>
      %add3A_891 = arith.addi %select_n3A_885, %select_n3A_890 : vector<16xi32>
      %jit3A_892 = arith.constant 1 : i32
      %jit3A_893 = arith.constant 0 : i32
      %broadcast_in_dim3A_894 = vector.broadcast %jit3A_892 : i32 to vector<16xi32>
      %broadcast_in_dim3A_895 = vector.broadcast %jit3A_893 : i32 to vector<16xi32>
      %select_n3A_896 = arith.select %le3A_880, %broadcast_in_dim3A_894, %broadcast_in_dim3A_895 : vector<16xi1>, vector<16xi32>
      %add3A_897 = arith.addi %add3A_891, %select_n3A_896 : vector<16xi32>
      %select_n3A_898 = arith.select %le3A_878, %min3A_857, %and3A_847 : vector<16xi1>, vector<16xi32>
      %select_n3A_899 = arith.select %le3A_879, %min3A_867, %select_n3A_898 : vector<16xi1>, vector<16xi32>
      %select_n3A_900 = arith.select %le3A_880, %min3A_877, %select_n3A_899 : vector<16xi1>, vector<16xi32>
      %shift_left3A_901 = arith.constant 2 : i32
      %shift_left3A_902 = vector.broadcast %shift_left3A_901 : i32 to vector<16xi32>
      %shift_left3A_903 = arith.shli %sub3A_828, %shift_left3A_902 : vector<16xi32>
      %add3A_904 = arith.addi %shift_left3A_903, %add3A_897 : vector<16xi32>
      %sub3A_905 = arith.subi %add3A_821, %select_n3A_900 : vector<16xi32>
      %shift_right_arithmetic3A_906 = arith.constant 1 : i32
      %shift_right_arithmetic3A_907 = vector.broadcast %shift_right_arithmetic3A_906 : i32 to vector<16xi32>
      %shift_right_arithmetic3A_908 = arith.shrsi %add3A_904, %shift_right_arithmetic3A_907 : vector<16xi32>
      %and3A_909 = arith.constant 15 : i32
      %and3A_910 = vector.broadcast %and3A_909 : i32 to vector<16xi32>
      %and3A_911 = arith.andi %shift_right_arithmetic3A_908, %and3A_910 : vector<16xi32>
      %shift_right_arithmetic3A_912 = arith.constant 4 : i32
      %shift_right_arithmetic3A_913 = vector.broadcast %shift_right_arithmetic3A_912 : i32 to vector<16xi32>
      %shift_right_arithmetic3A_914 = arith.shrsi %shift_right_arithmetic3A_908, %shift_right_arithmetic3A_913 : vector<16xi32>
      %broadcast_in_dim3A_915 = arith.constant 0 : i32
      %broadcast_in_dim3A_916 = vector.broadcast %broadcast_in_dim3A_915 : i32 to vector<16xi32>
      %eq3A_917 = arith.constant 0 : i32
      %eq3A_918 = vector.broadcast %eq3A_917 : i32 to vector<16xi32>
      %eq3A_919 = arith.cmpi eq, %shift_right_arithmetic3A_914, %eq3A_918 : vector<16xi32>
      %broadcast_in_dim3A_920 = vector.shape_cast %and3A_911 : vector<16xi32> to vector<16x1xi32>
      %gather3A_921 = vector.shape_cast %broadcast_in_dim3A_920 : vector<16x1xi32> to vector<16xi32>
      %gather3A_922 = tpu.dynamic_gather %get3A_58[%gather3A_921] in [0] : vector<16xi32>, vector<16xi32> -> vector<16xi32>
      %select_n3A_923 = arith.select %eq3A_919, %gather3A_922, %broadcast_in_dim3A_916 : vector<16xi1>, vector<16xi32>
      %eq3A_924 = arith.constant 1 : i32
      %eq3A_925 = vector.broadcast %eq3A_924 : i32 to vector<16xi32>
      %eq3A_926 = arith.cmpi eq, %shift_right_arithmetic3A_914, %eq3A_925 : vector<16xi32>
      %broadcast_in_dim3A_927 = vector.shape_cast %and3A_911 : vector<16xi32> to vector<16x1xi32>
      %gather3A_928 = vector.shape_cast %broadcast_in_dim3A_927 : vector<16x1xi32> to vector<16xi32>
      %gather3A_929 = tpu.dynamic_gather %get3A_62[%gather3A_928] in [0] : vector<16xi32>, vector<16xi32> -> vector<16xi32>
      %select_n3A_930 = arith.select %eq3A_926, %gather3A_929, %select_n3A_923 : vector<16xi1>, vector<16xi32>
      %eq3A_931 = arith.constant 2 : i32
      %eq3A_932 = vector.broadcast %eq3A_931 : i32 to vector<16xi32>
      %eq3A_933 = arith.cmpi eq, %shift_right_arithmetic3A_914, %eq3A_932 : vector<16xi32>
      %broadcast_in_dim3A_934 = vector.shape_cast %and3A_911 : vector<16xi32> to vector<16x1xi32>
      %gather3A_935 = vector.shape_cast %broadcast_in_dim3A_934 : vector<16x1xi32> to vector<16xi32>
      %gather3A_936 = tpu.dynamic_gather %get3A_66[%gather3A_935] in [0] : vector<16xi32>, vector<16xi32> -> vector<16xi32>
      %select_n3A_937 = arith.select %eq3A_933, %gather3A_936, %select_n3A_930 : vector<16xi1>, vector<16xi32>
      %eq3A_938 = arith.constant 3 : i32
      %eq3A_939 = vector.broadcast %eq3A_938 : i32 to vector<16xi32>
      %eq3A_940 = arith.cmpi eq, %shift_right_arithmetic3A_914, %eq3A_939 : vector<16xi32>
      %broadcast_in_dim3A_941 = vector.shape_cast %and3A_911 : vector<16xi32> to vector<16x1xi32>
      %gather3A_942 = vector.shape_cast %broadcast_in_dim3A_941 : vector<16x1xi32> to vector<16xi32>
      %gather3A_943 = tpu.dynamic_gather %get3A_70[%gather3A_942] in [0] : vector<16xi32>, vector<16xi32> -> vector<16xi32>
      %select_n3A_944 = arith.select %eq3A_940, %gather3A_943, %select_n3A_937 : vector<16xi1>, vector<16xi32>
      %and3A_945 = arith.constant 1 : i32
      %and3A_946 = vector.broadcast %and3A_945 : i32 to vector<16xi32>
      %and3A_947 = arith.andi %add3A_904, %and3A_946 : vector<16xi32>
      %eq3A_948 = arith.constant 1 : i32
      %eq3A_949 = vector.broadcast %eq3A_948 : i32 to vector<16xi32>
      %eq3A_950 = arith.cmpi eq, %and3A_947, %eq3A_949 : vector<16xi32>
      %shift_right_arithmetic3A_951 = arith.constant 16 : i32
      %shift_right_arithmetic3A_952 = vector.broadcast %shift_right_arithmetic3A_951 : i32 to vector<16xi32>
      %shift_right_arithmetic3A_953 = arith.shrsi %select_n3A_944, %shift_right_arithmetic3A_952 : vector<16xi32>
      %and3A_954 = arith.constant 65535 : i32
      %and3A_955 = vector.broadcast %and3A_954 : i32 to vector<16xi32>
      %and3A_956 = arith.andi %shift_right_arithmetic3A_953, %and3A_955 : vector<16xi32>
      %and3A_957 = arith.constant 65535 : i32
      %and3A_958 = vector.broadcast %and3A_957 : i32 to vector<16xi32>
      %and3A_959 = arith.andi %select_n3A_944, %and3A_958 : vector<16xi32>
      %select_n3A_960 = arith.select %eq3A_950, %and3A_956, %and3A_959 : vector<16xi1>, vector<16xi32>
      %and3A_961 = arith.constant 15 : i32
      %and3A_962 = vector.broadcast %and3A_961 : i32 to vector<16xi32>
      %and3A_963 = arith.andi %select_n3A_960, %and3A_962 : vector<16xi32>
      %shift_right_arithmetic3A_964 = arith.constant 4 : i32
      %shift_right_arithmetic3A_965 = vector.broadcast %shift_right_arithmetic3A_964 : i32 to vector<16xi32>
      %shift_right_arithmetic3A_966 = arith.shrsi %select_n3A_960, %shift_right_arithmetic3A_965 : vector<16xi32>
      %and3A_967 = arith.constant 15 : i32
      %and3A_968 = vector.broadcast %and3A_967 : i32 to vector<16xi32>
      %and3A_969 = arith.andi %shift_right_arithmetic3A_966, %and3A_968 : vector<16xi32>
      %shift_right_arithmetic3A_970 = arith.constant 8 : i32
      %shift_right_arithmetic3A_971 = vector.broadcast %shift_right_arithmetic3A_970 : i32 to vector<16xi32>
      %shift_right_arithmetic3A_972 = arith.shrsi %select_n3A_960, %shift_right_arithmetic3A_971 : vector<16xi32>
      %and3A_973 = arith.constant 15 : i32
      %and3A_974 = vector.broadcast %and3A_973 : i32 to vector<16xi32>
      %and3A_975 = arith.andi %shift_right_arithmetic3A_972, %and3A_974 : vector<16xi32>
      %shift_right_arithmetic3A_976 = arith.constant 12 : i32
      %shift_right_arithmetic3A_977 = vector.broadcast %shift_right_arithmetic3A_976 : i32 to vector<16xi32>
      %shift_right_arithmetic3A_978 = arith.shrsi %select_n3A_960, %shift_right_arithmetic3A_977 : vector<16xi32>
      %and3A_979 = arith.constant 15 : i32
      %and3A_980 = vector.broadcast %and3A_979 : i32 to vector<16xi32>
      %and3A_981 = arith.andi %shift_right_arithmetic3A_978, %and3A_980 : vector<16xi32>
      %broadcast_in_dim3A_982 = vector.shape_cast %and3A_963 : vector<16xi32> to vector<16x1xi32>
      %gather3A_983 = vector.shape_cast %broadcast_in_dim3A_982 : vector<16x1xi32> to vector<16xi32>
      %gather3A_984 = tpu.dynamic_gather %add3A_30[%gather3A_983] in [0] : vector<16xi32>, vector<16xi32> -> vector<16xi32>
      %broadcast_in_dim3A_985 = vector.shape_cast %and3A_969 : vector<16xi32> to vector<16x1xi32>
      %gather3A_986 = vector.shape_cast %broadcast_in_dim3A_985 : vector<16x1xi32> to vector<16xi32>
      %gather3A_987 = tpu.dynamic_gather %add3A_30[%gather3A_986] in [0] : vector<16xi32>, vector<16xi32> -> vector<16xi32>
      %add3A_988 = arith.addi %gather3A_984, %gather3A_987 : vector<16xi32>
      %broadcast_in_dim3A_989 = vector.shape_cast %and3A_975 : vector<16xi32> to vector<16x1xi32>
      %gather3A_990 = vector.shape_cast %broadcast_in_dim3A_989 : vector<16x1xi32> to vector<16xi32>
      %gather3A_991 = tpu.dynamic_gather %add3A_30[%gather3A_990] in [0] : vector<16xi32>, vector<16xi32> -> vector<16xi32>
      %add3A_992 = arith.addi %add3A_988, %gather3A_991 : vector<16xi32>
      %ge3A_993 = arith.cmpi sge, %sub3A_905, %gather3A_984 : vector<16xi32>
      %ge3A_994 = arith.cmpi sge, %sub3A_905, %add3A_988 : vector<16xi32>
      %ge3A_995 = arith.cmpi sge, %sub3A_905, %add3A_992 : vector<16xi32>
      %select_n3A_996 = arith.select %ge3A_993, %and3A_969, %and3A_963 : vector<16xi1>, vector<16xi32>
      %select_n3A_997 = arith.select %ge3A_994, %and3A_975, %select_n3A_996 : vector<16xi1>, vector<16xi32>
      %select_n3A_998 = arith.select %ge3A_995, %and3A_981, %select_n3A_997 : vector<16xi1>, vector<16xi32>
      %jit3A_999 = arith.constant 1 : i32
      %jit3A_1000 = arith.constant 0 : i32
      %broadcast_in_dim3A_1001 = vector.broadcast %jit3A_999 : i32 to vector<16xi32>
      %broadcast_in_dim3A_1002 = vector.broadcast %jit3A_1000 : i32 to vector<16xi32>
      %select_n3A_1003 = arith.select %ge3A_993, %broadcast_in_dim3A_1001, %broadcast_in_dim3A_1002 : vector<16xi1>, vector<16xi32>
      %jit3A_1004 = arith.constant 1 : i32
      %jit3A_1005 = arith.constant 0 : i32
      %broadcast_in_dim3A_1006 = vector.broadcast %jit3A_1004 : i32 to vector<16xi32>
      %broadcast_in_dim3A_1007 = vector.broadcast %jit3A_1005 : i32 to vector<16xi32>
      %select_n3A_1008 = arith.select %ge3A_994, %broadcast_in_dim3A_1006, %broadcast_in_dim3A_1007 : vector<16xi1>, vector<16xi32>
      %add3A_1009 = arith.addi %select_n3A_1003, %select_n3A_1008 : vector<16xi32>
      %jit3A_1010 = arith.constant 1 : i32
      %jit3A_1011 = arith.constant 0 : i32
      %broadcast_in_dim3A_1012 = vector.broadcast %jit3A_1010 : i32 to vector<16xi32>
      %broadcast_in_dim3A_1013 = vector.broadcast %jit3A_1011 : i32 to vector<16xi32>
      %select_n3A_1014 = arith.select %ge3A_995, %broadcast_in_dim3A_1012, %broadcast_in_dim3A_1013 : vector<16xi1>, vector<16xi32>
      %add3A_1015 = arith.addi %add3A_1009, %select_n3A_1014 : vector<16xi32>
      %shift_left3A_1016 = arith.constant 2 : i32
      %shift_left3A_1017 = vector.broadcast %shift_left3A_1016 : i32 to vector<16xi32>
      %shift_left3A_1018 = arith.shli %add3A_1015, %shift_left3A_1017 : vector<16xi32>
      %jit3A_1019 = arith.constant 0 : i32
      %broadcast_in_dim3A_1020 = vector.broadcast %jit3A_1019 : i32 to vector<16xi32>
      %select_n3A_1021 = arith.select %ge3A_993, %gather3A_984, %broadcast_in_dim3A_1020 : vector<16xi1>, vector<16xi32>
      %select_n3A_1022 = arith.select %ge3A_994, %add3A_988, %select_n3A_1021 : vector<16xi1>, vector<16xi32>
      %select_n3A_1023 = arith.select %ge3A_995, %add3A_992, %select_n3A_1022 : vector<16xi1>, vector<16xi32>
      %sub3A_1024 = arith.subi %sub3A_905, %select_n3A_1023 : vector<16xi32>
      %ge3A_1025 = arith.constant 1 : i32
      %ge3A_1026 = vector.broadcast %ge3A_1025 : i32 to vector<16xi32>
      %ge3A_1027 = arith.cmpi sge, %sub3A_1024, %ge3A_1026 : vector<16xi32>
      %sub3A_1028 = arith.constant 1 : i32
      %sub3A_1029 = vector.broadcast %sub3A_1028 : i32 to vector<16xi32>
      %sub3A_1030 = arith.subi %select_n3A_998, %sub3A_1029 : vector<16xi32>
      %and3A_1031 = arith.andi %select_n3A_998, %sub3A_1030 : vector<16xi32>
      %select_n3A_1032 = arith.select %ge3A_1027, %and3A_1031, %select_n3A_998 : vector<16xi1>, vector<16xi32>
      %ge3A_1033 = arith.constant 2 : i32
      %ge3A_1034 = vector.broadcast %ge3A_1033 : i32 to vector<16xi32>
      %ge3A_1035 = arith.cmpi sge, %sub3A_1024, %ge3A_1034 : vector<16xi32>
      %sub3A_1036 = arith.constant 1 : i32
      %sub3A_1037 = vector.broadcast %sub3A_1036 : i32 to vector<16xi32>
      %sub3A_1038 = arith.subi %select_n3A_1032, %sub3A_1037 : vector<16xi32>
      %and3A_1039 = arith.andi %select_n3A_1032, %sub3A_1038 : vector<16xi32>
      %select_n3A_1040 = arith.select %ge3A_1035, %and3A_1039, %select_n3A_1032 : vector<16xi1>, vector<16xi32>
      %ge3A_1041 = arith.constant 3 : i32
      %ge3A_1042 = vector.broadcast %ge3A_1041 : i32 to vector<16xi32>
      %ge3A_1043 = arith.cmpi sge, %sub3A_1024, %ge3A_1042 : vector<16xi32>
      %sub3A_1044 = arith.constant 1 : i32
      %sub3A_1045 = vector.broadcast %sub3A_1044 : i32 to vector<16xi32>
      %sub3A_1046 = arith.subi %select_n3A_1040, %sub3A_1045 : vector<16xi32>
      %and3A_1047 = arith.andi %select_n3A_1040, %sub3A_1046 : vector<16xi32>
      %select_n3A_1048 = arith.select %ge3A_1043, %and3A_1047, %select_n3A_1040 : vector<16xi1>, vector<16xi32>
      %broadcast_in_dim3A_1049 = vector.shape_cast %select_n3A_1048 : vector<16xi32> to vector<16x1xi32>
      %gather3A_1050 = vector.shape_cast %broadcast_in_dim3A_1049 : vector<16x1xi32> to vector<16xi32>
      %gather3A_1051 = tpu.dynamic_gather %select_n3A_55[%gather3A_1050] in [0] : vector<16xi32>, vector<16xi32> -> vector<16xi32>
      %add3A_1052 = arith.addi %shift_left3A_1018, %gather3A_1051 : vector<16xi32>
      %lt3A_1053 = vector.broadcast %squeeze3A : i32 to vector<16xi32>
      %lt3A_1054 = arith.cmpi slt, %add3A_821, %lt3A_1053 : vector<16xi32>
      %mul3A_1055 = arith.constant 16 : i32
      %mul3A_1056 = vector.broadcast %mul3A_1055 : i32 to vector<16xi32>
      %mul3A_1057 = arith.muli %add3A_904, %mul3A_1056 : vector<16xi32>
      %add3A_1058 = arith.addi %mul3A_1057, %add3A_1052 : vector<16xi32>
      %jit3A_1059 = arith.constant -1 : i32
      %broadcast_in_dim3A_1060 = vector.broadcast %jit3A_1059 : i32 to vector<16xi32>
      %select_n3A_1061 = arith.select %lt3A_1054, %add3A_1058, %broadcast_in_dim3A_1060 : vector<16xi1>, vector<16xi32>
      %swap3A_1062 = arith.index_cast %scan3A_8 : i32 to index
      %swap3A_1063 = arith.constant 48 : index
      %swap3A_1064 = tpu.vector_load %arg5[%swap3A_1062, %swap3A_1063] {strides = array<i32>} : memref<64x64xi32, #tpu.memory_space<vmem>>, vector<1x16xi32>,
      %swap3A_1065 = vector.shape_cast %swap3A_1064 : vector<1x16xi32> to vector<16xi32>
      %swap3A_1066 = vector.shape_cast %select_n3A_1061 : vector<16xi32> to vector<1x16xi32>
      tpu.vector_store %arg5[%swap3A_1062, %swap3A_1063], %swap3A_1066 {strides = array<i32>} : memref<64x64xi32, #tpu.memory_space<vmem>>, vector<1x16xi32>,
    }
    %scan3A_7 = arith.constant 64 : i32
    "tpu.region"() ({
      %run_scoped3A = tpu.sem_alloc : memref<!tpu.dma_semaphore, #tpu.memory_space<semaphore_mem>>
      %dma_start3A = arith.constant 0 : i32
      %dma_start3A_8 = tpu.memref_slice %arg3[%mul3A_2, %dma_start3A] : memref<2048x64xi32, #tpu.memory_space<hbm>> -> memref<64x64xi32, #tpu.memory_space<hbm>>
      %dma_start3A_9 = arith.constant 0 : i32
      %dma_start3A_10 = tpu.memref_slice %arg3[%mul3A_2, %dma_start3A_9] : memref<2048x64xi32, #tpu.memory_space<hbm>> -> memref<64x64xi32, #tpu.memory_space<hbm>>
      tpu.enqueue_dma source(%arg5 : memref<64x64xi32, #tpu.memory_space<vmem>>) target(%dma_start3A_10 : memref<64x64xi32, #tpu.memory_space<hbm>>) target_semaphore(%run_scoped3A : memref<!tpu.dma_semaphore, #tpu.memory_space<semaphore_mem>>)
      %dma_wait3A = arith.constant 0 : i32
      %dma_wait3A_11 = tpu.memref_slice %arg3[%mul3A_2, %dma_wait3A] : memref<2048x64xi32, #tpu.memory_space<hbm>> -> memref<64x64xi32, #tpu.memory_space<hbm>>
      %dma_wait3A_12 = arith.constant 0 : i32
      %dma_wait3A_13 = tpu.memref_slice %arg3[%mul3A_2, %dma_wait3A_12] : memref<2048x64xi32, #tpu.memory_space<hbm>> -> memref<64x64xi32, #tpu.memory_space<hbm>>
      tpu.wait_dma2 semaphore(%run_scoped3A : memref<!tpu.dma_semaphore, #tpu.memory_space<semaphore_mem>>) src(%arg5 : memref<64x64xi32, #tpu.memory_space<vmem>>) dst(%dma_wait3A_13 : memref<64x64xi32, #tpu.memory_space<hbm>>)
      tpu.yield
    }) : () -> ()
    return
  }
}

#map = affine_map<(d0, d1) -> (0, 0)>
module attributes {stable_mosaic.version = 14 : i64} {
  func.func @_select_body(%arg0: i32, %arg1: i32, %arg2: memref<2048x256xi32, #tpu.memory_space<hbm>>, %arg3: memref<2048x64xi32, #tpu.memory_space<hbm>>, %arg4: memref<64x256xi32, #tpu.memory_space<vmem>>, %arg5: memref<64x64xi32, #tpu.memory_space<vmem>>) attributes {dimension_semantics = [#tpu.dimension_semantics<core_parallel>, #tpu.dimension_semantics<subcore_parallel>], iteration_bounds = array<i64: 2, 16>, scalar_prefetch = 0 : i64, scratch_operands = 2 : i64, tpu.core_type = #tpu.core_type<sc_vector_subcore>, window_params = [{transform_indices = #map}, {transform_indices = #map}]} {
    %mul3A = arith.constant 2 : i32
    %mul3A_0 = arith.muli %arg1, %mul3A : i32
    %add3A = arith.addi %mul3A_0, %arg0 : i32
    %mul3A_1 = arith.constant 64 : i32
    %mul3A_2 = arith.muli %add3A, %mul3A_1 : i32
    "tpu.region"() ({
      %run_scoped3A = tpu.sem_alloc : memref<!tpu.dma_semaphore, #tpu.memory_space<semaphore_mem>>
      %dma_start3A = arith.constant 0 : i32
      %dma_start3A_8 = tpu.memref_slice %arg2[%mul3A_2, %dma_start3A] : memref<2048x256xi32, #tpu.memory_space<hbm>> -> memref<64x256xi32, #tpu.memory_space<hbm>>
      %dma_start3A_9 = arith.constant 0 : i32
      %dma_start3A_10 = tpu.memref_slice %arg2[%mul3A_2, %dma_start3A_9] : memref<2048x256xi32, #tpu.memory_space<hbm>> -> memref<64x256xi32, #tpu.memory_space<hbm>>
      tpu.enqueue_dma source(%dma_start3A_10 : memref<64x256xi32, #tpu.memory_space<hbm>>) target(%arg4 : memref<64x256xi32, #tpu.memory_space<vmem>>) target_semaphore(%run_scoped3A : memref<!tpu.dma_semaphore, #tpu.memory_space<semaphore_mem>>)
      %dma_wait3A = arith.constant 0 : i32
      %dma_wait3A_11 = tpu.memref_slice %arg2[%mul3A_2, %dma_wait3A] : memref<2048x256xi32, #tpu.memory_space<hbm>> -> memref<64x256xi32, #tpu.memory_space<hbm>>
      %dma_wait3A_12 = arith.constant 0 : i32
      %dma_wait3A_13 = tpu.memref_slice %arg2[%mul3A_2, %dma_wait3A_12] : memref<2048x256xi32, #tpu.memory_space<hbm>> -> memref<64x256xi32, #tpu.memory_space<hbm>>
      tpu.wait_dma2 semaphore(%run_scoped3A : memref<!tpu.dma_semaphore, #tpu.memory_space<semaphore_mem>>) src(%dma_wait3A_13 : memref<64x256xi32, #tpu.memory_space<hbm>>) dst(%arg4 : memref<64x256xi32, #tpu.memory_space<vmem>>)
      tpu.yield
    }) : () -> ()
    %iota3A = tpu.iota {dimensions = array<i32: 0>} : vector<16xi32>
    %scan3A = arith.constant 0 : i32
    %scan3A_3 = arith.constant 0 : i32
    %scan3A_4 = arith.constant 64 : i32
    %scan3A_5 = arith.addi %scan3A_3, %scan3A_4 : i32
    %scan3A_6 = arith.constant 1 : i32
    scf.for %scan3A_8 = %scan3A_3 to %scan3A_5 step %scan3A_6  : i32 {
      %and3A = arith.constant 1 : i32
      %and3A_9 = vector.broadcast %and3A : i32 to vector<16xi32>
      %and3A_10 = arith.andi %iota3A, %and3A_9 : vector<16xi32>
      %shift_right_arithmetic3A = arith.constant 1 : i32
      %shift_right_arithmetic3A_11 = vector.broadcast %shift_right_arithmetic3A : i32 to vector<16xi32>
      %shift_right_arithmetic3A_12 = arith.shrsi %iota3A, %shift_right_arithmetic3A_11 : vector<16xi32>
      %and3A_13 = arith.constant 1 : i32
      %and3A_14 = vector.broadcast %and3A_13 : i32 to vector<16xi32>
      %and3A_15 = arith.andi %shift_right_arithmetic3A_12, %and3A_14 : vector<16xi32>
      %add3A_16 = arith.addi %and3A_10, %and3A_15 : vector<16xi32>
      %shift_right_arithmetic3A_17 = arith.constant 2 : i32
      %shift_right_arithmetic3A_18 = vector.broadcast %shift_right_arithmetic3A_17 : i32 to vector<16xi32>
      %shift_right_arithmetic3A_19 = arith.shrsi %iota3A, %shift_right_arithmetic3A_18 : vector<16xi32>
      %and3A_20 = arith.constant 1 : i32
      %and3A_21 = vector.broadcast %and3A_20 : i32 to vector<16xi32>
      %and3A_22 = arith.andi %shift_right_arithmetic3A_19, %and3A_21 : vector<16xi32>
      %add3A_23 = arith.addi %add3A_16, %and3A_22 : vector<16xi32>
      %shift_right_arithmetic3A_24 = arith.constant 3 : i32
      %shift_right_arithmetic3A_25 = vector.broadcast %shift_right_arithmetic3A_24 : i32 to vector<16xi32>
      %shift_right_arithmetic3A_26 = arith.shrsi %iota3A, %shift_right_arithmetic3A_25 : vector<16xi32>
      %and3A_27 = arith.constant 1 : i32
      %and3A_28 = vector.broadcast %and3A_27 : i32 to vector<16xi32>
      %and3A_29 = arith.andi %shift_right_arithmetic3A_26, %and3A_28 : vector<16xi32>
      %add3A_30 = arith.addi %add3A_23, %and3A_29 : vector<16xi32>
      %and3A_31 = arith.constant 1 : i32
      %and3A_32 = vector.broadcast %and3A_31 : i32 to vector<16xi32>
      %and3A_33 = arith.andi %iota3A, %and3A_32 : vector<16xi32>
      %eq3A = arith.constant 1 : i32
      %eq3A_34 = vector.broadcast %eq3A : i32 to vector<16xi32>
      %eq3A_35 = arith.cmpi eq, %and3A_33, %eq3A_34 : vector<16xi32>
      %and3A_36 = arith.constant 2 : i32
      %and3A_37 = vector.broadcast %and3A_36 : i32 to vector<16xi32>
      %and3A_38 = arith.andi %iota3A, %and3A_37 : vector<16xi32>
      %eq3A_39 = arith.constant 2 : i32
      %eq3A_40 = vector.broadcast %eq3A_39 : i32 to vector<16xi32>
      %eq3A_41 = arith.cmpi eq, %and3A_38, %eq3A_40 : vector<16xi32>
      %and3A_42 = arith.constant 4 : i32
      %and3A_43 = vector.broadcast %and3A_42 : i32 to vector<16xi32>
      %and3A_44 = arith.andi %iota3A, %and3A_43 : vector<16xi32>
      %eq3A_45 = arith.constant 4 : i32
      %eq3A_46 = vector.broadcast %eq3A_45 : i32 to vector<16xi32>
      %eq3A_47 = arith.cmpi eq, %and3A_44, %eq3A_46 : vector<16xi32>
      %jit3A = arith.constant 2 : i32
      %jit3A_48 = arith.constant 3 : i32
      %broadcast_in_dim3A = vector.broadcast %jit3A : i32 to vector<16xi32>
      %broadcast_in_dim3A_49 = vector.broadcast %jit3A_48 : i32 to vector<16xi32>
      %select_n3A = arith.select %eq3A_47, %broadcast_in_dim3A, %broadcast_in_dim3A_49 : vector<16xi1>, vector<16xi32>
      %jit3A_50 = arith.constant 1 : i32
      %broadcast_in_dim3A_51 = vector.broadcast %jit3A_50 : i32 to vector<16xi32>
      %select_n3A_52 = arith.select %eq3A_41, %broadcast_in_dim3A_51, %select_n3A : vector<16xi1>, vector<16xi32>
      %jit3A_53 = arith.constant 0 : i32
      %broadcast_in_dim3A_54 = vector.broadcast %jit3A_53 : i32 to vector<16xi32>
      %select_n3A_55 = arith.select %eq3A_35, %broadcast_in_dim3A_54, %select_n3A_52 : vector<16xi1>, vector<16xi32>
      %get3A = arith.index_cast %scan3A_8 : i32 to index
      %get3A_56 = arith.constant 0 : index
      %get3A_57 = tpu.vector_load %arg4[%get3A, %get3A_56] {strides = array<i32>} : memref<64x256xi32, #tpu.memory_space<vmem>>, vector<1x16xi32>,
      %get3A_58 = vector.shape_cast %get3A_57 : vector<1x16xi32> to vector<16xi32>
      %get3A_59 = arith.index_cast %scan3A_8 : i32 to index
      %get3A_60 = arith.constant 16 : index
      %get3A_61 = tpu.vector_load %arg4[%get3A_59, %get3A_60] {strides = array<i32>} : memref<64x256xi32, #tpu.memory_space<vmem>>, vector<1x16xi32>,
      %get3A_62 = vector.shape_cast %get3A_61 : vector<1x16xi32> to vector<16xi32>
      %get3A_63 = arith.index_cast %scan3A_8 : i32 to index
      %get3A_64 = arith.constant 32 : index
      %get3A_65 = tpu.vector_load %arg4[%get3A_63, %get3A_64] {strides = array<i32>} : memref<64x256xi32, #tpu.memory_space<vmem>>, vector<1x16xi32>,
      %get3A_66 = vector.shape_cast %get3A_65 : vector<1x16xi32> to vector<16xi32>
      %get3A_67 = arith.index_cast %scan3A_8 : i32 to index
      %get3A_68 = arith.constant 48 : index
      %get3A_69 = tpu.vector_load %arg4[%get3A_67, %get3A_68] {strides = array<i32>} : memref<64x256xi32, #tpu.memory_space<vmem>>, vector<1x16xi32>,
      %get3A_70 = vector.shape_cast %get3A_69 : vector<1x16xi32> to vector<16xi32>
      %get3A_71 = arith.index_cast %scan3A_8 : i32 to index
      %get3A_72 = arith.constant 64 : index
      %get3A_73 = tpu.vector_load %arg4[%get3A_71, %get3A_72] {strides = array<i32>} : memref<64x256xi32, #tpu.memory_space<vmem>>, vector<1x16xi32>,
      %get3A_74 = vector.shape_cast %get3A_73 : vector<1x16xi32> to vector<16xi32>
      %get3A_75 = arith.index_cast %scan3A_8 : i32 to index
      %get3A_76 = arith.constant 80 : index
      %get3A_77 = tpu.vector_load %arg4[%get3A_75, %get3A_76] {strides = array<i32>} : memref<64x256xi32, #tpu.memory_space<vmem>>, vector<1x16xi32>,
      %get3A_78 = vector.shape_cast %get3A_77 : vector<1x16xi32> to vector<16xi32>
      %get3A_79 = arith.index_cast %scan3A_8 : i32 to index
      %get3A_80 = arith.constant 192 : index
      %get3A_81 = tpu.vector_load %arg4[%get3A_79, %get3A_80] {strides = array<i32>} : memref<64x256xi32, #tpu.memory_space<vmem>>, vector<1x16xi32>,
      %get3A_82 = vector.shape_cast %get3A_81 : vector<1x16xi32> to vector<16xi32>
      %slice3A = vector.extract_strided_slice %get3A_82 {offsets = [0], sizes = [1], strides = [1]} : vector<16xi32> to vector<1xi32>
      %squeeze3A = vector.extract %slice3A[0] : i32 from vector<1xi32>
      %add3A_83 = arith.constant 0 : i32
      %add3A_84 = vector.broadcast %add3A_83 : i32 to vector<16xi32>
      %add3A_85 = arith.addi %iota3A, %add3A_84 : vector<16xi32>
      %get3A_86 = arith.index_cast %scan3A_8 : i32 to index
      %get3A_87 = arith.constant 128 : index
      %get3A_88 = tpu.vector_load %arg4[%get3A_86, %get3A_87] {strides = array<i32>} : memref<64x256xi32, #tpu.memory_space<vmem>>, vector<1x16xi32>,
      %get3A_89 = vector.shape_cast %get3A_88 : vector<1x16xi32> to vector<16xi32>
      %sub3A = arith.constant 1 : i32
      %sub3A_90 = vector.broadcast %sub3A : i32 to vector<16xi32>
      %sub3A_91 = arith.subi %get3A_89, %sub3A_90 : vector<16xi32>
      %and3A_92 = arith.constant 15 : i32
      %and3A_93 = vector.broadcast %and3A_92 : i32 to vector<16xi32>
      %and3A_94 = arith.andi %sub3A_91, %and3A_93 : vector<16xi32>
      %shift_right_arithmetic3A_95 = arith.constant 4 : i32
      %shift_right_arithmetic3A_96 = vector.broadcast %shift_right_arithmetic3A_95 : i32 to vector<16xi32>
      %shift_right_arithmetic3A_97 = arith.shrsi %sub3A_91, %shift_right_arithmetic3A_96 : vector<16xi32>
      %eq3A_98 = arith.constant 0 : i32
      %eq3A_99 = vector.broadcast %eq3A_98 : i32 to vector<16xi32>
      %eq3A_100 = arith.cmpi eq, %shift_right_arithmetic3A_97, %eq3A_99 : vector<16xi32>
      %broadcast_in_dim3A_101 = vector.shape_cast %and3A_94 : vector<16xi32> to vector<16x1xi32>
      %gather3A = vector.shape_cast %broadcast_in_dim3A_101 : vector<16x1xi32> to vector<16xi32>
      %gather3A_102 = tpu.dynamic_gather %get3A_74[%gather3A] in [0] : vector<16xi32>, vector<16xi32> -> vector<16xi32>
      %broadcast_in_dim3A_103 = vector.shape_cast %and3A_94 : vector<16xi32> to vector<16x1xi32>
      %gather3A_104 = vector.shape_cast %broadcast_in_dim3A_103 : vector<16x1xi32> to vector<16xi32>
      %gather3A_105 = tpu.dynamic_gather %get3A_78[%gather3A_104] in [0] : vector<16xi32>, vector<16xi32> -> vector<16xi32>
      %select_n3A_106 = arith.select %eq3A_100, %gather3A_102, %gather3A_105 : vector<16xi1>, vector<16xi32>
      %and3A_107 = arith.constant 127 : i32
      %and3A_108 = vector.broadcast %and3A_107 : i32 to vector<16xi32>
      %and3A_109 = arith.andi %select_n3A_106, %and3A_108 : vector<16xi32>
      %shift_right_arithmetic3A_110 = arith.constant 7 : i32
      %shift_right_arithmetic3A_111 = vector.broadcast %shift_right_arithmetic3A_110 : i32 to vector<16xi32>
      %shift_right_arithmetic3A_112 = arith.shrsi %select_n3A_106, %shift_right_arithmetic3A_111 : vector<16xi32>
      %and3A_113 = arith.constant 31 : i32
      %and3A_114 = vector.broadcast %and3A_113 : i32 to vector<16xi32>
      %and3A_115 = arith.andi %shift_right_arithmetic3A_112, %and3A_114 : vector<16xi32>
      %add3A_116 = arith.addi %and3A_109, %and3A_115 : vector<16xi32>
      %min3A = arith.constant 64 : i32
      %min3A_117 = vector.broadcast %min3A : i32 to vector<16xi32>
      %min3A_118 = arith.minsi %add3A_116, %min3A_117 : vector<16xi32>
      %shift_right_arithmetic3A_119 = arith.constant 12 : i32
      %shift_right_arithmetic3A_120 = vector.broadcast %shift_right_arithmetic3A_119 : i32 to vector<16xi32>
      %shift_right_arithmetic3A_121 = arith.shrsi %select_n3A_106, %shift_right_arithmetic3A_120 : vector<16xi32>
      %and3A_122 = arith.constant 31 : i32
      %and3A_123 = vector.broadcast %and3A_122 : i32 to vector<16xi32>
      %and3A_124 = arith.andi %shift_right_arithmetic3A_121, %and3A_123 : vector<16xi32>
      %add3A_125 = arith.addi %min3A_118, %and3A_124 : vector<16xi32>
      %min3A_126 = arith.constant 64 : i32
      %min3A_127 = vector.broadcast %min3A_126 : i32 to vector<16xi32>
      %min3A_128 = arith.minsi %add3A_125, %min3A_127 : vector<16xi32>
      %shift_right_arithmetic3A_129 = arith.constant 17 : i32
      %shift_right_arithmetic3A_130 = vector.broadcast %shift_right_arithmetic3A_129 : i32 to vector<16xi32>
      %shift_right_arithmetic3A_131 = arith.shrsi %select_n3A_106, %shift_right_arithmetic3A_130 : vector<16xi32>
      %and3A_132 = arith.constant 31 : i32
      %and3A_133 = vector.broadcast %and3A_132 : i32 to vector<16xi32>
      %and3A_134 = arith.andi %shift_right_arithmetic3A_131, %and3A_133 : vector<16xi32>
      %add3A_135 = arith.addi %min3A_128, %and3A_134 : vector<16xi32>
      %min3A_136 = arith.constant 64 : i32
      %min3A_137 = vector.broadcast %min3A_136 : i32 to vector<16xi32>
      %min3A_138 = arith.minsi %add3A_135, %min3A_137 : vector<16xi32>
      %le3A = arith.cmpi sle, %min3A_118, %add3A_85 : vector<16xi32>
      %le3A_139 = arith.cmpi sle, %min3A_128, %add3A_85 : vector<16xi32>
      %le3A_140 = arith.cmpi sle, %min3A_138, %add3A_85 : vector<16xi32>
      %jit3A_141 = arith.constant 1 : i32
      %jit3A_142 = arith.constant 0 : i32
      %broadcast_in_dim3A_143 = vector.broadcast %jit3A_141 : i32 to vector<16xi32>
      %broadcast_in_dim3A_144 = vector.broadcast %jit3A_142 : i32 to vector<16xi32>
      %select_n3A_145 = arith.select %le3A, %broadcast_in_dim3A_143, %broadcast_in_dim3A_144 : vector<16xi1>, vector<16xi32>
      %jit3A_146 = arith.constant 1 : i32
      %jit3A_147 = arith.constant 0 : i32
      %broadcast_in_dim3A_148 = vector.broadcast %jit3A_146 : i32 to vector<16xi32>
      %broadcast_in_dim3A_149 = vector.broadcast %jit3A_147 : i32 to vector<16xi32>
      %select_n3A_150 = arith.select %le3A_139, %broadcast_in_dim3A_148, %broadcast_in_dim3A_149 : vector<16xi1>, vector<16xi32>
      %add3A_151 = arith.addi %select_n3A_145, %select_n3A_150 : vector<16xi32>
      %jit3A_152 = arith.constant 1 : i32
      %jit3A_153 = arith.constant 0 : i32
      %broadcast_in_dim3A_154 = vector.broadcast %jit3A_152 : i32 to vector<16xi32>
      %broadcast_in_dim3A_155 = vector.broadcast %jit3A_153 : i32 to vector<16xi32>
      %select_n3A_156 = arith.select %le3A_140, %broadcast_in_dim3A_154, %broadcast_in_dim3A_155 : vector<16xi1>, vector<16xi32>
      %add3A_157 = arith.addi %add3A_151, %select_n3A_156 : vector<16xi32>
      %select_n3A_158 = arith.select %le3A, %min3A_118, %and3A_109 : vector<16xi1>, vector<16xi32>
      %select_n3A_159 = arith.select %le3A_139, %min3A_128, %select_n3A_158 : vector<16xi1>, vector<16xi32>
      %select_n3A_160 = arith.select %le3A_140, %min3A_138, %select_n3A_159 : vector<16xi1>, vector<16xi32>
      %shift_left3A = arith.constant 2 : i32
      %shift_left3A_161 = vector.broadcast %shift_left3A : i32 to vector<16xi32>
      %shift_left3A_162 = arith.shli %sub3A_91, %shift_left3A_161 : vector<16xi32>
      %add3A_163 = arith.addi %shift_left3A_162, %add3A_157 : vector<16xi32>
      %sub3A_164 = arith.subi %add3A_85, %select_n3A_160 : vector<16xi32>
      %shift_right_arithmetic3A_165 = arith.constant 1 : i32
      %shift_right_arithmetic3A_166 = vector.broadcast %shift_right_arithmetic3A_165 : i32 to vector<16xi32>
      %shift_right_arithmetic3A_167 = arith.shrsi %add3A_163, %shift_right_arithmetic3A_166 : vector<16xi32>
      %and3A_168 = arith.constant 15 : i32
      %and3A_169 = vector.broadcast %and3A_168 : i32 to vector<16xi32>
      %and3A_170 = arith.andi %shift_right_arithmetic3A_167, %and3A_169 : vector<16xi32>
      %shift_right_arithmetic3A_171 = arith.constant 4 : i32
      %shift_right_arithmetic3A_172 = vector.broadcast %shift_right_arithmetic3A_171 : i32 to vector<16xi32>
      %shift_right_arithmetic3A_173 = arith.shrsi %shift_right_arithmetic3A_167, %shift_right_arithmetic3A_172 : vector<16xi32>
      %broadcast_in_dim3A_174 = arith.constant 0 : i32
      %broadcast_in_dim3A_175 = vector.broadcast %broadcast_in_dim3A_174 : i32 to vector<16xi32>
      %eq3A_176 = arith.constant 0 : i32
      %eq3A_177 = vector.broadcast %eq3A_176 : i32 to vector<16xi32>
      %eq3A_178 = arith.cmpi eq, %shift_right_arithmetic3A_173, %eq3A_177 : vector<16xi32>
      %broadcast_in_dim3A_179 = vector.shape_cast %and3A_170 : vector<16xi32> to vector<16x1xi32>
      %gather3A_180 = vector.shape_cast %broadcast_in_dim3A_179 : vector<16x1xi32> to vector<16xi32>
      %gather3A_181 = tpu.dynamic_gather %get3A_58[%gather3A_180] in [0] : vector<16xi32>, vector<16xi32> -> vector<16xi32>
      %select_n3A_182 = arith.select %eq3A_178, %gather3A_181, %broadcast_in_dim3A_175 : vector<16xi1>, vector<16xi32>
      %eq3A_183 = arith.constant 1 : i32
      %eq3A_184 = vector.broadcast %eq3A_183 : i32 to vector<16xi32>
      %eq3A_185 = arith.cmpi eq, %shift_right_arithmetic3A_173, %eq3A_184 : vector<16xi32>
      %broadcast_in_dim3A_186 = vector.shape_cast %and3A_170 : vector<16xi32> to vector<16x1xi32>
      %gather3A_187 = vector.shape_cast %broadcast_in_dim3A_186 : vector<16x1xi32> to vector<16xi32>
      %gather3A_188 = tpu.dynamic_gather %get3A_62[%gather3A_187] in [0] : vector<16xi32>, vector<16xi32> -> vector<16xi32>
      %select_n3A_189 = arith.select %eq3A_185, %gather3A_188, %select_n3A_182 : vector<16xi1>, vector<16xi32>
      %eq3A_190 = arith.constant 2 : i32
      %eq3A_191 = vector.broadcast %eq3A_190 : i32 to vector<16xi32>
      %eq3A_192 = arith.cmpi eq, %shift_right_arithmetic3A_173, %eq3A_191 : vector<16xi32>
      %broadcast_in_dim3A_193 = vector.shape_cast %and3A_170 : vector<16xi32> to vector<16x1xi32>
      %gather3A_194 = vector.shape_cast %broadcast_in_dim3A_193 : vector<16x1xi32> to vector<16xi32>
      %gather3A_195 = tpu.dynamic_gather %get3A_66[%gather3A_194] in [0] : vector<16xi32>, vector<16xi32> -> vector<16xi32>
      %select_n3A_196 = arith.select %eq3A_192, %gather3A_195, %select_n3A_189 : vector<16xi1>, vector<16xi32>
      %eq3A_197 = arith.constant 3 : i32
      %eq3A_198 = vector.broadcast %eq3A_197 : i32 to vector<16xi32>
      %eq3A_199 = arith.cmpi eq, %shift_right_arithmetic3A_173, %eq3A_198 : vector<16xi32>
      %broadcast_in_dim3A_200 = vector.shape_cast %and3A_170 : vector<16xi32> to vector<16x1xi32>
      %gather3A_201 = vector.shape_cast %broadcast_in_dim3A_200 : vector<16x1xi32> to vector<16xi32>
      %gather3A_202 = tpu.dynamic_gather %get3A_70[%gather3A_201] in [0] : vector<16xi32>, vector<16xi32> -> vector<16xi32>
      %select_n3A_203 = arith.select %eq3A_199, %gather3A_202, %select_n3A_196 : vector<16xi1>, vector<16xi32>
      %and3A_204 = arith.constant 1 : i32
      %and3A_205 = vector.broadcast %and3A_204 : i32 to vector<16xi32>
      %and3A_206 = arith.andi %add3A_163, %and3A_205 : vector<16xi32>
      %eq3A_207 = arith.constant 1 : i32
      %eq3A_208 = vector.broadcast %eq3A_207 : i32 to vector<16xi32>
      %eq3A_209 = arith.cmpi eq, %and3A_206, %eq3A_208 : vector<16xi32>
      %shift_right_arithmetic3A_210 = arith.constant 16 : i32
      %shift_right_arithmetic3A_211 = vector.broadcast %shift_right_arithmetic3A_210 : i32 to vector<16xi32>
      %shift_right_arithmetic3A_212 = arith.shrsi %select_n3A_203, %shift_right_arithmetic3A_211 : vector<16xi32>
      %and3A_213 = arith.constant 65535 : i32
      %and3A_214 = vector.broadcast %and3A_213 : i32 to vector<16xi32>
      %and3A_215 = arith.andi %shift_right_arithmetic3A_212, %and3A_214 : vector<16xi32>
      %and3A_216 = arith.constant 65535 : i32
      %and3A_217 = vector.broadcast %and3A_216 : i32 to vector<16xi32>
      %and3A_218 = arith.andi %select_n3A_203, %and3A_217 : vector<16xi32>
      %select_n3A_219 = arith.select %eq3A_209, %and3A_215, %and3A_218 : vector<16xi1>, vector<16xi32>
      %and3A_220 = arith.constant 15 : i32
      %and3A_221 = vector.broadcast %and3A_220 : i32 to vector<16xi32>
      %and3A_222 = arith.andi %select_n3A_219, %and3A_221 : vector<16xi32>
      %shift_right_arithmetic3A_223 = arith.constant 4 : i32
      %shift_right_arithmetic3A_224 = vector.broadcast %shift_right_arithmetic3A_223 : i32 to vector<16xi32>
      %shift_right_arithmetic3A_225 = arith.shrsi %select_n3A_219, %shift_right_arithmetic3A_224 : vector<16xi32>
      %and3A_226 = arith.constant 15 : i32
      %and3A_227 = vector.broadcast %and3A_226 : i32 to vector<16xi32>
      %and3A_228 = arith.andi %shift_right_arithmetic3A_225, %and3A_227 : vector<16xi32>
      %shift_right_arithmetic3A_229 = arith.constant 8 : i32
      %shift_right_arithmetic3A_230 = vector.broadcast %shift_right_arithmetic3A_229 : i32 to vector<16xi32>
      %shift_right_arithmetic3A_231 = arith.shrsi %select_n3A_219, %shift_right_arithmetic3A_230 : vector<16xi32>
      %and3A_232 = arith.constant 15 : i32
      %and3A_233 = vector.broadcast %and3A_232 : i32 to vector<16xi32>
      %and3A_234 = arith.andi %shift_right_arithmetic3A_231, %and3A_233 : vector<16xi32>
      %shift_right_arithmetic3A_235 = arith.constant 12 : i32
      %shift_right_arithmetic3A_236 = vector.broadcast %shift_right_arithmetic3A_235 : i32 to vector<16xi32>
      %shift_right_arithmetic3A_237 = arith.shrsi %select_n3A_219, %shift_right_arithmetic3A_236 : vector<16xi32>
      %and3A_238 = arith.constant 15 : i32
      %and3A_239 = vector.broadcast %and3A_238 : i32 to vector<16xi32>
      %and3A_240 = arith.andi %shift_right_arithmetic3A_237, %and3A_239 : vector<16xi32>
      %broadcast_in_dim3A_241 = vector.shape_cast %and3A_222 : vector<16xi32> to vector<16x1xi32>
      %gather3A_242 = vector.shape_cast %broadcast_in_dim3A_241 : vector<16x1xi32> to vector<16xi32>
      %gather3A_243 = tpu.dynamic_gather %add3A_30[%gather3A_242] in [0] : vector<16xi32>, vector<16xi32> -> vector<16xi32>
      %broadcast_in_dim3A_244 = vector.shape_cast %and3A_228 : vector<16xi32> to vector<16x1xi32>
      %gather3A_245 = vector.shape_cast %broadcast_in_dim3A_244 : vector<16x1xi32> to vector<16xi32>
      %gather3A_246 = tpu.dynamic_gather %add3A_30[%gather3A_245] in [0] : vector<16xi32>, vector<16xi32> -> vector<16xi32>
      %add3A_247 = arith.addi %gather3A_243, %gather3A_246 : vector<16xi32>
      %broadcast_in_dim3A_248 = vector.shape_cast %and3A_234 : vector<16xi32> to vector<16x1xi32>
      %gather3A_249 = vector.shape_cast %broadcast_in_dim3A_248 : vector<16x1xi32> to vector<16xi32>
      %gather3A_250 = tpu.dynamic_gather %add3A_30[%gather3A_249] in [0] : vector<16xi32>, vector<16xi32> -> vector<16xi32>
      %add3A_251 = arith.addi %add3A_247, %gather3A_250 : vector<16xi32>
      %ge3A = arith.cmpi sge, %sub3A_164, %gather3A_243 : vector<16xi32>
      %ge3A_252 = arith.cmpi sge, %sub3A_164, %add3A_247 : vector<16xi32>
      %ge3A_253 = arith.cmpi sge, %sub3A_164, %add3A_251 : vector<16xi32>
      %select_n3A_254 = arith.select %ge3A, %and3A_228, %and3A_222 : vector<16xi1>, vector<16xi32>
      %select_n3A_255 = arith.select %ge3A_252, %and3A_234, %select_n3A_254 : vector<16xi1>, vector<16xi32>
      %select_n3A_256 = arith.select %ge3A_253, %and3A_240, %select_n3A_255 : vector<16xi1>, vector<16xi32>
      %jit3A_257 = arith.constant 1 : i32
      %jit3A_258 = arith.constant 0 : i32
      %broadcast_in_dim3A_259 = vector.broadcast %jit3A_257 : i32 to vector<16xi32>
      %broadcast_in_dim3A_260 = vector.broadcast %jit3A_258 : i32 to vector<16xi32>
      %select_n3A_261 = arith.select %ge3A, %broadcast_in_dim3A_259, %broadcast_in_dim3A_260 : vector<16xi1>, vector<16xi32>
      %jit3A_262 = arith.constant 1 : i32
      %jit3A_263 = arith.constant 0 : i32
      %broadcast_in_dim3A_264 = vector.broadcast %jit3A_262 : i32 to vector<16xi32>
      %broadcast_in_dim3A_265 = vector.broadcast %jit3A_263 : i32 to vector<16xi32>
      %select_n3A_266 = arith.select %ge3A_252, %broadcast_in_dim3A_264, %broadcast_in_dim3A_265 : vector<16xi1>, vector<16xi32>
      %add3A_267 = arith.addi %select_n3A_261, %select_n3A_266 : vector<16xi32>
      %jit3A_268 = arith.constant 1 : i32
      %jit3A_269 = arith.constant 0 : i32
      %broadcast_in_dim3A_270 = vector.broadcast %jit3A_268 : i32 to vector<16xi32>
      %broadcast_in_dim3A_271 = vector.broadcast %jit3A_269 : i32 to vector<16xi32>
      %select_n3A_272 = arith.select %ge3A_253, %broadcast_in_dim3A_270, %broadcast_in_dim3A_271 : vector<16xi1>, vector<16xi32>
      %add3A_273 = arith.addi %add3A_267, %select_n3A_272 : vector<16xi32>
      %shift_left3A_274 = arith.constant 2 : i32
      %shift_left3A_275 = vector.broadcast %shift_left3A_274 : i32 to vector<16xi32>
      %shift_left3A_276 = arith.shli %add3A_273, %shift_left3A_275 : vector<16xi32>
      %jit3A_277 = arith.constant 0 : i32
      %broadcast_in_dim3A_278 = vector.broadcast %jit3A_277 : i32 to vector<16xi32>
      %select_n3A_279 = arith.select %ge3A, %gather3A_243, %broadcast_in_dim3A_278 : vector<16xi1>, vector<16xi32>
      %select_n3A_280 = arith.select %ge3A_252, %add3A_247, %select_n3A_279 : vector<16xi1>, vector<16xi32>
      %select_n3A_281 = arith.select %ge3A_253, %add3A_251, %select_n3A_280 : vector<16xi1>, vector<16xi32>
      %sub3A_282 = arith.subi %sub3A_164, %select_n3A_281 : vector<16xi32>
      %ge3A_283 = arith.constant 1 : i32
      %ge3A_284 = vector.broadcast %ge3A_283 : i32 to vector<16xi32>
      %ge3A_285 = arith.cmpi sge, %sub3A_282, %ge3A_284 : vector<16xi32>
      %sub3A_286 = arith.constant 1 : i32
      %sub3A_287 = vector.broadcast %sub3A_286 : i32 to vector<16xi32>
      %sub3A_288 = arith.subi %select_n3A_256, %sub3A_287 : vector<16xi32>
      %and3A_289 = arith.andi %select_n3A_256, %sub3A_288 : vector<16xi32>
      %select_n3A_290 = arith.select %ge3A_285, %and3A_289, %select_n3A_256 : vector<16xi1>, vector<16xi32>
      %ge3A_291 = arith.constant 2 : i32
      %ge3A_292 = vector.broadcast %ge3A_291 : i32 to vector<16xi32>
      %ge3A_293 = arith.cmpi sge, %sub3A_282, %ge3A_292 : vector<16xi32>
      %sub3A_294 = arith.constant 1 : i32
      %sub3A_295 = vector.broadcast %sub3A_294 : i32 to vector<16xi32>
      %sub3A_296 = arith.subi %select_n3A_290, %sub3A_295 : vector<16xi32>
      %and3A_297 = arith.andi %select_n3A_290, %sub3A_296 : vector<16xi32>
      %select_n3A_298 = arith.select %ge3A_293, %and3A_297, %select_n3A_290 : vector<16xi1>, vector<16xi32>
      %ge3A_299 = arith.constant 3 : i32
      %ge3A_300 = vector.broadcast %ge3A_299 : i32 to vector<16xi32>
      %ge3A_301 = arith.cmpi sge, %sub3A_282, %ge3A_300 : vector<16xi32>
      %sub3A_302 = arith.constant 1 : i32
      %sub3A_303 = vector.broadcast %sub3A_302 : i32 to vector<16xi32>
      %sub3A_304 = arith.subi %select_n3A_298, %sub3A_303 : vector<16xi32>
      %and3A_305 = arith.andi %select_n3A_298, %sub3A_304 : vector<16xi32>
      %select_n3A_306 = arith.select %ge3A_301, %and3A_305, %select_n3A_298 : vector<16xi1>, vector<16xi32>
      %broadcast_in_dim3A_307 = vector.shape_cast %select_n3A_306 : vector<16xi32> to vector<16x1xi32>
      %gather3A_308 = vector.shape_cast %broadcast_in_dim3A_307 : vector<16x1xi32> to vector<16xi32>
      %gather3A_309 = tpu.dynamic_gather %select_n3A_55[%gather3A_308] in [0] : vector<16xi32>, vector<16xi32> -> vector<16xi32>
      %add3A_310 = arith.addi %shift_left3A_276, %gather3A_309 : vector<16xi32>
      %lt3A = vector.broadcast %squeeze3A : i32 to vector<16xi32>
      %lt3A_311 = arith.cmpi slt, %add3A_85, %lt3A : vector<16xi32>
      %mul3A_312 = arith.constant 16 : i32
      %mul3A_313 = vector.broadcast %mul3A_312 : i32 to vector<16xi32>
      %mul3A_314 = arith.muli %add3A_163, %mul3A_313 : vector<16xi32>
      %add3A_315 = arith.addi %mul3A_314, %add3A_310 : vector<16xi32>
      %jit3A_316 = arith.constant -1 : i32
      %broadcast_in_dim3A_317 = vector.broadcast %jit3A_316 : i32 to vector<16xi32>
      %select_n3A_318 = arith.select %lt3A_311, %add3A_315, %broadcast_in_dim3A_317 : vector<16xi1>, vector<16xi32>
      %swap3A = arith.index_cast %scan3A_8 : i32 to index
      %swap3A_319 = arith.constant 0 : index
      %swap3A_320 = tpu.vector_load %arg5[%swap3A, %swap3A_319] {strides = array<i32>} : memref<64x64xi32, #tpu.memory_space<vmem>>, vector<1x16xi32>,
      %swap3A_321 = vector.shape_cast %swap3A_320 : vector<1x16xi32> to vector<16xi32>
      %swap3A_322 = vector.shape_cast %select_n3A_318 : vector<16xi32> to vector<1x16xi32>
      tpu.vector_store %arg5[%swap3A, %swap3A_319], %swap3A_322 {strides = array<i32>} : memref<64x64xi32, #tpu.memory_space<vmem>>, vector<1x16xi32>,
      %add3A_323 = arith.constant 16 : i32
      %add3A_324 = vector.broadcast %add3A_323 : i32 to vector<16xi32>
      %add3A_325 = arith.addi %iota3A, %add3A_324 : vector<16xi32>
      %get3A_326 = arith.index_cast %scan3A_8 : i32 to index
      %get3A_327 = arith.constant 144 : index
      %get3A_328 = tpu.vector_load %arg4[%get3A_326, %get3A_327] {strides = array<i32>} : memref<64x256xi32, #tpu.memory_space<vmem>>, vector<1x16xi32>,
      %get3A_329 = vector.shape_cast %get3A_328 : vector<1x16xi32> to vector<16xi32>
      %sub3A_330 = arith.constant 1 : i32
      %sub3A_331 = vector.broadcast %sub3A_330 : i32 to vector<16xi32>
      %sub3A_332 = arith.subi %get3A_329, %sub3A_331 : vector<16xi32>
      %and3A_333 = arith.constant 15 : i32
      %and3A_334 = vector.broadcast %and3A_333 : i32 to vector<16xi32>
      %and3A_335 = arith.andi %sub3A_332, %and3A_334 : vector<16xi32>
      %shift_right_arithmetic3A_336 = arith.constant 4 : i32
      %shift_right_arithmetic3A_337 = vector.broadcast %shift_right_arithmetic3A_336 : i32 to vector<16xi32>
      %shift_right_arithmetic3A_338 = arith.shrsi %sub3A_332, %shift_right_arithmetic3A_337 : vector<16xi32>
      %eq3A_339 = arith.constant 0 : i32
      %eq3A_340 = vector.broadcast %eq3A_339 : i32 to vector<16xi32>
      %eq3A_341 = arith.cmpi eq, %shift_right_arithmetic3A_338, %eq3A_340 : vector<16xi32>
      %broadcast_in_dim3A_342 = vector.shape_cast %and3A_335 : vector<16xi32> to vector<16x1xi32>
      %gather3A_343 = vector.shape_cast %broadcast_in_dim3A_342 : vector<16x1xi32> to vector<16xi32>
      %gather3A_344 = tpu.dynamic_gather %get3A_74[%gather3A_343] in [0] : vector<16xi32>, vector<16xi32> -> vector<16xi32>
      %broadcast_in_dim3A_345 = vector.shape_cast %and3A_335 : vector<16xi32> to vector<16x1xi32>
      %gather3A_346 = vector.shape_cast %broadcast_in_dim3A_345 : vector<16x1xi32> to vector<16xi32>
      %gather3A_347 = tpu.dynamic_gather %get3A_78[%gather3A_346] in [0] : vector<16xi32>, vector<16xi32> -> vector<16xi32>
      %select_n3A_348 = arith.select %eq3A_341, %gather3A_344, %gather3A_347 : vector<16xi1>, vector<16xi32>
      %and3A_349 = arith.constant 127 : i32
      %and3A_350 = vector.broadcast %and3A_349 : i32 to vector<16xi32>
      %and3A_351 = arith.andi %select_n3A_348, %and3A_350 : vector<16xi32>
      %shift_right_arithmetic3A_352 = arith.constant 7 : i32
      %shift_right_arithmetic3A_353 = vector.broadcast %shift_right_arithmetic3A_352 : i32 to vector<16xi32>
      %shift_right_arithmetic3A_354 = arith.shrsi %select_n3A_348, %shift_right_arithmetic3A_353 : vector<16xi32>
      %and3A_355 = arith.constant 31 : i32
      %and3A_356 = vector.broadcast %and3A_355 : i32 to vector<16xi32>
      %and3A_357 = arith.andi %shift_right_arithmetic3A_354, %and3A_356 : vector<16xi32>
      %add3A_358 = arith.addi %and3A_351, %and3A_357 : vector<16xi32>
      %min3A_359 = arith.constant 64 : i32
      %min3A_360 = vector.broadcast %min3A_359 : i32 to vector<16xi32>
      %min3A_361 = arith.minsi %add3A_358, %min3A_360 : vector<16xi32>
      %shift_right_arithmetic3A_362 = arith.constant 12 : i32
      %shift_right_arithmetic3A_363 = vector.broadcast %shift_right_arithmetic3A_362 : i32 to vector<16xi32>
      %shift_right_arithmetic3A_364 = arith.shrsi %select_n3A_348, %shift_right_arithmetic3A_363 : vector<16xi32>
      %and3A_365 = arith.constant 31 : i32
      %and3A_366 = vector.broadcast %and3A_365 : i32 to vector<16xi32>
      %and3A_367 = arith.andi %shift_right_arithmetic3A_364, %and3A_366 : vector<16xi32>
      %add3A_368 = arith.addi %min3A_361, %and3A_367 : vector<16xi32>
      %min3A_369 = arith.constant 64 : i32
      %min3A_370 = vector.broadcast %min3A_369 : i32 to vector<16xi32>
      %min3A_371 = arith.minsi %add3A_368, %min3A_370 : vector<16xi32>
      %shift_right_arithmetic3A_372 = arith.constant 17 : i32
      %shift_right_arithmetic3A_373 = vector.broadcast %shift_right_arithmetic3A_372 : i32 to vector<16xi32>
      %shift_right_arithmetic3A_374 = arith.shrsi %select_n3A_348, %shift_right_arithmetic3A_373 : vector<16xi32>
      %and3A_375 = arith.constant 31 : i32
      %and3A_376 = vector.broadcast %and3A_375 : i32 to vector<16xi32>
      %and3A_377 = arith.andi %shift_right_arithmetic3A_374, %and3A_376 : vector<16xi32>
      %add3A_378 = arith.addi %min3A_371, %and3A_377 : vector<16xi32>
      %min3A_379 = arith.constant 64 : i32
      %min3A_380 = vector.broadcast %min3A_379 : i32 to vector<16xi32>
      %min3A_381 = arith.minsi %add3A_378, %min3A_380 : vector<16xi32>
      %le3A_382 = arith.cmpi sle, %min3A_361, %add3A_325 : vector<16xi32>
      %le3A_383 = arith.cmpi sle, %min3A_371, %add3A_325 : vector<16xi32>
      %le3A_384 = arith.cmpi sle, %min3A_381, %add3A_325 : vector<16xi32>
      %jit3A_385 = arith.constant 1 : i32
      %jit3A_386 = arith.constant 0 : i32
      %broadcast_in_dim3A_387 = vector.broadcast %jit3A_385 : i32 to vector<16xi32>
      %broadcast_in_dim3A_388 = vector.broadcast %jit3A_386 : i32 to vector<16xi32>
      %select_n3A_389 = arith.select %le3A_382, %broadcast_in_dim3A_387, %broadcast_in_dim3A_388 : vector<16xi1>, vector<16xi32>
      %jit3A_390 = arith.constant 1 : i32
      %jit3A_391 = arith.constant 0 : i32
      %broadcast_in_dim3A_392 = vector.broadcast %jit3A_390 : i32 to vector<16xi32>
      %broadcast_in_dim3A_393 = vector.broadcast %jit3A_391 : i32 to vector<16xi32>
      %select_n3A_394 = arith.select %le3A_383, %broadcast_in_dim3A_392, %broadcast_in_dim3A_393 : vector<16xi1>, vector<16xi32>
      %add3A_395 = arith.addi %select_n3A_389, %select_n3A_394 : vector<16xi32>
      %jit3A_396 = arith.constant 1 : i32
      %jit3A_397 = arith.constant 0 : i32
      %broadcast_in_dim3A_398 = vector.broadcast %jit3A_396 : i32 to vector<16xi32>
      %broadcast_in_dim3A_399 = vector.broadcast %jit3A_397 : i32 to vector<16xi32>
      %select_n3A_400 = arith.select %le3A_384, %broadcast_in_dim3A_398, %broadcast_in_dim3A_399 : vector<16xi1>, vector<16xi32>
      %add3A_401 = arith.addi %add3A_395, %select_n3A_400 : vector<16xi32>
      %select_n3A_402 = arith.select %le3A_382, %min3A_361, %and3A_351 : vector<16xi1>, vector<16xi32>
      %select_n3A_403 = arith.select %le3A_383, %min3A_371, %select_n3A_402 : vector<16xi1>, vector<16xi32>
      %select_n3A_404 = arith.select %le3A_384, %min3A_381, %select_n3A_403 : vector<16xi1>, vector<16xi32>
      %shift_left3A_405 = arith.constant 2 : i32
      %shift_left3A_406 = vector.broadcast %shift_left3A_405 : i32 to vector<16xi32>
      %shift_left3A_407 = arith.shli %sub3A_332, %shift_left3A_406 : vector<16xi32>
      %add3A_408 = arith.addi %shift_left3A_407, %add3A_401 : vector<16xi32>
      %sub3A_409 = arith.subi %add3A_325, %select_n3A_404 : vector<16xi32>
      %shift_right_arithmetic3A_410 = arith.constant 1 : i32
      %shift_right_arithmetic3A_411 = vector.broadcast %shift_right_arithmetic3A_410 : i32 to vector<16xi32>
      %shift_right_arithmetic3A_412 = arith.shrsi %add3A_408, %shift_right_arithmetic3A_411 : vector<16xi32>
      %and3A_413 = arith.constant 15 : i32
      %and3A_414 = vector.broadcast %and3A_413 : i32 to vector<16xi32>
      %and3A_415 = arith.andi %shift_right_arithmetic3A_412, %and3A_414 : vector<16xi32>
      %shift_right_arithmetic3A_416 = arith.constant 4 : i32
      %shift_right_arithmetic3A_417 = vector.broadcast %shift_right_arithmetic3A_416 : i32 to vector<16xi32>
      %shift_right_arithmetic3A_418 = arith.shrsi %shift_right_arithmetic3A_412, %shift_right_arithmetic3A_417 : vector<16xi32>
      %broadcast_in_dim3A_419 = arith.constant 0 : i32
      %broadcast_in_dim3A_420 = vector.broadcast %broadcast_in_dim3A_419 : i32 to vector<16xi32>
      %eq3A_421 = arith.constant 0 : i32
      %eq3A_422 = vector.broadcast %eq3A_421 : i32 to vector<16xi32>
      %eq3A_423 = arith.cmpi eq, %shift_right_arithmetic3A_418, %eq3A_422 : vector<16xi32>
      %broadcast_in_dim3A_424 = vector.shape_cast %and3A_415 : vector<16xi32> to vector<16x1xi32>
      %gather3A_425 = vector.shape_cast %broadcast_in_dim3A_424 : vector<16x1xi32> to vector<16xi32>
      %gather3A_426 = tpu.dynamic_gather %get3A_58[%gather3A_425] in [0] : vector<16xi32>, vector<16xi32> -> vector<16xi32>
      %select_n3A_427 = arith.select %eq3A_423, %gather3A_426, %broadcast_in_dim3A_420 : vector<16xi1>, vector<16xi32>
      %eq3A_428 = arith.constant 1 : i32
      %eq3A_429 = vector.broadcast %eq3A_428 : i32 to vector<16xi32>
      %eq3A_430 = arith.cmpi eq, %shift_right_arithmetic3A_418, %eq3A_429 : vector<16xi32>
      %broadcast_in_dim3A_431 = vector.shape_cast %and3A_415 : vector<16xi32> to vector<16x1xi32>
      %gather3A_432 = vector.shape_cast %broadcast_in_dim3A_431 : vector<16x1xi32> to vector<16xi32>
      %gather3A_433 = tpu.dynamic_gather %get3A_62[%gather3A_432] in [0] : vector<16xi32>, vector<16xi32> -> vector<16xi32>
      %select_n3A_434 = arith.select %eq3A_430, %gather3A_433, %select_n3A_427 : vector<16xi1>, vector<16xi32>
      %eq3A_435 = arith.constant 2 : i32
      %eq3A_436 = vector.broadcast %eq3A_435 : i32 to vector<16xi32>
      %eq3A_437 = arith.cmpi eq, %shift_right_arithmetic3A_418, %eq3A_436 : vector<16xi32>
      %broadcast_in_dim3A_438 = vector.shape_cast %and3A_415 : vector<16xi32> to vector<16x1xi32>
      %gather3A_439 = vector.shape_cast %broadcast_in_dim3A_438 : vector<16x1xi32> to vector<16xi32>
      %gather3A_440 = tpu.dynamic_gather %get3A_66[%gather3A_439] in [0] : vector<16xi32>, vector<16xi32> -> vector<16xi32>
      %select_n3A_441 = arith.select %eq3A_437, %gather3A_440, %select_n3A_434 : vector<16xi1>, vector<16xi32>
      %eq3A_442 = arith.constant 3 : i32
      %eq3A_443 = vector.broadcast %eq3A_442 : i32 to vector<16xi32>
      %eq3A_444 = arith.cmpi eq, %shift_right_arithmetic3A_418, %eq3A_443 : vector<16xi32>
      %broadcast_in_dim3A_445 = vector.shape_cast %and3A_415 : vector<16xi32> to vector<16x1xi32>
      %gather3A_446 = vector.shape_cast %broadcast_in_dim3A_445 : vector<16x1xi32> to vector<16xi32>
      %gather3A_447 = tpu.dynamic_gather %get3A_70[%gather3A_446] in [0] : vector<16xi32>, vector<16xi32> -> vector<16xi32>
      %select_n3A_448 = arith.select %eq3A_444, %gather3A_447, %select_n3A_441 : vector<16xi1>, vector<16xi32>
      %and3A_449 = arith.constant 1 : i32
      %and3A_450 = vector.broadcast %and3A_449 : i32 to vector<16xi32>
      %and3A_451 = arith.andi %add3A_408, %and3A_450 : vector<16xi32>
      %eq3A_452 = arith.constant 1 : i32
      %eq3A_453 = vector.broadcast %eq3A_452 : i32 to vector<16xi32>
      %eq3A_454 = arith.cmpi eq, %and3A_451, %eq3A_453 : vector<16xi32>
      %shift_right_arithmetic3A_455 = arith.constant 16 : i32
      %shift_right_arithmetic3A_456 = vector.broadcast %shift_right_arithmetic3A_455 : i32 to vector<16xi32>
      %shift_right_arithmetic3A_457 = arith.shrsi %select_n3A_448, %shift_right_arithmetic3A_456 : vector<16xi32>
      %and3A_458 = arith.constant 65535 : i32
      %and3A_459 = vector.broadcast %and3A_458 : i32 to vector<16xi32>
      %and3A_460 = arith.andi %shift_right_arithmetic3A_457, %and3A_459 : vector<16xi32>
      %and3A_461 = arith.constant 65535 : i32
      %and3A_462 = vector.broadcast %and3A_461 : i32 to vector<16xi32>
      %and3A_463 = arith.andi %select_n3A_448, %and3A_462 : vector<16xi32>
      %select_n3A_464 = arith.select %eq3A_454, %and3A_460, %and3A_463 : vector<16xi1>, vector<16xi32>
      %and3A_465 = arith.constant 15 : i32
      %and3A_466 = vector.broadcast %and3A_465 : i32 to vector<16xi32>
      %and3A_467 = arith.andi %select_n3A_464, %and3A_466 : vector<16xi32>
      %shift_right_arithmetic3A_468 = arith.constant 4 : i32
      %shift_right_arithmetic3A_469 = vector.broadcast %shift_right_arithmetic3A_468 : i32 to vector<16xi32>
      %shift_right_arithmetic3A_470 = arith.shrsi %select_n3A_464, %shift_right_arithmetic3A_469 : vector<16xi32>
      %and3A_471 = arith.constant 15 : i32
      %and3A_472 = vector.broadcast %and3A_471 : i32 to vector<16xi32>
      %and3A_473 = arith.andi %shift_right_arithmetic3A_470, %and3A_472 : vector<16xi32>
      %shift_right_arithmetic3A_474 = arith.constant 8 : i32
      %shift_right_arithmetic3A_475 = vector.broadcast %shift_right_arithmetic3A_474 : i32 to vector<16xi32>
      %shift_right_arithmetic3A_476 = arith.shrsi %select_n3A_464, %shift_right_arithmetic3A_475 : vector<16xi32>
      %and3A_477 = arith.constant 15 : i32
      %and3A_478 = vector.broadcast %and3A_477 : i32 to vector<16xi32>
      %and3A_479 = arith.andi %shift_right_arithmetic3A_476, %and3A_478 : vector<16xi32>
      %shift_right_arithmetic3A_480 = arith.constant 12 : i32
      %shift_right_arithmetic3A_481 = vector.broadcast %shift_right_arithmetic3A_480 : i32 to vector<16xi32>
      %shift_right_arithmetic3A_482 = arith.shrsi %select_n3A_464, %shift_right_arithmetic3A_481 : vector<16xi32>
      %and3A_483 = arith.constant 15 : i32
      %and3A_484 = vector.broadcast %and3A_483 : i32 to vector<16xi32>
      %and3A_485 = arith.andi %shift_right_arithmetic3A_482, %and3A_484 : vector<16xi32>
      %broadcast_in_dim3A_486 = vector.shape_cast %and3A_467 : vector<16xi32> to vector<16x1xi32>
      %gather3A_487 = vector.shape_cast %broadcast_in_dim3A_486 : vector<16x1xi32> to vector<16xi32>
      %gather3A_488 = tpu.dynamic_gather %add3A_30[%gather3A_487] in [0] : vector<16xi32>, vector<16xi32> -> vector<16xi32>
      %broadcast_in_dim3A_489 = vector.shape_cast %and3A_473 : vector<16xi32> to vector<16x1xi32>
      %gather3A_490 = vector.shape_cast %broadcast_in_dim3A_489 : vector<16x1xi32> to vector<16xi32>
      %gather3A_491 = tpu.dynamic_gather %add3A_30[%gather3A_490] in [0] : vector<16xi32>, vector<16xi32> -> vector<16xi32>
      %add3A_492 = arith.addi %gather3A_488, %gather3A_491 : vector<16xi32>
      %broadcast_in_dim3A_493 = vector.shape_cast %and3A_479 : vector<16xi32> to vector<16x1xi32>
      %gather3A_494 = vector.shape_cast %broadcast_in_dim3A_493 : vector<16x1xi32> to vector<16xi32>
      %gather3A_495 = tpu.dynamic_gather %add3A_30[%gather3A_494] in [0] : vector<16xi32>, vector<16xi32> -> vector<16xi32>
      %add3A_496 = arith.addi %add3A_492, %gather3A_495 : vector<16xi32>
      %ge3A_497 = arith.cmpi sge, %sub3A_409, %gather3A_488 : vector<16xi32>
      %ge3A_498 = arith.cmpi sge, %sub3A_409, %add3A_492 : vector<16xi32>
      %ge3A_499 = arith.cmpi sge, %sub3A_409, %add3A_496 : vector<16xi32>
      %select_n3A_500 = arith.select %ge3A_497, %and3A_473, %and3A_467 : vector<16xi1>, vector<16xi32>
      %select_n3A_501 = arith.select %ge3A_498, %and3A_479, %select_n3A_500 : vector<16xi1>, vector<16xi32>
      %select_n3A_502 = arith.select %ge3A_499, %and3A_485, %select_n3A_501 : vector<16xi1>, vector<16xi32>
      %jit3A_503 = arith.constant 1 : i32
      %jit3A_504 = arith.constant 0 : i32
      %broadcast_in_dim3A_505 = vector.broadcast %jit3A_503 : i32 to vector<16xi32>
      %broadcast_in_dim3A_506 = vector.broadcast %jit3A_504 : i32 to vector<16xi32>
      %select_n3A_507 = arith.select %ge3A_497, %broadcast_in_dim3A_505, %broadcast_in_dim3A_506 : vector<16xi1>, vector<16xi32>
      %jit3A_508 = arith.constant 1 : i32
      %jit3A_509 = arith.constant 0 : i32
      %broadcast_in_dim3A_510 = vector.broadcast %jit3A_508 : i32 to vector<16xi32>
      %broadcast_in_dim3A_511 = vector.broadcast %jit3A_509 : i32 to vector<16xi32>
      %select_n3A_512 = arith.select %ge3A_498, %broadcast_in_dim3A_510, %broadcast_in_dim3A_511 : vector<16xi1>, vector<16xi32>
      %add3A_513 = arith.addi %select_n3A_507, %select_n3A_512 : vector<16xi32>
      %jit3A_514 = arith.constant 1 : i32
      %jit3A_515 = arith.constant 0 : i32
      %broadcast_in_dim3A_516 = vector.broadcast %jit3A_514 : i32 to vector<16xi32>
      %broadcast_in_dim3A_517 = vector.broadcast %jit3A_515 : i32 to vector<16xi32>
      %select_n3A_518 = arith.select %ge3A_499, %broadcast_in_dim3A_516, %broadcast_in_dim3A_517 : vector<16xi1>, vector<16xi32>
      %add3A_519 = arith.addi %add3A_513, %select_n3A_518 : vector<16xi32>
      %shift_left3A_520 = arith.constant 2 : i32
      %shift_left3A_521 = vector.broadcast %shift_left3A_520 : i32 to vector<16xi32>
      %shift_left3A_522 = arith.shli %add3A_519, %shift_left3A_521 : vector<16xi32>
      %jit3A_523 = arith.constant 0 : i32
      %broadcast_in_dim3A_524 = vector.broadcast %jit3A_523 : i32 to vector<16xi32>
      %select_n3A_525 = arith.select %ge3A_497, %gather3A_488, %broadcast_in_dim3A_524 : vector<16xi1>, vector<16xi32>
      %select_n3A_526 = arith.select %ge3A_498, %add3A_492, %select_n3A_525 : vector<16xi1>, vector<16xi32>
      %select_n3A_527 = arith.select %ge3A_499, %add3A_496, %select_n3A_526 : vector<16xi1>, vector<16xi32>
      %sub3A_528 = arith.subi %sub3A_409, %select_n3A_527 : vector<16xi32>
      %ge3A_529 = arith.constant 1 : i32
      %ge3A_530 = vector.broadcast %ge3A_529 : i32 to vector<16xi32>
      %ge3A_531 = arith.cmpi sge, %sub3A_528, %ge3A_530 : vector<16xi32>
      %sub3A_532 = arith.constant 1 : i32
      %sub3A_533 = vector.broadcast %sub3A_532 : i32 to vector<16xi32>
      %sub3A_534 = arith.subi %select_n3A_502, %sub3A_533 : vector<16xi32>
      %and3A_535 = arith.andi %select_n3A_502, %sub3A_534 : vector<16xi32>
      %select_n3A_536 = arith.select %ge3A_531, %and3A_535, %select_n3A_502 : vector<16xi1>, vector<16xi32>
      %ge3A_537 = arith.constant 2 : i32
      %ge3A_538 = vector.broadcast %ge3A_537 : i32 to vector<16xi32>
      %ge3A_539 = arith.cmpi sge, %sub3A_528, %ge3A_538 : vector<16xi32>
      %sub3A_540 = arith.constant 1 : i32
      %sub3A_541 = vector.broadcast %sub3A_540 : i32 to vector<16xi32>
      %sub3A_542 = arith.subi %select_n3A_536, %sub3A_541 : vector<16xi32>
      %and3A_543 = arith.andi %select_n3A_536, %sub3A_542 : vector<16xi32>
      %select_n3A_544 = arith.select %ge3A_539, %and3A_543, %select_n3A_536 : vector<16xi1>, vector<16xi32>
      %ge3A_545 = arith.constant 3 : i32
      %ge3A_546 = vector.broadcast %ge3A_545 : i32 to vector<16xi32>
      %ge3A_547 = arith.cmpi sge, %sub3A_528, %ge3A_546 : vector<16xi32>
      %sub3A_548 = arith.constant 1 : i32
      %sub3A_549 = vector.broadcast %sub3A_548 : i32 to vector<16xi32>
      %sub3A_550 = arith.subi %select_n3A_544, %sub3A_549 : vector<16xi32>
      %and3A_551 = arith.andi %select_n3A_544, %sub3A_550 : vector<16xi32>
      %select_n3A_552 = arith.select %ge3A_547, %and3A_551, %select_n3A_544 : vector<16xi1>, vector<16xi32>
      %broadcast_in_dim3A_553 = vector.shape_cast %select_n3A_552 : vector<16xi32> to vector<16x1xi32>
      %gather3A_554 = vector.shape_cast %broadcast_in_dim3A_553 : vector<16x1xi32> to vector<16xi32>
      %gather3A_555 = tpu.dynamic_gather %select_n3A_55[%gather3A_554] in [0] : vector<16xi32>, vector<16xi32> -> vector<16xi32>
      %add3A_556 = arith.addi %shift_left3A_522, %gather3A_555 : vector<16xi32>
      %lt3A_557 = vector.broadcast %squeeze3A : i32 to vector<16xi32>
      %lt3A_558 = arith.cmpi slt, %add3A_325, %lt3A_557 : vector<16xi32>
      %mul3A_559 = arith.constant 16 : i32
      %mul3A_560 = vector.broadcast %mul3A_559 : i32 to vector<16xi32>
      %mul3A_561 = arith.muli %add3A_408, %mul3A_560 : vector<16xi32>
      %add3A_562 = arith.addi %mul3A_561, %add3A_556 : vector<16xi32>
      %jit3A_563 = arith.constant -1 : i32
      %broadcast_in_dim3A_564 = vector.broadcast %jit3A_563 : i32 to vector<16xi32>
      %select_n3A_565 = arith.select %lt3A_558, %add3A_562, %broadcast_in_dim3A_564 : vector<16xi1>, vector<16xi32>
      %swap3A_566 = arith.index_cast %scan3A_8 : i32 to index
      %swap3A_567 = arith.constant 16 : index
      %swap3A_568 = tpu.vector_load %arg5[%swap3A_566, %swap3A_567] {strides = array<i32>} : memref<64x64xi32, #tpu.memory_space<vmem>>, vector<1x16xi32>,
      %swap3A_569 = vector.shape_cast %swap3A_568 : vector<1x16xi32> to vector<16xi32>
      %swap3A_570 = vector.shape_cast %select_n3A_565 : vector<16xi32> to vector<1x16xi32>
      tpu.vector_store %arg5[%swap3A_566, %swap3A_567], %swap3A_570 {strides = array<i32>} : memref<64x64xi32, #tpu.memory_space<vmem>>, vector<1x16xi32>,
      %add3A_571 = arith.constant 32 : i32
      %add3A_572 = vector.broadcast %add3A_571 : i32 to vector<16xi32>
      %add3A_573 = arith.addi %iota3A, %add3A_572 : vector<16xi32>
      %get3A_574 = arith.index_cast %scan3A_8 : i32 to index
      %get3A_575 = arith.constant 160 : index
      %get3A_576 = tpu.vector_load %arg4[%get3A_574, %get3A_575] {strides = array<i32>} : memref<64x256xi32, #tpu.memory_space<vmem>>, vector<1x16xi32>,
      %get3A_577 = vector.shape_cast %get3A_576 : vector<1x16xi32> to vector<16xi32>
      %sub3A_578 = arith.constant 1 : i32
      %sub3A_579 = vector.broadcast %sub3A_578 : i32 to vector<16xi32>
      %sub3A_580 = arith.subi %get3A_577, %sub3A_579 : vector<16xi32>
      %and3A_581 = arith.constant 15 : i32
      %and3A_582 = vector.broadcast %and3A_581 : i32 to vector<16xi32>
      %and3A_583 = arith.andi %sub3A_580, %and3A_582 : vector<16xi32>
      %shift_right_arithmetic3A_584 = arith.constant 4 : i32
      %shift_right_arithmetic3A_585 = vector.broadcast %shift_right_arithmetic3A_584 : i32 to vector<16xi32>
      %shift_right_arithmetic3A_586 = arith.shrsi %sub3A_580, %shift_right_arithmetic3A_585 : vector<16xi32>
      %eq3A_587 = arith.constant 0 : i32
      %eq3A_588 = vector.broadcast %eq3A_587 : i32 to vector<16xi32>
      %eq3A_589 = arith.cmpi eq, %shift_right_arithmetic3A_586, %eq3A_588 : vector<16xi32>
      %broadcast_in_dim3A_590 = vector.shape_cast %and3A_583 : vector<16xi32> to vector<16x1xi32>
      %gather3A_591 = vector.shape_cast %broadcast_in_dim3A_590 : vector<16x1xi32> to vector<16xi32>
      %gather3A_592 = tpu.dynamic_gather %get3A_74[%gather3A_591] in [0] : vector<16xi32>, vector<16xi32> -> vector<16xi32>
      %broadcast_in_dim3A_593 = vector.shape_cast %and3A_583 : vector<16xi32> to vector<16x1xi32>
      %gather3A_594 = vector.shape_cast %broadcast_in_dim3A_593 : vector<16x1xi32> to vector<16xi32>
      %gather3A_595 = tpu.dynamic_gather %get3A_78[%gather3A_594] in [0] : vector<16xi32>, vector<16xi32> -> vector<16xi32>
      %select_n3A_596 = arith.select %eq3A_589, %gather3A_592, %gather3A_595 : vector<16xi1>, vector<16xi32>
      %and3A_597 = arith.constant 127 : i32
      %and3A_598 = vector.broadcast %and3A_597 : i32 to vector<16xi32>
      %and3A_599 = arith.andi %select_n3A_596, %and3A_598 : vector<16xi32>
      %shift_right_arithmetic3A_600 = arith.constant 7 : i32
      %shift_right_arithmetic3A_601 = vector.broadcast %shift_right_arithmetic3A_600 : i32 to vector<16xi32>
      %shift_right_arithmetic3A_602 = arith.shrsi %select_n3A_596, %shift_right_arithmetic3A_601 : vector<16xi32>
      %and3A_603 = arith.constant 31 : i32
      %and3A_604 = vector.broadcast %and3A_603 : i32 to vector<16xi32>
      %and3A_605 = arith.andi %shift_right_arithmetic3A_602, %and3A_604 : vector<16xi32>
      %add3A_606 = arith.addi %and3A_599, %and3A_605 : vector<16xi32>
      %min3A_607 = arith.constant 64 : i32
      %min3A_608 = vector.broadcast %min3A_607 : i32 to vector<16xi32>
      %min3A_609 = arith.minsi %add3A_606, %min3A_608 : vector<16xi32>
      %shift_right_arithmetic3A_610 = arith.constant 12 : i32
      %shift_right_arithmetic3A_611 = vector.broadcast %shift_right_arithmetic3A_610 : i32 to vector<16xi32>
      %shift_right_arithmetic3A_612 = arith.shrsi %select_n3A_596, %shift_right_arithmetic3A_611 : vector<16xi32>
      %and3A_613 = arith.constant 31 : i32
      %and3A_614 = vector.broadcast %and3A_613 : i32 to vector<16xi32>
      %and3A_615 = arith.andi %shift_right_arithmetic3A_612, %and3A_614 : vector<16xi32>
      %add3A_616 = arith.addi %min3A_609, %and3A_615 : vector<16xi32>
      %min3A_617 = arith.constant 64 : i32
      %min3A_618 = vector.broadcast %min3A_617 : i32 to vector<16xi32>
      %min3A_619 = arith.minsi %add3A_616, %min3A_618 : vector<16xi32>
      %shift_right_arithmetic3A_620 = arith.constant 17 : i32
      %shift_right_arithmetic3A_621 = vector.broadcast %shift_right_arithmetic3A_620 : i32 to vector<16xi32>
      %shift_right_arithmetic3A_622 = arith.shrsi %select_n3A_596, %shift_right_arithmetic3A_621 : vector<16xi32>
      %and3A_623 = arith.constant 31 : i32
      %and3A_624 = vector.broadcast %and3A_623 : i32 to vector<16xi32>
      %and3A_625 = arith.andi %shift_right_arithmetic3A_622, %and3A_624 : vector<16xi32>
      %add3A_626 = arith.addi %min3A_619, %and3A_625 : vector<16xi32>
      %min3A_627 = arith.constant 64 : i32
      %min3A_628 = vector.broadcast %min3A_627 : i32 to vector<16xi32>
      %min3A_629 = arith.minsi %add3A_626, %min3A_628 : vector<16xi32>
      %le3A_630 = arith.cmpi sle, %min3A_609, %add3A_573 : vector<16xi32>
      %le3A_631 = arith.cmpi sle, %min3A_619, %add3A_573 : vector<16xi32>
      %le3A_632 = arith.cmpi sle, %min3A_629, %add3A_573 : vector<16xi32>
      %jit3A_633 = arith.constant 1 : i32
      %jit3A_634 = arith.constant 0 : i32
      %broadcast_in_dim3A_635 = vector.broadcast %jit3A_633 : i32 to vector<16xi32>
      %broadcast_in_dim3A_636 = vector.broadcast %jit3A_634 : i32 to vector<16xi32>
      %select_n3A_637 = arith.select %le3A_630, %broadcast_in_dim3A_635, %broadcast_in_dim3A_636 : vector<16xi1>, vector<16xi32>
      %jit3A_638 = arith.constant 1 : i32
      %jit3A_639 = arith.constant 0 : i32
      %broadcast_in_dim3A_640 = vector.broadcast %jit3A_638 : i32 to vector<16xi32>
      %broadcast_in_dim3A_641 = vector.broadcast %jit3A_639 : i32 to vector<16xi32>
      %select_n3A_642 = arith.select %le3A_631, %broadcast_in_dim3A_640, %broadcast_in_dim3A_641 : vector<16xi1>, vector<16xi32>
      %add3A_643 = arith.addi %select_n3A_637, %select_n3A_642 : vector<16xi32>
      %jit3A_644 = arith.constant 1 : i32
      %jit3A_645 = arith.constant 0 : i32
      %broadcast_in_dim3A_646 = vector.broadcast %jit3A_644 : i32 to vector<16xi32>
      %broadcast_in_dim3A_647 = vector.broadcast %jit3A_645 : i32 to vector<16xi32>
      %select_n3A_648 = arith.select %le3A_632, %broadcast_in_dim3A_646, %broadcast_in_dim3A_647 : vector<16xi1>, vector<16xi32>
      %add3A_649 = arith.addi %add3A_643, %select_n3A_648 : vector<16xi32>
      %select_n3A_650 = arith.select %le3A_630, %min3A_609, %and3A_599 : vector<16xi1>, vector<16xi32>
      %select_n3A_651 = arith.select %le3A_631, %min3A_619, %select_n3A_650 : vector<16xi1>, vector<16xi32>
      %select_n3A_652 = arith.select %le3A_632, %min3A_629, %select_n3A_651 : vector<16xi1>, vector<16xi32>
      %shift_left3A_653 = arith.constant 2 : i32
      %shift_left3A_654 = vector.broadcast %shift_left3A_653 : i32 to vector<16xi32>
      %shift_left3A_655 = arith.shli %sub3A_580, %shift_left3A_654 : vector<16xi32>
      %add3A_656 = arith.addi %shift_left3A_655, %add3A_649 : vector<16xi32>
      %sub3A_657 = arith.subi %add3A_573, %select_n3A_652 : vector<16xi32>
      %shift_right_arithmetic3A_658 = arith.constant 1 : i32
      %shift_right_arithmetic3A_659 = vector.broadcast %shift_right_arithmetic3A_658 : i32 to vector<16xi32>
      %shift_right_arithmetic3A_660 = arith.shrsi %add3A_656, %shift_right_arithmetic3A_659 : vector<16xi32>
      %and3A_661 = arith.constant 15 : i32
      %and3A_662 = vector.broadcast %and3A_661 : i32 to vector<16xi32>
      %and3A_663 = arith.andi %shift_right_arithmetic3A_660, %and3A_662 : vector<16xi32>
      %shift_right_arithmetic3A_664 = arith.constant 4 : i32
      %shift_right_arithmetic3A_665 = vector.broadcast %shift_right_arithmetic3A_664 : i32 to vector<16xi32>
      %shift_right_arithmetic3A_666 = arith.shrsi %shift_right_arithmetic3A_660, %shift_right_arithmetic3A_665 : vector<16xi32>
      %broadcast_in_dim3A_667 = arith.constant 0 : i32
      %broadcast_in_dim3A_668 = vector.broadcast %broadcast_in_dim3A_667 : i32 to vector<16xi32>
      %eq3A_669 = arith.constant 0 : i32
      %eq3A_670 = vector.broadcast %eq3A_669 : i32 to vector<16xi32>
      %eq3A_671 = arith.cmpi eq, %shift_right_arithmetic3A_666, %eq3A_670 : vector<16xi32>
      %broadcast_in_dim3A_672 = vector.shape_cast %and3A_663 : vector<16xi32> to vector<16x1xi32>
      %gather3A_673 = vector.shape_cast %broadcast_in_dim3A_672 : vector<16x1xi32> to vector<16xi32>
      %gather3A_674 = tpu.dynamic_gather %get3A_58[%gather3A_673] in [0] : vector<16xi32>, vector<16xi32> -> vector<16xi32>
      %select_n3A_675 = arith.select %eq3A_671, %gather3A_674, %broadcast_in_dim3A_668 : vector<16xi1>, vector<16xi32>
      %eq3A_676 = arith.constant 1 : i32
      %eq3A_677 = vector.broadcast %eq3A_676 : i32 to vector<16xi32>
      %eq3A_678 = arith.cmpi eq, %shift_right_arithmetic3A_666, %eq3A_677 : vector<16xi32>
      %broadcast_in_dim3A_679 = vector.shape_cast %and3A_663 : vector<16xi32> to vector<16x1xi32>
      %gather3A_680 = vector.shape_cast %broadcast_in_dim3A_679 : vector<16x1xi32> to vector<16xi32>
      %gather3A_681 = tpu.dynamic_gather %get3A_62[%gather3A_680] in [0] : vector<16xi32>, vector<16xi32> -> vector<16xi32>
      %select_n3A_682 = arith.select %eq3A_678, %gather3A_681, %select_n3A_675 : vector<16xi1>, vector<16xi32>
      %eq3A_683 = arith.constant 2 : i32
      %eq3A_684 = vector.broadcast %eq3A_683 : i32 to vector<16xi32>
      %eq3A_685 = arith.cmpi eq, %shift_right_arithmetic3A_666, %eq3A_684 : vector<16xi32>
      %broadcast_in_dim3A_686 = vector.shape_cast %and3A_663 : vector<16xi32> to vector<16x1xi32>
      %gather3A_687 = vector.shape_cast %broadcast_in_dim3A_686 : vector<16x1xi32> to vector<16xi32>
      %gather3A_688 = tpu.dynamic_gather %get3A_66[%gather3A_687] in [0] : vector<16xi32>, vector<16xi32> -> vector<16xi32>
      %select_n3A_689 = arith.select %eq3A_685, %gather3A_688, %select_n3A_682 : vector<16xi1>, vector<16xi32>
      %eq3A_690 = arith.constant 3 : i32
      %eq3A_691 = vector.broadcast %eq3A_690 : i32 to vector<16xi32>
      %eq3A_692 = arith.cmpi eq, %shift_right_arithmetic3A_666, %eq3A_691 : vector<16xi32>
      %broadcast_in_dim3A_693 = vector.shape_cast %and3A_663 : vector<16xi32> to vector<16x1xi32>
      %gather3A_694 = vector.shape_cast %broadcast_in_dim3A_693 : vector<16x1xi32> to vector<16xi32>
      %gather3A_695 = tpu.dynamic_gather %get3A_70[%gather3A_694] in [0] : vector<16xi32>, vector<16xi32> -> vector<16xi32>
      %select_n3A_696 = arith.select %eq3A_692, %gather3A_695, %select_n3A_689 : vector<16xi1>, vector<16xi32>
      %and3A_697 = arith.constant 1 : i32
      %and3A_698 = vector.broadcast %and3A_697 : i32 to vector<16xi32>
      %and3A_699 = arith.andi %add3A_656, %and3A_698 : vector<16xi32>
      %eq3A_700 = arith.constant 1 : i32
      %eq3A_701 = vector.broadcast %eq3A_700 : i32 to vector<16xi32>
      %eq3A_702 = arith.cmpi eq, %and3A_699, %eq3A_701 : vector<16xi32>
      %shift_right_arithmetic3A_703 = arith.constant 16 : i32
      %shift_right_arithmetic3A_704 = vector.broadcast %shift_right_arithmetic3A_703 : i32 to vector<16xi32>
      %shift_right_arithmetic3A_705 = arith.shrsi %select_n3A_696, %shift_right_arithmetic3A_704 : vector<16xi32>
      %and3A_706 = arith.constant 65535 : i32
      %and3A_707 = vector.broadcast %and3A_706 : i32 to vector<16xi32>
      %and3A_708 = arith.andi %shift_right_arithmetic3A_705, %and3A_707 : vector<16xi32>
      %and3A_709 = arith.constant 65535 : i32
      %and3A_710 = vector.broadcast %and3A_709 : i32 to vector<16xi32>
      %and3A_711 = arith.andi %select_n3A_696, %and3A_710 : vector<16xi32>
      %select_n3A_712 = arith.select %eq3A_702, %and3A_708, %and3A_711 : vector<16xi1>, vector<16xi32>
      %and3A_713 = arith.constant 15 : i32
      %and3A_714 = vector.broadcast %and3A_713 : i32 to vector<16xi32>
      %and3A_715 = arith.andi %select_n3A_712, %and3A_714 : vector<16xi32>
      %shift_right_arithmetic3A_716 = arith.constant 4 : i32
      %shift_right_arithmetic3A_717 = vector.broadcast %shift_right_arithmetic3A_716 : i32 to vector<16xi32>
      %shift_right_arithmetic3A_718 = arith.shrsi %select_n3A_712, %shift_right_arithmetic3A_717 : vector<16xi32>
      %and3A_719 = arith.constant 15 : i32
      %and3A_720 = vector.broadcast %and3A_719 : i32 to vector<16xi32>
      %and3A_721 = arith.andi %shift_right_arithmetic3A_718, %and3A_720 : vector<16xi32>
      %shift_right_arithmetic3A_722 = arith.constant 8 : i32
      %shift_right_arithmetic3A_723 = vector.broadcast %shift_right_arithmetic3A_722 : i32 to vector<16xi32>
      %shift_right_arithmetic3A_724 = arith.shrsi %select_n3A_712, %shift_right_arithmetic3A_723 : vector<16xi32>
      %and3A_725 = arith.constant 15 : i32
      %and3A_726 = vector.broadcast %and3A_725 : i32 to vector<16xi32>
      %and3A_727 = arith.andi %shift_right_arithmetic3A_724, %and3A_726 : vector<16xi32>
      %shift_right_arithmetic3A_728 = arith.constant 12 : i32
      %shift_right_arithmetic3A_729 = vector.broadcast %shift_right_arithmetic3A_728 : i32 to vector<16xi32>
      %shift_right_arithmetic3A_730 = arith.shrsi %select_n3A_712, %shift_right_arithmetic3A_729 : vector<16xi32>
      %and3A_731 = arith.constant 15 : i32
      %and3A_732 = vector.broadcast %and3A_731 : i32 to vector<16xi32>
      %and3A_733 = arith.andi %shift_right_arithmetic3A_730, %and3A_732 : vector<16xi32>
      %broadcast_in_dim3A_734 = vector.shape_cast %and3A_715 : vector<16xi32> to vector<16x1xi32>
      %gather3A_735 = vector.shape_cast %broadcast_in_dim3A_734 : vector<16x1xi32> to vector<16xi32>
      %gather3A_736 = tpu.dynamic_gather %add3A_30[%gather3A_735] in [0] : vector<16xi32>, vector<16xi32> -> vector<16xi32>
      %broadcast_in_dim3A_737 = vector.shape_cast %and3A_721 : vector<16xi32> to vector<16x1xi32>
      %gather3A_738 = vector.shape_cast %broadcast_in_dim3A_737 : vector<16x1xi32> to vector<16xi32>
      %gather3A_739 = tpu.dynamic_gather %add3A_30[%gather3A_738] in [0] : vector<16xi32>, vector<16xi32> -> vector<16xi32>
      %add3A_740 = arith.addi %gather3A_736, %gather3A_739 : vector<16xi32>
      %broadcast_in_dim3A_741 = vector.shape_cast %and3A_727 : vector<16xi32> to vector<16x1xi32>
      %gather3A_742 = vector.shape_cast %broadcast_in_dim3A_741 : vector<16x1xi32> to vector<16xi32>
      %gather3A_743 = tpu.dynamic_gather %add3A_30[%gather3A_742] in [0] : vector<16xi32>, vector<16xi32> -> vector<16xi32>
      %add3A_744 = arith.addi %add3A_740, %gather3A_743 : vector<16xi32>
      %ge3A_745 = arith.cmpi sge, %sub3A_657, %gather3A_736 : vector<16xi32>
      %ge3A_746 = arith.cmpi sge, %sub3A_657, %add3A_740 : vector<16xi32>
      %ge3A_747 = arith.cmpi sge, %sub3A_657, %add3A_744 : vector<16xi32>
      %select_n3A_748 = arith.select %ge3A_745, %and3A_721, %and3A_715 : vector<16xi1>, vector<16xi32>
      %select_n3A_749 = arith.select %ge3A_746, %and3A_727, %select_n3A_748 : vector<16xi1>, vector<16xi32>
      %select_n3A_750 = arith.select %ge3A_747, %and3A_733, %select_n3A_749 : vector<16xi1>, vector<16xi32>
      %jit3A_751 = arith.constant 1 : i32
      %jit3A_752 = arith.constant 0 : i32
      %broadcast_in_dim3A_753 = vector.broadcast %jit3A_751 : i32 to vector<16xi32>
      %broadcast_in_dim3A_754 = vector.broadcast %jit3A_752 : i32 to vector<16xi32>
      %select_n3A_755 = arith.select %ge3A_745, %broadcast_in_dim3A_753, %broadcast_in_dim3A_754 : vector<16xi1>, vector<16xi32>
      %jit3A_756 = arith.constant 1 : i32
      %jit3A_757 = arith.constant 0 : i32
      %broadcast_in_dim3A_758 = vector.broadcast %jit3A_756 : i32 to vector<16xi32>
      %broadcast_in_dim3A_759 = vector.broadcast %jit3A_757 : i32 to vector<16xi32>
      %select_n3A_760 = arith.select %ge3A_746, %broadcast_in_dim3A_758, %broadcast_in_dim3A_759 : vector<16xi1>, vector<16xi32>
      %add3A_761 = arith.addi %select_n3A_755, %select_n3A_760 : vector<16xi32>
      %jit3A_762 = arith.constant 1 : i32
      %jit3A_763 = arith.constant 0 : i32
      %broadcast_in_dim3A_764 = vector.broadcast %jit3A_762 : i32 to vector<16xi32>
      %broadcast_in_dim3A_765 = vector.broadcast %jit3A_763 : i32 to vector<16xi32>
      %select_n3A_766 = arith.select %ge3A_747, %broadcast_in_dim3A_764, %broadcast_in_dim3A_765 : vector<16xi1>, vector<16xi32>
      %add3A_767 = arith.addi %add3A_761, %select_n3A_766 : vector<16xi32>
      %shift_left3A_768 = arith.constant 2 : i32
      %shift_left3A_769 = vector.broadcast %shift_left3A_768 : i32 to vector<16xi32>
      %shift_left3A_770 = arith.shli %add3A_767, %shift_left3A_769 : vector<16xi32>
      %jit3A_771 = arith.constant 0 : i32
      %broadcast_in_dim3A_772 = vector.broadcast %jit3A_771 : i32 to vector<16xi32>
      %select_n3A_773 = arith.select %ge3A_745, %gather3A_736, %broadcast_in_dim3A_772 : vector<16xi1>, vector<16xi32>
      %select_n3A_774 = arith.select %ge3A_746, %add3A_740, %select_n3A_773 : vector<16xi1>, vector<16xi32>
      %select_n3A_775 = arith.select %ge3A_747, %add3A_744, %select_n3A_774 : vector<16xi1>, vector<16xi32>
      %sub3A_776 = arith.subi %sub3A_657, %select_n3A_775 : vector<16xi32>
      %ge3A_777 = arith.constant 1 : i32
      %ge3A_778 = vector.broadcast %ge3A_777 : i32 to vector<16xi32>
      %ge3A_779 = arith.cmpi sge, %sub3A_776, %ge3A_778 : vector<16xi32>
      %sub3A_780 = arith.constant 1 : i32
      %sub3A_781 = vector.broadcast %sub3A_780 : i32 to vector<16xi32>
      %sub3A_782 = arith.subi %select_n3A_750, %sub3A_781 : vector<16xi32>
      %and3A_783 = arith.andi %select_n3A_750, %sub3A_782 : vector<16xi32>
      %select_n3A_784 = arith.select %ge3A_779, %and3A_783, %select_n3A_750 : vector<16xi1>, vector<16xi32>
      %ge3A_785 = arith.constant 2 : i32
      %ge3A_786 = vector.broadcast %ge3A_785 : i32 to vector<16xi32>
      %ge3A_787 = arith.cmpi sge, %sub3A_776, %ge3A_786 : vector<16xi32>
      %sub3A_788 = arith.constant 1 : i32
      %sub3A_789 = vector.broadcast %sub3A_788 : i32 to vector<16xi32>
      %sub3A_790 = arith.subi %select_n3A_784, %sub3A_789 : vector<16xi32>
      %and3A_791 = arith.andi %select_n3A_784, %sub3A_790 : vector<16xi32>
      %select_n3A_792 = arith.select %ge3A_787, %and3A_791, %select_n3A_784 : vector<16xi1>, vector<16xi32>
      %ge3A_793 = arith.constant 3 : i32
      %ge3A_794 = vector.broadcast %ge3A_793 : i32 to vector<16xi32>
      %ge3A_795 = arith.cmpi sge, %sub3A_776, %ge3A_794 : vector<16xi32>
      %sub3A_796 = arith.constant 1 : i32
      %sub3A_797 = vector.broadcast %sub3A_796 : i32 to vector<16xi32>
      %sub3A_798 = arith.subi %select_n3A_792, %sub3A_797 : vector<16xi32>
      %and3A_799 = arith.andi %select_n3A_792, %sub3A_798 : vector<16xi32>
      %select_n3A_800 = arith.select %ge3A_795, %and3A_799, %select_n3A_792 : vector<16xi1>, vector<16xi32>
      %broadcast_in_dim3A_801 = vector.shape_cast %select_n3A_800 : vector<16xi32> to vector<16x1xi32>
      %gather3A_802 = vector.shape_cast %broadcast_in_dim3A_801 : vector<16x1xi32> to vector<16xi32>
      %gather3A_803 = tpu.dynamic_gather %select_n3A_55[%gather3A_802] in [0] : vector<16xi32>, vector<16xi32> -> vector<16xi32>
      %add3A_804 = arith.addi %shift_left3A_770, %gather3A_803 : vector<16xi32>
      %lt3A_805 = vector.broadcast %squeeze3A : i32 to vector<16xi32>
      %lt3A_806 = arith.cmpi slt, %add3A_573, %lt3A_805 : vector<16xi32>
      %mul3A_807 = arith.constant 16 : i32
      %mul3A_808 = vector.broadcast %mul3A_807 : i32 to vector<16xi32>
      %mul3A_809 = arith.muli %add3A_656, %mul3A_808 : vector<16xi32>
      %add3A_810 = arith.addi %mul3A_809, %add3A_804 : vector<16xi32>
      %jit3A_811 = arith.constant -1 : i32
      %broadcast_in_dim3A_812 = vector.broadcast %jit3A_811 : i32 to vector<16xi32>
      %select_n3A_813 = arith.select %lt3A_806, %add3A_810, %broadcast_in_dim3A_812 : vector<16xi1>, vector<16xi32>
      %swap3A_814 = arith.index_cast %scan3A_8 : i32 to index
      %swap3A_815 = arith.constant 32 : index
      %swap3A_816 = tpu.vector_load %arg5[%swap3A_814, %swap3A_815] {strides = array<i32>} : memref<64x64xi32, #tpu.memory_space<vmem>>, vector<1x16xi32>,
      %swap3A_817 = vector.shape_cast %swap3A_816 : vector<1x16xi32> to vector<16xi32>
      %swap3A_818 = vector.shape_cast %select_n3A_813 : vector<16xi32> to vector<1x16xi32>
      tpu.vector_store %arg5[%swap3A_814, %swap3A_815], %swap3A_818 {strides = array<i32>} : memref<64x64xi32, #tpu.memory_space<vmem>>, vector<1x16xi32>,
      %add3A_819 = arith.constant 48 : i32
      %add3A_820 = vector.broadcast %add3A_819 : i32 to vector<16xi32>
      %add3A_821 = arith.addi %iota3A, %add3A_820 : vector<16xi32>
      %get3A_822 = arith.index_cast %scan3A_8 : i32 to index
      %get3A_823 = arith.constant 176 : index
      %get3A_824 = tpu.vector_load %arg4[%get3A_822, %get3A_823] {strides = array<i32>} : memref<64x256xi32, #tpu.memory_space<vmem>>, vector<1x16xi32>,
      %get3A_825 = vector.shape_cast %get3A_824 : vector<1x16xi32> to vector<16xi32>
      %sub3A_826 = arith.constant 1 : i32
      %sub3A_827 = vector.broadcast %sub3A_826 : i32 to vector<16xi32>
      %sub3A_828 = arith.subi %get3A_825, %sub3A_827 : vector<16xi32>
      %and3A_829 = arith.constant 15 : i32
      %and3A_830 = vector.broadcast %and3A_829 : i32 to vector<16xi32>
      %and3A_831 = arith.andi %sub3A_828, %and3A_830 : vector<16xi32>
      %shift_right_arithmetic3A_832 = arith.constant 4 : i32
      %shift_right_arithmetic3A_833 = vector.broadcast %shift_right_arithmetic3A_832 : i32 to vector<16xi32>
      %shift_right_arithmetic3A_834 = arith.shrsi %sub3A_828, %shift_right_arithmetic3A_833 : vector<16xi32>
      %eq3A_835 = arith.constant 0 : i32
      %eq3A_836 = vector.broadcast %eq3A_835 : i32 to vector<16xi32>
      %eq3A_837 = arith.cmpi eq, %shift_right_arithmetic3A_834, %eq3A_836 : vector<16xi32>
      %broadcast_in_dim3A_838 = vector.shape_cast %and3A_831 : vector<16xi32> to vector<16x1xi32>
      %gather3A_839 = vector.shape_cast %broadcast_in_dim3A_838 : vector<16x1xi32> to vector<16xi32>
      %gather3A_840 = tpu.dynamic_gather %get3A_74[%gather3A_839] in [0] : vector<16xi32>, vector<16xi32> -> vector<16xi32>
      %broadcast_in_dim3A_841 = vector.shape_cast %and3A_831 : vector<16xi32> to vector<16x1xi32>
      %gather3A_842 = vector.shape_cast %broadcast_in_dim3A_841 : vector<16x1xi32> to vector<16xi32>
      %gather3A_843 = tpu.dynamic_gather %get3A_78[%gather3A_842] in [0] : vector<16xi32>, vector<16xi32> -> vector<16xi32>
      %select_n3A_844 = arith.select %eq3A_837, %gather3A_840, %gather3A_843 : vector<16xi1>, vector<16xi32>
      %and3A_845 = arith.constant 127 : i32
      %and3A_846 = vector.broadcast %and3A_845 : i32 to vector<16xi32>
      %and3A_847 = arith.andi %select_n3A_844, %and3A_846 : vector<16xi32>
      %shift_right_arithmetic3A_848 = arith.constant 7 : i32
      %shift_right_arithmetic3A_849 = vector.broadcast %shift_right_arithmetic3A_848 : i32 to vector<16xi32>
      %shift_right_arithmetic3A_850 = arith.shrsi %select_n3A_844, %shift_right_arithmetic3A_849 : vector<16xi32>
      %and3A_851 = arith.constant 31 : i32
      %and3A_852 = vector.broadcast %and3A_851 : i32 to vector<16xi32>
      %and3A_853 = arith.andi %shift_right_arithmetic3A_850, %and3A_852 : vector<16xi32>
      %add3A_854 = arith.addi %and3A_847, %and3A_853 : vector<16xi32>
      %min3A_855 = arith.constant 64 : i32
      %min3A_856 = vector.broadcast %min3A_855 : i32 to vector<16xi32>
      %min3A_857 = arith.minsi %add3A_854, %min3A_856 : vector<16xi32>
      %shift_right_arithmetic3A_858 = arith.constant 12 : i32
      %shift_right_arithmetic3A_859 = vector.broadcast %shift_right_arithmetic3A_858 : i32 to vector<16xi32>
      %shift_right_arithmetic3A_860 = arith.shrsi %select_n3A_844, %shift_right_arithmetic3A_859 : vector<16xi32>
      %and3A_861 = arith.constant 31 : i32
      %and3A_862 = vector.broadcast %and3A_861 : i32 to vector<16xi32>
      %and3A_863 = arith.andi %shift_right_arithmetic3A_860, %and3A_862 : vector<16xi32>
      %add3A_864 = arith.addi %min3A_857, %and3A_863 : vector<16xi32>
      %min3A_865 = arith.constant 64 : i32
      %min3A_866 = vector.broadcast %min3A_865 : i32 to vector<16xi32>
      %min3A_867 = arith.minsi %add3A_864, %min3A_866 : vector<16xi32>
      %shift_right_arithmetic3A_868 = arith.constant 17 : i32
      %shift_right_arithmetic3A_869 = vector.broadcast %shift_right_arithmetic3A_868 : i32 to vector<16xi32>
      %shift_right_arithmetic3A_870 = arith.shrsi %select_n3A_844, %shift_right_arithmetic3A_869 : vector<16xi32>
      %and3A_871 = arith.constant 31 : i32
      %and3A_872 = vector.broadcast %and3A_871 : i32 to vector<16xi32>
      %and3A_873 = arith.andi %shift_right_arithmetic3A_870, %and3A_872 : vector<16xi32>
      %add3A_874 = arith.addi %min3A_867, %and3A_873 : vector<16xi32>
      %min3A_875 = arith.constant 64 : i32
      %min3A_876 = vector.broadcast %min3A_875 : i32 to vector<16xi32>
      %min3A_877 = arith.minsi %add3A_874, %min3A_876 : vector<16xi32>
      %le3A_878 = arith.cmpi sle, %min3A_857, %add3A_821 : vector<16xi32>
      %le3A_879 = arith.cmpi sle, %min3A_867, %add3A_821 : vector<16xi32>
      %le3A_880 = arith.cmpi sle, %min3A_877, %add3A_821 : vector<16xi32>
      %jit3A_881 = arith.constant 1 : i32
      %jit3A_882 = arith.constant 0 : i32
      %broadcast_in_dim3A_883 = vector.broadcast %jit3A_881 : i32 to vector<16xi32>
      %broadcast_in_dim3A_884 = vector.broadcast %jit3A_882 : i32 to vector<16xi32>
      %select_n3A_885 = arith.select %le3A_878, %broadcast_in_dim3A_883, %broadcast_in_dim3A_884 : vector<16xi1>, vector<16xi32>
      %jit3A_886 = arith.constant 1 : i32
      %jit3A_887 = arith.constant 0 : i32
      %broadcast_in_dim3A_888 = vector.broadcast %jit3A_886 : i32 to vector<16xi32>
      %broadcast_in_dim3A_889 = vector.broadcast %jit3A_887 : i32 to vector<16xi32>
      %select_n3A_890 = arith.select %le3A_879, %broadcast_in_dim3A_888, %broadcast_in_dim3A_889 : vector<16xi1>, vector<16xi32>
      %add3A_891 = arith.addi %select_n3A_885, %select_n3A_890 : vector<16xi32>
      %jit3A_892 = arith.constant 1 : i32
      %jit3A_893 = arith.constant 0 : i32
      %broadcast_in_dim3A_894 = vector.broadcast %jit3A_892 : i32 to vector<16xi32>
      %broadcast_in_dim3A_895 = vector.broadcast %jit3A_893 : i32 to vector<16xi32>
      %select_n3A_896 = arith.select %le3A_880, %broadcast_in_dim3A_894, %broadcast_in_dim3A_895 : vector<16xi1>, vector<16xi32>
      %add3A_897 = arith.addi %add3A_891, %select_n3A_896 : vector<16xi32>
      %select_n3A_898 = arith.select %le3A_878, %min3A_857, %and3A_847 : vector<16xi1>, vector<16xi32>
      %select_n3A_899 = arith.select %le3A_879, %min3A_867, %select_n3A_898 : vector<16xi1>, vector<16xi32>
      %select_n3A_900 = arith.select %le3A_880, %min3A_877, %select_n3A_899 : vector<16xi1>, vector<16xi32>
      %shift_left3A_901 = arith.constant 2 : i32
      %shift_left3A_902 = vector.broadcast %shift_left3A_901 : i32 to vector<16xi32>
      %shift_left3A_903 = arith.shli %sub3A_828, %shift_left3A_902 : vector<16xi32>
      %add3A_904 = arith.addi %shift_left3A_903, %add3A_897 : vector<16xi32>
      %sub3A_905 = arith.subi %add3A_821, %select_n3A_900 : vector<16xi32>
      %shift_right_arithmetic3A_906 = arith.constant 1 : i32
      %shift_right_arithmetic3A_907 = vector.broadcast %shift_right_arithmetic3A_906 : i32 to vector<16xi32>
      %shift_right_arithmetic3A_908 = arith.shrsi %add3A_904, %shift_right_arithmetic3A_907 : vector<16xi32>
      %and3A_909 = arith.constant 15 : i32
      %and3A_910 = vector.broadcast %and3A_909 : i32 to vector<16xi32>
      %and3A_911 = arith.andi %shift_right_arithmetic3A_908, %and3A_910 : vector<16xi32>
      %shift_right_arithmetic3A_912 = arith.constant 4 : i32
      %shift_right_arithmetic3A_913 = vector.broadcast %shift_right_arithmetic3A_912 : i32 to vector<16xi32>
      %shift_right_arithmetic3A_914 = arith.shrsi %shift_right_arithmetic3A_908, %shift_right_arithmetic3A_913 : vector<16xi32>
      %broadcast_in_dim3A_915 = arith.constant 0 : i32
      %broadcast_in_dim3A_916 = vector.broadcast %broadcast_in_dim3A_915 : i32 to vector<16xi32>
      %eq3A_917 = arith.constant 0 : i32
      %eq3A_918 = vector.broadcast %eq3A_917 : i32 to vector<16xi32>
      %eq3A_919 = arith.cmpi eq, %shift_right_arithmetic3A_914, %eq3A_918 : vector<16xi32>
      %broadcast_in_dim3A_920 = vector.shape_cast %and3A_911 : vector<16xi32> to vector<16x1xi32>
      %gather3A_921 = vector.shape_cast %broadcast_in_dim3A_920 : vector<16x1xi32> to vector<16xi32>
      %gather3A_922 = tpu.dynamic_gather %get3A_58[%gather3A_921] in [0] : vector<16xi32>, vector<16xi32> -> vector<16xi32>
      %select_n3A_923 = arith.select %eq3A_919, %gather3A_922, %broadcast_in_dim3A_916 : vector<16xi1>, vector<16xi32>
      %eq3A_924 = arith.constant 1 : i32
      %eq3A_925 = vector.broadcast %eq3A_924 : i32 to vector<16xi32>
      %eq3A_926 = arith.cmpi eq, %shift_right_arithmetic3A_914, %eq3A_925 : vector<16xi32>
      %broadcast_in_dim3A_927 = vector.shape_cast %and3A_911 : vector<16xi32> to vector<16x1xi32>
      %gather3A_928 = vector.shape_cast %broadcast_in_dim3A_927 : vector<16x1xi32> to vector<16xi32>
      %gather3A_929 = tpu.dynamic_gather %get3A_62[%gather3A_928] in [0] : vector<16xi32>, vector<16xi32> -> vector<16xi32>
      %select_n3A_930 = arith.select %eq3A_926, %gather3A_929, %select_n3A_923 : vector<16xi1>, vector<16xi32>
      %eq3A_931 = arith.constant 2 : i32
      %eq3A_932 = vector.broadcast %eq3A_931 : i32 to vector<16xi32>
      %eq3A_933 = arith.cmpi eq, %shift_right_arithmetic3A_914, %eq3A_932 : vector<16xi32>
      %broadcast_in_dim3A_934 = vector.shape_cast %and3A_911 : vector<16xi32> to vector<16x1xi32>
      %gather3A_935 = vector.shape_cast %broadcast_in_dim3A_934 : vector<16x1xi32> to vector<16xi32>
      %gather3A_936 = tpu.dynamic_gather %get3A_66[%gather3A_935] in [0] : vector<16xi32>, vector<16xi32> -> vector<16xi32>
      %select_n3A_937 = arith.select %eq3A_933, %gather3A_936, %select_n3A_930 : vector<16xi1>, vector<16xi32>
      %eq3A_938 = arith.constant 3 : i32
      %eq3A_939 = vector.broadcast %eq3A_938 : i32 to vector<16xi32>
      %eq3A_940 = arith.cmpi eq, %shift_right_arithmetic3A_914, %eq3A_939 : vector<16xi32>
      %broadcast_in_dim3A_941 = vector.shape_cast %and3A_911 : vector<16xi32> to vector<16x1xi32>
      %gather3A_942 = vector.shape_cast %broadcast_in_dim3A_941 : vector<16x1xi32> to vector<16xi32>
      %gather3A_943 = tpu.dynamic_gather %get3A_70[%gather3A_942] in [0] : vector<16xi32>, vector<16xi32> -> vector<16xi32>
      %select_n3A_944 = arith.select %eq3A_940, %gather3A_943, %select_n3A_937 : vector<16xi1>, vector<16xi32>
      %and3A_945 = arith.constant 1 : i32
      %and3A_946 = vector.broadcast %and3A_945 : i32 to vector<16xi32>
      %and3A_947 = arith.andi %add3A_904, %and3A_946 : vector<16xi32>
      %eq3A_948 = arith.constant 1 : i32
      %eq3A_949 = vector.broadcast %eq3A_948 : i32 to vector<16xi32>
      %eq3A_950 = arith.cmpi eq, %and3A_947, %eq3A_949 : vector<16xi32>
      %shift_right_arithmetic3A_951 = arith.constant 16 : i32
      %shift_right_arithmetic3A_952 = vector.broadcast %shift_right_arithmetic3A_951 : i32 to vector<16xi32>
      %shift_right_arithmetic3A_953 = arith.shrsi %select_n3A_944, %shift_right_arithmetic3A_952 : vector<16xi32>
      %and3A_954 = arith.constant 65535 : i32
      %and3A_955 = vector.broadcast %and3A_954 : i32 to vector<16xi32>
      %and3A_956 = arith.andi %shift_right_arithmetic3A_953, %and3A_955 : vector<16xi32>
      %and3A_957 = arith.constant 65535 : i32
      %and3A_958 = vector.broadcast %and3A_957 : i32 to vector<16xi32>
      %and3A_959 = arith.andi %select_n3A_944, %and3A_958 : vector<16xi32>
      %select_n3A_960 = arith.select %eq3A_950, %and3A_956, %and3A_959 : vector<16xi1>, vector<16xi32>
      %and3A_961 = arith.constant 15 : i32
      %and3A_962 = vector.broadcast %and3A_961 : i32 to vector<16xi32>
      %and3A_963 = arith.andi %select_n3A_960, %and3A_962 : vector<16xi32>
      %shift_right_arithmetic3A_964 = arith.constant 4 : i32
      %shift_right_arithmetic3A_965 = vector.broadcast %shift_right_arithmetic3A_964 : i32 to vector<16xi32>
      %shift_right_arithmetic3A_966 = arith.shrsi %select_n3A_960, %shift_right_arithmetic3A_965 : vector<16xi32>
      %and3A_967 = arith.constant 15 : i32
      %and3A_968 = vector.broadcast %and3A_967 : i32 to vector<16xi32>
      %and3A_969 = arith.andi %shift_right_arithmetic3A_966, %and3A_968 : vector<16xi32>
      %shift_right_arithmetic3A_970 = arith.constant 8 : i32
      %shift_right_arithmetic3A_971 = vector.broadcast %shift_right_arithmetic3A_970 : i32 to vector<16xi32>
      %shift_right_arithmetic3A_972 = arith.shrsi %select_n3A_960, %shift_right_arithmetic3A_971 : vector<16xi32>
      %and3A_973 = arith.constant 15 : i32
      %and3A_974 = vector.broadcast %and3A_973 : i32 to vector<16xi32>
      %and3A_975 = arith.andi %shift_right_arithmetic3A_972, %and3A_974 : vector<16xi32>
      %shift_right_arithmetic3A_976 = arith.constant 12 : i32
      %shift_right_arithmetic3A_977 = vector.broadcast %shift_right_arithmetic3A_976 : i32 to vector<16xi32>
      %shift_right_arithmetic3A_978 = arith.shrsi %select_n3A_960, %shift_right_arithmetic3A_977 : vector<16xi32>
      %and3A_979 = arith.constant 15 : i32
      %and3A_980 = vector.broadcast %and3A_979 : i32 to vector<16xi32>
      %and3A_981 = arith.andi %shift_right_arithmetic3A_978, %and3A_980 : vector<16xi32>
      %broadcast_in_dim3A_982 = vector.shape_cast %and3A_963 : vector<16xi32> to vector<16x1xi32>
      %gather3A_983 = vector.shape_cast %broadcast_in_dim3A_982 : vector<16x1xi32> to vector<16xi32>
      %gather3A_984 = tpu.dynamic_gather %add3A_30[%gather3A_983] in [0] : vector<16xi32>, vector<16xi32> -> vector<16xi32>
      %broadcast_in_dim3A_985 = vector.shape_cast %and3A_969 : vector<16xi32> to vector<16x1xi32>
      %gather3A_986 = vector.shape_cast %broadcast_in_dim3A_985 : vector<16x1xi32> to vector<16xi32>
      %gather3A_987 = tpu.dynamic_gather %add3A_30[%gather3A_986] in [0] : vector<16xi32>, vector<16xi32> -> vector<16xi32>
      %add3A_988 = arith.addi %gather3A_984, %gather3A_987 : vector<16xi32>
      %broadcast_in_dim3A_989 = vector.shape_cast %and3A_975 : vector<16xi32> to vector<16x1xi32>
      %gather3A_990 = vector.shape_cast %broadcast_in_dim3A_989 : vector<16x1xi32> to vector<16xi32>
      %gather3A_991 = tpu.dynamic_gather %add3A_30[%gather3A_990] in [0] : vector<16xi32>, vector<16xi32> -> vector<16xi32>
      %add3A_992 = arith.addi %add3A_988, %gather3A_991 : vector<16xi32>
      %ge3A_993 = arith.cmpi sge, %sub3A_905, %gather3A_984 : vector<16xi32>
      %ge3A_994 = arith.cmpi sge, %sub3A_905, %add3A_988 : vector<16xi32>
      %ge3A_995 = arith.cmpi sge, %sub3A_905, %add3A_992 : vector<16xi32>
      %select_n3A_996 = arith.select %ge3A_993, %and3A_969, %and3A_963 : vector<16xi1>, vector<16xi32>
      %select_n3A_997 = arith.select %ge3A_994, %and3A_975, %select_n3A_996 : vector<16xi1>, vector<16xi32>
      %select_n3A_998 = arith.select %ge3A_995, %and3A_981, %select_n3A_997 : vector<16xi1>, vector<16xi32>
      %jit3A_999 = arith.constant 1 : i32
      %jit3A_1000 = arith.constant 0 : i32
      %broadcast_in_dim3A_1001 = vector.broadcast %jit3A_999 : i32 to vector<16xi32>
      %broadcast_in_dim3A_1002 = vector.broadcast %jit3A_1000 : i32 to vector<16xi32>
      %select_n3A_1003 = arith.select %ge3A_993, %broadcast_in_dim3A_1001, %broadcast_in_dim3A_1002 : vector<16xi1>, vector<16xi32>
      %jit3A_1004 = arith.constant 1 : i32
      %jit3A_1005 = arith.constant 0 : i32
      %broadcast_in_dim3A_1006 = vector.broadcast %jit3A_1004 : i32 to vector<16xi32>
      %broadcast_in_dim3A_1007 = vector.broadcast %jit3A_1005 : i32 to vector<16xi32>
      %select_n3A_1008 = arith.select %ge3A_994, %broadcast_in_dim3A_1006, %broadcast_in_dim3A_1007 : vector<16xi1>, vector<16xi32>
      %add3A_1009 = arith.addi %select_n3A_1003, %select_n3A_1008 : vector<16xi32>
      %jit3A_1010 = arith.constant 1 : i32
      %jit3A_1011 = arith.constant 0 : i32
      %broadcast_in_dim3A_1012 = vector.broadcast %jit3A_1010 : i32 to vector<16xi32>
      %broadcast_in_dim3A_1013 = vector.broadcast %jit3A_1011 : i32 to vector<16xi32>
      %select_n3A_1014 = arith.select %ge3A_995, %broadcast_in_dim3A_1012, %broadcast_in_dim3A_1013 : vector<16xi1>, vector<16xi32>
      %add3A_1015 = arith.addi %add3A_1009, %select_n3A_1014 : vector<16xi32>
      %shift_left3A_1016 = arith.constant 2 : i32
      %shift_left3A_1017 = vector.broadcast %shift_left3A_1016 : i32 to vector<16xi32>
      %shift_left3A_1018 = arith.shli %add3A_1015, %shift_left3A_1017 : vector<16xi32>
      %jit3A_1019 = arith.constant 0 : i32
      %broadcast_in_dim3A_1020 = vector.broadcast %jit3A_1019 : i32 to vector<16xi32>
      %select_n3A_1021 = arith.select %ge3A_993, %gather3A_984, %broadcast_in_dim3A_1020 : vector<16xi1>, vector<16xi32>
      %select_n3A_1022 = arith.select %ge3A_994, %add3A_988, %select_n3A_1021 : vector<16xi1>, vector<16xi32>
      %select_n3A_1023 = arith.select %ge3A_995, %add3A_992, %select_n3A_1022 : vector<16xi1>, vector<16xi32>
      %sub3A_1024 = arith.subi %sub3A_905, %select_n3A_1023 : vector<16xi32>
      %ge3A_1025 = arith.constant 1 : i32
      %ge3A_1026 = vector.broadcast %ge3A_1025 : i32 to vector<16xi32>
      %ge3A_1027 = arith.cmpi sge, %sub3A_1024, %ge3A_1026 : vector<16xi32>
      %sub3A_1028 = arith.constant 1 : i32
      %sub3A_1029 = vector.broadcast %sub3A_1028 : i32 to vector<16xi32>
      %sub3A_1030 = arith.subi %select_n3A_998, %sub3A_1029 : vector<16xi32>
      %and3A_1031 = arith.andi %select_n3A_998, %sub3A_1030 : vector<16xi32>
      %select_n3A_1032 = arith.select %ge3A_1027, %and3A_1031, %select_n3A_998 : vector<16xi1>, vector<16xi32>
      %ge3A_1033 = arith.constant 2 : i32
      %ge3A_1034 = vector.broadcast %ge3A_1033 : i32 to vector<16xi32>
      %ge3A_1035 = arith.cmpi sge, %sub3A_1024, %ge3A_1034 : vector<16xi32>
      %sub3A_1036 = arith.constant 1 : i32
      %sub3A_1037 = vector.broadcast %sub3A_1036 : i32 to vector<16xi32>
      %sub3A_1038 = arith.subi %select_n3A_1032, %sub3A_1037 : vector<16xi32>
      %and3A_1039 = arith.andi %select_n3A_1032, %sub3A_1038 : vector<16xi32>
      %select_n3A_1040 = arith.select %ge3A_1035, %and3A_1039, %select_n3A_1032 : vector<16xi1>, vector<16xi32>
      %ge3A_1041 = arith.constant 3 : i32
      %ge3A_1042 = vector.broadcast %ge3A_1041 : i32 to vector<16xi32>
      %ge3A_1043 = arith.cmpi sge, %sub3A_1024, %ge3A_1042 : vector<16xi32>
      %sub3A_1044 = arith.constant 1 : i32
      %sub3A_1045 = vector.broadcast %sub3A_1044 : i32 to vector<16xi32>
      %sub3A_1046 = arith.subi %select_n3A_1040, %sub3A_1045 : vector<16xi32>
      %and3A_1047 = arith.andi %select_n3A_1040, %sub3A_1046 : vector<16xi32>
      %select_n3A_1048 = arith.select %ge3A_1043, %and3A_1047, %select_n3A_1040 : vector<16xi1>, vector<16xi32>
      %broadcast_in_dim3A_1049 = vector.shape_cast %select_n3A_1048 : vector<16xi32> to vector<16x1xi32>
      %gather3A_1050 = vector.shape_cast %broadcast_in_dim3A_1049 : vector<16x1xi32> to vector<16xi32>
      %gather3A_1051 = tpu.dynamic_gather %select_n3A_55[%gather3A_1050] in [0] : vector<16xi32>, vector<16xi32> -> vector<16xi32>
      %add3A_1052 = arith.addi %shift_left3A_1018, %gather3A_1051 : vector<16xi32>
      %lt3A_1053 = vector.broadcast %squeeze3A : i32 to vector<16xi32>
      %lt3A_1054 = arith.cmpi slt, %add3A_821, %lt3A_1053 : vector<16xi32>
      %mul3A_1055 = arith.constant 16 : i32
      %mul3A_1056 = vector.broadcast %mul3A_1055 : i32 to vector<16xi32>
      %mul3A_1057 = arith.muli %add3A_904, %mul3A_1056 : vector<16xi32>
      %add3A_1058 = arith.addi %mul3A_1057, %add3A_1052 : vector<16xi32>
      %jit3A_1059 = arith.constant -1 : i32
      %broadcast_in_dim3A_1060 = vector.broadcast %jit3A_1059 : i32 to vector<16xi32>
      %select_n3A_1061 = arith.select %lt3A_1054, %add3A_1058, %broadcast_in_dim3A_1060 : vector<16xi1>, vector<16xi32>
      %swap3A_1062 = arith.index_cast %scan3A_8 : i32 to index
      %swap3A_1063 = arith.constant 48 : index
      %swap3A_1064 = tpu.vector_load %arg5[%swap3A_1062, %swap3A_1063] {strides = array<i32>} : memref<64x64xi32, #tpu.memory_space<vmem>>, vector<1x16xi32>,
      %swap3A_1065 = vector.shape_cast %swap3A_1064 : vector<1x16xi32> to vector<16xi32>
      %swap3A_1066 = vector.shape_cast %select_n3A_1061 : vector<16xi32> to vector<1x16xi32>
      tpu.vector_store %arg5[%swap3A_1062, %swap3A_1063], %swap3A_1066 {strides = array<i32>} : memref<64x64xi32, #tpu.memory_space<vmem>>, vector<1x16xi32>,
    }
    %scan3A_7 = arith.constant 64 : i32
    "tpu.region"() ({
      %run_scoped3A = tpu.sem_alloc : memref<!tpu.dma_semaphore, #tpu.memory_space<semaphore_mem>>
      %dma_start3A = arith.constant 0 : i32
      %dma_start3A_8 = tpu.memref_slice %arg3[%mul3A_2, %dma_start3A] : memref<2048x64xi32, #tpu.memory_space<hbm>> -> memref<64x64xi32, #tpu.memory_space<hbm>>
      %dma_start3A_9 = arith.constant 0 : i32
      %dma_start3A_10 = tpu.memref_slice %arg3[%mul3A_2, %dma_start3A_9] : memref<2048x64xi32, #tpu.memory_space<hbm>> -> memref<64x64xi32, #tpu.memory_space<hbm>>
      tpu.enqueue_dma source(%arg5 : memref<64x64xi32, #tpu.memory_space<vmem>>) target(%dma_start3A_10 : memref<64x64xi32, #tpu.memory_space<hbm>>) target_semaphore(%run_scoped3A : memref<!tpu.dma_semaphore, #tpu.memory_space<semaphore_mem>>)
      %dma_wait3A = arith.constant 0 : i32
      %dma_wait3A_11 = tpu.memref_slice %arg3[%mul3A_2, %dma_wait3A] : memref<2048x64xi32, #tpu.memory_space<hbm>> -> memref<64x64xi32, #tpu.memory_space<hbm>>
      %dma_wait3A_12 = arith.constant 0 : i32
      %dma_wait3A_13 = tpu.memref_slice %arg3[%mul3A_2, %dma_wait3A_12] : memref<2048x64xi32, #tpu.memory_space<hbm>> -> memref<64x64xi32, #tpu.memory_space<hbm>>
      tpu.wait_dma2 semaphore(%run_scoped3A : memref<!tpu.dma_semaphore, #tpu.memory_space<semaphore_mem>>) src(%arg5 : memref<64x64xi32, #tpu.memory_space<vmem>>) dst(%dma_wait3A_13 : memref<64x64xi32, #tpu.memory_space<hbm>>)
      tpu.yield
    }) : () -> ()
    return
  }
}

module attributes {stable_mosaic.version = 14 : i64} {
  func.func @_match_body(%arg0: i32, %arg1: memref<256x64xf32, #tpu.memory_space<vmem>>, %arg2: memref<2048x64xf32, #tpu.memory_space<vmem>>, %arg3: memref<64x8xf32, #tpu.memory_space<vmem>>, %arg4: memref<8x64xf32, #tpu.memory_space<vmem>>, %arg5: memref<2048x64xbf16, #tpu.memory_space<vmem>>, %arg6: memref<2048x64xbf16, #tpu.memory_space<vmem>>, %arg7: memref<2048x32xbf16, #tpu.memory_space<vmem>>, %arg8: memref<2048x32xbf16, #tpu.memory_space<vmem>>, %arg9: memref<2048x1xbf16, #tpu.memory_space<vmem>>, %arg10: memref<256x256xi32, #tpu.memory_space<vmem>>) attributes {dimension_semantics = [#tpu.dimension_semantics<parallel>], iteration_bounds = array<i64: 8>, scalar_prefetch = 0 : i64, scratch_operands = 0 : i64, tpu.core_type = #tpu.core_type<tc>, window_params = [{transform_indices = @transform_0, window_bounds = array<i64: 256, 64>}, {pipeline_mode = #tpu.pipeline_mode<synchronous>, transform_indices = @transform_1, window_bounds = array<i64: 2048, 64>}, {pipeline_mode = #tpu.pipeline_mode<synchronous>, transform_indices = @transform_2, window_bounds = array<i64: 64, 8>}, {pipeline_mode = #tpu.pipeline_mode<synchronous>, transform_indices = @transform_3, window_bounds = array<i64: 8, 64>}, {pipeline_mode = #tpu.pipeline_mode<synchronous>, transform_indices = @transform_4, window_bounds = array<i64: 2048, 64>}, {pipeline_mode = #tpu.pipeline_mode<synchronous>, transform_indices = @transform_5, window_bounds = array<i64: 2048, 64>}, {pipeline_mode = #tpu.pipeline_mode<synchronous>, transform_indices = @transform_6, window_bounds = array<i64: 2048, 32>}, {pipeline_mode = #tpu.pipeline_mode<synchronous>, transform_indices = @transform_7, window_bounds = array<i64: 2048, 32>}, {pipeline_mode = #tpu.pipeline_mode<synchronous>, transform_indices = @transform_8, window_bounds = array<i64: 2048, 1>}, {transform_indices = @transform_9, window_bounds = array<i64: 256, 256>}]} {
    %get3A = arith.constant 0 : index
    %get3A_0 = arith.constant 0 : index
    %get3A_1 = vector.load %arg1[%get3A, %get3A_0] : memref<256x64xf32, #tpu.memory_space<vmem>>, vector<256x64xf32>
    %get3A_2 = arith.constant 0 : index
    %get3A_3 = arith.constant 0 : index
    %get3A_4 = vector.load %arg2[%get3A_2, %get3A_3] : memref<2048x64xf32, #tpu.memory_space<vmem>>, vector<2048x64xf32>
    %gt3A = arith.constant 0.000000e+00 : f32
    %gt3A_5 = vector.broadcast %gt3A : f32 to vector<256x64xf32>
    %gt3A_6 = arith.cmpf ogt, %get3A_1, %gt3A_5 : vector<256x64xf32>
    %convert_element_type3A = arith.extui %gt3A_6 : vector<256x64xi1> to vector<256x64xi32>
    %convert_element_type3A_7 = arith.sitofp %convert_element_type3A : vector<256x64xi32> to vector<256x64xf32>
    %gt3A_8 = arith.constant 0.000000e+00 : f32
    %gt3A_9 = vector.broadcast %gt3A_8 : f32 to vector<2048x64xf32>
    %gt3A_10 = arith.cmpf ogt, %get3A_4, %gt3A_9 : vector<2048x64xf32>
    %convert_element_type3A_11 = arith.extui %gt3A_10 : vector<2048x64xi1> to vector<2048x64xi32>
    %convert_element_type3A_12 = arith.sitofp %convert_element_type3A_11 : vector<2048x64xi32> to vector<2048x64xf32>
    %get3A_13 = arith.constant 0 : index
    %get3A_14 = arith.constant 0 : index
    %get3A_15 = vector.load %arg3[%get3A_13, %get3A_14] : memref<64x8xf32, #tpu.memory_space<vmem>>, vector<64x8xf32>
    %dot_general3A = arith.constant dense<0.000000e+00> : vector<256x8xf32>
    %dot_general3A_16 = tpu.matmul %convert_element_type3A_7, %get3A_15, %dot_general3A {dimension_numbers = #tpu.dot_dimension_numbers<[1], [0], [0], [1], [0, 0, 1, 1], [], []>, transpose_lhs_hint = false} : vector<256x64xf32>, vector<64x8xf32>, vector<256x8xf32> -> vector<256x8xf32>
    %convert_element_type3A_17 = arith.truncf %dot_general3A_16 : vector<256x8xf32> to vector<256x8xbf16>
    %get3A_18 = arith.constant 0 : index
    %get3A_19 = arith.constant 0 : index
    %get3A_20 = vector.load %arg4[%get3A_18, %get3A_19] : memref<8x64xf32, #tpu.memory_space<vmem>>, vector<8x64xf32>
    %dot_general3A_21 = arith.constant dense<0.000000e+00> : vector<8x2048xf32>
    %dot_general3A_22 = tpu.matmul %get3A_20, %convert_element_type3A_12, %dot_general3A_21 {dimension_numbers = #tpu.dot_dimension_numbers<[1], [1], [0], [0], [0, 0, 1, 0], [], []>, transpose_lhs_hint = false} : vector<8x64xf32>, vector<2048x64xf32>, vector<8x2048xf32> -> vector<8x2048xf32>
    %convert_element_type3A_23 = arith.truncf %dot_general3A_22 : vector<8x2048xf32> to vector<8x2048xbf16>
    %slice3A = vector.extract_strided_slice %convert_element_type3A_17 {offsets = [0, 0], sizes = [256, 1], strides = [1, 1]} : vector<256x8xbf16> to vector<256x1xbf16>
    %slice3A_24 = vector.extract_strided_slice %convert_element_type3A_23 {offsets = [0, 0], sizes = [1, 2048], strides = [1, 1]} : vector<8x2048xbf16> to vector<1x2048xbf16>
    %eq3A = vector.broadcast %slice3A : vector<256x1xbf16> to vector<256x2048xbf16>
    %eq3A_25 = vector.broadcast %slice3A_24 : vector<1x2048xbf16> to vector<256x2048xbf16>
    %eq3A_26 = arith.cmpf oeq, %eq3A, %eq3A_25 : vector<256x2048xbf16>
    %slice3A_27 = vector.extract_strided_slice %convert_element_type3A_17 {offsets = [0, 1], sizes = [256, 1], strides = [1, 1]} : vector<256x8xbf16> to vector<256x1xbf16>
    %slice3A_28 = vector.extract_strided_slice %convert_element_type3A_23 {offsets = [1, 0], sizes = [1, 2048], strides = [1, 1]} : vector<8x2048xbf16> to vector<1x2048xbf16>
    %eq3A_29 = vector.broadcast %slice3A_27 : vector<256x1xbf16> to vector<256x2048xbf16>
    %eq3A_30 = vector.broadcast %slice3A_28 : vector<1x2048xbf16> to vector<256x2048xbf16>
    %eq3A_31 = arith.cmpf oeq, %eq3A_29, %eq3A_30 : vector<256x2048xbf16>
    %or3A = arith.ori %eq3A_26, %eq3A_31 : vector<256x2048xi1>
    %slice3A_32 = vector.extract_strided_slice %convert_element_type3A_17 {offsets = [0, 2], sizes = [256, 1], strides = [1, 1]} : vector<256x8xbf16> to vector<256x1xbf16>
    %slice3A_33 = vector.extract_strided_slice %convert_element_type3A_23 {offsets = [2, 0], sizes = [1, 2048], strides = [1, 1]} : vector<8x2048xbf16> to vector<1x2048xbf16>
    %eq3A_34 = vector.broadcast %slice3A_32 : vector<256x1xbf16> to vector<256x2048xbf16>
    %eq3A_35 = vector.broadcast %slice3A_33 : vector<1x2048xbf16> to vector<256x2048xbf16>
    %eq3A_36 = arith.cmpf oeq, %eq3A_34, %eq3A_35 : vector<256x2048xbf16>
    %or3A_37 = arith.ori %or3A, %eq3A_36 : vector<256x2048xi1>
    %slice3A_38 = vector.extract_strided_slice %convert_element_type3A_17 {offsets = [0, 3], sizes = [256, 1], strides = [1, 1]} : vector<256x8xbf16> to vector<256x1xbf16>
    %slice3A_39 = vector.extract_strided_slice %convert_element_type3A_23 {offsets = [3, 0], sizes = [1, 2048], strides = [1, 1]} : vector<8x2048xbf16> to vector<1x2048xbf16>
    %eq3A_40 = vector.broadcast %slice3A_38 : vector<256x1xbf16> to vector<256x2048xbf16>
    %eq3A_41 = vector.broadcast %slice3A_39 : vector<1x2048xbf16> to vector<256x2048xbf16>
    %eq3A_42 = arith.cmpf oeq, %eq3A_40, %eq3A_41 : vector<256x2048xbf16>
    %or3A_43 = arith.ori %or3A_37, %eq3A_42 : vector<256x2048xi1>
    %slice3A_44 = vector.extract_strided_slice %convert_element_type3A_17 {offsets = [0, 4], sizes = [256, 1], strides = [1, 1]} : vector<256x8xbf16> to vector<256x1xbf16>
    %slice3A_45 = vector.extract_strided_slice %convert_element_type3A_23 {offsets = [4, 0], sizes = [1, 2048], strides = [1, 1]} : vector<8x2048xbf16> to vector<1x2048xbf16>
    %eq3A_46 = vector.broadcast %slice3A_44 : vector<256x1xbf16> to vector<256x2048xbf16>
    %eq3A_47 = vector.broadcast %slice3A_45 : vector<1x2048xbf16> to vector<256x2048xbf16>
    %eq3A_48 = arith.cmpf oeq, %eq3A_46, %eq3A_47 : vector<256x2048xbf16>
    %or3A_49 = arith.ori %or3A_43, %eq3A_48 : vector<256x2048xi1>
    %slice3A_50 = vector.extract_strided_slice %convert_element_type3A_17 {offsets = [0, 5], sizes = [256, 1], strides = [1, 1]} : vector<256x8xbf16> to vector<256x1xbf16>
    %slice3A_51 = vector.extract_strided_slice %convert_element_type3A_23 {offsets = [5, 0], sizes = [1, 2048], strides = [1, 1]} : vector<8x2048xbf16> to vector<1x2048xbf16>
    %eq3A_52 = vector.broadcast %slice3A_50 : vector<256x1xbf16> to vector<256x2048xbf16>
    %eq3A_53 = vector.broadcast %slice3A_51 : vector<1x2048xbf16> to vector<256x2048xbf16>
    %eq3A_54 = arith.cmpf oeq, %eq3A_52, %eq3A_53 : vector<256x2048xbf16>
    %or3A_55 = arith.ori %or3A_49, %eq3A_54 : vector<256x2048xi1>
    %slice3A_56 = vector.extract_strided_slice %convert_element_type3A_17 {offsets = [0, 6], sizes = [256, 1], strides = [1, 1]} : vector<256x8xbf16> to vector<256x1xbf16>
    %slice3A_57 = vector.extract_strided_slice %convert_element_type3A_23 {offsets = [6, 0], sizes = [1, 2048], strides = [1, 1]} : vector<8x2048xbf16> to vector<1x2048xbf16>
    %eq3A_58 = vector.broadcast %slice3A_56 : vector<256x1xbf16> to vector<256x2048xbf16>
    %eq3A_59 = vector.broadcast %slice3A_57 : vector<1x2048xbf16> to vector<256x2048xbf16>
    %eq3A_60 = arith.cmpf oeq, %eq3A_58, %eq3A_59 : vector<256x2048xbf16>
    %or3A_61 = arith.ori %or3A_55, %eq3A_60 : vector<256x2048xi1>
    %slice3A_62 = vector.extract_strided_slice %convert_element_type3A_17 {offsets = [0, 7], sizes = [256, 1], strides = [1, 1]} : vector<256x8xbf16> to vector<256x1xbf16>
    %slice3A_63 = vector.extract_strided_slice %convert_element_type3A_23 {offsets = [7, 0], sizes = [1, 2048], strides = [1, 1]} : vector<8x2048xbf16> to vector<1x2048xbf16>
    %eq3A_64 = vector.broadcast %slice3A_62 : vector<256x1xbf16> to vector<256x2048xbf16>
    %eq3A_65 = vector.broadcast %slice3A_63 : vector<1x2048xbf16> to vector<256x2048xbf16>
    %eq3A_66 = arith.cmpf oeq, %eq3A_64, %eq3A_65 : vector<256x2048xbf16>
    %or3A_67 = arith.ori %or3A_61, %eq3A_66 : vector<256x2048xi1>
    %convert_element_type3A_68 = arith.extui %or3A_67 : vector<256x2048xi1> to vector<256x2048xi32>
    %convert_element_type3A_69 = arith.sitofp %convert_element_type3A_68 : vector<256x2048xi32> to vector<256x2048xf32>
    %convert_element_type3A_70 = arith.truncf %convert_element_type3A_69 : vector<256x2048xf32> to vector<256x2048xbf16>
    %get3A_71 = arith.constant 0 : index
    %get3A_72 = arith.constant 0 : index
    %get3A_73 = vector.load %arg5[%get3A_71, %get3A_72] : memref<2048x64xbf16, #tpu.memory_space<vmem>>, vector<2048x64xbf16>
    %dot_general3A_74 = arith.constant dense<0.000000e+00> : vector<256x64xf32>
    %dot_general3A_75 = tpu.matmul %convert_element_type3A_70, %get3A_73, %dot_general3A_74 {dimension_numbers = #tpu.dot_dimension_numbers<[1], [0], [0], [1], [0, 0, 1, 1], [], []>, transpose_lhs_hint = false} : vector<256x2048xbf16>, vector<2048x64xbf16>, vector<256x64xf32> -> vector<256x64xf32>
    %convert_element_type3A_76 = arith.fptosi %dot_general3A_75 : vector<256x64xf32> to vector<256x64xi32>
    %get3A_77 = arith.constant 0 : index
    %get3A_78 = arith.constant 0 : index
    %get3A_79 = vector.load %arg6[%get3A_77, %get3A_78] : memref<2048x64xbf16, #tpu.memory_space<vmem>>, vector<2048x64xbf16>
    %dot_general3A_80 = arith.constant dense<0.000000e+00> : vector<256x64xf32>
    %dot_general3A_81 = tpu.matmul %convert_element_type3A_70, %get3A_79, %dot_general3A_80 {dimension_numbers = #tpu.dot_dimension_numbers<[1], [0], [0], [1], [0, 0, 1, 1], [], []>, transpose_lhs_hint = false} : vector<256x2048xbf16>, vector<2048x64xbf16>, vector<256x64xf32> -> vector<256x64xf32>
    %convert_element_type3A_82 = arith.fptosi %dot_general3A_81 : vector<256x64xf32> to vector<256x64xi32>
    %shift_left3A = arith.constant 16 : i32
    %shift_left3A_83 = vector.broadcast %shift_left3A : i32 to vector<256x64xi32>
    %shift_left3A_84 = arith.shli %convert_element_type3A_82, %shift_left3A_83 : vector<256x64xi32>
    %or3A_85 = arith.ori %convert_element_type3A_76, %shift_left3A_84 : vector<256x64xi32>
    %get3A_86 = arith.constant 0 : index
    %get3A_87 = arith.constant 0 : index
    %get3A_88 = vector.load %arg7[%get3A_86, %get3A_87] : memref<2048x32xbf16, #tpu.memory_space<vmem>>, vector<2048x32xbf16>
    %dot_general3A_89 = arith.constant dense<0.000000e+00> : vector<256x32xf32>
    %dot_general3A_90 = tpu.matmul %convert_element_type3A_70, %get3A_88, %dot_general3A_89 {dimension_numbers = #tpu.dot_dimension_numbers<[1], [0], [0], [1], [0, 0, 1, 1], [], []>, transpose_lhs_hint = false} : vector<256x2048xbf16>, vector<2048x32xbf16>, vector<256x32xf32> -> vector<256x32xf32>
    %min3A = arith.constant 6.400000e+01 : f32
    %min3A_91 = vector.broadcast %min3A : f32 to vector<256x32xf32>
    %min3A_92 = arith.minimumf %dot_general3A_90, %min3A_91 : vector<256x32xf32>
    %convert_element_type3A_93 = arith.fptosi %min3A_92 : vector<256x32xf32> to vector<256x32xi32>
    %get3A_94 = arith.constant 0 : index
    %get3A_95 = arith.constant 0 : index
    %get3A_96 = vector.load %arg8[%get3A_94, %get3A_95] : memref<2048x32xbf16, #tpu.memory_space<vmem>>, vector<2048x32xbf16>
    %dot_general3A_97 = arith.constant dense<0.000000e+00> : vector<256x32xf32>
    %dot_general3A_98 = tpu.matmul %convert_element_type3A_70, %get3A_96, %dot_general3A_97 {dimension_numbers = #tpu.dot_dimension_numbers<[1], [0], [0], [1], [0, 0, 1, 1], [], []>, transpose_lhs_hint = false} : vector<256x2048xbf16>, vector<2048x32xbf16>, vector<256x32xf32> -> vector<256x32xf32>
    %convert_element_type3A_99 = arith.fptosi %dot_general3A_98 : vector<256x32xf32> to vector<256x32xi32>
    %shift_left3A_100 = arith.constant 7 : i32
    %shift_left3A_101 = vector.broadcast %shift_left3A_100 : i32 to vector<256x32xi32>
    %shift_left3A_102 = arith.shli %convert_element_type3A_99, %shift_left3A_101 : vector<256x32xi32>
    %or3A_103 = arith.ori %convert_element_type3A_93, %shift_left3A_102 : vector<256x32xi32>
    %get3A_104 = arith.constant 0 : index
    %get3A_105 = arith.constant 0 : index
    %get3A_106 = vector.load %arg9[%get3A_104, %get3A_105] : memref<2048x1xbf16, #tpu.memory_space<vmem>>, vector<2048x1xbf16>
    %dot_general3A_107 = arith.constant dense<0.000000e+00> : vector<256x1xf32>
    %dot_general3A_108 = tpu.matmul %convert_element_type3A_70, %get3A_106, %dot_general3A_107 {dimension_numbers = #tpu.dot_dimension_numbers<[1], [0], [0], [1], [0, 0, 1, 1], [], []>, transpose_lhs_hint = false} : vector<256x2048xbf16>, vector<2048x1xbf16>, vector<256x1xf32> -> vector<256x1xf32>
    %min3A_109 = arith.constant 6.400000e+01 : f32
    %min3A_110 = vector.broadcast %min3A_109 : f32 to vector<256x1xf32>
    %min3A_111 = arith.minimumf %dot_general3A_108, %min3A_110 : vector<256x1xf32>
    %convert_element_type3A_112 = arith.fptosi %min3A_111 : vector<256x1xf32> to vector<256x1xi32>
    %min3A_113 = arith.constant 6.500000e+01 : f32
    %min3A_114 = vector.broadcast %min3A_113 : f32 to vector<256x32xf32>
    %min3A_115 = arith.minimumf %dot_general3A_90, %min3A_114 : vector<256x32xf32>
    %iota3A = tpu.iota {dimensions = array<i32: 1>} : vector<1x64xi32>
    %convert_element_type3A_116 = arith.sitofp %iota3A : vector<1x64xi32> to vector<1x64xf32>
    %broadcast_in_dim3A = arith.constant 0.000000e+00 : f32
    %broadcast_in_dim3A_117 = vector.broadcast %broadcast_in_dim3A : f32 to vector<256x64xf32>
    %slice3A_118 = vector.extract_strided_slice %min3A_115 {offsets = [0, 0], sizes = [256, 1], strides = [1, 1]} : vector<256x32xf32> to vector<256x1xf32>
    %le3A = vector.broadcast %slice3A_118 : vector<256x1xf32> to vector<256x64xf32>
    %le3A_119 = vector.broadcast %convert_element_type3A_116 : vector<1x64xf32> to vector<256x64xf32>
    %le3A_120 = arith.cmpf ole, %le3A, %le3A_119 : vector<256x64xf32>
    %convert_element_type3A_121 = arith.extui %le3A_120 : vector<256x64xi1> to vector<256x64xi32>
    %convert_element_type3A_122 = arith.sitofp %convert_element_type3A_121 : vector<256x64xi32> to vector<256x64xf32>
    %add3A = arith.addf %broadcast_in_dim3A_117, %convert_element_type3A_122 : vector<256x64xf32>
    %slice3A_123 = vector.extract_strided_slice %min3A_115 {offsets = [0, 1], sizes = [256, 1], strides = [1, 1]} : vector<256x32xf32> to vector<256x1xf32>
    %le3A_124 = vector.broadcast %slice3A_123 : vector<256x1xf32> to vector<256x64xf32>
    %le3A_125 = vector.broadcast %convert_element_type3A_116 : vector<1x64xf32> to vector<256x64xf32>
    %le3A_126 = arith.cmpf ole, %le3A_124, %le3A_125 : vector<256x64xf32>
    %convert_element_type3A_127 = arith.extui %le3A_126 : vector<256x64xi1> to vector<256x64xi32>
    %convert_element_type3A_128 = arith.sitofp %convert_element_type3A_127 : vector<256x64xi32> to vector<256x64xf32>
    %add3A_129 = arith.addf %add3A, %convert_element_type3A_128 : vector<256x64xf32>
    %slice3A_130 = vector.extract_strided_slice %min3A_115 {offsets = [0, 2], sizes = [256, 1], strides = [1, 1]} : vector<256x32xf32> to vector<256x1xf32>
    %le3A_131 = vector.broadcast %slice3A_130 : vector<256x1xf32> to vector<256x64xf32>
    %le3A_132 = vector.broadcast %convert_element_type3A_116 : vector<1x64xf32> to vector<256x64xf32>
    %le3A_133 = arith.cmpf ole, %le3A_131, %le3A_132 : vector<256x64xf32>
    %convert_element_type3A_134 = arith.extui %le3A_133 : vector<256x64xi1> to vector<256x64xi32>
    %convert_element_type3A_135 = arith.sitofp %convert_element_type3A_134 : vector<256x64xi32> to vector<256x64xf32>
    %add3A_136 = arith.addf %add3A_129, %convert_element_type3A_135 : vector<256x64xf32>
    %slice3A_137 = vector.extract_strided_slice %min3A_115 {offsets = [0, 3], sizes = [256, 1], strides = [1, 1]} : vector<256x32xf32> to vector<256x1xf32>
    %le3A_138 = vector.broadcast %slice3A_137 : vector<256x1xf32> to vector<256x64xf32>
    %le3A_139 = vector.broadcast %convert_element_type3A_116 : vector<1x64xf32> to vector<256x64xf32>
    %le3A_140 = arith.cmpf ole, %le3A_138, %le3A_139 : vector<256x64xf32>
    %convert_element_type3A_141 = arith.extui %le3A_140 : vector<256x64xi1> to vector<256x64xi32>
    %convert_element_type3A_142 = arith.sitofp %convert_element_type3A_141 : vector<256x64xi32> to vector<256x64xf32>
    %add3A_143 = arith.addf %add3A_136, %convert_element_type3A_142 : vector<256x64xf32>
    %slice3A_144 = vector.extract_strided_slice %min3A_115 {offsets = [0, 4], sizes = [256, 1], strides = [1, 1]} : vector<256x32xf32> to vector<256x1xf32>
    %le3A_145 = vector.broadcast %slice3A_144 : vector<256x1xf32> to vector<256x64xf32>
    %le3A_146 = vector.broadcast %convert_element_type3A_116 : vector<1x64xf32> to vector<256x64xf32>
    %le3A_147 = arith.cmpf ole, %le3A_145, %le3A_146 : vector<256x64xf32>
    %convert_element_type3A_148 = arith.extui %le3A_147 : vector<256x64xi1> to vector<256x64xi32>
    %convert_element_type3A_149 = arith.sitofp %convert_element_type3A_148 : vector<256x64xi32> to vector<256x64xf32>
    %add3A_150 = arith.addf %add3A_143, %convert_element_type3A_149 : vector<256x64xf32>
    %slice3A_151 = vector.extract_strided_slice %min3A_115 {offsets = [0, 5], sizes = [256, 1], strides = [1, 1]} : vector<256x32xf32> to vector<256x1xf32>
    %le3A_152 = vector.broadcast %slice3A_151 : vector<256x1xf32> to vector<256x64xf32>
    %le3A_153 = vector.broadcast %convert_element_type3A_116 : vector<1x64xf32> to vector<256x64xf32>
    %le3A_154 = arith.cmpf ole, %le3A_152, %le3A_153 : vector<256x64xf32>
    %convert_element_type3A_155 = arith.extui %le3A_154 : vector<256x64xi1> to vector<256x64xi32>
    %convert_element_type3A_156 = arith.sitofp %convert_element_type3A_155 : vector<256x64xi32> to vector<256x64xf32>
    %add3A_157 = arith.addf %add3A_150, %convert_element_type3A_156 : vector<256x64xf32>
    %slice3A_158 = vector.extract_strided_slice %min3A_115 {offsets = [0, 6], sizes = [256, 1], strides = [1, 1]} : vector<256x32xf32> to vector<256x1xf32>
    %le3A_159 = vector.broadcast %slice3A_158 : vector<256x1xf32> to vector<256x64xf32>
    %le3A_160 = vector.broadcast %convert_element_type3A_116 : vector<1x64xf32> to vector<256x64xf32>
    %le3A_161 = arith.cmpf ole, %le3A_159, %le3A_160 : vector<256x64xf32>
    %convert_element_type3A_162 = arith.extui %le3A_161 : vector<256x64xi1> to vector<256x64xi32>
    %convert_element_type3A_163 = arith.sitofp %convert_element_type3A_162 : vector<256x64xi32> to vector<256x64xf32>
    %add3A_164 = arith.addf %add3A_157, %convert_element_type3A_163 : vector<256x64xf32>
    %slice3A_165 = vector.extract_strided_slice %min3A_115 {offsets = [0, 7], sizes = [256, 1], strides = [1, 1]} : vector<256x32xf32> to vector<256x1xf32>
    %le3A_166 = vector.broadcast %slice3A_165 : vector<256x1xf32> to vector<256x64xf32>
    %le3A_167 = vector.broadcast %convert_element_type3A_116 : vector<1x64xf32> to vector<256x64xf32>
    %le3A_168 = arith.cmpf ole, %le3A_166, %le3A_167 : vector<256x64xf32>
    %convert_element_type3A_169 = arith.extui %le3A_168 : vector<256x64xi1> to vector<256x64xi32>
    %convert_element_type3A_170 = arith.sitofp %convert_element_type3A_169 : vector<256x64xi32> to vector<256x64xf32>
    %add3A_171 = arith.addf %add3A_164, %convert_element_type3A_170 : vector<256x64xf32>
    %slice3A_172 = vector.extract_strided_slice %min3A_115 {offsets = [0, 8], sizes = [256, 1], strides = [1, 1]} : vector<256x32xf32> to vector<256x1xf32>
    %le3A_173 = vector.broadcast %slice3A_172 : vector<256x1xf32> to vector<256x64xf32>
    %le3A_174 = vector.broadcast %convert_element_type3A_116 : vector<1x64xf32> to vector<256x64xf32>
    %le3A_175 = arith.cmpf ole, %le3A_173, %le3A_174 : vector<256x64xf32>
    %convert_element_type3A_176 = arith.extui %le3A_175 : vector<256x64xi1> to vector<256x64xi32>
    %convert_element_type3A_177 = arith.sitofp %convert_element_type3A_176 : vector<256x64xi32> to vector<256x64xf32>
    %add3A_178 = arith.addf %add3A_171, %convert_element_type3A_177 : vector<256x64xf32>
    %slice3A_179 = vector.extract_strided_slice %min3A_115 {offsets = [0, 9], sizes = [256, 1], strides = [1, 1]} : vector<256x32xf32> to vector<256x1xf32>
    %le3A_180 = vector.broadcast %slice3A_179 : vector<256x1xf32> to vector<256x64xf32>
    %le3A_181 = vector.broadcast %convert_element_type3A_116 : vector<1x64xf32> to vector<256x64xf32>
    %le3A_182 = arith.cmpf ole, %le3A_180, %le3A_181 : vector<256x64xf32>
    %convert_element_type3A_183 = arith.extui %le3A_182 : vector<256x64xi1> to vector<256x64xi32>
    %convert_element_type3A_184 = arith.sitofp %convert_element_type3A_183 : vector<256x64xi32> to vector<256x64xf32>
    %add3A_185 = arith.addf %add3A_178, %convert_element_type3A_184 : vector<256x64xf32>
    %slice3A_186 = vector.extract_strided_slice %min3A_115 {offsets = [0, 10], sizes = [256, 1], strides = [1, 1]} : vector<256x32xf32> to vector<256x1xf32>
    %le3A_187 = vector.broadcast %slice3A_186 : vector<256x1xf32> to vector<256x64xf32>
    %le3A_188 = vector.broadcast %convert_element_type3A_116 : vector<1x64xf32> to vector<256x64xf32>
    %le3A_189 = arith.cmpf ole, %le3A_187, %le3A_188 : vector<256x64xf32>
    %convert_element_type3A_190 = arith.extui %le3A_189 : vector<256x64xi1> to vector<256x64xi32>
    %convert_element_type3A_191 = arith.sitofp %convert_element_type3A_190 : vector<256x64xi32> to vector<256x64xf32>
    %add3A_192 = arith.addf %add3A_185, %convert_element_type3A_191 : vector<256x64xf32>
    %slice3A_193 = vector.extract_strided_slice %min3A_115 {offsets = [0, 11], sizes = [256, 1], strides = [1, 1]} : vector<256x32xf32> to vector<256x1xf32>
    %le3A_194 = vector.broadcast %slice3A_193 : vector<256x1xf32> to vector<256x64xf32>
    %le3A_195 = vector.broadcast %convert_element_type3A_116 : vector<1x64xf32> to vector<256x64xf32>
    %le3A_196 = arith.cmpf ole, %le3A_194, %le3A_195 : vector<256x64xf32>
    %convert_element_type3A_197 = arith.extui %le3A_196 : vector<256x64xi1> to vector<256x64xi32>
    %convert_element_type3A_198 = arith.sitofp %convert_element_type3A_197 : vector<256x64xi32> to vector<256x64xf32>
    %add3A_199 = arith.addf %add3A_192, %convert_element_type3A_198 : vector<256x64xf32>
    %slice3A_200 = vector.extract_strided_slice %min3A_115 {offsets = [0, 12], sizes = [256, 1], strides = [1, 1]} : vector<256x32xf32> to vector<256x1xf32>
    %le3A_201 = vector.broadcast %slice3A_200 : vector<256x1xf32> to vector<256x64xf32>
    %le3A_202 = vector.broadcast %convert_element_type3A_116 : vector<1x64xf32> to vector<256x64xf32>
    %le3A_203 = arith.cmpf ole, %le3A_201, %le3A_202 : vector<256x64xf32>
    %convert_element_type3A_204 = arith.extui %le3A_203 : vector<256x64xi1> to vector<256x64xi32>
    %convert_element_type3A_205 = arith.sitofp %convert_element_type3A_204 : vector<256x64xi32> to vector<256x64xf32>
    %add3A_206 = arith.addf %add3A_199, %convert_element_type3A_205 : vector<256x64xf32>
    %slice3A_207 = vector.extract_strided_slice %min3A_115 {offsets = [0, 13], sizes = [256, 1], strides = [1, 1]} : vector<256x32xf32> to vector<256x1xf32>
    %le3A_208 = vector.broadcast %slice3A_207 : vector<256x1xf32> to vector<256x64xf32>
    %le3A_209 = vector.broadcast %convert_element_type3A_116 : vector<1x64xf32> to vector<256x64xf32>
    %le3A_210 = arith.cmpf ole, %le3A_208, %le3A_209 : vector<256x64xf32>
    %convert_element_type3A_211 = arith.extui %le3A_210 : vector<256x64xi1> to vector<256x64xi32>
    %convert_element_type3A_212 = arith.sitofp %convert_element_type3A_211 : vector<256x64xi32> to vector<256x64xf32>
    %add3A_213 = arith.addf %add3A_206, %convert_element_type3A_212 : vector<256x64xf32>
    %slice3A_214 = vector.extract_strided_slice %min3A_115 {offsets = [0, 14], sizes = [256, 1], strides = [1, 1]} : vector<256x32xf32> to vector<256x1xf32>
    %le3A_215 = vector.broadcast %slice3A_214 : vector<256x1xf32> to vector<256x64xf32>
    %le3A_216 = vector.broadcast %convert_element_type3A_116 : vector<1x64xf32> to vector<256x64xf32>
    %le3A_217 = arith.cmpf ole, %le3A_215, %le3A_216 : vector<256x64xf32>
    %convert_element_type3A_218 = arith.extui %le3A_217 : vector<256x64xi1> to vector<256x64xi32>
    %convert_element_type3A_219 = arith.sitofp %convert_element_type3A_218 : vector<256x64xi32> to vector<256x64xf32>
    %add3A_220 = arith.addf %add3A_213, %convert_element_type3A_219 : vector<256x64xf32>
    %slice3A_221 = vector.extract_strided_slice %min3A_115 {offsets = [0, 15], sizes = [256, 1], strides = [1, 1]} : vector<256x32xf32> to vector<256x1xf32>
    %le3A_222 = vector.broadcast %slice3A_221 : vector<256x1xf32> to vector<256x64xf32>
    %le3A_223 = vector.broadcast %convert_element_type3A_116 : vector<1x64xf32> to vector<256x64xf32>
    %le3A_224 = arith.cmpf ole, %le3A_222, %le3A_223 : vector<256x64xf32>
    %convert_element_type3A_225 = arith.extui %le3A_224 : vector<256x64xi1> to vector<256x64xi32>
    %convert_element_type3A_226 = arith.sitofp %convert_element_type3A_225 : vector<256x64xi32> to vector<256x64xf32>
    %add3A_227 = arith.addf %add3A_220, %convert_element_type3A_226 : vector<256x64xf32>
    %slice3A_228 = vector.extract_strided_slice %min3A_115 {offsets = [0, 16], sizes = [256, 1], strides = [1, 1]} : vector<256x32xf32> to vector<256x1xf32>
    %le3A_229 = vector.broadcast %slice3A_228 : vector<256x1xf32> to vector<256x64xf32>
    %le3A_230 = vector.broadcast %convert_element_type3A_116 : vector<1x64xf32> to vector<256x64xf32>
    %le3A_231 = arith.cmpf ole, %le3A_229, %le3A_230 : vector<256x64xf32>
    %convert_element_type3A_232 = arith.extui %le3A_231 : vector<256x64xi1> to vector<256x64xi32>
    %convert_element_type3A_233 = arith.sitofp %convert_element_type3A_232 : vector<256x64xi32> to vector<256x64xf32>
    %add3A_234 = arith.addf %add3A_227, %convert_element_type3A_233 : vector<256x64xf32>
    %slice3A_235 = vector.extract_strided_slice %min3A_115 {offsets = [0, 17], sizes = [256, 1], strides = [1, 1]} : vector<256x32xf32> to vector<256x1xf32>
    %le3A_236 = vector.broadcast %slice3A_235 : vector<256x1xf32> to vector<256x64xf32>
    %le3A_237 = vector.broadcast %convert_element_type3A_116 : vector<1x64xf32> to vector<256x64xf32>
    %le3A_238 = arith.cmpf ole, %le3A_236, %le3A_237 : vector<256x64xf32>
    %convert_element_type3A_239 = arith.extui %le3A_238 : vector<256x64xi1> to vector<256x64xi32>
    %convert_element_type3A_240 = arith.sitofp %convert_element_type3A_239 : vector<256x64xi32> to vector<256x64xf32>
    %add3A_241 = arith.addf %add3A_234, %convert_element_type3A_240 : vector<256x64xf32>
    %slice3A_242 = vector.extract_strided_slice %min3A_115 {offsets = [0, 18], sizes = [256, 1], strides = [1, 1]} : vector<256x32xf32> to vector<256x1xf32>
    %le3A_243 = vector.broadcast %slice3A_242 : vector<256x1xf32> to vector<256x64xf32>
    %le3A_244 = vector.broadcast %convert_element_type3A_116 : vector<1x64xf32> to vector<256x64xf32>
    %le3A_245 = arith.cmpf ole, %le3A_243, %le3A_244 : vector<256x64xf32>
    %convert_element_type3A_246 = arith.extui %le3A_245 : vector<256x64xi1> to vector<256x64xi32>
    %convert_element_type3A_247 = arith.sitofp %convert_element_type3A_246 : vector<256x64xi32> to vector<256x64xf32>
    %add3A_248 = arith.addf %add3A_241, %convert_element_type3A_247 : vector<256x64xf32>
    %slice3A_249 = vector.extract_strided_slice %min3A_115 {offsets = [0, 19], sizes = [256, 1], strides = [1, 1]} : vector<256x32xf32> to vector<256x1xf32>
    %le3A_250 = vector.broadcast %slice3A_249 : vector<256x1xf32> to vector<256x64xf32>
    %le3A_251 = vector.broadcast %convert_element_type3A_116 : vector<1x64xf32> to vector<256x64xf32>
    %le3A_252 = arith.cmpf ole, %le3A_250, %le3A_251 : vector<256x64xf32>
    %convert_element_type3A_253 = arith.extui %le3A_252 : vector<256x64xi1> to vector<256x64xi32>
    %convert_element_type3A_254 = arith.sitofp %convert_element_type3A_253 : vector<256x64xi32> to vector<256x64xf32>
    %add3A_255 = arith.addf %add3A_248, %convert_element_type3A_254 : vector<256x64xf32>
    %slice3A_256 = vector.extract_strided_slice %min3A_115 {offsets = [0, 20], sizes = [256, 1], strides = [1, 1]} : vector<256x32xf32> to vector<256x1xf32>
    %le3A_257 = vector.broadcast %slice3A_256 : vector<256x1xf32> to vector<256x64xf32>
    %le3A_258 = vector.broadcast %convert_element_type3A_116 : vector<1x64xf32> to vector<256x64xf32>
    %le3A_259 = arith.cmpf ole, %le3A_257, %le3A_258 : vector<256x64xf32>
    %convert_element_type3A_260 = arith.extui %le3A_259 : vector<256x64xi1> to vector<256x64xi32>
    %convert_element_type3A_261 = arith.sitofp %convert_element_type3A_260 : vector<256x64xi32> to vector<256x64xf32>
    %add3A_262 = arith.addf %add3A_255, %convert_element_type3A_261 : vector<256x64xf32>
    %slice3A_263 = vector.extract_strided_slice %min3A_115 {offsets = [0, 21], sizes = [256, 1], strides = [1, 1]} : vector<256x32xf32> to vector<256x1xf32>
    %le3A_264 = vector.broadcast %slice3A_263 : vector<256x1xf32> to vector<256x64xf32>
    %le3A_265 = vector.broadcast %convert_element_type3A_116 : vector<1x64xf32> to vector<256x64xf32>
    %le3A_266 = arith.cmpf ole, %le3A_264, %le3A_265 : vector<256x64xf32>
    %convert_element_type3A_267 = arith.extui %le3A_266 : vector<256x64xi1> to vector<256x64xi32>
    %convert_element_type3A_268 = arith.sitofp %convert_element_type3A_267 : vector<256x64xi32> to vector<256x64xf32>
    %add3A_269 = arith.addf %add3A_262, %convert_element_type3A_268 : vector<256x64xf32>
    %slice3A_270 = vector.extract_strided_slice %min3A_115 {offsets = [0, 22], sizes = [256, 1], strides = [1, 1]} : vector<256x32xf32> to vector<256x1xf32>
    %le3A_271 = vector.broadcast %slice3A_270 : vector<256x1xf32> to vector<256x64xf32>
    %le3A_272 = vector.broadcast %convert_element_type3A_116 : vector<1x64xf32> to vector<256x64xf32>
    %le3A_273 = arith.cmpf ole, %le3A_271, %le3A_272 : vector<256x64xf32>
    %convert_element_type3A_274 = arith.extui %le3A_273 : vector<256x64xi1> to vector<256x64xi32>
    %convert_element_type3A_275 = arith.sitofp %convert_element_type3A_274 : vector<256x64xi32> to vector<256x64xf32>
    %add3A_276 = arith.addf %add3A_269, %convert_element_type3A_275 : vector<256x64xf32>
    %slice3A_277 = vector.extract_strided_slice %min3A_115 {offsets = [0, 23], sizes = [256, 1], strides = [1, 1]} : vector<256x32xf32> to vector<256x1xf32>
    %le3A_278 = vector.broadcast %slice3A_277 : vector<256x1xf32> to vector<256x64xf32>
    %le3A_279 = vector.broadcast %convert_element_type3A_116 : vector<1x64xf32> to vector<256x64xf32>
    %le3A_280 = arith.cmpf ole, %le3A_278, %le3A_279 : vector<256x64xf32>
    %convert_element_type3A_281 = arith.extui %le3A_280 : vector<256x64xi1> to vector<256x64xi32>
    %convert_element_type3A_282 = arith.sitofp %convert_element_type3A_281 : vector<256x64xi32> to vector<256x64xf32>
    %add3A_283 = arith.addf %add3A_276, %convert_element_type3A_282 : vector<256x64xf32>
    %slice3A_284 = vector.extract_strided_slice %min3A_115 {offsets = [0, 24], sizes = [256, 1], strides = [1, 1]} : vector<256x32xf32> to vector<256x1xf32>
    %le3A_285 = vector.broadcast %slice3A_284 : vector<256x1xf32> to vector<256x64xf32>
    %le3A_286 = vector.broadcast %convert_element_type3A_116 : vector<1x64xf32> to vector<256x64xf32>
    %le3A_287 = arith.cmpf ole, %le3A_285, %le3A_286 : vector<256x64xf32>
    %convert_element_type3A_288 = arith.extui %le3A_287 : vector<256x64xi1> to vector<256x64xi32>
    %convert_element_type3A_289 = arith.sitofp %convert_element_type3A_288 : vector<256x64xi32> to vector<256x64xf32>
    %add3A_290 = arith.addf %add3A_283, %convert_element_type3A_289 : vector<256x64xf32>
    %slice3A_291 = vector.extract_strided_slice %min3A_115 {offsets = [0, 25], sizes = [256, 1], strides = [1, 1]} : vector<256x32xf32> to vector<256x1xf32>
    %le3A_292 = vector.broadcast %slice3A_291 : vector<256x1xf32> to vector<256x64xf32>
    %le3A_293 = vector.broadcast %convert_element_type3A_116 : vector<1x64xf32> to vector<256x64xf32>
    %le3A_294 = arith.cmpf ole, %le3A_292, %le3A_293 : vector<256x64xf32>
    %convert_element_type3A_295 = arith.extui %le3A_294 : vector<256x64xi1> to vector<256x64xi32>
    %convert_element_type3A_296 = arith.sitofp %convert_element_type3A_295 : vector<256x64xi32> to vector<256x64xf32>
    %add3A_297 = arith.addf %add3A_290, %convert_element_type3A_296 : vector<256x64xf32>
    %slice3A_298 = vector.extract_strided_slice %min3A_115 {offsets = [0, 26], sizes = [256, 1], strides = [1, 1]} : vector<256x32xf32> to vector<256x1xf32>
    %le3A_299 = vector.broadcast %slice3A_298 : vector<256x1xf32> to vector<256x64xf32>
    %le3A_300 = vector.broadcast %convert_element_type3A_116 : vector<1x64xf32> to vector<256x64xf32>
    %le3A_301 = arith.cmpf ole, %le3A_299, %le3A_300 : vector<256x64xf32>
    %convert_element_type3A_302 = arith.extui %le3A_301 : vector<256x64xi1> to vector<256x64xi32>
    %convert_element_type3A_303 = arith.sitofp %convert_element_type3A_302 : vector<256x64xi32> to vector<256x64xf32>
    %add3A_304 = arith.addf %add3A_297, %convert_element_type3A_303 : vector<256x64xf32>
    %slice3A_305 = vector.extract_strided_slice %min3A_115 {offsets = [0, 27], sizes = [256, 1], strides = [1, 1]} : vector<256x32xf32> to vector<256x1xf32>
    %le3A_306 = vector.broadcast %slice3A_305 : vector<256x1xf32> to vector<256x64xf32>
    %le3A_307 = vector.broadcast %convert_element_type3A_116 : vector<1x64xf32> to vector<256x64xf32>
    %le3A_308 = arith.cmpf ole, %le3A_306, %le3A_307 : vector<256x64xf32>
    %convert_element_type3A_309 = arith.extui %le3A_308 : vector<256x64xi1> to vector<256x64xi32>
    %convert_element_type3A_310 = arith.sitofp %convert_element_type3A_309 : vector<256x64xi32> to vector<256x64xf32>
    %add3A_311 = arith.addf %add3A_304, %convert_element_type3A_310 : vector<256x64xf32>
    %slice3A_312 = vector.extract_strided_slice %min3A_115 {offsets = [0, 28], sizes = [256, 1], strides = [1, 1]} : vector<256x32xf32> to vector<256x1xf32>
    %le3A_313 = vector.broadcast %slice3A_312 : vector<256x1xf32> to vector<256x64xf32>
    %le3A_314 = vector.broadcast %convert_element_type3A_116 : vector<1x64xf32> to vector<256x64xf32>
    %le3A_315 = arith.cmpf ole, %le3A_313, %le3A_314 : vector<256x64xf32>
    %convert_element_type3A_316 = arith.extui %le3A_315 : vector<256x64xi1> to vector<256x64xi32>
    %convert_element_type3A_317 = arith.sitofp %convert_element_type3A_316 : vector<256x64xi32> to vector<256x64xf32>
    %add3A_318 = arith.addf %add3A_311, %convert_element_type3A_317 : vector<256x64xf32>
    %slice3A_319 = vector.extract_strided_slice %min3A_115 {offsets = [0, 29], sizes = [256, 1], strides = [1, 1]} : vector<256x32xf32> to vector<256x1xf32>
    %le3A_320 = vector.broadcast %slice3A_319 : vector<256x1xf32> to vector<256x64xf32>
    %le3A_321 = vector.broadcast %convert_element_type3A_116 : vector<1x64xf32> to vector<256x64xf32>
    %le3A_322 = arith.cmpf ole, %le3A_320, %le3A_321 : vector<256x64xf32>
    %convert_element_type3A_323 = arith.extui %le3A_322 : vector<256x64xi1> to vector<256x64xi32>
    %convert_element_type3A_324 = arith.sitofp %convert_element_type3A_323 : vector<256x64xi32> to vector<256x64xf32>
    %add3A_325 = arith.addf %add3A_318, %convert_element_type3A_324 : vector<256x64xf32>
    %slice3A_326 = vector.extract_strided_slice %min3A_115 {offsets = [0, 30], sizes = [256, 1], strides = [1, 1]} : vector<256x32xf32> to vector<256x1xf32>
    %le3A_327 = vector.broadcast %slice3A_326 : vector<256x1xf32> to vector<256x64xf32>
    %le3A_328 = vector.broadcast %convert_element_type3A_116 : vector<1x64xf32> to vector<256x64xf32>
    %le3A_329 = arith.cmpf ole, %le3A_327, %le3A_328 : vector<256x64xf32>
    %convert_element_type3A_330 = arith.extui %le3A_329 : vector<256x64xi1> to vector<256x64xi32>
    %convert_element_type3A_331 = arith.sitofp %convert_element_type3A_330 : vector<256x64xi32> to vector<256x64xf32>
    %add3A_332 = arith.addf %add3A_325, %convert_element_type3A_331 : vector<256x64xf32>
    %slice3A_333 = vector.extract_strided_slice %min3A_115 {offsets = [0, 31], sizes = [256, 1], strides = [1, 1]} : vector<256x32xf32> to vector<256x1xf32>
    %le3A_334 = vector.broadcast %slice3A_333 : vector<256x1xf32> to vector<256x64xf32>
    %le3A_335 = vector.broadcast %convert_element_type3A_116 : vector<1x64xf32> to vector<256x64xf32>
    %le3A_336 = arith.cmpf ole, %le3A_334, %le3A_335 : vector<256x64xf32>
    %convert_element_type3A_337 = arith.extui %le3A_336 : vector<256x64xi1> to vector<256x64xi32>
    %convert_element_type3A_338 = arith.sitofp %convert_element_type3A_337 : vector<256x64xi32> to vector<256x64xf32>
    %add3A_339 = arith.addf %add3A_332, %convert_element_type3A_338 : vector<256x64xf32>
    %broadcast_in_dim3A_340 = arith.constant 0 : i32
    %broadcast_in_dim3A_341 = vector.broadcast %broadcast_in_dim3A_340 : i32 to vector<256x32xi32>
    %concatenate3A = tpu.concatenate %or3A_85, %or3A_103, %broadcast_in_dim3A_341 in 1 : vector<256x64xi32>, vector<256x32xi32>, vector<256x32xi32> -> vector<256x128xi32>
    %convert_element_type3A_342 = arith.fptosi %add3A_339 : vector<256x64xf32> to vector<256x64xi32>
    %broadcast_in_dim3A_343 = arith.constant 0 : i32
    %broadcast_in_dim3A_344 = vector.broadcast %broadcast_in_dim3A_343 : i32 to vector<256x63xi32>
    %concatenate3A_345 = tpu.concatenate %convert_element_type3A_342, %convert_element_type3A_112, %broadcast_in_dim3A_344 in 1 : vector<256x64xi32>, vector<256x1xi32>, vector<256x63xi32> -> vector<256x128xi32>
    %swap3A = arith.constant 0 : index
    %swap3A_346 = arith.constant 0 : index
    %swap3A_347 = vector.load %arg10[%swap3A, %swap3A_346] : memref<256x256xi32, #tpu.memory_space<vmem>>, vector<256x128xi32>
    tpu.vector_store %arg10[%swap3A, %swap3A_346], %concatenate3A {strides = array<i32>} : memref<256x256xi32, #tpu.memory_space<vmem>>, vector<256x128xi32>,
    %swap3A_348 = arith.constant 0 : index
    %swap3A_349 = arith.constant 128 : index
    %swap3A_350 = vector.load %arg10[%swap3A_348, %swap3A_349] : memref<256x256xi32, #tpu.memory_space<vmem>>, vector<256x128xi32>
    tpu.vector_store %arg10[%swap3A_348, %swap3A_349], %concatenate3A_345 {strides = array<i32>} : memref<256x256xi32, #tpu.memory_space<vmem>>, vector<256x128xi32>,
    return
  }
  func.func @transform_0(%arg0: i32) -> (i32, i32) {
    %c0_i32 = arith.constant 0 : i32
    %c0_i32_0 = arith.constant 0 : i32
    return %arg0, %c0_i32 : i32, i32
  }
  func.func @transform_1(%arg0: i32) -> (i32, i32) {
    %c0_i32 = arith.constant 0 : i32
    %c0_i32_0 = arith.constant 0 : i32
    %c0_i32_1 = arith.constant 0 : i32
    return %c0_i32, %c0_i32_0 : i32, i32
  }
  func.func @transform_2(%arg0: i32) -> (i32, i32) {
    %c0_i32 = arith.constant 0 : i32
    %c0_i32_0 = arith.constant 0 : i32
    %c0_i32_1 = arith.constant 0 : i32
    return %c0_i32, %c0_i32_0 : i32, i32
  }
  func.func @transform_3(%arg0: i32) -> (i32, i32) {
    %c0_i32 = arith.constant 0 : i32
    %c0_i32_0 = arith.constant 0 : i32
    %c0_i32_1 = arith.constant 0 : i32
    return %c0_i32, %c0_i32_0 : i32, i32
  }
  func.func @transform_4(%arg0: i32) -> (i32, i32) {
    %c0_i32 = arith.constant 0 : i32
    %c0_i32_0 = arith.constant 0 : i32
    %c0_i32_1 = arith.constant 0 : i32
    return %c0_i32, %c0_i32_0 : i32, i32
  }
  func.func @transform_5(%arg0: i32) -> (i32, i32) {
    %c0_i32 = arith.constant 0 : i32
    %c0_i32_0 = arith.constant 0 : i32
    %c0_i32_1 = arith.constant 0 : i32
    return %c0_i32, %c0_i32_0 : i32, i32
  }
  func.func @transform_6(%arg0: i32) -> (i32, i32) {
    %c0_i32 = arith.constant 0 : i32
    %c0_i32_0 = arith.constant 0 : i32
    %c0_i32_1 = arith.constant 0 : i32
    return %c0_i32, %c0_i32_0 : i32, i32
  }
  func.func @transform_7(%arg0: i32) -> (i32, i32) {
    %c0_i32 = arith.constant 0 : i32
    %c0_i32_0 = arith.constant 0 : i32
    %c0_i32_1 = arith.constant 0 : i32
    return %c0_i32, %c0_i32_0 : i32, i32
  }
  func.func @transform_8(%arg0: i32) -> (i32, i32) {
    %c0_i32 = arith.constant 0 : i32
    %c0_i32_0 = arith.constant 0 : i32
    %c0_i32_1 = arith.constant 0 : i32
    return %c0_i32, %c0_i32_0 : i32, i32
  }
  func.func @transform_9(%arg0: i32) -> (i32, i32) {
    %c0_i32 = arith.constant 0 : i32
    %c0_i32_0 = arith.constant 0 : i32
    return %arg0, %c0_i32 : i32, i32
  }
}

</mosaic_0001>

<sc_bundles>
// kernel: kernel.6.cloned.1.call-start
scs
__scs_entry_jumppad:
0x0: {  	(pc) =	sbr.rel $0x88, $3  }
0x1: {  	(tag) =	ssettag $0x0;
	lr =	simm.s32 $0x1  }
0x2: {  	[smem:$0x3F9F] =	sst lr;
	_ =	strace $0xD0000000  }
0x3: {  	_ = 	snop  }
0x4: {  	_ = 	snop  }
0x5: {  	_ = 	snop  }
0x6: {  	_ = 	snop  }
0x7: {  	_ = 	snop  }
__scs_overlays_trampoline_lowered:
0x8: {  	[smem:$0x3FAE] =	sst s0  }
0x9: {  	[smem:$0x3FAF] =	sst s1  }
0xa: {  	[smem:$0x3FB0] =	sst s2  }
0xb: {  	[smem:$0x3FB1] =	sst s3  }
0xc: {  	[smem:$0x3FB2] =	sst s4  }
0xd: {  	[smem:$0x3FB3] =	sst s5  }
0xe: {  	[smem:$0x3FB4] =	sst s6  }
0xf: {  	[smem:$0x3FB5] =	sst s7  }
0x10: {  	[smem:$0x3FB6] =	sst s8  }
0x11: {  	[smem:$0x3FB7] =	sst s9;
	s0 =	simm.s32 @!p0 $0x0  }
0x12: {  	s1 =	sld [smem:$0x3F9D];
	s0 =	simm.s32 @p0 $0x1  }
0x13: {  	[smem:$0x3FB8] =	sst s0;
	s0 =	simm.s32 @!p1 $0x0  }
0x14: {  	s2 =	sld [smem:$0x3F9C];
	s0 =	simm.s32 @p1 $0x1  }
0x15: {  	[smem:$0x3FB9] =	sst s0;
	s0 =	simm.s32 @!p2 $0x0  }
0x16: {  	s3 =	sld [smem:$0x3FDB];
	s0 =	simm.s32 @p2 $0x1  }
0x17: {  	s4 =	simm.s32 $0x1BF5;
	[smem:$0x3FBB] =	sst s0  }
0x18: {  	s0 =	sld [smem:$0x3F9E];
	_ =	swait.ge [sflag:s4], $0x0  }
0x19: {  	s7 =	sld [smem:$0x3F9F]  }
0x1a: {  	s8 =	sadd.s32 $0xFFFFE003, lr  }
0x1b: {  	s9 =	sadd.s32 $0xFFFFFEF7, lr;
	s5 =	simm.s32 $0xFFFFFFFF;
	p2 =	slt.u32 s8, $0xFFFFF086  }
0x1c: {  	p1 =	slt.u32 s9, $0xF7A;
	s5 =	simm.s32 @!p2 $0x0  }
0x1d: {  	s5 =	simm.s32 @p1 $0x1;
	p0 =	seq.s32 s7, s2  }
0x1e: {  	s7 =	smul.u32 @!p0 $0xF7A, s2;
	p2 =	seq.s32 @!p0 s5, $0x0  }
0x1f: {  	s9 =	smul.u32 $0xF7A, s1;
	s8 =	simm.s32 @!p0 $0x1BF5;
	p2 =	por !p2, p0  }
0x20: {  	[sflag:s8] =	ssyncset.s32 @!p0 $0xFFFFF086;
	s6 =	sadd.s32 @!p0 s3, s7;
	s7 =	simm.s32 @!p0 $0x108  }
0x21: {  	s3 =	sadd.s32 s3, s9;
	s6 =	sadd.s32 @!p0 $0x88, s6;
	s7 =	simm.s32 @p2 $0x1082  }
0x22: {  	[simem:s7], [sflag:s8] =	dma.local @!p0 [hbm:s6], $0xF7A  }
0x23: {  	s9 =	sor.u32 $0xD0000000, s2;
	s6 =	simm.s32 $0x108;
	_ =	swait.ge @!p0 [sflag:s8], $0x0  }
0x24: {  	s3 =	sadd.s32 $0x88, s3;
	s6 =	simm.s32 @!p1 $0x1082;
	[sflag:s4] =	ssyncset.s32 $0xFFFFF086  }
0x25: {  	[simem:s6], [sflag:s4] =	dma.local [hbm:s3], $0xF7A  }
0x26: {  	[smem:$0x3F9F] =	sst s1;
	(tag) =	ssettag s2;
	_ =	strace s9  }
0x27: {  	s1 =	sld [smem:$0x3FAF]  }
0x28: {  	s2 =	sld [smem:$0x3FB0]  }
0x29: {  	s4 =	sld [smem:$0x3FB2]  }
0x2a: {  	p0 =	seq.s32 s5, $0x0;
	s5 =	sld [smem:$0x3FB3]  }
0x2b: {  	s6 =	sld [smem:$0x3FB4]  }
0x2c: {  	s7 =	sld [smem:$0x3FB5]  }
0x2d: {  	s3 =	simm.s32 $0x108;
	s8 =	sld [smem:$0x3FB6]  }
0x2e: {  	s3 =	simm.s32 @!p0 $0x1082;
	s9 =	sld [smem:$0x3FB7]  }
0x2f: {  	lr =	sadd.s32 s0, s3;
	s0 =	sld [smem:$0x3FAE]  }
0x30: {  	s3 =	sld [smem:$0x3FB1]  }
0x31: {  	[smem:$0x3FBA] =	sst s10  }
0x32: {  	s10 =	sld [smem:$0x3FB8];
	_ =	sdelay $0x3  }
0x33: {  	p0 =	seq.s32 s10, $0x1;
	s10 =	sld [smem:$0x3FBA];
	_ =	sdelay $0x3  }
0x34: {  	[smem:$0x3FBA] =	sst s10  }
0x35: {  	s10 =	sld [smem:$0x3FB9];
	_ =	sdelay $0x3  }
0x36: {  	p1 =	seq.s32 s10, $0x1;
	s10 =	sld [smem:$0x3FBA];
	_ =	sdelay $0x3  }
0x37: {  	[smem:$0x3FBA] =	sst s10  }
0x38: {  	s10 =	sld [smem:$0x3FBB]  }
0x39: {  	_ = 	snop;
	(pc) =	sbr.ind lr, $3  }
0x3a: {  	_ = 	snop  }
0x3b: {  	_ = 	snop  }
0x3c: {  	p2 =	seq.s32 s10, $0x1;
	s10 =	sld [smem:$0x3FBA]  }
0x3d: {  	_ =	shalt  }
0x3e: {  	_ =	shalt  }
0x3f: {  	_ =	shalt  }
0x40: {  	_ =	shalt  }
0x41: {  	_ =	shalt  }
0x42: {  	_ =	shalt  }
0x43: {  	_ =	shalt  }
0x44: {  	_ =	shalt  }
0x45: {  	_ =	shalt  }
0x46: {  	_ =	shalt  }
0x47: {  	_ =	shalt  }
0x48: {  	_ =	shalt  }
0x49: {  	_ =	shalt  }
0x4a: {  	_ =	shalt  }
0x4b: {  	_ =	shalt  }
0x4c: {  	_ =	shalt  }
0x4d: {  	_ =	shalt  }
0x4e: {  	_ =	shalt  }
0x4f: {  	_ =	shalt  }
0x50: {  	_ =	shalt  }
0x51: {  	_ =	shalt  }
0x52: {  	_ =	shalt  }
0x53: {  	_ =	shalt  }
0x54: {  	_ =	shalt  }
0x55: {  	_ =	shalt  }
0x56: {  	_ =	shalt  }
0x57: {  	_ =	shalt  }
0x58: {  	_ =	shalt  }
0x59: {  	_ =	shalt  }
0x5a: {  	_ =	shalt  }
0x5b: {  	_ =	shalt  }
0x5c: {  	_ =	shalt  }
0x5d: {  	_ =	shalt  }
0x5e: {  	_ =	shalt  }
0x5f: {  	_ =	shalt  }
0x60: {  	_ =	shalt  }
0x61: {  	_ =	shalt  }
0x62: {  	_ =	shalt  }
0x63: {  	_ =	shalt  }
0x64: {  	_ =	shalt  }
0x65: {  	_ =	shalt  }
0x66: {  	_ =	shalt  }
0x67: {  	_ =	shalt  }
0x68: {  	_ =	shalt  }
0x69: {  	_ =	shalt  }
0x6a: {  	_ =	shalt  }
0x6b: {  	_ =	shalt  }
0x6c: {  	_ =	shalt  }
0x6d: {  	_ =	shalt  }
0x6e: {  	_ =	shalt  }
0x6f: {  	_ =	shalt  }
0x70: {  	_ =	shalt  }
0x71: {  	_ =	shalt  }
0x72: {  	_ =	shalt  }
0x73: {  	_ =	shalt  }
0x74: {  	_ =	shalt  }
0x75: {  	_ =	shalt  }
0x76: {  	_ =	shalt  }
0x77: {  	_ =	shalt  }
0x78: {  	_ =	shalt  }
0x79: {  	_ =	shalt  }
0x7a: {  	_ =	shalt  }
0x7b: {  	_ =	shalt  }
0x7c: {  	_ =	shalt  }
0x7d: {  	_ =	shalt  }
0x7e: {  	_ =	shalt  }
0x7f: {  	_ =	shalt  }
0x80: {  	_ =	shalt  }
0x81: {  	_ =	shalt  }
0x82: {  	_ =	shalt  }
0x83: {  	_ =	shalt  }
0x84: {  	_ =	shalt  }
0x85: {  	_ =	shalt  }
0x86: {  	_ =	shalt  }
0x87: {  	_ =	shalt  }
.Lfunc_end0:
.L_simem_size_0:
called_computation_lowered:
.L_overlay_start_0:
0x88: {  	s2 =	sld [smem:$0x3FD9]  }
0x89: {  	s3 =	sld [smem:$0x3FFE];
	_ =	sdelay $0x1  }
0x8a: {  	s1 =	srdreg.scid  }
0x8b: {  	s0 =	sand.u32 $0x1, s1  }
0x8c: {  	s16 =	sshll.u32 s0, $0xA;
	s2 =	sadd.s32 s3, s2  }
0x8d: {  	s2 =	sadd.s32 s2, s16  }
0x8e: {  	[smem:$0x3FC6] =	sst s2  }
0x8f: {  	_ = 	snop  }
0x90: {  	(tm) =	ssettm $0x1  }
0x91: {  	s17 =	sld [smem:$0x3FFB];
	_ =	sdelay $0x3  }
0x92: {  	_ =	strace s17  }
0x93: {  	s2 =	sld [smem:$0x3FFC];
	_ =	sdelay $0x3  }
0x94: {  	_ =	strace s2  }
0x95: {  	s2 =	sld [smem:$0x3FFD];
	_ =	sdelay $0x3  }
0x96: {  	_ =	strace s2  }
0x97: {  	_ =	strace $0x8FFFFFFF  }
0x98: {  	s18 =	sld [smem:$0x3FDB];
	_ =	sdelay $0x1  }
0x99: {  	s19 =	simm.s32 $_scs_section_size  }
0x9a: {  	s4 =	simm.s32 $_size__tile_overlayer_lowered;
	s5 =	simm.s32 $_tile_overlayer_lowered  }
0x9b: {  	s22 =	simm.s32 $0x1BFF;
	s21 =	sshll.u32 s5, $0x1;
	s2 =	sadd.s32 s19, s18  }
0x9c: {  	s6 =	simm.s32 $0x0;
	s20 =	sshll.u32 s4, $0x1;
	s4 =	sadd.s32 s21, s2  }
0x9d: {  	[timem:s6], [sflag:s22] =	dma.local [hbm:s4], s20  }
0x9e: {  	_ =	swait.ge [sflag:s22], s20  }
0x9f: {  	s3 =	ssub.s32 $0x0, s20;
	[sflag:s22] =	ssyncset.done $0x0  }
0xa0: {  	[sflag:s22] =	ssyncadd.s32 s3;
	_ =	sdelay $0x1  }
0xa1: {  	s23 =	simm.s32 $0x1B8B  }
0xa2: {  	_ =	swait.ge [sflag:s23], $0x1  }
0xa3: {  	[sflag:s23] =	ssyncset.done $0x0  }
0xa4: {  	s25 =	simm.s32 $0x1B8E;
	s24 =	sld [smem:$0x3FFE];
	[sflag:s23] =	ssyncadd.s32 $0xFFFFFFFF  }
0xa5: {  	s26 =	simm.s32 $execute0_lowered;
	[smem:$0x3FD2] =	sst s25  }
0xa6: {  	s4 =	sshll.u32 s26, $0x1;
	_ =	strace $0x80000046;
	[dreg:$0x1] =	wrdreg $0xFFFFFFFF  }
0xa7: {  	s28 =	simm.s32 $_size_execute0_lowered;
	s2 =	sadd.s32 s2, s4;
	[dreg:$0x0] =	wrdreg $0x0  }
0xa8: {  	s4 =	sshll.u32 s28, $0x1;
	[dreg:$0x2] =	wrdreg s2  }
0xa9: {  	[dreg:$0x3] =	wrdreg s4  }
0xaa: {  	[dreg:$0x4] =	wrdreg $0xC0  }
0xab: {  	_ =	task [dreg:s6], $0x5FFFF  }
0xac: {  	[dreg:$0x1] =	wrdreg $0xFFFFFFFF  }
0xad: {  	[dreg:$0x0] =	wrdreg $0x60  }
0xae: {  	[dreg:$0x2] =	wrdreg s24  }
0xaf: {  	[dreg:$0x3] =	wrdreg $0x9  }
0xb0: {  	_ =	task.clear_ibuf [dreg:s6], $0x4FFFF;
	_ =	strace $0x90000046  }
0xb1: {  	s29 =	simm.s32 $0x9;
	_ =	strace $0x80000048  }
0xb2: {  	_ =	swait.ge [sflag:s29], $0x1  }
0xb3: {  	[sflag:s29] =	ssyncadd.s32 $0xFFFFFFFF  }
0xb4: {  	_ =	strace $0x90000048  }
0xb5: {  	_ =	sfence  }
0xb6: {  	s30 =	sld [smem:$0x0];
	_ =	sdelay $0x2  }
0xb7: {  	s31 =	sshll.u32 s1, $0xD;
	s1 =	sshrl.u32 s1, $0x2  }
0xb8: {  	s3 =	sand.u32 $0x4000, s31;
	s1 =	sadd.s32 s1, s30  }
0xb9: {  	s0 =	sor.u32 s3, s0;
	s1 =	sshll.u32 s1, $0x11  }
0xba: {  	s0 =	sor.u32 s1, s0  }
0xbb: {  	s0 =	sadd.s32 $0x8F2B, s0  }
0xbc: {  	[sflag:s0] =	ssyncadd.remote.s32 $0x1  }
0xbd: {  	_ =	sfence.sel $0xFFFF  }
0xbe: {  	[dreg:$0x0] =	wrdreg $0xFFFFFFFF;
	(pc) =	sbr.abs _section_cstart, $3  }
0xbf: {  	[dreg:$0x1] =	wrdreg $0xFFFFFFFF  }
0xc0: {  	_ =	task.clear_ibuf [dreg:s6], $0x2FFFF;
	_ =	strace $0x9FFFFFFF  }
0xc1: {  	(tm) =	ssettm $0x7FFFFFFF  }
tec
execute0_lowered:
.L_overlay_start_1:
0x0: {  	(tag) =	ssettag $0x1  }
0x1: {  	v0 =	vimm.s32 $0x3EE9E994  }
0x2: {  	s3 =	rddreg [dreg:$0x0];
	v0 =	vunpack.c.l.s2.s4 v0  }
0x3: {  	s0 =	rddreg [dreg:$0x1];
	s4 =	srdreg.scid  }
0x4: {  	s2 =	simm.s32 $0x0;
	s1 =	stileid.u32;
	v1 =	vimm.s32 $0x1020103;
	s4 =	sand.u32 $0x1, s4;
	v0 =	vunpack.c.l.s4.s8 v0  }
0x5: {  	[smem:$0x7FF] =	sst s2;
	s5 =	sshll.u32 s1, $0x7;
	v4 =	vunpack.c.l.s4.s8 v1;
	s6 =	sshll.u32 s4, $0x6  }
0x6: {  	s8 =	simm.s32 $0x0;
	_ =	strace $0x80000047;
	s5 =	sor.u32 s6, s5;
	v2 =	vunpack.c.0.s8.s32 v0;
	v0 =	vlaneseq.u32  }
0x7: {  	vm0 =	vcmask $0x3B00;
	s4 =	ssub.s32 $0x2, s4;
	v4 =	vunpack.c.0.s8.s32 v4;
	s6 =	sshll.u32 s5, $0x5;
	s5 =	sshll.u32 s5, $0x4;
	v1 =	vadd.s32 $0x1, v0  }
0x8: {  	s7 =	sshrl.u32 s4, $0x1;
	s6 =	sadd.s32 s6, s3;
	s5 =	sadd.s32 s5, s3;
	v5 =	vadd.s32 $0x11, v0;
	v6 =	vor.u32 $0x10, v0;
	v7 =	vadd.s32 $0x21, v0  }
0x9: {  	s7 =	ssub.s32 s4, s7;
	s3 =	sadd.s32 $0x1E00, s6;
	s4 =	sadd.s32 $0x11E00, s5;
	v8 =	vor.u32 $0x20, v0;
	v9 =	vadd.s32 $0x31, v0;
	v3 =	vand.u32 $0x3, v2  }
0xa: {  	s5 =	smax.u32 s7, $0x1;
	s6 =	simm.s32 $0x1;
	v10 =	vor.u32 $0x30, v0;
	s7 =	simm.s32 $0x4000;
	v2 =	vimm.s32 $0x0;
	v3 =	vnsel vm0, $0x4, v3  }
.LBB2_1:
0xb: {  	[tilespmem:s2], [sflag:$0x1] =	stream.linear.gather [hbm4b:s3+s2], $0x4000, $0x38;
	[tilespmem:$0x6000] =	vst v63  }
0xc: {  	_ =	swait.ge [sflag:s6], $0x4000  }
0xd: {  	s9 =	sand.u32 $0x3800, s2;
	s10 =	sand.u32 $0x380, s2;
	[sflag:s6] =	ssyncset.done $0x0  }
0xe: {  	s10 =	sor.u32 s10, s9;
	[sflag:s6] =	ssyncadd.s32 $0xFFFFC000  }
0xf: {  	v11 =	vld [tilespmem:s10+$0x400]  }
0x10: {  	v16 =	vld [tilespmem:s10+$0x50]  }
0x11: {  	v17 =	vld [tilespmem:s10+$0x40];
	_ =	sdelay $0x2  }
0x12: {  	v11 =	vadd.s32 $0xFFFFFFFF, v11  }
0x13: {  	v12 =	vand.u32 $0xF, v11  }
0x14: {  	v13 =	vperm.xlane v17, v12;
	v12 =	vperm.xlane v16, v12  }
0x15: {  	vm0 =	vlt.u32 v11, $0x10  }
0x16: {  	v12 =	vsel vm0, v13, v12  }
0x17: {  	v13 =	vshrl.u32 v12, $0x7  }
0x18: {  	v15 =	vand.u32 $0x7F, v12;
	v13 =	vand.u32 $0x1F, v13  }
0x19: {  	v14 =	vshrl.u32 v12, $0xC;
	v13 =	vadd.s32 v15, v13  }
0x1a: {  	v14 =	vand.u32 $0x1F, v14;
	v18 =	vmin.u32 v13, $0x40  }
0x1b: {  	v12 =	vshrl.u32 v12, $0x11;
	v14 =	vadd.s32 v14, v18  }
0x1c: {  	v12 =	vand.u32 $0x1F, v12;
	v19 =	vmin.u32 v14, $0x40  }
0x1d: {  	vm2 =	vlt.u32 v13, v1;
	vm0 =	vlt.u32 v14, v1;
	v20 =	vadd.s32 v12, v19  }
0x1e: {  	v41 =	vsel vm2, $0x1, v2;
	v42 =	vsel vm0, $0x1, v2;
	vm1 =	vlt.u32 v20, v1  }
0x1f: {  	v12 =	vld [tilespmem:s10+$0x0];
	v43 =	vadd.s32 v41, v42;
	v21 =	vsel vm1, $0x1, v2  }
0x20: {  	v11 =	vshll.u32 v11, $0x2;
	v13 =	vld [tilespmem:s10+$0x10];
	v21 =	vadd.s32 v21, v43  }
0x21: {  	v14 =	vld [tilespmem:s10+$0x20];
	v22 =	vadd.s32 v11, v21  }
0x22: {  	v11 =	vld [tilespmem:s10+$0x30];
	v23 =	vshrl.u32 v22, $0x1  }
0x23: {  	v23 =	vand.u32 $0xF, v23  }
0x24: {  	v24 =	vshra.s32 v22, $0x5;
	v25 =	vperm.xlane v12, v23  }
0x25: {  	vm3 =	veq.s32 v24, $0x0;
	v26 =	vperm.xlane v13, v23  }
0x26: {  	v27 =	vperm.xlane v14, v23;
	v25 =	vnsel vm3, $0x0, v25;
	vm3 =	veq.s32 v24, $0x1  }
0x27: {  	v23 =	vperm.xlane v11, v23;
	v25 =	vsel vm3, v26, v25;
	vm3 =	veq.s32 v24, $0x2  }
0x28: {  	v25 =	vsel vm3, v27, v25;
	vm3 =	veq.s32 v24, $0x3  }
0x29: {  	v15 =	vsel vm2, v18, v15;
	v44 =	vand.u32 $0x1, v21;
	v45 =	vsel vm3, v23, v25  }
0x2a: {  	vm2 =	veq.s32 v44, $0x0;
	v46 =	vshrl.u32 v45, $0x10;
	v21 =	vand.u32 $0xFFFF, v45  }
0x2b: {  	v15 =	vsel vm0, v19, v15;
	v47 =	vmin.u32 v20, $0x40;
	v18 =	vsel vm2, v21, v46  }
0x2c: {  	v15 =	vsel vm1, v47, v15;
	v48 =	vshrl.u32 v18, $0x4  }
0x2d: {  	v49 =	vand.u32 $0xF, v18;
	v21 =	vshrl.u32 v18, $0x8;
	v19 =	vand.u32 $0xF, v48  }
0x2e: {  	v50 =	vperm.xlane v3, v49;
	v21 =	vand.u32 $0xF, v21;
	v51 =	vperm.xlane v3, v19  }
0x2f: {  	v15 =	vsub.s32 v0, v15;
	v52 =	vperm.xlane v3, v21  }
0x30: {  	vm0 =	vge.s32 v15, v50;
	v24 =	vadd.s32 v50, v51  }
0x31: {  	v23 =	vnsel vm0, $0x0, v50;
	v25 =	vadd.s32 v52, v24;
	vm1 =	vge.s32 v15, v24  }
0x32: {  	v19 =	vsel vm0, v19, v49;
	vm2 =	vge.s32 v15, v25;
	v53 =	vsel vm1, v24, v23  }
0x33: {  	v18 =	vshrl.u32 v18, $0xC;
	v19 =	vsel vm1, v21, v19;
	v20 =	vsel vm2, v25, v53  }
0x34: {  	v18 =	vsel vm2, v18, v19;
	v15 =	vsub.s32 v15, v20  }
0x35: {  	v19 =	vadd.s32 $0xFFFFFFFF, v18;
	vm3 =	vgt.s32 v15, $0x0  }
0x36: {  	v19 =	vnsel vm3, $0xF, v19  }
0x37: {  	v18 =	vand.u32 v18, v19  }
0x38: {  	vm3 =	vgt.s32 v15, $0x1;
	v19 =	vadd.s32 $0xF, v18  }
0x39: {  	v19 =	vnsel vm3, $0xF, v19  }
0x3a: {  	v18 =	vand.u32 v18, v19  }
0x3b: {  	s9 =	sor.u32 $0x440, s10;
	vm3 =	vgt.s32 v15, $0x2;
	v19 =	vadd.s32 $0xFFFFFFFF, v18  }
0x3c: {  	v15 =	vld.msk [tilespmem:s9+$0x0 ss:$0x0], $0xffff;
	v19 =	vnsel vm3, $0xF, v19  }
0x3d: {  	v54 =	vsel vm0, $0x1, v2;
	v55 =	vsel vm1, $0x1, v2;
	v18 =	vand.u32 v18, v19  }
0x3e: {  	v56 =	vadd.s32 v55, v54;
	v57 =	vsel vm2, $0x1, v2;
	v18 =	vperm.xlane v4, v18  }
0x3f: {  	v58 =	vshll.u32 v22, $0x4;
	v19 =	vadd.s32 v57, v56  }
0x40: {  	v19 =	vshll.u32 v19, $0x2;
	v18 =	vadd.s32 v18, v58  }
0x41: {  	vm0 =	vgt.s32 v15, v0;
	v18 =	vadd.s32 v19, v18  }
0x42: {  	s9 =	simm.s32 $0x4020;
	v18 =	vnsel vm0, $0xFFFFFFFF, v18  }
0x43: {  	[tilespmem:s9+$0xFFFFFFE0] =	vst v18  }
0x44: {  	v18 =	vld [tilespmem:s10+$0x410];
	_ =	sdelay $0x4  }
0x45: {  	v18 =	vadd.s32 $0xFFFFFFFF, v18  }
0x46: {  	v59 =	vand.u32 $0xF, v18  }
0x47: {  	v60 =	vperm.xlane v17, v59;
	v19 =	vperm.xlane v16, v59  }
0x48: {  	vm0 =	vlt.u32 v18, $0x10  }
0x49: {  	v19 =	vsel vm0, v60, v19  }
0x4a: {  	v20 =	vshrl.u32 v19, $0x7  }
0x4b: {  	v61 =	vand.u32 $0x7F, v19;
	v20 =	vand.u32 $0x1F, v20  }
0x4c: {  	v62 =	vshrl.u32 v19, $0xC;
	v20 =	vadd.s32 v61, v20  }
0x4d: {  	v22 =	vand.u32 $0x1F, v62;
	v63 =	vmin.u32 v20, $0x40  }
0x4e: {  	v19 =	vshrl.u32 v19, $0x11;
	v22 =	vadd.s32 v22, v63  }
0x4f: {  	v19 =	vand.u32 $0x1F, v19;
	v32 =	vmin.u32 v22, $0x40  }
0x50: {  	vm0 =	vlt.u32 v20, v5;
	vm1 =	vlt.u32 v22, v5;
	v19 =	vadd.s32 v19, v32  }
0x51: {  	v20 =	vsel vm0, $0x1, v2;
	v22 =	vsel vm1, $0x1, v2;
	vm2 =	vlt.u32 v19, v5  }
0x52: {  	v20 =	vadd.s32 v20, v22;
	v33 =	vsel vm2, $0x1, v2  }
0x53: {  	v18 =	vshll.u32 v18, $0x2;
	v20 =	vadd.s32 v33, v20  }
0x54: {  	v18 =	vadd.s32 v18, v20  }
0x55: {  	v34 =	vshrl.u32 v18, $0x1  }
0x56: {  	v22 =	vand.u32 $0xF, v34  }
0x57: {  	v35 =	vshra.s32 v18, $0x5;
	v36 =	vperm.xlane v12, v22  }
0x58: {  	vm3 =	veq.s32 v35, $0x0;
	v37 =	vperm.xlane v13, v22  }
0x59: {  	v28 =	vperm.xlane v14, v22;
	v26 =	vnsel vm3, $0x0, v36;
	vm3 =	veq.s32 v35, $0x1  }
0x5a: {  	v22 =	vperm.xlane v11, v22;
	v26 =	vsel vm3, v37, v26;
	vm3 =	veq.s32 v35, $0x2  }
0x5b: {  	v26 =	vsel vm3, v28, v26;
	vm3 =	veq.s32 v35, $0x3  }
0x5c: {  	v21 =	vsel vm0, v63, v61;
	v20 =	vand.u32 $0x1, v20;
	v22 =	vsel vm3, v22, v26  }
0x5d: {  	vm0 =	veq.s32 v20, $0x0;
	v38 =	vshrl.u32 v22, $0x10;
	v22 =	vand.u32 $0xFFFF, v22  }
0x5e: {  	v21 =	vsel vm1, v32, v21;
	v19 =	vmin.u32 v19, $0x40;
	v20 =	vsel vm0, v22, v38  }
0x5f: {  	v19 =	vsel vm2, v19, v21;
	v39 =	vshrl.u32 v20, $0x4  }
0x60: {  	v22 =	vand.u32 $0xF, v20;
	v40 =	vshrl.u32 v20, $0x8;
	v21 =	vand.u32 $0xF, v39  }
0x61: {  	v23 =	vand.u32 $0xF, v40;
	v41 =	vperm.xlane v3, v22;
	v42 =	vperm.xlane v3, v21  }
0x62: {  	v19 =	vsub.s32 v6, v19;
	v43 =	vperm.xlane v3, v23  }
0x63: {  	vm0 =	vge.s32 v19, v41;
	v25 =	vadd.s32 v41, v42  }
0x64: {  	v24 =	vnsel vm0, $0x0, v41;
	v26 =	vadd.s32 v43, v25;
	vm1 =	vge.s32 v19, v25  }
0x65: {  	v21 =	vsel vm0, v21, v22;
	vm2 =	vge.s32 v19, v26;
	v44 =	vsel vm1, v25, v24  }
0x66: {  	v20 =	vshrl.u32 v20, $0xC;
	v21 =	vsel vm1, v23, v21;
	v22 =	vsel vm2, v26, v44  }
0x67: {  	v20 =	vsel vm2, v20, v21;
	v19 =	vsub.s32 v19, v22  }
0x68: {  	v21 =	vadd.s32 $0xFFFFFFFF, v20;
	vm3 =	vgt.s32 v19, $0x0  }
0x69: {  	v21 =	vnsel vm3, $0xF, v21  }
0x6a: {  	v20 =	vand.u32 v20, v21  }
0x6b: {  	vm3 =	vgt.s32 v19, $0x1;
	v21 =	vadd.s32 $0xF, v20  }
0x6c: {  	v21 =	vnsel vm3, $0xF, v21  }
0x6d: {  	v20 =	vand.u32 v20, v21  }
0x6e: {  	vm3 =	vgt.s32 v19, $0x2;
	v45 =	vadd.s32 $0xFFFFFFFF, v20  }
0x6f: {  	v19 =	vnsel vm3, $0xF, v45  }
0x70: {  	v46 =	vsel vm0, $0x1, v2;
	v47 =	vsel vm1, $0x1, v2;
	v19 =	vand.u32 v20, v19  }
0x71: {  	v48 =	vadd.s32 v47, v46;
	v49 =	vsel vm2, $0x1, v2;
	v19 =	vperm.xlane v4, v19  }
0x72: {  	v18 =	vshll.u32 v18, $0x4;
	v20 =	vadd.s32 v49, v48  }
0x73: {  	v20 =	vshll.u32 v20, $0x2;
	v18 =	vadd.s32 v19, v18  }
0x74: {  	vm0 =	vgt.s32 v15, v6;
	v18 =	vadd.s32 v20, v18  }
0x75: {  	v18 =	vnsel vm0, $0xFFFFFFFF, v18  }
0x76: {  	[tilespmem:s9+$0xFFFFFFF0] =	vst v18  }
0x77: {  	v18 =	vld [tilespmem:s10+$0x420];
	_ =	sdelay $0x4  }
0x78: {  	v18 =	vadd.s32 $0xFFFFFFFF, v18  }
0x79: {  	v50 =	vand.u32 $0xF, v18  }
0x7a: {  	v51 =	vperm.xlane v17, v50;
	v19 =	vperm.xlane v16, v50  }
0x7b: {  	vm0 =	vlt.u32 v18, $0x10  }
0x7c: {  	v19 =	vsel vm0, v51, v19  }
0x7d: {  	v20 =	vshrl.u32 v19, $0x7  }
0x7e: {  	v52 =	vand.u32 $0x7F, v19;
	v20 =	vand.u32 $0x1F, v20  }
0x7f: {  	v53 =	vshrl.u32 v19, $0xC;
	v20 =	vadd.s32 v52, v20  }
0x80: {  	v22 =	vand.u32 $0x1F, v53;
	v54 =	vmin.u32 v20, $0x40  }
0x81: {  	v19 =	vshrl.u32 v19, $0x11;
	v22 =	vadd.s32 v22, v54  }
0x82: {  	v19 =	vand.u32 $0x1F, v19;
	v55 =	vmin.u32 v22, $0x40  }
0x83: {  	vm0 =	vlt.u32 v20, v7;
	vm1 =	vlt.u32 v22, v7;
	v19 =	vadd.s32 v19, v55  }
0x84: {  	v57 =	vsel vm0, $0x1, v2;
	v56 =	vsel vm1, $0x1, v2;
	vm2 =	vlt.u32 v19, v7  }
0x85: {  	v20 =	vadd.s32 v57, v56;
	v58 =	vsel vm2, $0x1, v2  }
0x86: {  	v18 =	vshll.u32 v18, $0x2;
	v20 =	vadd.s32 v58, v20  }
0x87: {  	v18 =	vadd.s32 v18, v20  }
0x88: {  	v59 =	vshrl.u32 v18, $0x1  }
0x89: {  	v22 =	vand.u32 $0xF, v59  }
0x8a: {  	v60 =	vshra.s32 v18, $0x5;
	v61 =	vperm.xlane v12, v22  }
0x8b: {  	vm3 =	veq.s32 v60, $0x0;
	v62 =	vperm.xlane v13, v22  }
0x8c: {  	v63 =	vperm.xlane v14, v22;
	v26 =	vnsel vm3, $0x0, v61;
	vm3 =	veq.s32 v60, $0x1  }
0x8d: {  	v22 =	vperm.xlane v11, v22;
	v26 =	vsel vm3, v62, v26;
	vm3 =	veq.s32 v60, $0x2  }
0x8e: {  	v26 =	vsel vm3, v63, v26;
	vm3 =	veq.s32 v60, $0x3  }
0x8f: {  	v21 =	vsel vm0, v54, v52;
	v20 =	vand.u32 $0x1, v20;
	v22 =	vsel vm3, v22, v26  }
0x90: {  	vm0 =	veq.s32 v20, $0x0;
	v28 =	vshrl.u32 v22, $0x10;
	v22 =	vand.u32 $0xFFFF, v22  }
0x91: {  	v21 =	vsel vm1, v55, v21;
	v19 =	vmin.u32 v19, $0x40;
	v20 =	vsel vm0, v22, v28  }
0x92: {  	v19 =	vsel vm2, v19, v21;
	v29 =	vshrl.u32 v20, $0x4  }
0x93: {  	v22 =	vand.u32 $0xF, v20;
	v30 =	vshrl.u32 v20, $0x8;
	v21 =	vand.u32 $0xF, v29  }
0x94: {  	v23 =	vand.u32 $0xF, v30;
	v31 =	vperm.xlane v3, v22;
	v32 =	vperm.xlane v3, v21  }
0x95: {  	v19 =	vsub.s32 v8, v19;
	v33 =	vperm.xlane v3, v23  }
0x96: {  	vm0 =	vge.s32 v19, v31;
	v25 =	vadd.s32 v31, v32  }
0x97: {  	v24 =	vnsel vm0, $0x0, v31;
	v26 =	vadd.s32 v33, v25;
	vm1 =	vge.s32 v19, v25  }
0x98: {  	v21 =	vsel vm0, v21, v22;
	vm2 =	vge.s32 v19, v26;
	v34 =	vsel vm1, v25, v24  }
0x99: {  	v20 =	vshrl.u32 v20, $0xC;
	v21 =	vsel vm1, v23, v21;
	v22 =	vsel vm2, v26, v34  }
0x9a: {  	v20 =	vsel vm2, v20, v21;
	v19 =	vsub.s32 v19, v22  }
0x9b: {  	v21 =	vadd.s32 $0xFFFFFFFF, v20;
	vm3 =	vgt.s32 v19, $0x0  }
0x9c: {  	v21 =	vnsel vm3, $0xF, v21  }
0x9d: {  	v20 =	vand.u32 v20, v21  }
0x9e: {  	vm3 =	vgt.s32 v19, $0x1;
	v21 =	vadd.s32 $0xF, v20  }
0x9f: {  	v21 =	vnsel vm3, $0xF, v21  }
0xa0: {  	v20 =	vand.u32 v20, v21  }
0xa1: {  	vm3 =	vgt.s32 v19, $0x2;
	v35 =	vadd.s32 $0xFFFFFFFF, v20  }
0xa2: {  	v19 =	vnsel vm3, $0xF, v35  }
0xa3: {  	v36 =	vsel vm0, $0x1, v2;
	v37 =	vsel vm1, $0x1, v2;
	v19 =	vand.u32 v20, v19  }
0xa4: {  	v38 =	vsel vm2, $0x1, v2;
	v21 =	vadd.s32 v37, v36;
	v19 =	vperm.xlane v4, v19  }
0xa5: {  	v18 =	vshll.u32 v18, $0x4;
	v20 =	vadd.s32 v38, v21  }
0xa6: {  	v20 =	vshll.u32 v20, $0x2;
	v18 =	vadd.s32 v19, v18  }
0xa7: {  	vm0 =	vgt.s32 v15, v8;
	v18 =	vadd.s32 v20, v18  }
0xa8: {  	v18 =	vnsel vm0, $0xFFFFFFFF, v18  }
0xa9: {  	[tilespmem:s9+$0x0] =	vst v18  }
0xaa: {  	v18 =	vld [tilespmem:s10+$0x430];
	_ =	sdelay $0x4  }
0xab: {  	v18 =	vadd.s32 $0xFFFFFFFF, v18  }
0xac: {  	v39 =	vand.u32 $0xF, v18  }
0xad: {  	v17 =	vperm.xlane v17, v39;
	v16 =	vperm.xlane v16, v39  }
0xae: {  	vm0 =	vlt.u32 v18, $0x10  }
0xaf: {  	v16 =	vsel vm0, v17, v16  }
0xb0: {  	v17 =	vshrl.u32 v16, $0x7  }
0xb1: {  	v40 =	vand.u32 $0x7F, v16;
	v17 =	vand.u32 $0x1F, v17  }
0xb2: {  	v41 =	vshrl.u32 v16, $0xC;
	v17 =	vadd.s32 v40, v17  }
0xb3: {  	v20 =	vand.u32 $0x1F, v41;
	v42 =	vmin.u32 v17, $0x40  }
0xb4: {  	v16 =	vshrl.u32 v16, $0x11;
	v20 =	vadd.s32 v20, v42  }
0xb5: {  	v16 =	vand.u32 $0x1F, v16;
	v43 =	vmin.u32 v20, $0x40  }
0xb6: {  	vm0 =	vlt.u32 v17, v9;
	vm1 =	vlt.u32 v20, v9;
	v16 =	vadd.s32 v16, v43  }
0xb7: {  	v17 =	vsel vm0, $0x1, v2;
	v20 =	vsel vm1, $0x1, v2;
	vm2 =	vlt.u32 v16, v9  }
0xb8: {  	v17 =	vadd.s32 v17, v20;
	v44 =	vsel vm2, $0x1, v2  }
0xb9: {  	v18 =	vshll.u32 v18, $0x2;
	v17 =	vadd.s32 v44, v17  }
0xba: {  	v18 =	vadd.s32 v18, v17  }
0xbb: {  	v45 =	vshrl.u32 v18, $0x1  }
0xbc: {  	v20 =	vand.u32 $0xF, v45  }
0xbd: {  	v46 =	vshra.s32 v18, $0x5;
	v12 =	vperm.xlane v12, v20  }
0xbe: {  	vm3 =	veq.s32 v46, $0x0;
	v13 =	vperm.xlane v13, v20  }
0xbf: {  	v14 =	vperm.xlane v14, v20;
	v12 =	vnsel vm3, $0x0, v12;
	vm3 =	veq.s32 v46, $0x1  }
0xc0: {  	v11 =	vperm.xlane v11, v20;
	v12 =	vsel vm3, v13, v12;
	vm3 =	veq.s32 v46, $0x2  }
0xc1: {  	v12 =	vsel vm3, v14, v12;
	vm3 =	veq.s32 v46, $0x3  }
0xc2: {  	v47 =	vsel vm0, v42, v40;
	v48 =	vand.u32 $0x1, v17;
	v11 =	vsel vm3, v11, v12  }
0xc3: {  	vm0 =	veq.s32 v48, $0x0;
	v12 =	vshrl.u32 v11, $0x10;
	v11 =	vand.u32 $0xFFFF, v11  }
0xc4: {  	v49 =	vmin.u32 v16, $0x40;
	v13 =	vsel vm1, v43, v47;
	v11 =	vsel vm0, v11, v12  }
0xc5: {  	v50 =	vsel vm2, v49, v13;
	v51 =	vshrl.u32 v11, $0x4  }
0xc6: {  	v52 =	vand.u32 $0xF, v11;
	v53 =	vshrl.u32 v11, $0x8;
	v13 =	vand.u32 $0xF, v51  }
0xc7: {  	v16 =	vand.u32 $0xF, v53;
	v54 =	vperm.xlane v3, v52;
	v55 =	vperm.xlane v3, v13  }
0xc8: {  	v12 =	vsub.s32 v10, v50;
	v56 =	vperm.xlane v3, v16  }
0xc9: {  	vm0 =	vge.s32 v12, v54;
	v19 =	vadd.s32 v54, v55  }
0xca: {  	v17 =	vnsel vm0, $0x0, v54;
	v20 =	vadd.s32 v56, v19;
	vm1 =	vge.s32 v12, v19  }
0xcb: {  	v13 =	vsel vm0, v13, v52;
	vm2 =	vge.s32 v12, v20;
	v57 =	vsel vm1, v19, v17  }
0xcc: {  	v11 =	vshrl.u32 v11, $0xC;
	v13 =	vsel vm1, v16, v13;
	v14 =	vsel vm2, v20, v57  }
0xcd: {  	v11 =	vsel vm2, v11, v13;
	v12 =	vsub.s32 v12, v14  }
0xce: {  	v13 =	vadd.s32 $0xFFFFFFFF, v11;
	vm3 =	vgt.s32 v12, $0x0  }
0xcf: {  	v13 =	vnsel vm3, $0xF, v13  }
0xd0: {  	v11 =	vand.u32 v11, v13  }
0xd1: {  	vm3 =	vgt.s32 v12, $0x1;
	v13 =	vadd.s32 $0xF, v11  }
0xd2: {  	v13 =	vnsel vm3, $0xF, v13  }
0xd3: {  	v11 =	vand.u32 v11, v13  }
0xd4: {  	vm3 =	vgt.s32 v12, $0x2;
	v58 =	vadd.s32 $0xFFFFFFFF, v11  }
0xd5: {  	v12 =	vnsel vm3, $0xF, v58  }
0xd6: {  	v59 =	vsel vm0, $0x1, v2;
	v60 =	vsel vm1, $0x1, v2;
	v11 =	vand.u32 v11, v12  }
0xd7: {  	v61 =	vadd.s32 v60, v59;
	v62 =	vsel vm2, $0x1, v2;
	v11 =	vperm.xlane v4, v11  }
0xd8: {  	v63 =	vshll.u32 v18, $0x4;
	v12 =	vadd.s32 v62, v61  }
0xd9: {  	v12 =	vshll.u32 v12, $0x2;
	v11 =	vadd.s32 v11, v63  }
0xda: {  	s12 =	simm.s32 $0x0;
	s11 =	simm.s32 $0x4020;
	s10 =	simm.s32 $0x100;
	vm0 =	vgt.s32 v15, v10;
	v11 =	vadd.s32 v12, v11  }
.LBB2_2:
0xdb: {  	p0 =	sne.s32 s10, $0x3F00;
	v11 =	vnsel vm0, $0xFFFFFFFF, v11;
	s12 =	sadd.s32 $0x80, s12;
	s9 =	sadd.s32 $0x80, s9  }
0xdc: {  	s13 =	smov.u32 s10;
	s10 =	sadd.s32 $0x100, s10;
	[tilespmem:s11+$0x10] =	vst v11;
	s11 =	smov.u32 s9  }
0xdd: {  	s13 =	sand.u32 $0x3800, s13;
	s14 =	sand.u32 $0x380, s12  }
0xde: {  	s13 =	sor.u32 s14, s13  }
0xdf: {  	s14 =	sor.u32 $0x440, s13;
	v11 =	vld [tilespmem:s13+$0x400]  }
0xe0: {  	v13 =	vld [tilespmem:s13+$0x50]  }
0xe1: {  	v16 =	vld [tilespmem:s13+$0x40];
	_ =	sdelay $0x2  }
0xe2: {  	v14 =	vadd.s32 $0xFFFFFFFF, v11  }
0xe3: {  	v11 =	vand.u32 $0xF, v14  }
0xe4: {  	v12 =	vperm.xlane v16, v11;
	v11 =	vperm.xlane v13, v11  }
0xe5: {  	vm0 =	vlt.u32 v14, $0x10  }
0xe6: {  	v11 =	vsel vm0, v12, v11  }
0xe7: {  	v12 =	vand.u32 $0x7F, v11;
	v15 =	vshrl.u32 v11, $0x7;
	v17 =	vshrl.u32 v11, $0xC  }
0xe8: {  	v11 =	vshrl.u32 v11, $0x11;
	v15 =	vand.u32 $0x1F, v15  }
0xe9: {  	v15 =	vadd.s32 v12, v15  }
0xea: {  	v17 =	vand.u32 $0x1F, v17;
	v18 =	vmin.u32 v15, $0x40;
	vm0 =	vlt.u32 v15, v1  }
0xeb: {  	v15 =	vadd.s32 v17, v18;
	v17 =	vsel vm0, $0x1, v2;
	v12 =	vsel vm0, v18, v12  }
0xec: {  	v11 =	vand.u32 $0x1F, v11;
	v18 =	vmin.u32 v15, $0x40;
	vm0 =	vlt.u32 v15, v1  }
0xed: {  	v11 =	vadd.s32 v11, v18;
	v15 =	vsel vm0, $0x1, v2;
	v12 =	vsel vm0, v18, v12  }
0xee: {  	v18 =	vmin.u32 v11, $0x40;
	vm0 =	vlt.u32 v11, v1;
	v15 =	vadd.s32 v17, v15  }
0xef: {  	v11 =	vld [tilespmem:s13+$0x0];
	v17 =	vsel vm0, $0x1, v2;
	v18 =	vsel vm0, v18, v12  }
0xf0: {  	v12 =	vld [tilespmem:s13+$0x10];
	v15 =	vadd.s32 v17, v15;
	v17 =	vshll.u32 v14, $0x2  }
0xf1: {  	v14 =	vld [tilespmem:s13+$0x20];
	v19 =	vadd.s32 v17, v15;
	v17 =	vand.u32 $0x1, v15  }
0xf2: {  	v15 =	vld [tilespmem:s13+$0x30];
	v20 =	vshrl.u32 v19, $0x1;
	v21 =	vshra.s32 v19, $0x5  }
0xf3: {  	v20 =	vand.u32 $0xF, v20  }
0xf4: {  	v22 =	vperm.xlane v11, v20  }
0xf5: {  	vm0 =	veq.s32 v21, $0x0;
	v23 =	vperm.xlane v12, v20  }
0xf6: {  	v22 =	vnsel vm0, $0x0, v22;
	vm0 =	veq.s32 v21, $0x1;
	v24 =	vperm.xlane v14, v20  }
0xf7: {  	v22 =	vsel vm0, v23, v22;
	vm0 =	veq.s32 v21, $0x2;
	v20 =	vperm.xlane v15, v20  }
0xf8: {  	v22 =	vsel vm0, v24, v22;
	vm0 =	veq.s32 v21, $0x3  }
0xf9: {  	v20 =	vsel vm0, v20, v22  }
0xfa: {  	vm0 =	veq.s32 v17, $0x0;
	v17 =	vshrl.u32 v20, $0x10;
	v20 =	vand.u32 $0xFFFF, v20  }
0xfb: {  	v17 =	vsel vm0, v20, v17  }
0xfc: {  	v20 =	vand.u32 $0xF, v17;
	v21 =	vshrl.u32 v17, $0x4;
	v22 =	vshrl.u32 v17, $0x8  }
0xfd: {  	v21 =	vand.u32 $0xF, v21;
	v23 =	vperm.xlane v3, v20  }
0xfe: {  	v18 =	vsub.s32 v0, v18;
	v22 =	vand.u32 $0xF, v22;
	v24 =	vperm.xlane v3, v21  }
0xff: {  	v17 =	vshrl.u32 v17, $0xC;
	v25 =	vperm.xlane v3, v22;
	vm0 =	vge.s32 v18, v23  }
0x100: {  	v24 =	vadd.s32 v23, v24;
	v26 =	vsel vm0, $0x1, v2;
	v23 =	vnsel vm0, $0x0, v23  }
0x101: {  	v20 =	vsel vm0, v21, v20;
	v25 =	vadd.s32 v25, v24;
	vm1 =	vge.s32 v18, v24  }
0x102: {  	vm0 =	vge.s32 v18, v25;
	v20 =	vsel vm1, v22, v20;
	v21 =	vsel vm1, v24, v23  }
0x103: {  	v17 =	vsel vm0, v17, v20;
	v20 =	vsel vm1, $0x1, v2;
	v21 =	vsel vm0, v25, v21  }
0x104: {  	v22 =	vsel vm0, $0x1, v2;
	v20 =	vadd.s32 v20, v26;
	v18 =	vsub.s32 v18, v21  }
0x105: {  	v21 =	vadd.s32 $0xFFFFFFFF, v17;
	v20 =	vadd.s32 v22, v20;
	vm0 =	vgt.s32 v18, $0x0  }
0x106: {  	v21 =	vnsel vm0, $0xF, v21  }
0x107: {  	v17 =	vand.u32 v17, v21  }
0x108: {  	vm0 =	vgt.s32 v18, $0x1;
	v21 =	vadd.s32 $0xF, v17  }
0x109: {  	v21 =	vnsel vm0, $0xF, v21  }
0x10a: {  	v21 =	vand.u32 v17, v21  }
0x10b: {  	vm0 =	vgt.s32 v18, $0x2;
	v18 =	vadd.s32 $0xFFFFFFFF, v21;
	v17 =	vld.msk [tilespmem:s14+$0x0 ss:$0x0], $0xffff  }
0x10c: {  	v18 =	vnsel vm0, $0xF, v18  }
0x10d: {  	v18 =	vand.u32 v21, v18  }
0x10e: {  	v18 =	vperm.xlane v4, v18  }
0x10f: {  	v19 =	vshll.u32 v19, $0x4  }
0x110: {  	v20 =	vshll.u32 v20, $0x2;
	v18 =	vadd.s32 v18, v19  }
0x111: {  	vm0 =	vgt.s32 v17, v0;
	v18 =	vadd.s32 v20, v18  }
0x112: {  	v18 =	vnsel vm0, $0xFFFFFFFF, v18  }
0x113: {  	[tilespmem:s9+$0xFFFFFFE0] =	vst v18  }
0x114: {  	v18 =	vld [tilespmem:s13+$0x410];
	_ =	sdelay $0x4  }
0x115: {  	v18 =	vadd.s32 $0xFFFFFFFF, v18  }
0x116: {  	v19 =	vand.u32 $0xF, v18  }
0x117: {  	v20 =	vperm.xlane v16, v19;
	v19 =	vperm.xlane v13, v19  }
0x118: {  	vm0 =	vlt.u32 v18, $0x10  }
0x119: {  	v19 =	vsel vm0, v20, v19  }
0x11a: {  	v20 =	vshrl.u32 v19, $0x7;
	v21 =	vshrl.u32 v19, $0xC;
	v22 =	vshrl.u32 v19, $0x11  }
0x11b: {  	v19 =	vand.u32 $0x7F, v19;
	v20 =	vand.u32 $0x1F, v20  }
0x11c: {  	v20 =	vadd.s32 v19, v20  }
0x11d: {  	v21 =	vand.u32 $0x1F, v21;
	v23 =	vmin.u32 v20, $0x40;
	vm0 =	vlt.u32 v20, v5  }
0x11e: {  	v20 =	vadd.s32 v21, v23;
	v21 =	vsel vm0, $0x1, v2;
	v19 =	vsel vm0, v23, v19  }
0x11f: {  	v22 =	vand.u32 $0x1F, v22;
	v23 =	vmin.u32 v20, $0x40;
	vm0 =	vlt.u32 v20, v5  }
0x120: {  	v20 =	vadd.s32 v22, v23;
	v22 =	vsel vm0, $0x1, v2;
	v19 =	vsel vm0, v23, v19  }
0x121: {  	v23 =	vmin.u32 v20, $0x40;
	vm0 =	vlt.u32 v20, v5;
	v20 =	vadd.s32 v21, v22  }
0x122: {  	v21 =	vsel vm0, $0x1, v2;
	v19 =	vsel vm0, v23, v19  }
0x123: {  	v18 =	vshll.u32 v18, $0x2;
	v20 =	vadd.s32 v21, v20  }
0x124: {  	v18 =	vadd.s32 v18, v20;
	v20 =	vand.u32 $0x1, v20  }
0x125: {  	v21 =	vshrl.u32 v18, $0x1;
	v22 =	vshra.s32 v18, $0x5  }
0x126: {  	v21 =	vand.u32 $0xF, v21  }
0x127: {  	v23 =	vperm.xlane v11, v21  }
0x128: {  	vm0 =	veq.s32 v22, $0x0;
	v24 =	vperm.xlane v12, v21  }
0x129: {  	v25 =	vperm.xlane v14, v21;
	v23 =	vnsel vm0, $0x0, v23;
	vm0 =	veq.s32 v22, $0x1  }
0x12a: {  	v21 =	vperm.xlane v15, v21;
	v23 =	vsel vm0, v24, v23;
	vm0 =	veq.s32 v22, $0x2  }
0x12b: {  	v23 =	vsel vm0, v25, v23;
	vm0 =	veq.s32 v22, $0x3  }
0x12c: {  	v21 =	vsel vm0, v21, v23  }
0x12d: {  	vm0 =	veq.s32 v20, $0x0;
	v20 =	vshrl.u32 v21, $0x10;
	v21 =	vand.u32 $0xFFFF, v21  }
0x12e: {  	v20 =	vsel vm0, v21, v20  }
0x12f: {  	v21 =	vand.u32 $0xF, v20;
	v22 =	vshrl.u32 v20, $0x4;
	v23 =	vshrl.u32 v20, $0x8  }
0x130: {  	v22 =	vand.u32 $0xF, v22;
	v23 =	vand.u32 $0xF, v23;
	v24 =	vperm.xlane v3, v21  }
0x131: {  	v19 =	vsub.s32 v6, v19;
	v25 =	vperm.xlane v3, v22;
	v26 =	vperm.xlane v3, v23  }
0x132: {  	vm0 =	vge.s32 v19, v24  }
0x133: {  	v25 =	vadd.s32 v24, v25;
	v21 =	vsel vm0, v22, v21;
	v22 =	vnsel vm0, $0x0, v24  }
0x134: {  	v24 =	vadd.s32 v26, v25;
	vm1 =	vge.s32 v19, v25;
	v26 =	vsel vm0, $0x1, v2  }
0x135: {  	vm0 =	vge.s32 v19, v24;
	v21 =	vsel vm1, v23, v21;
	v22 =	vsel vm1, v25, v22  }
0x136: {  	v20 =	vshrl.u32 v20, $0xC;
	v23 =	vsel vm1, $0x1, v2;
	v22 =	vsel vm0, v24, v22  }
0x137: {  	v20 =	vsel vm0, v20, v21;
	v21 =	vadd.s32 v23, v26;
	v19 =	vsub.s32 v19, v22  }
0x138: {  	v22 =	vsel vm0, $0x1, v2;
	v23 =	vadd.s32 $0xFFFFFFFF, v20;
	vm0 =	vgt.s32 v19, $0x0  }
0x139: {  	v21 =	vadd.s32 v22, v21;
	v22 =	vnsel vm0, $0xF, v23  }
0x13a: {  	v20 =	vand.u32 v20, v22  }
0x13b: {  	vm0 =	vgt.s32 v19, $0x1;
	v22 =	vadd.s32 $0xF, v20  }
0x13c: {  	v22 =	vnsel vm0, $0xF, v22  }
0x13d: {  	v20 =	vand.u32 v20, v22  }
0x13e: {  	vm0 =	vgt.s32 v19, $0x2;
	v19 =	vadd.s32 $0xFFFFFFFF, v20  }
0x13f: {  	v19 =	vnsel vm0, $0xF, v19  }
0x140: {  	v19 =	vand.u32 v20, v19  }
0x141: {  	v19 =	vperm.xlane v4, v19  }
0x142: {  	v18 =	vshll.u32 v18, $0x4  }
0x143: {  	v20 =	vshll.u32 v21, $0x2;
	v18 =	vadd.s32 v19, v18  }
0x144: {  	vm0 =	vgt.s32 v17, v6;
	v18 =	vadd.s32 v20, v18  }
0x145: {  	v18 =	vnsel vm0, $0xFFFFFFFF, v18  }
0x146: {  	[tilespmem:s9+$0xFFFFFFF0] =	vst v18  }
0x147: {  	v18 =	vld [tilespmem:s13+$0x420];
	_ =	sdelay $0x4  }
0x148: {  	v18 =	vadd.s32 $0xFFFFFFFF, v18  }
0x149: {  	v19 =	vand.u32 $0xF, v18  }
0x14a: {  	v20 =	vperm.xlane v16, v19;
	v19 =	vperm.xlane v13, v19  }
0x14b: {  	vm0 =	vlt.u32 v18, $0x10  }
0x14c: {  	v19 =	vsel vm0, v20, v19  }
0x14d: {  	v20 =	vshrl.u32 v19, $0x7;
	v21 =	vshrl.u32 v19, $0xC;
	v22 =	vshrl.u32 v19, $0x11  }
0x14e: {  	v19 =	vand.u32 $0x7F, v19;
	v20 =	vand.u32 $0x1F, v20  }
0x14f: {  	v20 =	vadd.s32 v19, v20  }
0x150: {  	v21 =	vand.u32 $0x1F, v21;
	v23 =	vmin.u32 v20, $0x40;
	vm0 =	vlt.u32 v20, v7  }
0x151: {  	v20 =	vadd.s32 v21, v23;
	v19 =	vsel vm0, v23, v19  }
0x152: {  	v22 =	vand.u32 $0x1F, v22;
	v21 =	vmin.u32 v20, $0x40;
	vm1 =	vlt.u32 v20, v7  }
0x153: {  	v20 =	vadd.s32 v22, v21;
	v22 =	vsel vm1, $0x1, v2;
	v19 =	vsel vm1, v21, v19  }
0x154: {  	v21 =	vmin.u32 v20, $0x40;
	vm1 =	vlt.u32 v20, v7;
	v20 =	vsel vm0, $0x1, v2  }
0x155: {  	v20 =	vadd.s32 v20, v22;
	v22 =	vsel vm1, $0x1, v2;
	v19 =	vsel vm1, v21, v19  }
0x156: {  	v18 =	vshll.u32 v18, $0x2;
	v20 =	vadd.s32 v22, v20  }
0x157: {  	v18 =	vadd.s32 v18, v20;
	v20 =	vand.u32 $0x1, v20  }
0x158: {  	v21 =	vshrl.u32 v18, $0x1;
	v22 =	vshra.s32 v18, $0x5  }
0x159: {  	v21 =	vand.u32 $0xF, v21  }
0x15a: {  	v23 =	vperm.xlane v11, v21  }
0x15b: {  	vm0 =	veq.s32 v22, $0x0;
	v24 =	vperm.xlane v12, v21  }
0x15c: {  	v25 =	vperm.xlane v14, v21;
	v23 =	vnsel vm0, $0x0, v23;
	vm0 =	veq.s32 v22, $0x1  }
0x15d: {  	v21 =	vperm.xlane v15, v21;
	v23 =	vsel vm0, v24, v23;
	vm0 =	veq.s32 v22, $0x2  }
0x15e: {  	v23 =	vsel vm0, v25, v23;
	vm0 =	veq.s32 v22, $0x3  }
0x15f: {  	v21 =	vsel vm0, v21, v23  }
0x160: {  	vm0 =	veq.s32 v20, $0x0;
	v20 =	vshrl.u32 v21, $0x10;
	v21 =	vand.u32 $0xFFFF, v21  }
0x161: {  	v20 =	vsel vm0, v21, v20  }
0x162: {  	v21 =	vand.u32 $0xF, v20;
	v22 =	vshrl.u32 v20, $0x4;
	v23 =	vshrl.u32 v20, $0x8  }
0x163: {  	v22 =	vand.u32 $0xF, v22;
	v23 =	vand.u32 $0xF, v23  }
0x164: {  	v24 =	vperm.xlane v3, v21;
	v25 =	vperm.xlane v3, v22  }
0x165: {  	v19 =	vsub.s32 v8, v19;
	v26 =	vperm.xlane v3, v23  }
0x166: {  	v20 =	vshrl.u32 v20, $0xC;
	vm0 =	vge.s32 v19, v24;
	v25 =	vadd.s32 v24, v25  }
0x167: {  	v27 =	vsel vm0, $0x1, v2;
	v26 =	vadd.s32 v26, v25;
	vm1 =	vge.s32 v19, v25  }
0x168: {  	v21 =	vsel vm0, v22, v21;
	v22 =	vnsel vm0, $0x0, v24;
	vm2 =	vge.s32 v19, v26  }
0x169: {  	v21 =	vsel vm1, v23, v21;
	v22 =	vsel vm1, v25, v22;
	v23 =	vsel vm2, $0x1, v2  }
0x16a: {  	v20 =	vsel vm2, v20, v21;
	v21 =	vsel vm1, $0x1, v2;
	v22 =	vsel vm2, v26, v22  }
0x16b: {  	v21 =	vadd.s32 v21, v27;
	v19 =	vsub.s32 v19, v22;
	v22 =	vadd.s32 $0xFFFFFFFF, v20  }
0x16c: {  	v21 =	vadd.s32 v23, v21;
	vm0 =	vgt.s32 v19, $0x0  }
0x16d: {  	v22 =	vnsel vm0, $0xF, v22  }
0x16e: {  	vm0 =	vgt.s32 v19, $0x1;
	v20 =	vand.u32 v20, v22  }
0x16f: {  	v22 =	vadd.s32 $0xF, v20  }
0x170: {  	v22 =	vnsel vm0, $0xF, v22  }
0x171: {  	vm0 =	vgt.s32 v19, $0x2;
	v20 =	vand.u32 v20, v22  }
0x172: {  	v19 =	vadd.s32 $0xFFFFFFFF, v20  }
0x173: {  	v19 =	vnsel vm0, $0xF, v19  }
0x174: {  	v19 =	vand.u32 v20, v19  }
0x175: {  	v18 =	vshll.u32 v18, $0x4;
	v19 =	vperm.xlane v4, v19  }
0x176: {  	v20 =	vshll.u32 v21, $0x2  }
0x177: {  	vm0 =	vgt.s32 v17, v8;
	v18 =	vadd.s32 v19, v18  }
0x178: {  	v18 =	vadd.s32 v20, v18  }
0x179: {  	v18 =	vnsel vm0, $0xFFFFFFFF, v18  }
0x17a: {  	[tilespmem:s9+$0x0] =	vst v18  }
0x17b: {  	v18 =	vld [tilespmem:s13+$0x430];
	_ =	sdelay $0x4  }
0x17c: {  	v18 =	vadd.s32 $0xFFFFFFFF, v18  }
0x17d: {  	v19 =	vand.u32 $0xF, v18  }
0x17e: {  	vm0 =	vlt.u32 v18, $0x10;
	v16 =	vperm.xlane v16, v19;
	v13 =	vperm.xlane v13, v19;
	_ =	sdelay $0x1  }
0x17f: {  	v13 =	vsel vm0, v16, v13  }
0x180: {  	v16 =	vand.u32 $0x7F, v13;
	v19 =	vshrl.u32 v13, $0x7;
	v20 =	vshrl.u32 v13, $0xC  }
0x181: {  	v13 =	vshrl.u32 v13, $0x11;
	v19 =	vand.u32 $0x1F, v19  }
0x182: {  	v20 =	vand.u32 $0x1F, v20;
	v19 =	vadd.s32 v16, v19  }
0x183: {  	v21 =	vmin.u32 v19, $0x40;
	vm0 =	vlt.u32 v19, v9  }
0x184: {  	v13 =	vand.u32 $0x1F, v13;
	v19 =	vadd.s32 v20, v21;
	v16 =	vsel vm0, v21, v16  }
0x185: {  	v20 =	vmin.u32 v19, $0x40;
	vm1 =	vlt.u32 v19, v9;
	v19 =	vsel vm0, $0x1, v2  }
0x186: {  	v13 =	vadd.s32 v13, v20;
	v21 =	vsel vm1, $0x1, v2;
	v16 =	vsel vm1, v20, v16  }
0x187: {  	v20 =	vmin.u32 v13, $0x40;
	vm0 =	vlt.u32 v13, v9;
	v13 =	vadd.s32 v19, v21  }
0x188: {  	v18 =	vshll.u32 v18, $0x2;
	v19 =	vsel vm0, $0x1, v2;
	v16 =	vsel vm0, v20, v16  }
0x189: {  	v13 =	vadd.s32 v19, v13  }
0x18a: {  	v18 =	vadd.s32 v18, v13;
	v13 =	vand.u32 $0x1, v13  }
0x18b: {  	v19 =	vshrl.u32 v18, $0x1;
	v20 =	vshra.s32 v18, $0x5  }
0x18c: {  	v19 =	vand.u32 $0xF, v19  }
0x18d: {  	vm0 =	veq.s32 v20, $0x0;
	v11 =	vperm.xlane v11, v19;
	v12 =	vperm.xlane v12, v19  }
0x18e: {  	vm1 =	veq.s32 v20, $0x1;
	v14 =	vperm.xlane v14, v19  }
0x18f: {  	v15 =	vperm.xlane v15, v19;
	v11 =	vnsel vm0, $0x0, v11;
	vm0 =	veq.s32 v20, $0x2  }
0x190: {  	v11 =	vsel vm1, v12, v11;
	vm1 =	veq.s32 v20, $0x3  }
0x191: {  	v11 =	vsel vm0, v14, v11  }
0x192: {  	vm0 =	veq.s32 v13, $0x0;
	v11 =	vsel vm1, v15, v11  }
0x193: {  	v12 =	vshrl.u32 v11, $0x10;
	v11 =	vand.u32 $0xFFFF, v11  }
0x194: {  	v11 =	vsel vm0, v11, v12  }
0x195: {  	v12 =	vand.u32 $0xF, v11;
	v13 =	vshrl.u32 v11, $0x4;
	v14 =	vshrl.u32 v11, $0x8  }
0x196: {  	v13 =	vand.u32 $0xF, v13;
	v14 =	vand.u32 $0xF, v14;
	v15 =	vperm.xlane v3, v12  }
0x197: {  	v16 =	vsub.s32 v10, v16;
	v19 =	vperm.xlane v3, v13;
	v20 =	vperm.xlane v3, v14  }
0x198: {  	vm0 =	vge.s32 v16, v15  }
0x199: {  	v19 =	vadd.s32 v15, v19;
	v21 =	vsel vm0, $0x1, v2;
	v15 =	vnsel vm0, $0x0, v15  }
0x19a: {  	v11 =	vshrl.u32 v11, $0xC;
	v20 =	vadd.s32 v20, v19;
	vm1 =	vge.s32 v16, v19  }
0x19b: {  	v12 =	vsel vm0, v13, v12;
	vm2 =	vge.s32 v16, v20;
	v13 =	vsel vm1, v19, v15  }
0x19c: {  	v12 =	vsel vm1, v14, v12;
	v14 =	vsel vm1, $0x1, v2;
	v13 =	vsel vm2, v20, v13  }
0x19d: {  	v11 =	vsel vm2, v11, v12;
	v12 =	vadd.s32 v14, v21;
	v13 =	vsub.s32 v16, v13  }
0x19e: {  	v14 =	vsel vm2, $0x1, v2;
	v15 =	vadd.s32 $0xFFFFFFFF, v11;
	vm0 =	vgt.s32 v13, $0x0  }
0x19f: {  	v12 =	vadd.s32 v14, v12;
	v14 =	vnsel vm0, $0xF, v15  }
0x1a0: {  	v11 =	vand.u32 v11, v14  }
0x1a1: {  	vm0 =	vgt.s32 v13, $0x1;
	v14 =	vadd.s32 $0xF, v11  }
0x1a2: {  	v14 =	vnsel vm0, $0xF, v14  }
0x1a3: {  	v11 =	vand.u32 v11, v14  }
0x1a4: {  	vm0 =	vgt.s32 v13, $0x2;
	v13 =	vadd.s32 $0xFFFFFFFF, v11  }
0x1a5: {  	v13 =	vnsel vm0, $0xF, v13  }
.Ltmp0:
0x1a6: {  	v11 =	vand.u32 v11, v13;
	(pc) =	sbr.rel @p0 .LBB2_2-.Ltmp0, $4  }
0x1a7: {  	v11 =	vperm.xlane v4, v11  }
0x1a8: {  	v13 =	vshll.u32 v18, $0x4  }
0x1a9: {  	v12 =	vshll.u32 v12, $0x2;
	v11 =	vadd.s32 v11, v13  }
0x1aa: {  	vm0 =	vgt.s32 v17, v10;
	v11 =	vadd.s32 v12, v11  }
0x1ab: {  	s8 =	sadd.s32 $0x1, s8  }
0x1ac: {  	v11 =	vnsel vm0, $0xFFFFFFFF, v11;
	p0 =	sne.s32 s8, s5  }
.Ltmp1:
0x1ad: {  	[tilespmem:s11+$0x10] =	vst v11;
	(pc) =	sbr.rel @p0 .LBB2_1-.Ltmp1, $4  }
0x1ae: {  	[hbm4b:s4+s2] =	stream.linear.scatter [tilespmem:s7], [sflag:$0x1], $0x2000, $0x38;
	[tilespmem:$0x6000] =	vst v63  }
0x1af: {  	_ =	swait.ge [sflag:s6], $0x2000  }
0x1b0: {  	[sflag:s6] =	ssyncset.done $0x0  }
0x1b1: {  	[sflag:s6] =	ssyncadd.s32 $0xFFFFE000  }
0x1b2: {  	_ =	sfence.sel $0x180000  }
0x1b3: {  	[bflag:$0x0] =	sbarrier.arrive $0xFFFF  }
0x1b4: {  	p0 =	sne.s32 s1, $0x0;
	_ =	strace $0x90000047  }
0x1b5: {  	s0 =	sadd.s32 @!p0 $0x100000, s0;
	[bflag:$0x2] =	sbarrier.arrive $0xFFFF  }
0x1b6: {  	[sflag:s0] =	ssyncadd.tile.s32 @!p0 $0x1;
	_ =	shalt  }
.Lfunc_end2:
_tile_overlayer_lowered:
.L_overlay_start_2:
0x1b7: {  	(tag) =	ssettag $0x2  }
0x1b8: {  	s0 =	rddreg [dreg:$0x0];
	s2 =	stileid.u32  }
0x1b9: {  	s1 =	rddreg [dreg:$0x1];
	p0 =	sne.s32 s2, $0x0  }
0x1ba: {  	s3 =	rddreg [dreg:$0x2];
	[bflag:$0x3] =	sbarrier.arrive $0xFFFF;
	s2 =	simm.s32 @!p0 $0x1C01  }
0x1bb: {  	[timem:s3], [sflag:s2] =	dma.local @!p0 [hbm:s0], s1  }
0x1bc: {  	s0 =	simm.s32 @!p0 $0x1  }
0x1bd: {  	_ =	swait.ge @!p0 [sflag:s0], s1  }
0x1be: {  	s1 =	ssub.s32 @!p0 $0x0, s1;
	[sflag:s0] =	ssyncset.done @!p0 $0x0  }
0x1bf: {  	[sflag:s0] =	ssyncadd.s32 @!p0 s1  }
0x1c0: {  	[bflag:$0x3] =	sbarrier.arrive $0xFFFF  }
0x1c1: {  	_ =	shalt  }

// kernel: kernel.9.cloned.1.call-start
scs
__scs_entry_jumppad:
0x0: {  	(pc) =	sbr.rel $0x88, $3  }
0x1: {  	(tag) =	ssettag $0x0;
	lr =	simm.s32 $0x1  }
0x2: {  	[smem:$0x3F9F] =	sst lr;
	_ =	strace $0xD0000000  }
0x3: {  	_ = 	snop  }
0x4: {  	_ = 	snop  }
0x5: {  	_ = 	snop  }
0x6: {  	_ = 	snop  }
0x7: {  	_ = 	snop  }
__scs_overlays_trampoline_lowered:
0x8: {  	[smem:$0x3FAE] =	sst s0  }
0x9: {  	[smem:$0x3FAF] =	sst s1  }
0xa: {  	[smem:$0x3FB0] =	sst s2  }
0xb: {  	[smem:$0x3FB1] =	sst s3  }
0xc: {  	[smem:$0x3FB2] =	sst s4  }
0xd: {  	[smem:$0x3FB3] =	sst s5  }
0xe: {  	[smem:$0x3FB4] =	sst s6  }
0xf: {  	[smem:$0x3FB5] =	sst s7  }
0x10: {  	[smem:$0x3FB6] =	sst s8  }
0x11: {  	[smem:$0x3FB7] =	sst s9;
	s0 =	simm.s32 @!p0 $0x0  }
0x12: {  	s1 =	sld [smem:$0x3F9D];
	s0 =	simm.s32 @p0 $0x1  }
0x13: {  	[smem:$0x3FB8] =	sst s0;
	s0 =	simm.s32 @!p1 $0x0  }
0x14: {  	s2 =	sld [smem:$0x3F9C];
	s0 =	simm.s32 @p1 $0x1  }
0x15: {  	[smem:$0x3FB9] =	sst s0;
	s0 =	simm.s32 @!p2 $0x0  }
0x16: {  	s3 =	sld [smem:$0x3FDB];
	s0 =	simm.s32 @p2 $0x1  }
0x17: {  	s4 =	simm.s32 $0x1BF5;
	[smem:$0x3FBB] =	sst s0  }
0x18: {  	s0 =	sld [smem:$0x3F9E];
	_ =	swait.ge [sflag:s4], $0x0  }
0x19: {  	s7 =	sld [smem:$0x3F9F]  }
0x1a: {  	s8 =	sadd.s32 $0xFFFFE003, lr  }
0x1b: {  	s9 =	sadd.s32 $0xFFFFFEF7, lr;
	s5 =	simm.s32 $0xFFFFFFFF;
	p2 =	slt.u32 s8, $0xFFFFF086  }
0x1c: {  	p1 =	slt.u32 s9, $0xF7A;
	s5 =	simm.s32 @!p2 $0x0  }
0x1d: {  	s5 =	simm.s32 @p1 $0x1;
	p0 =	seq.s32 s7, s2  }
0x1e: {  	s7 =	smul.u32 @!p0 $0xF7A, s2;
	p2 =	seq.s32 @!p0 s5, $0x0  }
0x1f: {  	s9 =	smul.u32 $0xF7A, s1;
	s8 =	simm.s32 @!p0 $0x1BF5;
	p2 =	por !p2, p0  }
0x20: {  	[sflag:s8] =	ssyncset.s32 @!p0 $0xFFFFF086;
	s6 =	sadd.s32 @!p0 s3, s7;
	s7 =	simm.s32 @!p0 $0x108  }
0x21: {  	s3 =	sadd.s32 s3, s9;
	s6 =	sadd.s32 @!p0 $0x88, s6;
	s7 =	simm.s32 @p2 $0x1082  }
0x22: {  	[simem:s7], [sflag:s8] =	dma.local @!p0 [hbm:s6], $0xF7A  }
0x23: {  	s9 =	sor.u32 $0xD0000000, s2;
	s6 =	simm.s32 $0x108;
	_ =	swait.ge @!p0 [sflag:s8], $0x0  }
0x24: {  	s3 =	sadd.s32 $0x88, s3;
	s6 =	simm.s32 @!p1 $0x1082;
	[sflag:s4] =	ssyncset.s32 $0xFFFFF086  }
0x25: {  	[simem:s6], [sflag:s4] =	dma.local [hbm:s3], $0xF7A  }
0x26: {  	[smem:$0x3F9F] =	sst s1;
	(tag) =	ssettag s2;
	_ =	strace s9  }
0x27: {  	s1 =	sld [smem:$0x3FAF]  }
0x28: {  	s2 =	sld [smem:$0x3FB0]  }
0x29: {  	s4 =	sld [smem:$0x3FB2]  }
0x2a: {  	p0 =	seq.s32 s5, $0x0;
	s5 =	sld [smem:$0x3FB3]  }
0x2b: {  	s6 =	sld [smem:$0x3FB4]  }
0x2c: {  	s7 =	sld [smem:$0x3FB5]  }
0x2d: {  	s3 =	simm.s32 $0x108;
	s8 =	sld [smem:$0x3FB6]  }
0x2e: {  	s3 =	simm.s32 @!p0 $0x1082;
	s9 =	sld [smem:$0x3FB7]  }
0x2f: {  	lr =	sadd.s32 s0, s3;
	s0 =	sld [smem:$0x3FAE]  }
0x30: {  	s3 =	sld [smem:$0x3FB1]  }
0x31: {  	[smem:$0x3FBA] =	sst s10  }
0x32: {  	s10 =	sld [smem:$0x3FB8];
	_ =	sdelay $0x3  }
0x33: {  	p0 =	seq.s32 s10, $0x1;
	s10 =	sld [smem:$0x3FBA];
	_ =	sdelay $0x3  }
0x34: {  	[smem:$0x3FBA] =	sst s10  }
0x35: {  	s10 =	sld [smem:$0x3FB9];
	_ =	sdelay $0x3  }
0x36: {  	p1 =	seq.s32 s10, $0x1;
	s10 =	sld [smem:$0x3FBA];
	_ =	sdelay $0x3  }
0x37: {  	[smem:$0x3FBA] =	sst s10  }
0x38: {  	s10 =	sld [smem:$0x3FBB]  }
0x39: {  	_ = 	snop;
	(pc) =	sbr.ind lr, $3  }
0x3a: {  	_ = 	snop  }
0x3b: {  	_ = 	snop  }
0x3c: {  	p2 =	seq.s32 s10, $0x1;
	s10 =	sld [smem:$0x3FBA]  }
0x3d: {  	_ =	shalt  }
0x3e: {  	_ =	shalt  }
0x3f: {  	_ =	shalt  }
0x40: {  	_ =	shalt  }
0x41: {  	_ =	shalt  }
0x42: {  	_ =	shalt  }
0x43: {  	_ =	shalt  }
0x44: {  	_ =	shalt  }
0x45: {  	_ =	shalt  }
0x46: {  	_ =	shalt  }
0x47: {  	_ =	shalt  }
0x48: {  	_ =	shalt  }
0x49: {  	_ =	shalt  }
0x4a: {  	_ =	shalt  }
0x4b: {  	_ =	shalt  }
0x4c: {  	_ =	shalt  }
0x4d: {  	_ =	shalt  }
0x4e: {  	_ =	shalt  }
0x4f: {  	_ =	shalt  }
0x50: {  	_ =	shalt  }
0x51: {  	_ =	shalt  }
0x52: {  	_ =	shalt  }
0x53: {  	_ =	shalt  }
0x54: {  	_ =	shalt  }
0x55: {  	_ =	shalt  }
0x56: {  	_ =	shalt  }
0x57: {  	_ =	shalt  }
0x58: {  	_ =	shalt  }
0x59: {  	_ =	shalt  }
0x5a: {  	_ =	shalt  }
0x5b: {  	_ =	shalt  }
0x5c: {  	_ =	shalt  }
0x5d: {  	_ =	shalt  }
0x5e: {  	_ =	shalt  }
0x5f: {  	_ =	shalt  }
0x60: {  	_ =	shalt  }
0x61: {  	_ =	shalt  }
0x62: {  	_ =	shalt  }
0x63: {  	_ =	shalt  }
0x64: {  	_ =	shalt  }
0x65: {  	_ =	shalt  }
0x66: {  	_ =	shalt  }
0x67: {  	_ =	shalt  }
0x68: {  	_ =	shalt  }
0x69: {  	_ =	shalt  }
0x6a: {  	_ =	shalt  }
0x6b: {  	_ =	shalt  }
0x6c: {  	_ =	shalt  }
0x6d: {  	_ =	shalt  }
0x6e: {  	_ =	shalt  }
0x6f: {  	_ =	shalt  }
0x70: {  	_ =	shalt  }
0x71: {  	_ =	shalt  }
0x72: {  	_ =	shalt  }
0x73: {  	_ =	shalt  }
0x74: {  	_ =	shalt  }
0x75: {  	_ =	shalt  }
0x76: {  	_ =	shalt  }
0x77: {  	_ =	shalt  }
0x78: {  	_ =	shalt  }
0x79: {  	_ =	shalt  }
0x7a: {  	_ =	shalt  }
0x7b: {  	_ =	shalt  }
0x7c: {  	_ =	shalt  }
0x7d: {  	_ =	shalt  }
0x7e: {  	_ =	shalt  }
0x7f: {  	_ =	shalt  }
0x80: {  	_ =	shalt  }
0x81: {  	_ =	shalt  }
0x82: {  	_ =	shalt  }
0x83: {  	_ =	shalt  }
0x84: {  	_ =	shalt  }
0x85: {  	_ =	shalt  }
0x86: {  	_ =	shalt  }
0x87: {  	_ =	shalt  }
.Lfunc_end0:
.L_simem_size_0:
called_computation.1_lowered:
.L_overlay_start_0:
0x88: {  	s2 =	sld [smem:$0x3FD9]  }
0x89: {  	s3 =	sld [smem:$0x3FFE];
	_ =	sdelay $0x1  }
0x8a: {  	s1 =	srdreg.scid  }
0x8b: {  	s0 =	sand.u32 $0x1, s1  }
0x8c: {  	s17 =	sshll.u32 s0, $0xA;
	s2 =	sadd.s32 s3, s2  }
0x8d: {  	s2 =	sadd.s32 s2, s17  }
0x8e: {  	[smem:$0x3FC6] =	sst s2  }
0x8f: {  	_ = 	snop  }
0x90: {  	s18 =	sld [smem:$0x3FD0];
	(tm) =	ssettm $0x1  }
0x91: {  	s19 =	sld [smem:$0x3FFB];
	_ =	sdelay $0x3  }
0x92: {  	_ =	strace s19  }
0x93: {  	s2 =	sld [smem:$0x3FFC];
	_ =	sdelay $0x3  }
0x94: {  	_ =	strace s2  }
0x95: {  	s2 =	sld [smem:$0x3FFD];
	_ =	sdelay $0x3  }
0x96: {  	_ =	strace s2  }
0x97: {  	_ =	strace $0x8FFFFFFF  }
0x98: {  	s20 =	sld [smem:$0x3FDB];
	_ =	sdelay $0x1  }
0x99: {  	s4 =	simm.s32 $_scs_section_size  }
0x9a: {  	s5 =	simm.s32 $_size__tile_overlayer_lowered;
	s6 =	simm.s32 $_tile_overlayer_lowered  }
0x9b: {  	s7 =	simm.s32 $0x1BFF;
	s21 =	sshll.u32 s6, $0x1;
	s4 =	sadd.s32 s4, s20  }
0x9c: {  	s22 =	simm.s32 $0x0;
	s5 =	sshll.u32 s5, $0x1;
	s6 =	sadd.s32 s21, s4  }
0x9d: {  	[timem:s22], [sflag:s7] =	dma.local [hbm:s6], s5  }
0x9e: {  	_ =	swait.ge [sflag:s7], s5  }
0x9f: {  	s5 =	ssub.s32 $0x0, s5;
	[sflag:s7] =	ssyncset.done $0x0  }
0xa0: {  	[sflag:s7] =	ssyncadd.s32 s5;
	_ =	sdelay $0x1  }
0xa1: {  	s23 =	simm.s32 $0x1B8B  }
0xa2: {  	_ =	swait.ge [sflag:s23], $0x1  }
0xa3: {  	[sflag:s23] =	ssyncset.done $0x0  }
0xa4: {  	[sflag:s23] =	ssyncadd.s32 $0xFFFFFFFF  }
0xa5: {  	s5 =	sld [smem:$0x0]  }
0xa6: {  	s6 =	sand.u32 $0xFFFFFFFE, s1  }
0xa7: {  	p0 =	sne.s32 s1, s6  }
0xa8: {  	s6 =	sshll.u32 @p0 s6, $0xE  }
0xa9: {  	s6 =	sadd.s32 @p0 $0x11B8D, s6;
	s7 =	sshll.u32 @p0 s5, $0x11  }
0xaa: {  	s6 =	sor.u32 @p0 s7, s6  }
0xab: {  	[sflag:s6] =	ssyncadd.remote.s32 @p0 $0x1;
	_ =	sdelay $0x1  }
0xac: {  	s6 =	simm.s32 @p0 $0x1B8D  }
0xad: {  	_ =	swait.eq @p0 [sflag:s6], $0x1  }
0xae: {  	[sflag:s6] =	ssyncadd.s32 @p0 $0xFFFFFFFF  }
0xaf: {  	s7 =	sshll.u32 @!p0 s1, $0xE  }
0xb0: {  	s7 =	sor.u32 @!p0 $0x4000, s7;
	s6 =	simm.s32 @!p0 $0x1B8D  }
0xb1: {  	s5 =	sshll.u32 @!p0 s5, $0x11;
	s7 =	sadd.s32 @!p0 $0x11B8D, s7;
	_ =	swait.eq @!p0 [sflag:s6], $0x1  }
0xb2: {  	s5 =	sor.u32 @!p0 s5, s7;
	[sflag:s6] =	ssyncadd.s32 @!p0 $0xFFFFFFFF  }
0xb3: {  	s25 =	simm.s32 $0x1B8E;
	s24 =	sld [smem:$0x3FFE];
	[sflag:s5] =	ssyncadd.remote.s32 @!p0 $0x1  }
0xb4: {  	s26 =	simm.s32 $execute0_lowered;
	[smem:$0x3FD2] =	sst s25  }
0xb5: {  	s6 =	sshll.u32 s26, $0x1;
	_ =	strace $0x80000049;
	[dreg:$0x1] =	wrdreg $0xFFFFFFFF  }
0xb6: {  	s28 =	simm.s32 $_size_execute0_lowered;
	s4 =	sadd.s32 s4, s6;
	[dreg:$0x0] =	wrdreg $0x0  }
0xb7: {  	s6 =	sshll.u32 s28, $0x1;
	[dreg:$0x2] =	wrdreg s4  }
0xb8: {  	[dreg:$0x3] =	wrdreg s6  }
0xb9: {  	[dreg:$0x4] =	wrdreg $0xC0  }
0xba: {  	_ =	task [dreg:s22], $0x5FFFF  }
0xbb: {  	[dreg:$0x1] =	wrdreg $0xFFFFFFFF  }
0xbc: {  	[dreg:$0x0] =	wrdreg $0x60  }
0xbd: {  	[dreg:$0x2] =	wrdreg s24  }
0xbe: {  	[dreg:$0x3] =	wrdreg s18  }
0xbf: {  	[dreg:$0x4] =	wrdreg $0xA  }
0xc0: {  	_ =	task.clear_ibuf [dreg:s22], $0x5FFFF;
	_ =	strace $0x90000049  }
0xc1: {  	s29 =	simm.s32 $0xA;
	_ =	strace $0x8000004B  }
0xc2: {  	_ =	swait.ge [sflag:s29], $0x1  }
0xc3: {  	[sflag:s29] =	ssyncadd.s32 $0xFFFFFFFF  }
0xc4: {  	_ =	strace $0x9000004B  }
0xc5: {  	_ =	sfence  }
0xc6: {  	s30 =	sld [smem:$0x0];
	_ =	sdelay $0x2  }
0xc7: {  	s31 =	sshll.u32 s1, $0xD;
	s1 =	sshrl.u32 s1, $0x2  }
0xc8: {  	s4 =	sand.u32 $0x4000, s31;
	s1 =	sadd.s32 s1, s30  }
0xc9: {  	s0 =	sor.u32 s4, s0;
	s1 =	sshll.u32 s1, $0x11  }
0xca: {  	s0 =	sor.u32 s1, s0  }
0xcb: {  	s0 =	sadd.s32 $0x8F2B, s0  }
0xcc: {  	[sflag:s0] =	ssyncadd.remote.s32 $0x1  }
0xcd: {  	_ =	sfence.sel $0xFFFF  }
0xce: {  	[dreg:$0x0] =	wrdreg $0xFFFFFFFF;
	(pc) =	sbr.abs _section_cstart, $3  }
0xcf: {  	[dreg:$0x1] =	wrdreg $0xFFFFFFFF  }
0xd0: {  	_ =	task.clear_ibuf [dreg:s22], $0x2FFFF;
	_ =	strace $0x9FFFFFFF  }
0xd1: {  	(tm) =	ssettm $0x7FFFFFFF  }
tec
execute0_lowered:
.L_overlay_start_1:
0x0: {  	(tag) =	ssettag $0x1  }
0x1: {  	v0 =	vimm.s32 $0x3EE9E994  }
0x2: {  	s3 =	rddreg [dreg:$0x0];
	v0 =	vunpack.c.l.s2.s4 v0  }
0x3: {  	s4 =	rddreg [dreg:$0x1];
	s2 =	srdreg.scid  }
0x4: {  	s0 =	rddreg [dreg:$0x2];
	s1 =	stileid.u32;
	v1 =	vimm.s32 $0x1020103;
	s5 =	sand.u32 $0x1, s2;
	v0 =	vunpack.c.l.s4.s8 v0  }
0x5: {  	s2 =	simm.s32 $0x0;
	s6 =	sshll.u32 s1, $0x7;
	v4 =	vunpack.c.l.s4.s8 v1;
	s7 =	sshll.u32 s5, $0x6  }
0x6: {  	[smem:$0x7FF] =	sst s2;
	s5 =	ssub.s32 $0x2, s5;
	s6 =	sor.u32 s7, s6;
	v2 =	vunpack.c.0.s8.s32 v0;
	v0 =	vlaneseq.u32  }
0x7: {  	vm0 =	vcmask $0x3B00;
	_ =	strace $0x8000004A;
	s8 =	sshrl.u32 s5, $0x1;
	v4 =	vunpack.c.0.s8.s32 v4;
	s7 =	sshll.u32 s6, $0x5;
	v1 =	vadd.s32 $0x1, v0  }
0x8: {  	s5 =	ssub.s32 s5, s8;
	s6 =	sshll.u32 s6, $0x4;
	s8 =	simm.s32 $0x0;
	v5 =	vadd.s32 $0x11, v0;
	v6 =	vor.u32 $0x10, v0;
	v7 =	vadd.s32 $0x21, v0  }
0x9: {  	s3 =	sadd.s32 s7, s3;
	s4 =	sadd.s32 s4, s6;
	s5 =	smax.u32 s5, $0x1;
	v8 =	vor.u32 $0x20, v0;
	v9 =	vadd.s32 $0x31, v0;
	v3 =	vand.u32 $0x3, v2  }
0xa: {  	s6 =	simm.s32 $0x1;
	s7 =	simm.s32 $0x4000;
	s3 =	sadd.s32 $0x19E00, s3;
	v10 =	vor.u32 $0x30, v0;
	v2 =	vimm.s32 $0x0;
	v3 =	vnsel vm0, $0x4, v3  }
.LBB2_1:
0xb: {  	[tilespmem:s2], [sflag:$0x1] =	stream.linear.gather [hbm4b:s3+s2], $0x4000, $0x38;
	[tilespmem:$0x6000] =	vst v63  }
0xc: {  	_ =	swait.ge [sflag:s6], $0x4000  }
0xd: {  	s9 =	sand.u32 $0x3800, s2;
	s10 =	sand.u32 $0x380, s2;
	[sflag:s6] =	ssyncset.done $0x0  }
0xe: {  	s10 =	sor.u32 s10, s9;
	[sflag:s6] =	ssyncadd.s32 $0xFFFFC000  }
0xf: {  	v11 =	vld [tilespmem:s10+$0x400]  }
0x10: {  	v16 =	vld [tilespmem:s10+$0x50]  }
0x11: {  	v17 =	vld [tilespmem:s10+$0x40];
	_ =	sdelay $0x2  }
0x12: {  	v11 =	vadd.s32 $0xFFFFFFFF, v11  }
0x13: {  	v12 =	vand.u32 $0xF, v11  }
0x14: {  	v13 =	vperm.xlane v17, v12;
	v12 =	vperm.xlane v16, v12  }
0x15: {  	vm0 =	vlt.u32 v11, $0x10  }
0x16: {  	v12 =	vsel vm0, v13, v12  }
0x17: {  	v13 =	vshrl.u32 v12, $0x7  }
0x18: {  	v15 =	vand.u32 $0x7F, v12;
	v13 =	vand.u32 $0x1F, v13  }
0x19: {  	v14 =	vshrl.u32 v12, $0xC;
	v13 =	vadd.s32 v15, v13  }
0x1a: {  	v14 =	vand.u32 $0x1F, v14;
	v18 =	vmin.u32 v13, $0x40  }
0x1b: {  	v12 =	vshrl.u32 v12, $0x11;
	v14 =	vadd.s32 v14, v18  }
0x1c: {  	v12 =	vand.u32 $0x1F, v12;
	v19 =	vmin.u32 v14, $0x40  }
0x1d: {  	vm2 =	vlt.u32 v13, v1;
	vm0 =	vlt.u32 v14, v1;
	v20 =	vadd.s32 v12, v19  }
0x1e: {  	v41 =	vsel vm2, $0x1, v2;
	v42 =	vsel vm0, $0x1, v2;
	vm1 =	vlt.u32 v20, v1  }
0x1f: {  	v12 =	vld [tilespmem:s10+$0x0];
	v43 =	vadd.s32 v41, v42;
	v21 =	vsel vm1, $0x1, v2  }
0x20: {  	v11 =	vshll.u32 v11, $0x2;
	v13 =	vld [tilespmem:s10+$0x10];
	v21 =	vadd.s32 v21, v43  }
0x21: {  	v14 =	vld [tilespmem:s10+$0x20];
	v22 =	vadd.s32 v11, v21  }
0x22: {  	v11 =	vld [tilespmem:s10+$0x30];
	v23 =	vshrl.u32 v22, $0x1  }
0x23: {  	v23 =	vand.u32 $0xF, v23  }
0x24: {  	v24 =	vshra.s32 v22, $0x5;
	v25 =	vperm.xlane v12, v23  }
0x25: {  	vm3 =	veq.s32 v24, $0x0;
	v26 =	vperm.xlane v13, v23  }
0x26: {  	v27 =	vperm.xlane v14, v23;
	v25 =	vnsel vm3, $0x0, v25;
	vm3 =	veq.s32 v24, $0x1  }
0x27: {  	v23 =	vperm.xlane v11, v23;
	v25 =	vsel vm3, v26, v25;
	vm3 =	veq.s32 v24, $0x2  }
0x28: {  	v25 =	vsel vm3, v27, v25;
	vm3 =	veq.s32 v24, $0x3  }
0x29: {  	v15 =	vsel vm2, v18, v15;
	v44 =	vand.u32 $0x1, v21;
	v45 =	vsel vm3, v23, v25  }
0x2a: {  	vm2 =	veq.s32 v44, $0x0;
	v46 =	vshrl.u32 v45, $0x10;
	v21 =	vand.u32 $0xFFFF, v45  }
0x2b: {  	v15 =	vsel vm0, v19, v15;
	v47 =	vmin.u32 v20, $0x40;
	v18 =	vsel vm2, v21, v46  }
0x2c: {  	v15 =	vsel vm1, v47, v15;
	v48 =	vshrl.u32 v18, $0x4  }
0x2d: {  	v49 =	vand.u32 $0xF, v18;
	v21 =	vshrl.u32 v18, $0x8;
	v19 =	vand.u32 $0xF, v48  }
0x2e: {  	v50 =	vperm.xlane v3, v49;
	v21 =	vand.u32 $0xF, v21;
	v51 =	vperm.xlane v3, v19  }
0x2f: {  	v15 =	vsub.s32 v0, v15;
	v52 =	vperm.xlane v3, v21  }
0x30: {  	vm0 =	vge.s32 v15, v50;
	v24 =	vadd.s32 v50, v51  }
0x31: {  	v23 =	vnsel vm0, $0x0, v50;
	v25 =	vadd.s32 v52, v24;
	vm1 =	vge.s32 v15, v24  }
0x32: {  	v19 =	vsel vm0, v19, v49;
	vm2 =	vge.s32 v15, v25;
	v53 =	vsel vm1, v24, v23  }
0x33: {  	v18 =	vshrl.u32 v18, $0xC;
	v19 =	vsel vm1, v21, v19;
	v20 =	vsel vm2, v25, v53  }
0x34: {  	v18 =	vsel vm2, v18, v19;
	v15 =	vsub.s32 v15, v20  }
0x35: {  	v19 =	vadd.s32 $0xFFFFFFFF, v18;
	vm3 =	vgt.s32 v15, $0x0  }
0x36: {  	v19 =	vnsel vm3, $0xF, v19  }
0x37: {  	v18 =	vand.u32 v18, v19  }
0x38: {  	vm3 =	vgt.s32 v15, $0x1;
	v19 =	vadd.s32 $0xF, v18  }
0x39: {  	v19 =	vnsel vm3, $0xF, v19  }
0x3a: {  	v18 =	vand.u32 v18, v19  }
0x3b: {  	s9 =	sor.u32 $0x440, s10;
	vm3 =	vgt.s32 v15, $0x2;
	v19 =	vadd.s32 $0xFFFFFFFF, v18  }
0x3c: {  	v15 =	vld.msk [tilespmem:s9+$0x0 ss:$0x0], $0xffff;
	v19 =	vnsel vm3, $0xF, v19  }
0x3d: {  	v54 =	vsel vm0, $0x1, v2;
	v55 =	vsel vm1, $0x1, v2;
	v18 =	vand.u32 v18, v19  }
0x3e: {  	v56 =	vadd.s32 v55, v54;
	v57 =	vsel vm2, $0x1, v2;
	v18 =	vperm.xlane v4, v18  }
0x3f: {  	v58 =	vshll.u32 v22, $0x4;
	v19 =	vadd.s32 v57, v56  }
0x40: {  	v19 =	vshll.u32 v19, $0x2;
	v18 =	vadd.s32 v18, v58  }
0x41: {  	vm0 =	vgt.s32 v15, v0;
	v18 =	vadd.s32 v19, v18  }
0x42: {  	s9 =	simm.s32 $0x4020;
	v18 =	vnsel vm0, $0xFFFFFFFF, v18  }
0x43: {  	[tilespmem:s9+$0xFFFFFFE0] =	vst v18  }
0x44: {  	v18 =	vld [tilespmem:s10+$0x410];
	_ =	sdelay $0x4  }
0x45: {  	v18 =	vadd.s32 $0xFFFFFFFF, v18  }
0x46: {  	v59 =	vand.u32 $0xF, v18  }
0x47: {  	v60 =	vperm.xlane v17, v59;
	v19 =	vperm.xlane v16, v59  }
0x48: {  	vm0 =	vlt.u32 v18, $0x10  }
0x49: {  	v19 =	vsel vm0, v60, v19  }
0x4a: {  	v20 =	vshrl.u32 v19, $0x7  }
0x4b: {  	v61 =	vand.u32 $0x7F, v19;
	v20 =	vand.u32 $0x1F, v20  }
0x4c: {  	v62 =	vshrl.u32 v19, $0xC;
	v20 =	vadd.s32 v61, v20  }
0x4d: {  	v22 =	vand.u32 $0x1F, v62;
	v63 =	vmin.u32 v20, $0x40  }
0x4e: {  	v19 =	vshrl.u32 v19, $0x11;
	v22 =	vadd.s32 v22, v63  }
0x4f: {  	v19 =	vand.u32 $0x1F, v19;
	v32 =	vmin.u32 v22, $0x40  }
0x50: {  	vm0 =	vlt.u32 v20, v5;
	vm1 =	vlt.u32 v22, v5;
	v19 =	vadd.s32 v19, v32  }
0x51: {  	v20 =	vsel vm0, $0x1, v2;
	v22 =	vsel vm1, $0x1, v2;
	vm2 =	vlt.u32 v19, v5  }
0x52: {  	v20 =	vadd.s32 v20, v22;
	v33 =	vsel vm2, $0x1, v2  }
0x53: {  	v18 =	vshll.u32 v18, $0x2;
	v20 =	vadd.s32 v33, v20  }
0x54: {  	v18 =	vadd.s32 v18, v20  }
0x55: {  	v34 =	vshrl.u32 v18, $0x1  }
0x56: {  	v22 =	vand.u32 $0xF, v34  }
0x57: {  	v35 =	vshra.s32 v18, $0x5;
	v36 =	vperm.xlane v12, v22  }
0x58: {  	vm3 =	veq.s32 v35, $0x0;
	v37 =	vperm.xlane v13, v22  }
0x59: {  	v28 =	vperm.xlane v14, v22;
	v26 =	vnsel vm3, $0x0, v36;
	vm3 =	veq.s32 v35, $0x1  }
0x5a: {  	v22 =	vperm.xlane v11, v22;
	v26 =	vsel vm3, v37, v26;
	vm3 =	veq.s32 v35, $0x2  }
0x5b: {  	v26 =	vsel vm3, v28, v26;
	vm3 =	veq.s32 v35, $0x3  }
0x5c: {  	v21 =	vsel vm0, v63, v61;
	v20 =	vand.u32 $0x1, v20;
	v22 =	vsel vm3, v22, v26  }
0x5d: {  	vm0 =	veq.s32 v20, $0x0;
	v38 =	vshrl.u32 v22, $0x10;
	v22 =	vand.u32 $0xFFFF, v22  }
0x5e: {  	v21 =	vsel vm1, v32, v21;
	v19 =	vmin.u32 v19, $0x40;
	v20 =	vsel vm0, v22, v38  }
0x5f: {  	v19 =	vsel vm2, v19, v21;
	v39 =	vshrl.u32 v20, $0x4  }
0x60: {  	v22 =	vand.u32 $0xF, v20;
	v40 =	vshrl.u32 v20, $0x8;
	v21 =	vand.u32 $0xF, v39  }
0x61: {  	v23 =	vand.u32 $0xF, v40;
	v41 =	vperm.xlane v3, v22;
	v42 =	vperm.xlane v3, v21  }
0x62: {  	v19 =	vsub.s32 v6, v19;
	v43 =	vperm.xlane v3, v23  }
0x63: {  	vm0 =	vge.s32 v19, v41;
	v25 =	vadd.s32 v41, v42  }
0x64: {  	v24 =	vnsel vm0, $0x0, v41;
	v26 =	vadd.s32 v43, v25;
	vm1 =	vge.s32 v19, v25  }
0x65: {  	v21 =	vsel vm0, v21, v22;
	vm2 =	vge.s32 v19, v26;
	v44 =	vsel vm1, v25, v24  }
0x66: {  	v20 =	vshrl.u32 v20, $0xC;
	v21 =	vsel vm1, v23, v21;
	v22 =	vsel vm2, v26, v44  }
0x67: {  	v20 =	vsel vm2, v20, v21;
	v19 =	vsub.s32 v19, v22  }
0x68: {  	v21 =	vadd.s32 $0xFFFFFFFF, v20;
	vm3 =	vgt.s32 v19, $0x0  }
0x69: {  	v21 =	vnsel vm3, $0xF, v21  }
0x6a: {  	v20 =	vand.u32 v20, v21  }
0x6b: {  	vm3 =	vgt.s32 v19, $0x1;
	v21 =	vadd.s32 $0xF, v20  }
0x6c: {  	v21 =	vnsel vm3, $0xF, v21  }
0x6d: {  	v20 =	vand.u32 v20, v21  }
0x6e: {  	vm3 =	vgt.s32 v19, $0x2;
	v45 =	vadd.s32 $0xFFFFFFFF, v20  }
0x6f: {  	v19 =	vnsel vm3, $0xF, v45  }
0x70: {  	v46 =	vsel vm0, $0x1, v2;
	v47 =	vsel vm1, $0x1, v2;
	v19 =	vand.u32 v20, v19  }
0x71: {  	v48 =	vadd.s32 v47, v46;
	v49 =	vsel vm2, $0x1, v2;
	v19 =	vperm.xlane v4, v19  }
0x72: {  	v18 =	vshll.u32 v18, $0x4;
	v20 =	vadd.s32 v49, v48  }
0x73: {  	v20 =	vshll.u32 v20, $0x2;
	v18 =	vadd.s32 v19, v18  }
0x74: {  	vm0 =	vgt.s32 v15, v6;
	v18 =	vadd.s32 v20, v18  }
0x75: {  	v18 =	vnsel vm0, $0xFFFFFFFF, v18  }
0x76: {  	[tilespmem:s9+$0xFFFFFFF0] =	vst v18  }
0x77: {  	v18 =	vld [tilespmem:s10+$0x420];
	_ =	sdelay $0x4  }
0x78: {  	v18 =	vadd.s32 $0xFFFFFFFF, v18  }
0x79: {  	v50 =	vand.u32 $0xF, v18  }
0x7a: {  	v51 =	vperm.xlane v17, v50;
	v19 =	vperm.xlane v16, v50  }
0x7b: {  	vm0 =	vlt.u32 v18, $0x10  }
0x7c: {  	v19 =	vsel vm0, v51, v19  }
0x7d: {  	v20 =	vshrl.u32 v19, $0x7  }
0x7e: {  	v52 =	vand.u32 $0x7F, v19;
	v20 =	vand.u32 $0x1F, v20  }
0x7f: {  	v53 =	vshrl.u32 v19, $0xC;
	v20 =	vadd.s32 v52, v20  }
0x80: {  	v22 =	vand.u32 $0x1F, v53;
	v54 =	vmin.u32 v20, $0x40  }
0x81: {  	v19 =	vshrl.u32 v19, $0x11;
	v22 =	vadd.s32 v22, v54  }
0x82: {  	v19 =	vand.u32 $0x1F, v19;
	v55 =	vmin.u32 v22, $0x40  }
0x83: {  	vm0 =	vlt.u32 v20, v7;
	vm1 =	vlt.u32 v22, v7;
	v19 =	vadd.s32 v19, v55  }
0x84: {  	v57 =	vsel vm0, $0x1, v2;
	v56 =	vsel vm1, $0x1, v2;
	vm2 =	vlt.u32 v19, v7  }
0x85: {  	v20 =	vadd.s32 v57, v56;
	v58 =	vsel vm2, $0x1, v2  }
0x86: {  	v18 =	vshll.u32 v18, $0x2;
	v20 =	vadd.s32 v58, v20  }
0x87: {  	v18 =	vadd.s32 v18, v20  }
0x88: {  	v59 =	vshrl.u32 v18, $0x1  }
0x89: {  	v22 =	vand.u32 $0xF, v59  }
0x8a: {  	v60 =	vshra.s32 v18, $0x5;
	v61 =	vperm.xlane v12, v22  }
0x8b: {  	vm3 =	veq.s32 v60, $0x0;
	v62 =	vperm.xlane v13, v22  }
0x8c: {  	v63 =	vperm.xlane v14, v22;
	v26 =	vnsel vm3, $0x0, v61;
	vm3 =	veq.s32 v60, $0x1  }
0x8d: {  	v22 =	vperm.xlane v11, v22;
	v26 =	vsel vm3, v62, v26;
	vm3 =	veq.s32 v60, $0x2  }
0x8e: {  	v26 =	vsel vm3, v63, v26;
	vm3 =	veq.s32 v60, $0x3  }
0x8f: {  	v21 =	vsel vm0, v54, v52;
	v20 =	vand.u32 $0x1, v20;
	v22 =	vsel vm3, v22, v26  }
0x90: {  	vm0 =	veq.s32 v20, $0x0;
	v28 =	vshrl.u32 v22, $0x10;
	v22 =	vand.u32 $0xFFFF, v22  }
0x91: {  	v21 =	vsel vm1, v55, v21;
	v19 =	vmin.u32 v19, $0x40;
	v20 =	vsel vm0, v22, v28  }
0x92: {  	v19 =	vsel vm2, v19, v21;
	v29 =	vshrl.u32 v20, $0x4  }
0x93: {  	v22 =	vand.u32 $0xF, v20;
	v30 =	vshrl.u32 v20, $0x8;
	v21 =	vand.u32 $0xF, v29  }
0x94: {  	v23 =	vand.u32 $0xF, v30;
	v31 =	vperm.xlane v3, v22;
	v32 =	vperm.xlane v3, v21  }
0x95: {  	v19 =	vsub.s32 v8, v19;
	v33 =	vperm.xlane v3, v23  }
0x96: {  	vm0 =	vge.s32 v19, v31;
	v25 =	vadd.s32 v31, v32  }
0x97: {  	v24 =	vnsel vm0, $0x0, v31;
	v26 =	vadd.s32 v33, v25;
	vm1 =	vge.s32 v19, v25  }
0x98: {  	v21 =	vsel vm0, v21, v22;
	vm2 =	vge.s32 v19, v26;
	v34 =	vsel vm1, v25, v24  }
0x99: {  	v20 =	vshrl.u32 v20, $0xC;
	v21 =	vsel vm1, v23, v21;
	v22 =	vsel vm2, v26, v34  }
0x9a: {  	v20 =	vsel vm2, v20, v21;
	v19 =	vsub.s32 v19, v22  }
0x9b: {  	v21 =	vadd.s32 $0xFFFFFFFF, v20;
	vm3 =	vgt.s32 v19, $0x0  }
0x9c: {  	v21 =	vnsel vm3, $0xF, v21  }
0x9d: {  	v20 =	vand.u32 v20, v21  }
0x9e: {  	vm3 =	vgt.s32 v19, $0x1;
	v21 =	vadd.s32 $0xF, v20  }
0x9f: {  	v21 =	vnsel vm3, $0xF, v21  }
0xa0: {  	v20 =	vand.u32 v20, v21  }
0xa1: {  	vm3 =	vgt.s32 v19, $0x2;
	v35 =	vadd.s32 $0xFFFFFFFF, v20  }
0xa2: {  	v19 =	vnsel vm3, $0xF, v35  }
0xa3: {  	v36 =	vsel vm0, $0x1, v2;
	v37 =	vsel vm1, $0x1, v2;
	v19 =	vand.u32 v20, v19  }
0xa4: {  	v38 =	vsel vm2, $0x1, v2;
	v21 =	vadd.s32 v37, v36;
	v19 =	vperm.xlane v4, v19  }
0xa5: {  	v18 =	vshll.u32 v18, $0x4;
	v20 =	vadd.s32 v38, v21  }
0xa6: {  	v20 =	vshll.u32 v20, $0x2;
	v18 =	vadd.s32 v19, v18  }
0xa7: {  	vm0 =	vgt.s32 v15, v8;
	v18 =	vadd.s32 v20, v18  }
0xa8: {  	v18 =	vnsel vm0, $0xFFFFFFFF, v18  }
0xa9: {  	[tilespmem:s9+$0x0] =	vst v18  }
0xaa: {  	v18 =	vld [tilespmem:s10+$0x430];
	_ =	sdelay $0x4  }
0xab: {  	v18 =	vadd.s32 $0xFFFFFFFF, v18  }
0xac: {  	v39 =	vand.u32 $0xF, v18  }
0xad: {  	v17 =	vperm.xlane v17, v39;
	v16 =	vperm.xlane v16, v39  }
0xae: {  	vm0 =	vlt.u32 v18, $0x10  }
0xaf: {  	v16 =	vsel vm0, v17, v16  }
0xb0: {  	v17 =	vshrl.u32 v16, $0x7  }
0xb1: {  	v40 =	vand.u32 $0x7F, v16;
	v17 =	vand.u32 $0x1F, v17  }
0xb2: {  	v41 =	vshrl.u32 v16, $0xC;
	v17 =	vadd.s32 v40, v17  }
0xb3: {  	v20 =	vand.u32 $0x1F, v41;
	v42 =	vmin.u32 v17, $0x40  }
0xb4: {  	v16 =	vshrl.u32 v16, $0x11;
	v20 =	vadd.s32 v20, v42  }
0xb5: {  	v16 =	vand.u32 $0x1F, v16;
	v43 =	vmin.u32 v20, $0x40  }
0xb6: {  	vm0 =	vlt.u32 v17, v9;
	vm1 =	vlt.u32 v20, v9;
	v16 =	vadd.s32 v16, v43  }
0xb7: {  	v17 =	vsel vm0, $0x1, v2;
	v20 =	vsel vm1, $0x1, v2;
	vm2 =	vlt.u32 v16, v9  }
0xb8: {  	v17 =	vadd.s32 v17, v20;
	v44 =	vsel vm2, $0x1, v2  }
0xb9: {  	v18 =	vshll.u32 v18, $0x2;
	v17 =	vadd.s32 v44, v17  }
0xba: {  	v18 =	vadd.s32 v18, v17  }
0xbb: {  	v45 =	vshrl.u32 v18, $0x1  }
0xbc: {  	v20 =	vand.u32 $0xF, v45  }
0xbd: {  	v46 =	vshra.s32 v18, $0x5;
	v12 =	vperm.xlane v12, v20  }
0xbe: {  	vm3 =	veq.s32 v46, $0x0;
	v13 =	vperm.xlane v13, v20  }
0xbf: {  	v14 =	vperm.xlane v14, v20;
	v12 =	vnsel vm3, $0x0, v12;
	vm3 =	veq.s32 v46, $0x1  }
0xc0: {  	v11 =	vperm.xlane v11, v20;
	v12 =	vsel vm3, v13, v12;
	vm3 =	veq.s32 v46, $0x2  }
0xc1: {  	v12 =	vsel vm3, v14, v12;
	vm3 =	veq.s32 v46, $0x3  }
0xc2: {  	v47 =	vsel vm0, v42, v40;
	v48 =	vand.u32 $0x1, v17;
	v11 =	vsel vm3, v11, v12  }
0xc3: {  	vm0 =	veq.s32 v48, $0x0;
	v12 =	vshrl.u32 v11, $0x10;
	v11 =	vand.u32 $0xFFFF, v11  }
0xc4: {  	v49 =	vmin.u32 v16, $0x40;
	v13 =	vsel vm1, v43, v47;
	v11 =	vsel vm0, v11, v12  }
0xc5: {  	v50 =	vsel vm2, v49, v13;
	v51 =	vshrl.u32 v11, $0x4  }
0xc6: {  	v52 =	vand.u32 $0xF, v11;
	v53 =	vshrl.u32 v11, $0x8;
	v13 =	vand.u32 $0xF, v51  }
0xc7: {  	v16 =	vand.u32 $0xF, v53;
	v54 =	vperm.xlane v3, v52;
	v55 =	vperm.xlane v3, v13  }
0xc8: {  	v12 =	vsub.s32 v10, v50;
	v56 =	vperm.xlane v3, v16  }
0xc9: {  	vm0 =	vge.s32 v12, v54;
	v19 =	vadd.s32 v54, v55  }
0xca: {  	v17 =	vnsel vm0, $0x0, v54;
	v20 =	vadd.s32 v56, v19;
	vm1 =	vge.s32 v12, v19  }
0xcb: {  	v13 =	vsel vm0, v13, v52;
	vm2 =	vge.s32 v12, v20;
	v57 =	vsel vm1, v19, v17  }
0xcc: {  	v11 =	vshrl.u32 v11, $0xC;
	v13 =	vsel vm1, v16, v13;
	v14 =	vsel vm2, v20, v57  }
0xcd: {  	v11 =	vsel vm2, v11, v13;
	v12 =	vsub.s32 v12, v14  }
0xce: {  	v13 =	vadd.s32 $0xFFFFFFFF, v11;
	vm3 =	vgt.s32 v12, $0x0  }
0xcf: {  	v13 =	vnsel vm3, $0xF, v13  }
0xd0: {  	v11 =	vand.u32 v11, v13  }
0xd1: {  	vm3 =	vgt.s32 v12, $0x1;
	v13 =	vadd.s32 $0xF, v11  }
0xd2: {  	v13 =	vnsel vm3, $0xF, v13  }
0xd3: {  	v11 =	vand.u32 v11, v13  }
0xd4: {  	vm3 =	vgt.s32 v12, $0x2;
	v58 =	vadd.s32 $0xFFFFFFFF, v11  }
0xd5: {  	v12 =	vnsel vm3, $0xF, v58  }
0xd6: {  	v59 =	vsel vm0, $0x1, v2;
	v60 =	vsel vm1, $0x1, v2;
	v11 =	vand.u32 v11, v12  }
0xd7: {  	v61 =	vadd.s32 v60, v59;
	v62 =	vsel vm2, $0x1, v2;
	v11 =	vperm.xlane v4, v11  }
0xd8: {  	v63 =	vshll.u32 v18, $0x4;
	v12 =	vadd.s32 v62, v61  }
0xd9: {  	v12 =	vshll.u32 v12, $0x2;
	v11 =	vadd.s32 v11, v63  }
0xda: {  	s12 =	simm.s32 $0x0;
	s11 =	simm.s32 $0x4020;
	s10 =	simm.s32 $0x100;
	vm0 =	vgt.s32 v15, v10;
	v11 =	vadd.s32 v12, v11  }
.LBB2_2:
0xdb: {  	p0 =	sne.s32 s10, $0x3F00;
	v11 =	vnsel vm0, $0xFFFFFFFF, v11;
	s12 =	sadd.s32 $0x80, s12;
	s9 =	sadd.s32 $0x80, s9  }
0xdc: {  	s13 =	smov.u32 s10;
	s10 =	sadd.s32 $0x100, s10;
	[tilespmem:s11+$0x10] =	vst v11;
	s11 =	smov.u32 s9  }
0xdd: {  	s13 =	sand.u32 $0x3800, s13;
	s14 =	sand.u32 $0x380, s12  }
0xde: {  	s13 =	sor.u32 s14, s13  }
0xdf: {  	s14 =	sor.u32 $0x440, s13;
	v11 =	vld [tilespmem:s13+$0x400]  }
0xe0: {  	v13 =	vld [tilespmem:s13+$0x50]  }
0xe1: {  	v16 =	vld [tilespmem:s13+$0x40];
	_ =	sdelay $0x2  }
0xe2: {  	v14 =	vadd.s32 $0xFFFFFFFF, v11  }
0xe3: {  	v11 =	vand.u32 $0xF, v14  }
0xe4: {  	v12 =	vperm.xlane v16, v11;
	v11 =	vperm.xlane v13, v11  }
0xe5: {  	vm0 =	vlt.u32 v14, $0x10  }
0xe6: {  	v11 =	vsel vm0, v12, v11  }
0xe7: {  	v12 =	vand.u32 $0x7F, v11;
	v15 =	vshrl.u32 v11, $0x7;
	v17 =	vshrl.u32 v11, $0xC  }
0xe8: {  	v11 =	vshrl.u32 v11, $0x11;
	v15 =	vand.u32 $0x1F, v15  }
0xe9: {  	v15 =	vadd.s32 v12, v15  }
0xea: {  	v17 =	vand.u32 $0x1F, v17;
	v18 =	vmin.u32 v15, $0x40;
	vm0 =	vlt.u32 v15, v1  }
0xeb: {  	v15 =	vadd.s32 v17, v18;
	v17 =	vsel vm0, $0x1, v2;
	v12 =	vsel vm0, v18, v12  }
0xec: {  	v11 =	vand.u32 $0x1F, v11;
	v18 =	vmin.u32 v15, $0x40;
	vm0 =	vlt.u32 v15, v1  }
0xed: {  	v11 =	vadd.s32 v11, v18;
	v15 =	vsel vm0, $0x1, v2;
	v12 =	vsel vm0, v18, v12  }
0xee: {  	v18 =	vmin.u32 v11, $0x40;
	vm0 =	vlt.u32 v11, v1;
	v15 =	vadd.s32 v17, v15  }
0xef: {  	v11 =	vld [tilespmem:s13+$0x0];
	v17 =	vsel vm0, $0x1, v2;
	v18 =	vsel vm0, v18, v12  }
0xf0: {  	v12 =	vld [tilespmem:s13+$0x10];
	v15 =	vadd.s32 v17, v15;
	v17 =	vshll.u32 v14, $0x2  }
0xf1: {  	v14 =	vld [tilespmem:s13+$0x20];
	v19 =	vadd.s32 v17, v15;
	v17 =	vand.u32 $0x1, v15  }
0xf2: {  	v15 =	vld [tilespmem:s13+$0x30];
	v20 =	vshrl.u32 v19, $0x1;
	v21 =	vshra.s32 v19, $0x5  }
0xf3: {  	v20 =	vand.u32 $0xF, v20  }
0xf4: {  	v22 =	vperm.xlane v11, v20  }
0xf5: {  	vm0 =	veq.s32 v21, $0x0;
	v23 =	vperm.xlane v12, v20  }
0xf6: {  	v22 =	vnsel vm0, $0x0, v22;
	vm0 =	veq.s32 v21, $0x1;
	v24 =	vperm.xlane v14, v20  }
0xf7: {  	v22 =	vsel vm0, v23, v22;
	vm0 =	veq.s32 v21, $0x2;
	v20 =	vperm.xlane v15, v20  }
0xf8: {  	v22 =	vsel vm0, v24, v22;
	vm0 =	veq.s32 v21, $0x3  }
0xf9: {  	v20 =	vsel vm0, v20, v22  }
0xfa: {  	vm0 =	veq.s32 v17, $0x0;
	v17 =	vshrl.u32 v20, $0x10;
	v20 =	vand.u32 $0xFFFF, v20  }
0xfb: {  	v17 =	vsel vm0, v20, v17  }
0xfc: {  	v20 =	vand.u32 $0xF, v17;
	v21 =	vshrl.u32 v17, $0x4;
	v22 =	vshrl.u32 v17, $0x8  }
0xfd: {  	v21 =	vand.u32 $0xF, v21;
	v23 =	vperm.xlane v3, v20  }
0xfe: {  	v18 =	vsub.s32 v0, v18;
	v22 =	vand.u32 $0xF, v22;
	v24 =	vperm.xlane v3, v21  }
0xff: {  	v17 =	vshrl.u32 v17, $0xC;
	v25 =	vperm.xlane v3, v22;
	vm0 =	vge.s32 v18, v23  }
0x100: {  	v24 =	vadd.s32 v23, v24;
	v26 =	vsel vm0, $0x1, v2;
	v23 =	vnsel vm0, $0x0, v23  }
0x101: {  	v20 =	vsel vm0, v21, v20;
	v25 =	vadd.s32 v25, v24;
	vm1 =	vge.s32 v18, v24  }
0x102: {  	vm0 =	vge.s32 v18, v25;
	v20 =	vsel vm1, v22, v20;
	v21 =	vsel vm1, v24, v23  }
0x103: {  	v17 =	vsel vm0, v17, v20;
	v20 =	vsel vm1, $0x1, v2;
	v21 =	vsel vm0, v25, v21  }
0x104: {  	v22 =	vsel vm0, $0x1, v2;
	v20 =	vadd.s32 v20, v26;
	v18 =	vsub.s32 v18, v21  }
0x105: {  	v21 =	vadd.s32 $0xFFFFFFFF, v17;
	v20 =	vadd.s32 v22, v20;
	vm0 =	vgt.s32 v18, $0x0  }
0x106: {  	v21 =	vnsel vm0, $0xF, v21  }
0x107: {  	v17 =	vand.u32 v17, v21  }
0x108: {  	vm0 =	vgt.s32 v18, $0x1;
	v21 =	vadd.s32 $0xF, v17  }
0x109: {  	v21 =	vnsel vm0, $0xF, v21  }
0x10a: {  	v21 =	vand.u32 v17, v21  }
0x10b: {  	vm0 =	vgt.s32 v18, $0x2;
	v18 =	vadd.s32 $0xFFFFFFFF, v21;
	v17 =	vld.msk [tilespmem:s14+$0x0 ss:$0x0], $0xffff  }
0x10c: {  	v18 =	vnsel vm0, $0xF, v18  }
0x10d: {  	v18 =	vand.u32 v21, v18  }
0x10e: {  	v18 =	vperm.xlane v4, v18  }
0x10f: {  	v19 =	vshll.u32 v19, $0x4  }
0x110: {  	v20 =	vshll.u32 v20, $0x2;
	v18 =	vadd.s32 v18, v19  }
0x111: {  	vm0 =	vgt.s32 v17, v0;
	v18 =	vadd.s32 v20, v18  }
0x112: {  	v18 =	vnsel vm0, $0xFFFFFFFF, v18  }
0x113: {  	[tilespmem:s9+$0xFFFFFFE0] =	vst v18  }
0x114: {  	v18 =	vld [tilespmem:s13+$0x410];
	_ =	sdelay $0x4  }
0x115: {  	v18 =	vadd.s32 $0xFFFFFFFF, v18  }
0x116: {  	v19 =	vand.u32 $0xF, v18  }
0x117: {  	v20 =	vperm.xlane v16, v19;
	v19 =	vperm.xlane v13, v19  }
0x118: {  	vm0 =	vlt.u32 v18, $0x10  }
0x119: {  	v19 =	vsel vm0, v20, v19  }
0x11a: {  	v20 =	vshrl.u32 v19, $0x7;
	v21 =	vshrl.u32 v19, $0xC;
	v22 =	vshrl.u32 v19, $0x11  }
0x11b: {  	v19 =	vand.u32 $0x7F, v19;
	v20 =	vand.u32 $0x1F, v20  }
0x11c: {  	v20 =	vadd.s32 v19, v20  }
0x11d: {  	v21 =	vand.u32 $0x1F, v21;
	v23 =	vmin.u32 v20, $0x40;
	vm0 =	vlt.u32 v20, v5  }
0x11e: {  	v20 =	vadd.s32 v21, v23;
	v21 =	vsel vm0, $0x1, v2;
	v19 =	vsel vm0, v23, v19  }
0x11f: {  	v22 =	vand.u32 $0x1F, v22;
	v23 =	vmin.u32 v20, $0x40;
	vm0 =	vlt.u32 v20, v5  }
0x120: {  	v20 =	vadd.s32 v22, v23;
	v22 =	vsel vm0, $0x1, v2;
	v19 =	vsel vm0, v23, v19  }
0x121: {  	v23 =	vmin.u32 v20, $0x40;
	vm0 =	vlt.u32 v20, v5;
	v20 =	vadd.s32 v21, v22  }
0x122: {  	v21 =	vsel vm0, $0x1, v2;
	v19 =	vsel vm0, v23, v19  }
0x123: {  	v18 =	vshll.u32 v18, $0x2;
	v20 =	vadd.s32 v21, v20  }
0x124: {  	v18 =	vadd.s32 v18, v20;
	v20 =	vand.u32 $0x1, v20  }
0x125: {  	v21 =	vshrl.u32 v18, $0x1;
	v22 =	vshra.s32 v18, $0x5  }
0x126: {  	v21 =	vand.u32 $0xF, v21  }
0x127: {  	v23 =	vperm.xlane v11, v21  }
0x128: {  	vm0 =	veq.s32 v22, $0x0;
	v24 =	vperm.xlane v12, v21  }
0x129: {  	v25 =	vperm.xlane v14, v21;
	v23 =	vnsel vm0, $0x0, v23;
	vm0 =	veq.s32 v22, $0x1  }
0x12a: {  	v21 =	vperm.xlane v15, v21;
	v23 =	vsel vm0, v24, v23;
	vm0 =	veq.s32 v22, $0x2  }
0x12b: {  	v23 =	vsel vm0, v25, v23;
	vm0 =	veq.s32 v22, $0x3  }
0x12c: {  	v21 =	vsel vm0, v21, v23  }
0x12d: {  	vm0 =	veq.s32 v20, $0x0;
	v20 =	vshrl.u32 v21, $0x10;
	v21 =	vand.u32 $0xFFFF, v21  }
0x12e: {  	v20 =	vsel vm0, v21, v20  }
0x12f: {  	v21 =	vand.u32 $0xF, v20;
	v22 =	vshrl.u32 v20, $0x4;
	v23 =	vshrl.u32 v20, $0x8  }
0x130: {  	v22 =	vand.u32 $0xF, v22;
	v23 =	vand.u32 $0xF, v23;
	v24 =	vperm.xlane v3, v21  }
0x131: {  	v19 =	vsub.s32 v6, v19;
	v25 =	vperm.xlane v3, v22;
	v26 =	vperm.xlane v3, v23  }
0x132: {  	vm0 =	vge.s32 v19, v24  }
0x133: {  	v25 =	vadd.s32 v24, v25;
	v21 =	vsel vm0, v22, v21;
	v22 =	vnsel vm0, $0x0, v24  }
0x134: {  	v24 =	vadd.s32 v26, v25;
	vm1 =	vge.s32 v19, v25;
	v26 =	vsel vm0, $0x1, v2  }
0x135: {  	vm0 =	vge.s32 v19, v24;
	v21 =	vsel vm1, v23, v21;
	v22 =	vsel vm1, v25, v22  }
0x136: {  	v20 =	vshrl.u32 v20, $0xC;
	v23 =	vsel vm1, $0x1, v2;
	v22 =	vsel vm0, v24, v22  }
0x137: {  	v20 =	vsel vm0, v20, v21;
	v21 =	vadd.s32 v23, v26;
	v19 =	vsub.s32 v19, v22  }
0x138: {  	v22 =	vsel vm0, $0x1, v2;
	v23 =	vadd.s32 $0xFFFFFFFF, v20;
	vm0 =	vgt.s32 v19, $0x0  }
0x139: {  	v21 =	vadd.s32 v22, v21;
	v22 =	vnsel vm0, $0xF, v23  }
0x13a: {  	v20 =	vand.u32 v20, v22  }
0x13b: {  	vm0 =	vgt.s32 v19, $0x1;
	v22 =	vadd.s32 $0xF, v20  }
0x13c: {  	v22 =	vnsel vm0, $0xF, v22  }
0x13d: {  	v20 =	vand.u32 v20, v22  }
0x13e: {  	vm0 =	vgt.s32 v19, $0x2;
	v19 =	vadd.s32 $0xFFFFFFFF, v20  }
0x13f: {  	v19 =	vnsel vm0, $0xF, v19  }
0x140: {  	v19 =	vand.u32 v20, v19  }
0x141: {  	v19 =	vperm.xlane v4, v19  }
0x142: {  	v18 =	vshll.u32 v18, $0x4  }
0x143: {  	v20 =	vshll.u32 v21, $0x2;
	v18 =	vadd.s32 v19, v18  }
0x144: {  	vm0 =	vgt.s32 v17, v6;
	v18 =	vadd.s32 v20, v18  }
0x145: {  	v18 =	vnsel vm0, $0xFFFFFFFF, v18  }
0x146: {  	[tilespmem:s9+$0xFFFFFFF0] =	vst v18  }
0x147: {  	v18 =	vld [tilespmem:s13+$0x420];
	_ =	sdelay $0x4  }
0x148: {  	v18 =	vadd.s32 $0xFFFFFFFF, v18  }
0x149: {  	v19 =	vand.u32 $0xF, v18  }
0x14a: {  	v20 =	vperm.xlane v16, v19;
	v19 =	vperm.xlane v13, v19  }
0x14b: {  	vm0 =	vlt.u32 v18, $0x10  }
0x14c: {  	v19 =	vsel vm0, v20, v19  }
0x14d: {  	v20 =	vshrl.u32 v19, $0x7;
	v21 =	vshrl.u32 v19, $0xC;
	v22 =	vshrl.u32 v19, $0x11  }
0x14e: {  	v19 =	vand.u32 $0x7F, v19;
	v20 =	vand.u32 $0x1F, v20  }
0x14f: {  	v20 =	vadd.s32 v19, v20  }
0x150: {  	v21 =	vand.u32 $0x1F, v21;
	v23 =	vmin.u32 v20, $0x40;
	vm0 =	vlt.u32 v20, v7  }
0x151: {  	v20 =	vadd.s32 v21, v23;
	v19 =	vsel vm0, v23, v19  }
0x152: {  	v22 =	vand.u32 $0x1F, v22;
	v21 =	vmin.u32 v20, $0x40;
	vm1 =	vlt.u32 v20, v7  }
0x153: {  	v20 =	vadd.s32 v22, v21;
	v22 =	vsel vm1, $0x1, v2;
	v19 =	vsel vm1, v21, v19  }
0x154: {  	v21 =	vmin.u32 v20, $0x40;
	vm1 =	vlt.u32 v20, v7;
	v20 =	vsel vm0, $0x1, v2  }
0x155: {  	v20 =	vadd.s32 v20, v22;
	v22 =	vsel vm1, $0x1, v2;
	v19 =	vsel vm1, v21, v19  }
0x156: {  	v18 =	vshll.u32 v18, $0x2;
	v20 =	vadd.s32 v22, v20  }
0x157: {  	v18 =	vadd.s32 v18, v20;
	v20 =	vand.u32 $0x1, v20  }
0x158: {  	v21 =	vshrl.u32 v18, $0x1;
	v22 =	vshra.s32 v18, $0x5  }
0x159: {  	v21 =	vand.u32 $0xF, v21  }
0x15a: {  	v23 =	vperm.xlane v11, v21  }
0x15b: {  	vm0 =	veq.s32 v22, $0x0;
	v24 =	vperm.xlane v12, v21  }
0x15c: {  	v25 =	vperm.xlane v14, v21;
	v23 =	vnsel vm0, $0x0, v23;
	vm0 =	veq.s32 v22, $0x1  }
0x15d: {  	v21 =	vperm.xlane v15, v21;
	v23 =	vsel vm0, v24, v23;
	vm0 =	veq.s32 v22, $0x2  }
0x15e: {  	v23 =	vsel vm0, v25, v23;
	vm0 =	veq.s32 v22, $0x3  }
0x15f: {  	v21 =	vsel vm0, v21, v23  }
0x160: {  	vm0 =	veq.s32 v20, $0x0;
	v20 =	vshrl.u32 v21, $0x10;
	v21 =	vand.u32 $0xFFFF, v21  }
0x161: {  	v20 =	vsel vm0, v21, v20  }
0x162: {  	v21 =	vand.u32 $0xF, v20;
	v22 =	vshrl.u32 v20, $0x4;
	v23 =	vshrl.u32 v20, $0x8  }
0x163: {  	v22 =	vand.u32 $0xF, v22;
	v23 =	vand.u32 $0xF, v23  }
0x164: {  	v24 =	vperm.xlane v3, v21;
	v25 =	vperm.xlane v3, v22  }
0x165: {  	v19 =	vsub.s32 v8, v19;
	v26 =	vperm.xlane v3, v23  }
0x166: {  	v20 =	vshrl.u32 v20, $0xC;
	vm0 =	vge.s32 v19, v24;
	v25 =	vadd.s32 v24, v25  }
0x167: {  	v27 =	vsel vm0, $0x1, v2;
	v26 =	vadd.s32 v26, v25;
	vm1 =	vge.s32 v19, v25  }
0x168: {  	v21 =	vsel vm0, v22, v21;
	v22 =	vnsel vm0, $0x0, v24;
	vm2 =	vge.s32 v19, v26  }
0x169: {  	v21 =	vsel vm1, v23, v21;
	v22 =	vsel vm1, v25, v22;
	v23 =	vsel vm2, $0x1, v2  }
0x16a: {  	v20 =	vsel vm2, v20, v21;
	v21 =	vsel vm1, $0x1, v2;
	v22 =	vsel vm2, v26, v22  }
0x16b: {  	v21 =	vadd.s32 v21, v27;
	v19 =	vsub.s32 v19, v22;
	v22 =	vadd.s32 $0xFFFFFFFF, v20  }
0x16c: {  	v21 =	vadd.s32 v23, v21;
	vm0 =	vgt.s32 v19, $0x0  }
0x16d: {  	v22 =	vnsel vm0, $0xF, v22  }
0x16e: {  	vm0 =	vgt.s32 v19, $0x1;
	v20 =	vand.u32 v20, v22  }
0x16f: {  	v22 =	vadd.s32 $0xF, v20  }
0x170: {  	v22 =	vnsel vm0, $0xF, v22  }
0x171: {  	vm0 =	vgt.s32 v19, $0x2;
	v20 =	vand.u32 v20, v22  }
0x172: {  	v19 =	vadd.s32 $0xFFFFFFFF, v20  }
0x173: {  	v19 =	vnsel vm0, $0xF, v19  }
0x174: {  	v19 =	vand.u32 v20, v19  }
0x175: {  	v18 =	vshll.u32 v18, $0x4;
	v19 =	vperm.xlane v4, v19  }
0x176: {  	v20 =	vshll.u32 v21, $0x2  }
0x177: {  	vm0 =	vgt.s32 v17, v8;
	v18 =	vadd.s32 v19, v18  }
0x178: {  	v18 =	vadd.s32 v20, v18  }
0x179: {  	v18 =	vnsel vm0, $0xFFFFFFFF, v18  }
0x17a: {  	[tilespmem:s9+$0x0] =	vst v18  }
0x17b: {  	v18 =	vld [tilespmem:s13+$0x430];
	_ =	sdelay $0x4  }
0x17c: {  	v18 =	vadd.s32 $0xFFFFFFFF, v18  }
0x17d: {  	v19 =	vand.u32 $0xF, v18  }
0x17e: {  	vm0 =	vlt.u32 v18, $0x10;
	v16 =	vperm.xlane v16, v19;
	v13 =	vperm.xlane v13, v19;
	_ =	sdelay $0x1  }
0x17f: {  	v13 =	vsel vm0, v16, v13  }
0x180: {  	v16 =	vand.u32 $0x7F, v13;
	v19 =	vshrl.u32 v13, $0x7;
	v20 =	vshrl.u32 v13, $0xC  }
0x181: {  	v13 =	vshrl.u32 v13, $0x11;
	v19 =	vand.u32 $0x1F, v19  }
0x182: {  	v20 =	vand.u32 $0x1F, v20;
	v19 =	vadd.s32 v16, v19  }
0x183: {  	v21 =	vmin.u32 v19, $0x40;
	vm0 =	vlt.u32 v19, v9  }
0x184: {  	v13 =	vand.u32 $0x1F, v13;
	v19 =	vadd.s32 v20, v21;
	v16 =	vsel vm0, v21, v16  }
0x185: {  	v20 =	vmin.u32 v19, $0x40;
	vm1 =	vlt.u32 v19, v9;
	v19 =	vsel vm0, $0x1, v2  }
0x186: {  	v13 =	vadd.s32 v13, v20;
	v21 =	vsel vm1, $0x1, v2;
	v16 =	vsel vm1, v20, v16  }
0x187: {  	v20 =	vmin.u32 v13, $0x40;
	vm0 =	vlt.u32 v13, v9;
	v13 =	vadd.s32 v19, v21  }
0x188: {  	v18 =	vshll.u32 v18, $0x2;
	v19 =	vsel vm0, $0x1, v2;
	v16 =	vsel vm0, v20, v16  }
0x189: {  	v13 =	vadd.s32 v19, v13  }
0x18a: {  	v18 =	vadd.s32 v18, v13;
	v13 =	vand.u32 $0x1, v13  }
0x18b: {  	v19 =	vshrl.u32 v18, $0x1;
	v20 =	vshra.s32 v18, $0x5  }
0x18c: {  	v19 =	vand.u32 $0xF, v19  }
0x18d: {  	vm0 =	veq.s32 v20, $0x0;
	v11 =	vperm.xlane v11, v19;
	v12 =	vperm.xlane v12, v19  }
0x18e: {  	vm1 =	veq.s32 v20, $0x1;
	v14 =	vperm.xlane v14, v19  }
0x18f: {  	v15 =	vperm.xlane v15, v19;
	v11 =	vnsel vm0, $0x0, v11;
	vm0 =	veq.s32 v20, $0x2  }
0x190: {  	v11 =	vsel vm1, v12, v11;
	vm1 =	veq.s32 v20, $0x3  }
0x191: {  	v11 =	vsel vm0, v14, v11  }
0x192: {  	vm0 =	veq.s32 v13, $0x0;
	v11 =	vsel vm1, v15, v11  }
0x193: {  	v12 =	vshrl.u32 v11, $0x10;
	v11 =	vand.u32 $0xFFFF, v11  }
0x194: {  	v11 =	vsel vm0, v11, v12  }
0x195: {  	v12 =	vand.u32 $0xF, v11;
	v13 =	vshrl.u32 v11, $0x4;
	v14 =	vshrl.u32 v11, $0x8  }
0x196: {  	v13 =	vand.u32 $0xF, v13;
	v14 =	vand.u32 $0xF, v14;
	v15 =	vperm.xlane v3, v12  }
0x197: {  	v16 =	vsub.s32 v10, v16;
	v19 =	vperm.xlane v3, v13;
	v20 =	vperm.xlane v3, v14  }
0x198: {  	vm0 =	vge.s32 v16, v15  }
0x199: {  	v19 =	vadd.s32 v15, v19;
	v21 =	vsel vm0, $0x1, v2;
	v15 =	vnsel vm0, $0x0, v15  }
0x19a: {  	v11 =	vshrl.u32 v11, $0xC;
	v20 =	vadd.s32 v20, v19;
	vm1 =	vge.s32 v16, v19  }
0x19b: {  	v12 =	vsel vm0, v13, v12;
	vm2 =	vge.s32 v16, v20;
	v13 =	vsel vm1, v19, v15  }
0x19c: {  	v12 =	vsel vm1, v14, v12;
	v14 =	vsel vm1, $0x1, v2;
	v13 =	vsel vm2, v20, v13  }
0x19d: {  	v11 =	vsel vm2, v11, v12;
	v12 =	vadd.s32 v14, v21;
	v13 =	vsub.s32 v16, v13  }
0x19e: {  	v14 =	vsel vm2, $0x1, v2;
	v15 =	vadd.s32 $0xFFFFFFFF, v11;
	vm0 =	vgt.s32 v13, $0x0  }
0x19f: {  	v12 =	vadd.s32 v14, v12;
	v14 =	vnsel vm0, $0xF, v15  }
0x1a0: {  	v11 =	vand.u32 v11, v14  }
0x1a1: {  	vm0 =	vgt.s32 v13, $0x1;
	v14 =	vadd.s32 $0xF, v11  }
0x1a2: {  	v14 =	vnsel vm0, $0xF, v14  }
0x1a3: {  	v11 =	vand.u32 v11, v14  }
0x1a4: {  	vm0 =	vgt.s32 v13, $0x2;
	v13 =	vadd.s32 $0xFFFFFFFF, v11  }
0x1a5: {  	v13 =	vnsel vm0, $0xF, v13  }
.Ltmp0:
0x1a6: {  	v11 =	vand.u32 v11, v13;
	(pc) =	sbr.rel @p0 .LBB2_2-.Ltmp0, $4  }
0x1a7: {  	v11 =	vperm.xlane v4, v11  }
0x1a8: {  	v13 =	vshll.u32 v18, $0x4  }
0x1a9: {  	v12 =	vshll.u32 v12, $0x2;
	v11 =	vadd.s32 v11, v13  }
0x1aa: {  	vm0 =	vgt.s32 v17, v10;
	v11 =	vadd.s32 v12, v11  }
0x1ab: {  	s8 =	sadd.s32 $0x1, s8  }
0x1ac: {  	v11 =	vnsel vm0, $0xFFFFFFFF, v11;
	p0 =	sne.s32 s8, s5  }
.Ltmp1:
0x1ad: {  	[tilespmem:s11+$0x10] =	vst v11;
	(pc) =	sbr.rel @p0 .LBB2_1-.Ltmp1, $4  }
0x1ae: {  	[hbm4b:s4+s2] =	stream.linear.scatter [tilespmem:s7], [sflag:$0x1], $0x2000, $0x38;
	[tilespmem:$0x6000] =	vst v63  }
0x1af: {  	_ =	swait.ge [sflag:s6], $0x2000  }
0x1b0: {  	[sflag:s6] =	ssyncset.done $0x0  }
0x1b1: {  	[sflag:s6] =	ssyncadd.s32 $0xFFFFE000  }
0x1b2: {  	_ =	sfence.sel $0x180000  }
0x1b3: {  	[bflag:$0x0] =	sbarrier.arrive $0xFFFF  }
0x1b4: {  	p0 =	sne.s32 s1, $0x0;
	_ =	strace $0x9000004A  }
0x1b5: {  	s0 =	sadd.s32 @!p0 $0x100000, s0;
	[bflag:$0x2] =	sbarrier.arrive $0xFFFF  }
0x1b6: {  	[sflag:s0] =	ssyncadd.tile.s32 @!p0 $0x1;
	_ =	shalt  }
.Lfunc_end2:
_tile_overlayer_lowered:
.L_overlay_start_2:
0x1b7: {  	(tag) =	ssettag $0x2  }
0x1b8: {  	s0 =	rddreg [dreg:$0x0];
	s2 =	stileid.u32  }
0x1b9: {  	s1 =	rddreg [dreg:$0x1];
	p0 =	sne.s32 s2, $0x0  }
0x1ba: {  	s3 =	rddreg [dreg:$0x2];
	[bflag:$0x3] =	sbarrier.arrive $0xFFFF;
	s2 =	simm.s32 @!p0 $0x1C01  }
0x1bb: {  	[timem:s3], [sflag:s2] =	dma.local @!p0 [hbm:s0], s1  }
0x1bc: {  	s0 =	simm.s32 @!p0 $0x1  }
0x1bd: {  	_ =	swait.ge @!p0 [sflag:s0], s1  }
0x1be: {  	s1 =	ssub.s32 @!p0 $0x0, s1;
	[sflag:s0] =	ssyncset.done @!p0 $0x0  }
0x1bf: {  	[sflag:s0] =	ssyncadd.s32 @!p0 s1  }
0x1c0: {  	[bflag:$0x3] =	sbarrier.arrive $0xFFFF  }
0x1c1: {  	_ =	shalt  }

</sc_bundles>
